<compile_context>
chip_gen: v7x
topology: tpu7x:2x2x1
jax: 0.10.2.dev20260603
libtpu: 0.0.44.dev20260713+nightly
codegen_flags: <defaults>
</compile_context>

<pallas_src>
import jax
import jax.numpy as jnp
from jax import lax
from jax.experimental import pallas as pl
from jax.experimental.pallas import tpu as pltpu
from jax.experimental.pallas import tpu_sc as plsc

_NI, _C, _H, _W = 6, 256, 64, 176
_HW = _H * _W
_NX, _NY, _NZ = 200, 200, 4
_NXY = _NX * _NY
_D = 80
_DP = 128
_STRIDE = 4

_NC, _NS, _L = 2, 16, 16
_NW = _NC * _NS
_NPAD = 40960
_PT = _NPAD // _NW
_CH = 128
_NCK = _PT // _CH
_CR = _NPAD // _CH


def _select_body(uf_ref, vf_ref, vd_ref, pw_ref, rid_ref, wt_ref):
    r_iota = jax.lax.broadcasted_iota(jnp.int32, rid_ref.shape, 0)
    c_iota = jax.lax.broadcasted_iota(jnp.int32, rid_ref.shape, 1)
    rid = (r_iota * rid_ref.shape[1] + c_iota) & 0xFFFF
    hit = jnp.zeros(rid_ref.shape, jnp.bool_)
    for j in range(_NI):
        vj = vd_ref[j] != 0
        idxj = j * _HW + vf_ref[j] * _W + uf_ref[j]
        rid = jnp.where(vj, idxj, rid)
        hit = jnp.logical_or(hit, vj)
    rid_ref[...] = rid
    wt_ref[...] = jnp.where(hit, pw_ref[...], 0.0)


def _conv_body(f_ref, w_ref, o_ref):
    o_ref[...] = jax.lax.dot_general(
        f_ref[0], w_ref[...],
        dimension_numbers=(((0,), (1,)), ((), ())),
        preferred_element_type=jnp.float32,
        precision=jax.lax.Precision.HIGHEST,
    )


def _bn_body(x_ref, g_ref, b_ref, o_ref):
    x = x_ref[...]
    s1 = jnp.sum(x, axis=0, keepdims=True)
    s2 = jnp.sum(x * x, axis=0, keepdims=True)
    mean = s1 / float(_NXY)
    var = s2 / float(_NXY) - mean * mean
    y = ((x[:_NXY] - mean) * jax.lax.rsqrt(var + 1e-5) * g_ref[...]
         + b_ref[...])
    o_ref[...] = jnp.maximum(y, 0.0)


def _sc_gather_body(tab_hbm, rid_hbm, wt_hbm, out_hbm,
                    wt_v, i0, i1, i2, i3, b0, b1, b2, b3, acc, zbuf, sem):
    wid = lax.axis_index("s") * _NC + lax.axis_index("c")
    base = wid * _PT
    pltpu.sync_copy(wt_hbm.at[:, pl.ds(base, _PT)], wt_v)
    idxs = (i0, i1, i2, i3)
    bufs = (b0, b1, b2, b3)

    zeros = jnp.zeros((_L,), jnp.float32)

    def zero_body(r, carry):
        for g in range(_D // _L):
            zbuf[r, pl.ds(g * _L, _L)] = zeros
        return carry

    lax.fori_loop(0, _CH, zero_body, 0)

    def chunk_body(c, carry):
        off = c * _CH
        mv = wt_v[0, pl.ds(off, _L)]
        for z in range(_NZ):
            for g in range(_CH // _L):
                if z == 0 and g == 0:
                    continue
                mv = jnp.maximum(mv, wt_v[z, pl.ds(off + g * _L, _L)])
        anyw = mv[0]
        for r in range(1, _L):
            anyw = jnp.maximum(anyw, mv[r])

        @pl.when(anyw > 0.0)
        def _do_chunk():
            for z in range(_NZ):
                pltpu.sync_copy(rid_hbm.at[z, pl.ds(base + off, _CH)],
                                idxs[z])
            cps = [
                pltpu.async_copy(tab_hbm.at[idxs[z]], bufs[z], sem)
                for z in range(_NZ)
            ]
            for cp in cps:
                cp.wait()

            def blk_body(rb, carry2):
                rbase = rb * _L
                wv = [wt_v[z, pl.ds(off + rbase, _L)] for z in range(_NZ)]
                for r in range(_L):
                    row = rbase + r
                    w0, w1, w2, w3 = wv[0][r], wv[1][r], wv[2][r], wv[3][r]
                    for g in range(_D // _L):
                        sl = pl.ds(g * _L, _L)
                        acc[row, sl] = (b0[row, sl] * w0 + b1[row, sl] * w1
                                        + b2[row, sl] * w2 + b3[row, sl] * w3)
                return carry2

            lax.fori_loop(0, _CH // _L, blk_body, 0)
            pltpu.sync_copy(acc, out_hbm.at[pl.ds(base + off, _CH)])

        @pl.when(anyw <= 0.0)
        def _zero_chunk():
            pltpu.sync_copy(zbuf, out_hbm.at[pl.ds(base + off, _CH)])

        return carry

    lax.fori_loop(0, _NCK, chunk_body, 0)


def kernel(mlvl_feats, points, ori_points, img, lidar2camera, lidar2image,
           cam_intrinsic, cam_2_lidar, img_aug_matrix, lidar_aug_matrix,
           img_metas, conv_w, conv_b, bn_gamma, bn_beta):
    del ori_points, img, lidar2camera, cam_intrinsic, cam_2_lidar, img_metas
    del conv_b

    feat = mlvl_feats[0].reshape(_NI, _C, _HW)

    g = jnp.stack(jnp.meshgrid(jnp.arange(_NX), jnp.arange(_NY),
                               jnp.arange(_NZ), indexing='ij')).astype(jnp.float32)
    nv = jnp.array((_NX, _NY, _NZ), jnp.float32)
    vs = jnp.array((0.5, 0.5, 1.5), jnp.float32)
    origin = jnp.array([0.0, 0.0, -1.0], jnp.float32) - nv / 2.0 * vs
    pt0 = (g * vs.reshape(3, 1, 1, 1) + origin.reshape(3, 1, 1, 1)).reshape(1, 3, -1)

    la = lidar_aug_matrix[0]
    la_t = la[:3, -1]
    la_r = la[:3, :3]
    ia = img_aug_matrix[0]
    ia_t = ia[..., -1]
    ia_r = ia.at[..., -1].set(0.0)
    proj = jnp.matmul(ia_r, lidar2image[0])[:, :3, :]
    pt = pt0 - la_t.reshape(1, 3, 1)
    pt = jnp.matmul(la_r.T, pt)
    pt = jnp.concatenate([pt, jnp.ones_like(pt[:, :1])], axis=1)
    pt = jnp.broadcast_to(pt, (_NI, 4, pt.shape[-1]))
    p2i = jnp.matmul(proj, pt)
    Z = p2i[:, 2]
    u = p2i[:, 0] / Z + ia_t[..., 0][:, None]
    v = p2i[:, 1] / Z + ia_t[..., 1][:, None]
    u_fm = jnp.round(u / _STRIDE).astype(jnp.int32)
    v_fm = jnp.round(v / _STRIDE).astype(jnp.int32)
    valid = ((u_fm >= 0) & (v_fm >= 0) & (u_fm < _W) & (v_fm < _H)
             & (Z > 0)).astype(jnp.int32)

    rows, cols = 1250, 128
    pw = jnp.transpose(points[0], (1, 2, 0)).reshape(rows, cols)
    rid, wt = pl.pallas_call(
        _select_body,
        out_shape=[
            jax.ShapeDtypeStruct((rows, cols), jnp.int32),
            jax.ShapeDtypeStruct((rows, cols), jnp.float32),
        ],
    )(u_fm.reshape(_NI, rows, cols), v_fm.reshape(_NI, rows, cols),
      valid.reshape(_NI, rows, cols), pw)

    rid_z = jnp.pad(rid.reshape(_NXY, _NZ).T, ((0, 0), (0, _NPAD - _NXY)))
    wt_z = jnp.pad(wt.reshape(_NXY, _NZ).T, ((0, 0), (0, _NPAD - _NXY)))

    blk = 512
    nblk = _HW // blk
    wpad = jnp.pad(conv_w, ((0, _DP - _D), (0, 0)))
    table = pl.pallas_call(
        _conv_body,
        grid=(_NI * nblk,),
        in_specs=[
            pl.BlockSpec((1, _C, blk), lambda i: (i // nblk, 0, i % nblk)),
            pl.BlockSpec((_DP, _C), lambda i: (0, 0)),
        ],
        out_specs=pl.BlockSpec((blk, _DP), lambda i: (i, 0)),
        out_shape=jax.ShapeDtypeStruct((_NI * _HW, _DP), jnp.float32),
    )(feat, wpad)

    mesh = plsc.VectorSubcoreMesh(core_axis_name="c", subcore_axis_name="s",
                                  num_cores=_NC, num_subcores=_NS)
    acc = pl.kernel(
        _sc_gather_body,
        out_type=jax.ShapeDtypeStruct((_NPAD, _D), jnp.float32),
        mesh=mesh,
        scratch_types=[
            pltpu.VMEM((_NZ, _PT), jnp.float32),
            pltpu.VMEM((_CH,), jnp.int32),
            pltpu.VMEM((_CH,), jnp.int32),
            pltpu.VMEM((_CH,), jnp.int32),
            pltpu.VMEM((_CH,), jnp.int32),
            pltpu.VMEM((_CH, _DP), jnp.float32),
            pltpu.VMEM((_CH, _DP), jnp.float32),
            pltpu.VMEM((_CH, _DP), jnp.float32),
            pltpu.VMEM((_CH, _DP), jnp.float32),
            pltpu.VMEM((_CH, _D), jnp.float32),
            pltpu.VMEM((_CH, _D), jnp.float32),
            pltpu.SemaphoreType.DMA,
        ],
    )(table, rid_z, wt_z)

    y = pl.pallas_call(
        _bn_body,
        out_shape=jax.ShapeDtypeStruct((_NXY, _D), jnp.float32),
    )(acc, bn_gamma.reshape(1, _D), bn_beta.reshape(1, _D))

    return y.T.reshape(1, _D, _NX, _NY)

# --- scband reference (transcript-rebuilt; emitter-appended) ---
"""Pipeline reference for scband-fast-bev-10488310137173 (READ-ONLY COPY).

The authoritative reference and input builder live on the scoring server;
editing this copy changes nothing except your own understanding.
"""

import math
import jax, jax.numpy as jnp
import numpy as np

IMAGE_SIZE = (256, 704)
VOXEL_SIZE = (0.5, 0.5, 1.5)
N_VOXELS = (200, 200, 4)

def _get_points():
    nx, ny, nz = N_VOXELS
    g = jnp.stack(jnp.meshgrid(jnp.arange(nx), jnp.arange(ny), jnp.arange(nz), indexing='ij')).astype(jnp.float32)
    nv = jnp.array(N_VOXELS, jnp.float32)
    vs = jnp.array(VOXEL_SIZE, jnp.float32)
    origin = jnp.array([0.0, 0.0, -1.0], jnp.float32) - nv / 2.0 * vs
    return g * vs.reshape(3, 1, 1, 1) + origin.reshape(3, 1, 1, 1)

def setup_inputs(seed: int = 0):
    key = jax.random.key(seed)
    ks = jax.random.split(key, 12)
    B, NI, C, H, W = 1, 6, 256, 64, 176
    nx, ny, nz = N_VOXELS
    mlvl_feats = jax.random.normal(ks[0], (B, NI, C, H, W), jnp.float32)
    points = jax.random.uniform(ks[1], (B, nz, nx, ny), jnp.float32)
    ori_points = jax.random.normal(ks[2], (B, 2048, 4), jnp.float32)
    img = jax.random.uniform(ks[3], (B, NI, 256, 704, 3), jnp.float32)
    K = jnp.array([[120.0, 0.0, 352.0, 0.0], [0.0, 120.0, 128.0, 0.0], [0.0, 0.0, 1.0, 3.0], [0.0, 0.0, 0.0, 1.0]], jnp.float32)
    lidar2image = jnp.tile(K, (B, NI, 1, 1)) + 0.01 * jax.random.normal(ks[4], (B, NI, 4, 4), jnp.float32)
    lidar2camera = jax.random.normal(ks[5], (B, NI, 4, 4), jnp.float32)
    cam_intrinsic = jax.random.normal(ks[6], (B, NI, 4, 4), jnp.float32)
    cam_2_lidar = jax.random.normal(ks[7], (B, NI, 4, 4), jnp.float32)
    eye = jnp.eye(4, dtype=jnp.float32)
    img_aug_matrix = jnp.tile(eye, (B, NI, 1, 1)) + 0.001 * jax.random.normal(ks[8], (B, NI, 4, 4), jnp.float32)
    lidar_aug_matrix = jnp.tile(eye, (B, 1, 1)) + 0.001 * jax.random.normal(ks[9], (B, 4, 4), jnp.float32)
    conv_w = 0.05 * jax.random.normal(ks[10], (80, 256), jnp.float32)
    conv_b = jnp.zeros((80,), jnp.float32)
    bn_gamma = jnp.ones((80,), jnp.float32)
    bn_beta = jnp.zeros((80,), jnp.float32)
    return {"mlvl_feats": mlvl_feats, "points": points, "ori_points": ori_points, "img": img, "lidar2camera": lidar2camera, "lidar2image": lidar2image, "cam_intrinsic": cam_intrinsic, "cam_2_lidar": cam_2_lidar, "img_aug_matrix": img_aug_matrix, "lidar_aug_matrix": lidar_aug_matrix, "img_metas": 0, "conv_w": conv_w, "conv_b": conv_b, "bn_gamma": bn_gamma, "bn_beta": bn_beta}

def _forward(mlvl_feats, points, lidar2image, img_aug_matrix, lidar_aug_matrix, conv_w, conv_b, bn_gamma, bn_beta):
    stride = math.ceil(IMAGE_SIZE[-1] / mlvl_feats.shape[-1])
    nx, ny, nz = N_VOXELS
    pt0 = _get_points().reshape(1, 3, -1)
    vols = []
    for i in range(mlvl_feats.shape[0]):
        feat = mlvl_feats[i]
        n_images, C, H, W = feat.shape
        la = lidar_aug_matrix[i]
        la_t = la[:3, -1]
        la_r = la[:3, :3]
        ia = img_aug_matrix[i]
        ia_t = ia[..., -1]
        ia_r = ia.at[..., -1].set(0.0)
        proj = jnp.matmul(ia_r, lidar2image[i])[:, :3, :]
        pt = pt0 - la_t.reshape(1, 3, 1)
        pt = jnp.matmul(la_r.T, pt)
        pt = jnp.concatenate([pt, jnp.ones_like(pt[:, :1])], axis=1)
        pt = jnp.broadcast_to(pt, (n_images, 4, pt.shape[-1]))
        p2i = jnp.matmul(proj, pt)
        Z = p2i[:, 2]
        u = p2i[:, 0] / Z + ia_t[..., 0][:, None]
        v = p2i[:, 1] / Z + ia_t[..., 1][:, None]
        u_fm = jnp.round(u / stride).astype(jnp.int32)
        v_fm = jnp.round(v / stride).astype(jnp.int32)
        valid = (u_fm >= 0) & (v_fm >= 0) & (u_fm < W) & (v_fm < H) & (Z > 0)
        vol = jnp.zeros((C, pt.shape[-1]), mlvl_feats.dtype)
        for j in range(n_images):
            uu = jnp.clip(u_fm[j], 0, W - 1)
            vv = jnp.clip(v_fm[j], 0, H - 1)
            g = feat[j][:, vv, uu]
            vol = jnp.where(valid[j][None, :], g, vol)
        vols.append(vol.reshape(C, nx, ny, nz))
    vol_stack = jnp.stack(vols) * jnp.transpose(points, (0, 2, 3, 1))[:, None]
    vol_sum = vol_stack.sum(axis=-1, keepdims=True)
    final = jnp.concatenate([vol_sum[..., k] for k in range(vol_sum.shape[4])], axis=1)
    x = jnp.einsum('bchw,oc->bohw', final, conv_w) + conv_b.reshape(1, -1, 1, 1)
    mean = x.mean(axis=(0, 2, 3), keepdims=True)
    var = x.var(axis=(0, 2, 3), keepdims=True)
    x = (x - mean) / jnp.sqrt(var + 1e-5) * bn_gamma.reshape(1, -1, 1, 1) + bn_beta.reshape(1, -1, 1, 1)
    return jax.nn.relu(x)

def reference(mlvl_feats, points, ori_points, img, lidar2camera, lidar2image, cam_intrinsic, cam_2_lidar, img_aug_matrix, lidar_aug_matrix, img_metas, conv_w, conv_b, bn_gamma, bn_beta):
    return _forward(mlvl_feats, points, lidar2image, img_aug_matrix, lidar_aug_matrix, conv_w, conv_b, bn_gamma, bn_beta)

if __name__ == "__main__":
    import jax
    _d = setup_inputs()
    print(jax.jit(kernel)(*tuple(_d.values())))

</pallas_src>

<mosaic_0001>
#map = affine_map<(d0, d1) -> (0, 0)>
module attributes {stable_mosaic.version = 14 : i64} {
  func.func @_sc_gather_body(%arg0: i32, %arg1: i32, %arg2: memref<67584x128xf32, #tpu.memory_space<hbm>>, %arg3: memref<4x40960xi32, #tpu.memory_space<hbm>>, %arg4: memref<4x40960xf32, #tpu.memory_space<hbm>>, %arg5: memref<40960x80xf32, #tpu.memory_space<hbm>>, %arg6: memref<4x1280xf32, #tpu.memory_space<vmem>>, %arg7: memref<128xi32, #tpu.memory_space<vmem>>, %arg8: memref<128xi32, #tpu.memory_space<vmem>>, %arg9: memref<128xi32, #tpu.memory_space<vmem>>, %arg10: memref<128xi32, #tpu.memory_space<vmem>>, %arg11: memref<128x128xf32, #tpu.memory_space<vmem>>, %arg12: memref<128x128xf32, #tpu.memory_space<vmem>>, %arg13: memref<128x128xf32, #tpu.memory_space<vmem>>, %arg14: memref<128x128xf32, #tpu.memory_space<vmem>>, %arg15: memref<128x80xf32, #tpu.memory_space<vmem>>, %arg16: memref<128x80xf32, #tpu.memory_space<vmem>>, %arg17: memref<!tpu.dma_semaphore, #tpu.memory_space<semaphore_mem>>) attributes {dimension_semantics = [#tpu.dimension_semantics<core_parallel>, #tpu.dimension_semantics<subcore_parallel>], iteration_bounds = array<i64: 2, 16>, scalar_prefetch = 0 : i64, scratch_operands = 12 : i64, tpu.core_type = #tpu.core_type<sc_vector_subcore>, window_params = [{transform_indices = #map}, {transform_indices = #map}, {transform_indices = #map}, {transform_indices = #map}]} {
    %mul3A = arith.constant 2 : i32
    %mul3A_0 = arith.muli %arg1, %mul3A : i32
    %add3A = arith.addi %mul3A_0, %arg0 : i32
    %mul3A_1 = arith.constant 1280 : i32
    %mul3A_2 = arith.muli %add3A, %mul3A_1 : i32
    "tpu.region"() ({
      %run_scoped3A = tpu.sem_alloc : memref<!tpu.dma_semaphore, #tpu.memory_space<semaphore_mem>>
      %dma_start3A = arith.constant 0 : i32
      %dma_start3A_15 = tpu.memref_slice %arg4[%dma_start3A, %mul3A_2] : memref<4x40960xf32, #tpu.memory_space<hbm>> -> memref<4x1280xf32, #tpu.memory_space<hbm>>
      %dma_start3A_16 = arith.constant 0 : i32
      %dma_start3A_17 = tpu.memref_slice %arg4[%dma_start3A_16, %mul3A_2] : memref<4x40960xf32, #tpu.memory_space<hbm>> -> memref<4x1280xf32, #tpu.memory_space<hbm>>
      tpu.enqueue_dma source(%dma_start3A_17 : memref<4x1280xf32, #tpu.memory_space<hbm>>) target(%arg6 : memref<4x1280xf32, #tpu.memory_space<vmem>>) target_semaphore(%run_scoped3A : memref<!tpu.dma_semaphore, #tpu.memory_space<semaphore_mem>>)
      %dma_wait3A = arith.constant 0 : i32
      %dma_wait3A_18 = tpu.memref_slice %arg4[%dma_wait3A, %mul3A_2] : memref<4x40960xf32, #tpu.memory_space<hbm>> -> memref<4x1280xf32, #tpu.memory_space<hbm>>
      %dma_wait3A_19 = arith.constant 0 : i32
      %dma_wait3A_20 = tpu.memref_slice %arg4[%dma_wait3A_19, %mul3A_2] : memref<4x40960xf32, #tpu.memory_space<hbm>> -> memref<4x1280xf32, #tpu.memory_space<hbm>>
      tpu.wait_dma2 semaphore(%run_scoped3A : memref<!tpu.dma_semaphore, #tpu.memory_space<semaphore_mem>>) src(%dma_wait3A_20 : memref<4x1280xf32, #tpu.memory_space<hbm>>) dst(%arg6 : memref<4x1280xf32, #tpu.memory_space<vmem>>)
      tpu.yield
    }) : () -> ()
    %broadcast_in_dim3A = arith.constant 0.000000e+00 : f32
    %broadcast_in_dim3A_3 = vector.broadcast %broadcast_in_dim3A : f32 to vector<16xf32>
    %scan3A = arith.constant 0 : i32
    %scan3A_4 = arith.constant 0 : i32
    %scan3A_5 = arith.constant 128 : i32
    %scan3A_6 = arith.addi %scan3A_4, %scan3A_5 : i32
    %scan3A_7 = arith.constant 1 : i32
    scf.for %scan3A_15 = %scan3A_4 to %scan3A_6 step %scan3A_7  : i32 {
      %swap3A = arith.index_cast %scan3A_15 : i32 to index
      %swap3A_16 = arith.constant 0 : index
      %swap3A_17 = tpu.vector_load %arg16[%swap3A, %swap3A_16] {strides = array<i32>} : memref<128x80xf32, #tpu.memory_space<vmem>>, vector<1x16xf32>,
      %swap3A_18 = vector.shape_cast %swap3A_17 : vector<1x16xf32> to vector<16xf32>
      %swap3A_19 = vector.shape_cast %broadcast_in_dim3A_3 : vector<16xf32> to vector<1x16xf32>
      tpu.vector_store %arg16[%swap3A, %swap3A_16], %swap3A_19 {strides = array<i32>} : memref<128x80xf32, #tpu.memory_space<vmem>>, vector<1x16xf32>,
      %swap3A_20 = arith.index_cast %scan3A_15 : i32 to index
      %swap3A_21 = arith.constant 16 : index
      %swap3A_22 = tpu.vector_load %arg16[%swap3A_20, %swap3A_21] {strides = array<i32>} : memref<128x80xf32, #tpu.memory_space<vmem>>, vector<1x16xf32>,
      %swap3A_23 = vector.shape_cast %swap3A_22 : vector<1x16xf32> to vector<16xf32>
      %swap3A_24 = vector.shape_cast %broadcast_in_dim3A_3 : vector<16xf32> to vector<1x16xf32>
      tpu.vector_store %arg16[%swap3A_20, %swap3A_21], %swap3A_24 {strides = array<i32>} : memref<128x80xf32, #tpu.memory_space<vmem>>, vector<1x16xf32>,
      %swap3A_25 = arith.index_cast %scan3A_15 : i32 to index
      %swap3A_26 = arith.constant 32 : index
      %swap3A_27 = tpu.vector_load %arg16[%swap3A_25, %swap3A_26] {strides = array<i32>} : memref<128x80xf32, #tpu.memory_space<vmem>>, vector<1x16xf32>,
      %swap3A_28 = vector.shape_cast %swap3A_27 : vector<1x16xf32> to vector<16xf32>
      %swap3A_29 = vector.shape_cast %broadcast_in_dim3A_3 : vector<16xf32> to vector<1x16xf32>
      tpu.vector_store %arg16[%swap3A_25, %swap3A_26], %swap3A_29 {strides = array<i32>} : memref<128x80xf32, #tpu.memory_space<vmem>>, vector<1x16xf32>,
      %swap3A_30 = arith.index_cast %scan3A_15 : i32 to index
      %swap3A_31 = arith.constant 48 : index
      %swap3A_32 = tpu.vector_load %arg16[%swap3A_30, %swap3A_31] {strides = array<i32>} : memref<128x80xf32, #tpu.memory_space<vmem>>, vector<1x16xf32>,
      %swap3A_33 = vector.shape_cast %swap3A_32 : vector<1x16xf32> to vector<16xf32>
      %swap3A_34 = vector.shape_cast %broadcast_in_dim3A_3 : vector<16xf32> to vector<1x16xf32>
      tpu.vector_store %arg16[%swap3A_30, %swap3A_31], %swap3A_34 {strides = array<i32>} : memref<128x80xf32, #tpu.memory_space<vmem>>, vector<1x16xf32>,
      %swap3A_35 = arith.index_cast %scan3A_15 : i32 to index
      %swap3A_36 = arith.constant 64 : index
      %swap3A_37 = tpu.vector_load %arg16[%swap3A_35, %swap3A_36] {strides = array<i32>} : memref<128x80xf32, #tpu.memory_space<vmem>>, vector<1x16xf32>,
      %swap3A_38 = vector.shape_cast %swap3A_37 : vector<1x16xf32> to vector<16xf32>
      %swap3A_39 = vector.shape_cast %broadcast_in_dim3A_3 : vector<16xf32> to vector<1x16xf32>
      tpu.vector_store %arg16[%swap3A_35, %swap3A_36], %swap3A_39 {strides = array<i32>} : memref<128x80xf32, #tpu.memory_space<vmem>>, vector<1x16xf32>,
    }
    %scan3A_8 = arith.constant 128 : i32
    %scan3A_9 = arith.constant 0 : i32
    %scan3A_10 = arith.constant 0 : i32
    %scan3A_11 = arith.constant 10 : i32
    %scan3A_12 = arith.addi %scan3A_10, %scan3A_11 : i32
    %scan3A_13 = arith.constant 1 : i32
    scf.for %scan3A_15 = %scan3A_10 to %scan3A_12 step %scan3A_13  : i32 {
      %mul3A_16 = arith.constant 128 : i32
      %mul3A_17 = arith.muli %scan3A_15, %mul3A_16 : i32
      %get3A = arith.constant 0 : i32
      %get3A_18 = arith.index_cast %get3A : i32 to index
      %get3A_19 = arith.index_cast %mul3A_17 : i32 to index
      %get3A_20 = tpu.vector_load %arg6[%get3A_18, %get3A_19] {strides = array<i32>} : memref<4x1280xf32, #tpu.memory_space<vmem>>, vector<1x16xf32>,
      %get3A_21 = vector.shape_cast %get3A_20 : vector<1x16xf32> to vector<16xf32>
      %add3A_22 = arith.constant 16 : i32
      %add3A_23 = arith.addi %mul3A_17, %add3A_22 : i32
      %get3A_24 = arith.constant 0 : i32
      %get3A_25 = arith.index_cast %get3A_24 : i32 to index
      %get3A_26 = arith.index_cast %add3A_23 : i32 to index
      %get3A_27 = tpu.vector_load %arg6[%get3A_25, %get3A_26] {strides = array<i32>} : memref<4x1280xf32, #tpu.memory_space<vmem>>, vector<1x16xf32>,
      %get3A_28 = vector.shape_cast %get3A_27 : vector<1x16xf32> to vector<16xf32>
      %max3A = arith.maximumf %get3A_21, %get3A_28 : vector<16xf32>
      %add3A_29 = arith.constant 32 : i32
      %add3A_30 = arith.addi %mul3A_17, %add3A_29 : i32
      %get3A_31 = arith.constant 0 : i32
      %get3A_32 = arith.index_cast %get3A_31 : i32 to index
      %get3A_33 = arith.index_cast %add3A_30 : i32 to index
      %get3A_34 = tpu.vector_load %arg6[%get3A_32, %get3A_33] {strides = array<i32>} : memref<4x1280xf32, #tpu.memory_space<vmem>>, vector<1x16xf32>,
      %get3A_35 = vector.shape_cast %get3A_34 : vector<1x16xf32> to vector<16xf32>
      %max3A_36 = arith.maximumf %max3A, %get3A_35 : vector<16xf32>
      %add3A_37 = arith.constant 48 : i32
      %add3A_38 = arith.addi %mul3A_17, %add3A_37 : i32
      %get3A_39 = arith.constant 0 : i32
      %get3A_40 = arith.index_cast %get3A_39 : i32 to index
      %get3A_41 = arith.index_cast %add3A_38 : i32 to index
      %get3A_42 = tpu.vector_load %arg6[%get3A_40, %get3A_41] {strides = array<i32>} : memref<4x1280xf32, #tpu.memory_space<vmem>>, vector<1x16xf32>,
      %get3A_43 = vector.shape_cast %get3A_42 : vector<1x16xf32> to vector<16xf32>
      %max3A_44 = arith.maximumf %max3A_36, %get3A_43 : vector<16xf32>
      %add3A_45 = arith.constant 64 : i32
      %add3A_46 = arith.addi %mul3A_17, %add3A_45 : i32
      %get3A_47 = arith.constant 0 : i32
      %get3A_48 = arith.index_cast %get3A_47 : i32 to index
      %get3A_49 = arith.index_cast %add3A_46 : i32 to index
      %get3A_50 = tpu.vector_load %arg6[%get3A_48, %get3A_49] {strides = array<i32>} : memref<4x1280xf32, #tpu.memory_space<vmem>>, vector<1x16xf32>,
      %get3A_51 = vector.shape_cast %get3A_50 : vector<1x16xf32> to vector<16xf32>
      %max3A_52 = arith.maximumf %max3A_44, %get3A_51 : vector<16xf32>
      %add3A_53 = arith.constant 80 : i32
      %add3A_54 = arith.addi %mul3A_17, %add3A_53 : i32
      %get3A_55 = arith.constant 0 : i32
      %get3A_56 = arith.index_cast %get3A_55 : i32 to index
      %get3A_57 = arith.index_cast %add3A_54 : i32 to index
      %get3A_58 = tpu.vector_load %arg6[%get3A_56, %get3A_57] {strides = array<i32>} : memref<4x1280xf32, #tpu.memory_space<vmem>>, vector<1x16xf32>,
      %get3A_59 = vector.shape_cast %get3A_58 : vector<1x16xf32> to vector<16xf32>
      %max3A_60 = arith.maximumf %max3A_52, %get3A_59 : vector<16xf32>
      %add3A_61 = arith.constant 96 : i32
      %add3A_62 = arith.addi %mul3A_17, %add3A_61 : i32
      %get3A_63 = arith.constant 0 : i32
      %get3A_64 = arith.index_cast %get3A_63 : i32 to index
      %get3A_65 = arith.index_cast %add3A_62 : i32 to index
      %get3A_66 = tpu.vector_load %arg6[%get3A_64, %get3A_65] {strides = array<i32>} : memref<4x1280xf32, #tpu.memory_space<vmem>>, vector<1x16xf32>,
      %get3A_67 = vector.shape_cast %get3A_66 : vector<1x16xf32> to vector<16xf32>
      %max3A_68 = arith.maximumf %max3A_60, %get3A_67 : vector<16xf32>
      %add3A_69 = arith.constant 112 : i32
      %add3A_70 = arith.addi %mul3A_17, %add3A_69 : i32
      %get3A_71 = arith.constant 0 : i32
      %get3A_72 = arith.index_cast %get3A_71 : i32 to index
      %get3A_73 = arith.index_cast %add3A_70 : i32 to index
      %get3A_74 = tpu.vector_load %arg6[%get3A_72, %get3A_73] {strides = array<i32>} : memref<4x1280xf32, #tpu.memory_space<vmem>>, vector<1x16xf32>,
      %get3A_75 = vector.shape_cast %get3A_74 : vector<1x16xf32> to vector<16xf32>
      %max3A_76 = arith.maximumf %max3A_68, %get3A_75 : vector<16xf32>
      %add3A_77 = arith.constant 0 : i32
      %add3A_78 = arith.addi %mul3A_17, %add3A_77 : i32
      %get3A_79 = arith.constant 1 : i32
      %get3A_80 = arith.index_cast %get3A_79 : i32 to index
      %get3A_81 = arith.index_cast %add3A_78 : i32 to index
      %get3A_82 = tpu.vector_load %arg6[%get3A_80, %get3A_81] {strides = array<i32>} : memref<4x1280xf32, #tpu.memory_space<vmem>>, vector<1x16xf32>,
      %get3A_83 = vector.shape_cast %get3A_82 : vector<1x16xf32> to vector<16xf32>
      %max3A_84 = arith.maximumf %max3A_76, %get3A_83 : vector<16xf32>
      %add3A_85 = arith.constant 16 : i32
      %add3A_86 = arith.addi %mul3A_17, %add3A_85 : i32
      %get3A_87 = arith.constant 1 : i32
      %get3A_88 = arith.index_cast %get3A_87 : i32 to index
      %get3A_89 = arith.index_cast %add3A_86 : i32 to index
      %get3A_90 = tpu.vector_load %arg6[%get3A_88, %get3A_89] {strides = array<i32>} : memref<4x1280xf32, #tpu.memory_space<vmem>>, vector<1x16xf32>,
      %get3A_91 = vector.shape_cast %get3A_90 : vector<1x16xf32> to vector<16xf32>
      %max3A_92 = arith.maximumf %max3A_84, %get3A_91 : vector<16xf32>
      %add3A_93 = arith.constant 32 : i32
      %add3A_94 = arith.addi %mul3A_17, %add3A_93 : i32
      %get3A_95 = arith.constant 1 : i32
      %get3A_96 = arith.index_cast %get3A_95 : i32 to index
      %get3A_97 = arith.index_cast %add3A_94 : i32 to index
      %get3A_98 = tpu.vector_load %arg6[%get3A_96, %get3A_97] {strides = array<i32>} : memref<4x1280xf32, #tpu.memory_space<vmem>>, vector<1x16xf32>,
      %get3A_99 = vector.shape_cast %get3A_98 : vector<1x16xf32> to vector<16xf32>
      %max3A_100 = arith.maximumf %max3A_92, %get3A_99 : vector<16xf32>
      %add3A_101 = arith.constant 48 : i32
      %add3A_102 = arith.addi %mul3A_17, %add3A_101 : i32
      %get3A_103 = arith.constant 1 : i32
      %get3A_104 = arith.index_cast %get3A_103 : i32 to index
      %get3A_105 = arith.index_cast %add3A_102 : i32 to index
      %get3A_106 = tpu.vector_load %arg6[%get3A_104, %get3A_105] {strides = array<i32>} : memref<4x1280xf32, #tpu.memory_space<vmem>>, vector<1x16xf32>,
      %get3A_107 = vector.shape_cast %get3A_106 : vector<1x16xf32> to vector<16xf32>
      %max3A_108 = arith.maximumf %max3A_100, %get3A_107 : vector<16xf32>
      %add3A_109 = arith.constant 64 : i32
      %add3A_110 = arith.addi %mul3A_17, %add3A_109 : i32
      %get3A_111 = arith.constant 1 : i32
      %get3A_112 = arith.index_cast %get3A_111 : i32 to index
      %get3A_113 = arith.index_cast %add3A_110 : i32 to index
      %get3A_114 = tpu.vector_load %arg6[%get3A_112, %get3A_113] {strides = array<i32>} : memref<4x1280xf32, #tpu.memory_space<vmem>>, vector<1x16xf32>,
      %get3A_115 = vector.shape_cast %get3A_114 : vector<1x16xf32> to vector<16xf32>
      %max3A_116 = arith.maximumf %max3A_108, %get3A_115 : vector<16xf32>
      %add3A_117 = arith.constant 80 : i32
      %add3A_118 = arith.addi %mul3A_17, %add3A_117 : i32
      %get3A_119 = arith.constant 1 : i32
      %get3A_120 = arith.index_cast %get3A_119 : i32 to index
      %get3A_121 = arith.index_cast %add3A_118 : i32 to index
      %get3A_122 = tpu.vector_load %arg6[%get3A_120, %get3A_121] {strides = array<i32>} : memref<4x1280xf32, #tpu.memory_space<vmem>>, vector<1x16xf32>,
      %get3A_123 = vector.shape_cast %get3A_122 : vector<1x16xf32> to vector<16xf32>
      %max3A_124 = arith.maximumf %max3A_116, %get3A_123 : vector<16xf32>
      %add3A_125 = arith.constant 96 : i32
      %add3A_126 = arith.addi %mul3A_17, %add3A_125 : i32
      %get3A_127 = arith.constant 1 : i32
      %get3A_128 = arith.index_cast %get3A_127 : i32 to index
      %get3A_129 = arith.index_cast %add3A_126 : i32 to index
      %get3A_130 = tpu.vector_load %arg6[%get3A_128, %get3A_129] {strides = array<i32>} : memref<4x1280xf32, #tpu.memory_space<vmem>>, vector<1x16xf32>,
      %get3A_131 = vector.shape_cast %get3A_130 : vector<1x16xf32> to vector<16xf32>
      %max3A_132 = arith.maximumf %max3A_124, %get3A_131 : vector<16xf32>
      %add3A_133 = arith.constant 112 : i32
      %add3A_134 = arith.addi %mul3A_17, %add3A_133 : i32
      %get3A_135 = arith.constant 1 : i32
      %get3A_136 = arith.index_cast %get3A_135 : i32 to index
      %get3A_137 = arith.index_cast %add3A_134 : i32 to index
      %get3A_138 = tpu.vector_load %arg6[%get3A_136, %get3A_137] {strides = array<i32>} : memref<4x1280xf32, #tpu.memory_space<vmem>>, vector<1x16xf32>,
      %get3A_139 = vector.shape_cast %get3A_138 : vector<1x16xf32> to vector<16xf32>
      %max3A_140 = arith.maximumf %max3A_132, %get3A_139 : vector<16xf32>
      %add3A_141 = arith.constant 0 : i32
      %add3A_142 = arith.addi %mul3A_17, %add3A_141 : i32
      %get3A_143 = arith.constant 2 : i32
      %get3A_144 = arith.index_cast %get3A_143 : i32 to index
      %get3A_145 = arith.index_cast %add3A_142 : i32 to index
      %get3A_146 = tpu.vector_load %arg6[%get3A_144, %get3A_145] {strides = array<i32>} : memref<4x1280xf32, #tpu.memory_space<vmem>>, vector<1x16xf32>,
      %get3A_147 = vector.shape_cast %get3A_146 : vector<1x16xf32> to vector<16xf32>
      %max3A_148 = arith.maximumf %max3A_140, %get3A_147 : vector<16xf32>
      %add3A_149 = arith.constant 16 : i32
      %add3A_150 = arith.addi %mul3A_17, %add3A_149 : i32
      %get3A_151 = arith.constant 2 : i32
      %get3A_152 = arith.index_cast %get3A_151 : i32 to index
      %get3A_153 = arith.index_cast %add3A_150 : i32 to index
      %get3A_154 = tpu.vector_load %arg6[%get3A_152, %get3A_153] {strides = array<i32>} : memref<4x1280xf32, #tpu.memory_space<vmem>>, vector<1x16xf32>,
      %get3A_155 = vector.shape_cast %get3A_154 : vector<1x16xf32> to vector<16xf32>
      %max3A_156 = arith.maximumf %max3A_148, %get3A_155 : vector<16xf32>
      %add3A_157 = arith.constant 32 : i32
      %add3A_158 = arith.addi %mul3A_17, %add3A_157 : i32
      %get3A_159 = arith.constant 2 : i32
      %get3A_160 = arith.index_cast %get3A_159 : i32 to index
      %get3A_161 = arith.index_cast %add3A_158 : i32 to index
      %get3A_162 = tpu.vector_load %arg6[%get3A_160, %get3A_161] {strides = array<i32>} : memref<4x1280xf32, #tpu.memory_space<vmem>>, vector<1x16xf32>,
      %get3A_163 = vector.shape_cast %get3A_162 : vector<1x16xf32> to vector<16xf32>
      %max3A_164 = arith.maximumf %max3A_156, %get3A_163 : vector<16xf32>
      %add3A_165 = arith.constant 48 : i32
      %add3A_166 = arith.addi %mul3A_17, %add3A_165 : i32
      %get3A_167 = arith.constant 2 : i32
      %get3A_168 = arith.index_cast %get3A_167 : i32 to index
      %get3A_169 = arith.index_cast %add3A_166 : i32 to index
      %get3A_170 = tpu.vector_load %arg6[%get3A_168, %get3A_169] {strides = array<i32>} : memref<4x1280xf32, #tpu.memory_space<vmem>>, vector<1x16xf32>,
      %get3A_171 = vector.shape_cast %get3A_170 : vector<1x16xf32> to vector<16xf32>
      %max3A_172 = arith.maximumf %max3A_164, %get3A_171 : vector<16xf32>
      %add3A_173 = arith.constant 64 : i32
      %add3A_174 = arith.addi %mul3A_17, %add3A_173 : i32
      %get3A_175 = arith.constant 2 : i32
      %get3A_176 = arith.index_cast %get3A_175 : i32 to index
      %get3A_177 = arith.index_cast %add3A_174 : i32 to index
      %get3A_178 = tpu.vector_load %arg6[%get3A_176, %get3A_177] {strides = array<i32>} : memref<4x1280xf32, #tpu.memory_space<vmem>>, vector<1x16xf32>,
      %get3A_179 = vector.shape_cast %get3A_178 : vector<1x16xf32> to vector<16xf32>
      %max3A_180 = arith.maximumf %max3A_172, %get3A_179 : vector<16xf32>
      %add3A_181 = arith.constant 80 : i32
      %add3A_182 = arith.addi %mul3A_17, %add3A_181 : i32
      %get3A_183 = arith.constant 2 : i32
      %get3A_184 = arith.index_cast %get3A_183 : i32 to index
      %get3A_185 = arith.index_cast %add3A_182 : i32 to index
      %get3A_186 = tpu.vector_load %arg6[%get3A_184, %get3A_185] {strides = array<i32>} : memref<4x1280xf32, #tpu.memory_space<vmem>>, vector<1x16xf32>,
      %get3A_187 = vector.shape_cast %get3A_186 : vector<1x16xf32> to vector<16xf32>
      %max3A_188 = arith.maximumf %max3A_180, %get3A_187 : vector<16xf32>
      %add3A_189 = arith.constant 96 : i32
      %add3A_190 = arith.addi %mul3A_17, %add3A_189 : i32
      %get3A_191 = arith.constant 2 : i32
      %get3A_192 = arith.index_cast %get3A_191 : i32 to index
      %get3A_193 = arith.index_cast %add3A_190 : i32 to index
      %get3A_194 = tpu.vector_load %arg6[%get3A_192, %get3A_193] {strides = array<i32>} : memref<4x1280xf32, #tpu.memory_space<vmem>>, vector<1x16xf32>,
      %get3A_195 = vector.shape_cast %get3A_194 : vector<1x16xf32> to vector<16xf32>
      %max3A_196 = arith.maximumf %max3A_188, %get3A_195 : vector<16xf32>
      %add3A_197 = arith.constant 112 : i32
      %add3A_198 = arith.addi %mul3A_17, %add3A_197 : i32
      %get3A_199 = arith.constant 2 : i32
      %get3A_200 = arith.index_cast %get3A_199 : i32 to index
      %get3A_201 = arith.index_cast %add3A_198 : i32 to index
      %get3A_202 = tpu.vector_load %arg6[%get3A_200, %get3A_201] {strides = array<i32>} : memref<4x1280xf32, #tpu.memory_space<vmem>>, vector<1x16xf32>,
      %get3A_203 = vector.shape_cast %get3A_202 : vector<1x16xf32> to vector<16xf32>
      %max3A_204 = arith.maximumf %max3A_196, %get3A_203 : vector<16xf32>
      %add3A_205 = arith.constant 0 : i32
      %add3A_206 = arith.addi %mul3A_17, %add3A_205 : i32
      %get3A_207 = arith.constant 3 : i32
      %get3A_208 = arith.index_cast %get3A_207 : i32 to index
      %get3A_209 = arith.index_cast %add3A_206 : i32 to index
      %get3A_210 = tpu.vector_load %arg6[%get3A_208, %get3A_209] {strides = array<i32>} : memref<4x1280xf32, #tpu.memory_space<vmem>>, vector<1x16xf32>,
      %get3A_211 = vector.shape_cast %get3A_210 : vector<1x16xf32> to vector<16xf32>
      %max3A_212 = arith.maximumf %max3A_204, %get3A_211 : vector<16xf32>
      %add3A_213 = arith.constant 16 : i32
      %add3A_214 = arith.addi %mul3A_17, %add3A_213 : i32
      %get3A_215 = arith.constant 3 : i32
      %get3A_216 = arith.index_cast %get3A_215 : i32 to index
      %get3A_217 = arith.index_cast %add3A_214 : i32 to index
      %get3A_218 = tpu.vector_load %arg6[%get3A_216, %get3A_217] {strides = array<i32>} : memref<4x1280xf32, #tpu.memory_space<vmem>>, vector<1x16xf32>,
      %get3A_219 = vector.shape_cast %get3A_218 : vector<1x16xf32> to vector<16xf32>
      %max3A_220 = arith.maximumf %max3A_212, %get3A_219 : vector<16xf32>
      %add3A_221 = arith.constant 32 : i32
      %add3A_222 = arith.addi %mul3A_17, %add3A_221 : i32
      %get3A_223 = arith.constant 3 : i32
      %get3A_224 = arith.index_cast %get3A_223 : i32 to index
      %get3A_225 = arith.index_cast %add3A_222 : i32 to index
      %get3A_226 = tpu.vector_load %arg6[%get3A_224, %get3A_225] {strides = array<i32>} : memref<4x1280xf32, #tpu.memory_space<vmem>>, vector<1x16xf32>,
      %get3A_227 = vector.shape_cast %get3A_226 : vector<1x16xf32> to vector<16xf32>
      %max3A_228 = arith.maximumf %max3A_220, %get3A_227 : vector<16xf32>
      %add3A_229 = arith.constant 48 : i32
      %add3A_230 = arith.addi %mul3A_17, %add3A_229 : i32
      %get3A_231 = arith.constant 3 : i32
      %get3A_232 = arith.index_cast %get3A_231 : i32 to index
      %get3A_233 = arith.index_cast %add3A_230 : i32 to index
      %get3A_234 = tpu.vector_load %arg6[%get3A_232, %get3A_233] {strides = array<i32>} : memref<4x1280xf32, #tpu.memory_space<vmem>>, vector<1x16xf32>,
      %get3A_235 = vector.shape_cast %get3A_234 : vector<1x16xf32> to vector<16xf32>
      %max3A_236 = arith.maximumf %max3A_228, %get3A_235 : vector<16xf32>
      %add3A_237 = arith.constant 64 : i32
      %add3A_238 = arith.addi %mul3A_17, %add3A_237 : i32
      %get3A_239 = arith.constant 3 : i32
      %get3A_240 = arith.index_cast %get3A_239 : i32 to index
      %get3A_241 = arith.index_cast %add3A_238 : i32 to index
      %get3A_242 = tpu.vector_load %arg6[%get3A_240, %get3A_241] {strides = array<i32>} : memref<4x1280xf32, #tpu.memory_space<vmem>>, vector<1x16xf32>,
      %get3A_243 = vector.shape_cast %get3A_242 : vector<1x16xf32> to vector<16xf32>
      %max3A_244 = arith.maximumf %max3A_236, %get3A_243 : vector<16xf32>
      %add3A_245 = arith.constant 80 : i32
      %add3A_246 = arith.addi %mul3A_17, %add3A_245 : i32
      %get3A_247 = arith.constant 3 : i32
      %get3A_248 = arith.index_cast %get3A_247 : i32 to index
      %get3A_249 = arith.index_cast %add3A_246 : i32 to index
      %get3A_250 = tpu.vector_load %arg6[%get3A_248, %get3A_249] {strides = array<i32>} : memref<4x1280xf32, #tpu.memory_space<vmem>>, vector<1x16xf32>,
      %get3A_251 = vector.shape_cast %get3A_250 : vector<1x16xf32> to vector<16xf32>
      %max3A_252 = arith.maximumf %max3A_244, %get3A_251 : vector<16xf32>
      %add3A_253 = arith.constant 96 : i32
      %add3A_254 = arith.addi %mul3A_17, %add3A_253 : i32
      %get3A_255 = arith.constant 3 : i32
      %get3A_256 = arith.index_cast %get3A_255 : i32 to index
      %get3A_257 = arith.index_cast %add3A_254 : i32 to index
      %get3A_258 = tpu.vector_load %arg6[%get3A_256, %get3A_257] {strides = array<i32>} : memref<4x1280xf32, #tpu.memory_space<vmem>>, vector<1x16xf32>,
      %get3A_259 = vector.shape_cast %get3A_258 : vector<1x16xf32> to vector<16xf32>
      %max3A_260 = arith.maximumf %max3A_252, %get3A_259 : vector<16xf32>
      %add3A_261 = arith.constant 112 : i32
      %add3A_262 = arith.addi %mul3A_17, %add3A_261 : i32
      %get3A_263 = arith.constant 3 : i32
      %get3A_264 = arith.index_cast %get3A_263 : i32 to index
      %get3A_265 = arith.index_cast %add3A_262 : i32 to index
      %get3A_266 = tpu.vector_load %arg6[%get3A_264, %get3A_265] {strides = array<i32>} : memref<4x1280xf32, #tpu.memory_space<vmem>>, vector<1x16xf32>,
      %get3A_267 = vector.shape_cast %get3A_266 : vector<1x16xf32> to vector<16xf32>
      %max3A_268 = arith.maximumf %max3A_260, %get3A_267 : vector<16xf32>
      %slice3A = vector.extract_strided_slice %max3A_268 {offsets = [0], sizes = [1], strides = [1]} : vector<16xf32> to vector<1xf32>
      %squeeze3A = vector.extract %slice3A[0] : f32 from vector<1xf32>
      %slice3A_269 = vector.extract_strided_slice %max3A_268 {offsets = [1], sizes = [1], strides = [1]} : vector<16xf32> to vector<1xf32>
      %squeeze3A_270 = vector.extract %slice3A_269[0] : f32 from vector<1xf32>
      %max3A_271 = arith.maximumf %squeeze3A, %squeeze3A_270 : f32
      %slice3A_272 = vector.extract_strided_slice %max3A_268 {offsets = [2], sizes = [1], strides = [1]} : vector<16xf32> to vector<1xf32>
      %squeeze3A_273 = vector.extract %slice3A_272[0] : f32 from vector<1xf32>
      %max3A_274 = arith.maximumf %max3A_271, %squeeze3A_273 : f32
      %slice3A_275 = vector.extract_strided_slice %max3A_268 {offsets = [3], sizes = [1], strides = [1]} : vector<16xf32> to vector<1xf32>
      %squeeze3A_276 = vector.extract %slice3A_275[0] : f32 from vector<1xf32>
      %max3A_277 = arith.maximumf %max3A_274, %squeeze3A_276 : f32
      %slice3A_278 = vector.extract_strided_slice %max3A_268 {offsets = [4], sizes = [1], strides = [1]} : vector<16xf32> to vector<1xf32>
      %squeeze3A_279 = vector.extract %slice3A_278[0] : f32 from vector<1xf32>
      %max3A_280 = arith.maximumf %max3A_277, %squeeze3A_279 : f32
      %slice3A_281 = vector.extract_strided_slice %max3A_268 {offsets = [5], sizes = [1], strides = [1]} : vector<16xf32> to vector<1xf32>
      %squeeze3A_282 = vector.extract %slice3A_281[0] : f32 from vector<1xf32>
      %max3A_283 = arith.maximumf %max3A_280, %squeeze3A_282 : f32
      %slice3A_284 = vector.extract_strided_slice %max3A_268 {offsets = [6], sizes = [1], strides = [1]} : vector<16xf32> to vector<1xf32>
      %squeeze3A_285 = vector.extract %slice3A_284[0] : f32 from vector<1xf32>
      %max3A_286 = arith.maximumf %max3A_283, %squeeze3A_285 : f32
      %slice3A_287 = vector.extract_strided_slice %max3A_268 {offsets = [7], sizes = [1], strides = [1]} : vector<16xf32> to vector<1xf32>
      %squeeze3A_288 = vector.extract %slice3A_287[0] : f32 from vector<1xf32>
      %max3A_289 = arith.maximumf %max3A_286, %squeeze3A_288 : f32
      %slice3A_290 = vector.extract_strided_slice %max3A_268 {offsets = [8], sizes = [1], strides = [1]} : vector<16xf32> to vector<1xf32>
      %squeeze3A_291 = vector.extract %slice3A_290[0] : f32 from vector<1xf32>
      %max3A_292 = arith.maximumf %max3A_289, %squeeze3A_291 : f32
      %slice3A_293 = vector.extract_strided_slice %max3A_268 {offsets = [9], sizes = [1], strides = [1]} : vector<16xf32> to vector<1xf32>
      %squeeze3A_294 = vector.extract %slice3A_293[0] : f32 from vector<1xf32>
      %max3A_295 = arith.maximumf %max3A_292, %squeeze3A_294 : f32
      %slice3A_296 = vector.extract_strided_slice %max3A_268 {offsets = [10], sizes = [1], strides = [1]} : vector<16xf32> to vector<1xf32>
      %squeeze3A_297 = vector.extract %slice3A_296[0] : f32 from vector<1xf32>
      %max3A_298 = arith.maximumf %max3A_295, %squeeze3A_297 : f32
      %slice3A_299 = vector.extract_strided_slice %max3A_268 {offsets = [11], sizes = [1], strides = [1]} : vector<16xf32> to vector<1xf32>
      %squeeze3A_300 = vector.extract %slice3A_299[0] : f32 from vector<1xf32>
      %max3A_301 = arith.maximumf %max3A_298, %squeeze3A_300 : f32
      %slice3A_302 = vector.extract_strided_slice %max3A_268 {offsets = [12], sizes = [1], strides = [1]} : vector<16xf32> to vector<1xf32>
      %squeeze3A_303 = vector.extract %slice3A_302[0] : f32 from vector<1xf32>
      %max3A_304 = arith.maximumf %max3A_301, %squeeze3A_303 : f32
      %slice3A_305 = vector.extract_strided_slice %max3A_268 {offsets = [13], sizes = [1], strides = [1]} : vector<16xf32> to vector<1xf32>
      %squeeze3A_306 = vector.extract %slice3A_305[0] : f32 from vector<1xf32>
      %max3A_307 = arith.maximumf %max3A_304, %squeeze3A_306 : f32
      %slice3A_308 = vector.extract_strided_slice %max3A_268 {offsets = [14], sizes = [1], strides = [1]} : vector<16xf32> to vector<1xf32>
      %squeeze3A_309 = vector.extract %slice3A_308[0] : f32 from vector<1xf32>
      %max3A_310 = arith.maximumf %max3A_307, %squeeze3A_309 : f32
      %slice3A_311 = vector.extract_strided_slice %max3A_268 {offsets = [15], sizes = [1], strides = [1]} : vector<16xf32> to vector<1xf32>
      %squeeze3A_312 = vector.extract %slice3A_311[0] : f32 from vector<1xf32>
      %max3A_313 = arith.maximumf %max3A_310, %squeeze3A_312 : f32
      %gt3A = arith.constant 0.000000e+00 : f32
      %gt3A_314 = arith.cmpf ogt, %max3A_313, %gt3A : f32
      %convert_element_type3A = arith.extui %gt3A_314 : i1 to i32
      %cond3A = arith.constant 0 : i32
      %cond3A_315 = arith.cmpi ne, %convert_element_type3A, %cond3A : i32
      scf.if %cond3A_315 {
        %add3A_320 = arith.addi %mul3A_2, %mul3A_17 : i32
        %run_scoped3A = arith.constant 0 : i32
        "tpu.region"() ({
          %run_scoped3A_356 = tpu.sem_alloc : memref<!tpu.dma_semaphore, #tpu.memory_space<semaphore_mem>>
          %dma_start3A_357 = tpu.memref_slice %arg3[%run_scoped3A, %add3A_320] : memref<4x40960xi32, #tpu.memory_space<hbm>> -> memref<1x128xi32, #tpu.memory_space<hbm>>
          %dma_start3A_358 = tpu.memref_squeeze %dma_start3A_357 : memref<1x128xi32, #tpu.memory_space<hbm>> -> memref<128xi32, #tpu.memory_space<hbm>>
          %dma_start3A_359 = tpu.memref_slice %arg3[%run_scoped3A, %add3A_320] : memref<4x40960xi32, #tpu.memory_space<hbm>> -> memref<1x128xi32, #tpu.memory_space<hbm>>
          %dma_start3A_360 = tpu.memref_squeeze %dma_start3A_359 : memref<1x128xi32, #tpu.memory_space<hbm>> -> memref<128xi32, #tpu.memory_space<hbm>>
          tpu.enqueue_dma source(%dma_start3A_360 : memref<128xi32, #tpu.memory_space<hbm>>) target(%arg7 : memref<128xi32, #tpu.memory_space<vmem>>) target_semaphore(%run_scoped3A_356 : memref<!tpu.dma_semaphore, #tpu.memory_space<semaphore_mem>>)
          %dma_wait3A_361 = tpu.memref_slice %arg3[%run_scoped3A, %add3A_320] : memref<4x40960xi32, #tpu.memory_space<hbm>> -> memref<1x128xi32, #tpu.memory_space<hbm>>
          %dma_wait3A_362 = tpu.memref_squeeze %dma_wait3A_361 : memref<1x128xi32, #tpu.memory_space<hbm>> -> memref<128xi32, #tpu.memory_space<hbm>>
          %dma_wait3A_363 = tpu.memref_slice %arg3[%run_scoped3A, %add3A_320] : memref<4x40960xi32, #tpu.memory_space<hbm>> -> memref<1x128xi32, #tpu.memory_space<hbm>>
          %dma_wait3A_364 = tpu.memref_squeeze %dma_wait3A_363 : memref<1x128xi32, #tpu.memory_space<hbm>> -> memref<128xi32, #tpu.memory_space<hbm>>
          tpu.wait_dma2 semaphore(%run_scoped3A_356 : memref<!tpu.dma_semaphore, #tpu.memory_space<semaphore_mem>>) src(%dma_wait3A_364 : memref<128xi32, #tpu.memory_space<hbm>>) dst(%arg7 : memref<128xi32, #tpu.memory_space<vmem>>)
          tpu.yield
        }) : () -> ()
        %add3A_321 = arith.addi %mul3A_2, %mul3A_17 : i32
        %run_scoped3A_322 = arith.constant 1 : i32
        "tpu.region"() ({
          %run_scoped3A_356 = tpu.sem_alloc : memref<!tpu.dma_semaphore, #tpu.memory_space<semaphore_mem>>
          %dma_start3A_357 = tpu.memref_slice %arg3[%run_scoped3A_322, %add3A_321] : memref<4x40960xi32, #tpu.memory_space<hbm>> -> memref<1x128xi32, #tpu.memory_space<hbm>>
          %dma_start3A_358 = tpu.memref_squeeze %dma_start3A_357 : memref<1x128xi32, #tpu.memory_space<hbm>> -> memref<128xi32, #tpu.memory_space<hbm>>
          %dma_start3A_359 = tpu.memref_slice %arg3[%run_scoped3A_322, %add3A_321] : memref<4x40960xi32, #tpu.memory_space<hbm>> -> memref<1x128xi32, #tpu.memory_space<hbm>>
          %dma_start3A_360 = tpu.memref_squeeze %dma_start3A_359 : memref<1x128xi32, #tpu.memory_space<hbm>> -> memref<128xi32, #tpu.memory_space<hbm>>
          tpu.enqueue_dma source(%dma_start3A_360 : memref<128xi32, #tpu.memory_space<hbm>>) target(%arg8 : memref<128xi32, #tpu.memory_space<vmem>>) target_semaphore(%run_scoped3A_356 : memref<!tpu.dma_semaphore, #tpu.memory_space<semaphore_mem>>)
          %dma_wait3A_361 = tpu.memref_slice %arg3[%run_scoped3A_322, %add3A_321] : memref<4x40960xi32, #tpu.memory_space<hbm>> -> memref<1x128xi32, #tpu.memory_space<hbm>>
          %dma_wait3A_362 = tpu.memref_squeeze %dma_wait3A_361 : memref<1x128xi32, #tpu.memory_space<hbm>> -> memref<128xi32, #tpu.memory_space<hbm>>
          %dma_wait3A_363 = tpu.memref_slice %arg3[%run_scoped3A_322, %add3A_321] : memref<4x40960xi32, #tpu.memory_space<hbm>> -> memref<1x128xi32, #tpu.memory_space<hbm>>
          %dma_wait3A_364 = tpu.memref_squeeze %dma_wait3A_363 : memref<1x128xi32, #tpu.memory_space<hbm>> -> memref<128xi32, #tpu.memory_space<hbm>>
          tpu.wait_dma2 semaphore(%run_scoped3A_356 : memref<!tpu.dma_semaphore, #tpu.memory_space<semaphore_mem>>) src(%dma_wait3A_364 : memref<128xi32, #tpu.memory_space<hbm>>) dst(%arg8 : memref<128xi32, #tpu.memory_space<vmem>>)
          tpu.yield
        }) : () -> ()
        %add3A_323 = arith.addi %mul3A_2, %mul3A_17 : i32
        %run_scoped3A_324 = arith.constant 2 : i32
        "tpu.region"() ({
          %run_scoped3A_356 = tpu.sem_alloc : memref<!tpu.dma_semaphore, #tpu.memory_space<semaphore_mem>>
          %dma_start3A_357 = tpu.memref_slice %arg3[%run_scoped3A_324, %add3A_323] : memref<4x40960xi32, #tpu.memory_space<hbm>> -> memref<1x128xi32, #tpu.memory_space<hbm>>
          %dma_start3A_358 = tpu.memref_squeeze %dma_start3A_357 : memref<1x128xi32, #tpu.memory_space<hbm>> -> memref<128xi32, #tpu.memory_space<hbm>>
          %dma_start3A_359 = tpu.memref_slice %arg3[%run_scoped3A_324, %add3A_323] : memref<4x40960xi32, #tpu.memory_space<hbm>> -> memref<1x128xi32, #tpu.memory_space<hbm>>
          %dma_start3A_360 = tpu.memref_squeeze %dma_start3A_359 : memref<1x128xi32, #tpu.memory_space<hbm>> -> memref<128xi32, #tpu.memory_space<hbm>>
          tpu.enqueue_dma source(%dma_start3A_360 : memref<128xi32, #tpu.memory_space<hbm>>) target(%arg9 : memref<128xi32, #tpu.memory_space<vmem>>) target_semaphore(%run_scoped3A_356 : memref<!tpu.dma_semaphore, #tpu.memory_space<semaphore_mem>>)
          %dma_wait3A_361 = tpu.memref_slice %arg3[%run_scoped3A_324, %add3A_323] : memref<4x40960xi32, #tpu.memory_space<hbm>> -> memref<1x128xi32, #tpu.memory_space<hbm>>
          %dma_wait3A_362 = tpu.memref_squeeze %dma_wait3A_361 : memref<1x128xi32, #tpu.memory_space<hbm>> -> memref<128xi32, #tpu.memory_space<hbm>>
          %dma_wait3A_363 = tpu.memref_slice %arg3[%run_scoped3A_324, %add3A_323] : memref<4x40960xi32, #tpu.memory_space<hbm>> -> memref<1x128xi32, #tpu.memory_space<hbm>>
          %dma_wait3A_364 = tpu.memref_squeeze %dma_wait3A_363 : memref<1x128xi32, #tpu.memory_space<hbm>> -> memref<128xi32, #tpu.memory_space<hbm>>
          tpu.wait_dma2 semaphore(%run_scoped3A_356 : memref<!tpu.dma_semaphore, #tpu.memory_space<semaphore_mem>>) src(%dma_wait3A_364 : memref<128xi32, #tpu.memory_space<hbm>>) dst(%arg9 : memref<128xi32, #tpu.memory_space<vmem>>)
          tpu.yield
        }) : () -> ()
        %add3A_325 = arith.addi %mul3A_2, %mul3A_17 : i32
        %run_scoped3A_326 = arith.constant 3 : i32
        "tpu.region"() ({
          %run_scoped3A_356 = tpu.sem_alloc : memref<!tpu.dma_semaphore, #tpu.memory_space<semaphore_mem>>
          %dma_start3A_357 = tpu.memref_slice %arg3[%run_scoped3A_326, %add3A_325] : memref<4x40960xi32, #tpu.memory_space<hbm>> -> memref<1x128xi32, #tpu.memory_space<hbm>>
          %dma_start3A_358 = tpu.memref_squeeze %dma_start3A_357 : memref<1x128xi32, #tpu.memory_space<hbm>> -> memref<128xi32, #tpu.memory_space<hbm>>
          %dma_start3A_359 = tpu.memref_slice %arg3[%run_scoped3A_326, %add3A_325] : memref<4x40960xi32, #tpu.memory_space<hbm>> -> memref<1x128xi32, #tpu.memory_space<hbm>>
          %dma_start3A_360 = tpu.memref_squeeze %dma_start3A_359 : memref<1x128xi32, #tpu.memory_space<hbm>> -> memref<128xi32, #tpu.memory_space<hbm>>
          tpu.enqueue_dma source(%dma_start3A_360 : memref<128xi32, #tpu.memory_space<hbm>>) target(%arg10 : memref<128xi32, #tpu.memory_space<vmem>>) target_semaphore(%run_scoped3A_356 : memref<!tpu.dma_semaphore, #tpu.memory_space<semaphore_mem>>)
          %dma_wait3A_361 = tpu.memref_slice %arg3[%run_scoped3A_326, %add3A_325] : memref<4x40960xi32, #tpu.memory_space<hbm>> -> memref<1x128xi32, #tpu.memory_space<hbm>>
          %dma_wait3A_362 = tpu.memref_squeeze %dma_wait3A_361 : memref<1x128xi32, #tpu.memory_space<hbm>> -> memref<128xi32, #tpu.memory_space<hbm>>
          %dma_wait3A_363 = tpu.memref_slice %arg3[%run_scoped3A_326, %add3A_325] : memref<4x40960xi32, #tpu.memory_space<hbm>> -> memref<1x128xi32, #tpu.memory_space<hbm>>
          %dma_wait3A_364 = tpu.memref_squeeze %dma_wait3A_363 : memref<1x128xi32, #tpu.memory_space<hbm>> -> memref<128xi32, #tpu.memory_space<hbm>>
          tpu.wait_dma2 semaphore(%run_scoped3A_356 : memref<!tpu.dma_semaphore, #tpu.memory_space<semaphore_mem>>) src(%dma_wait3A_364 : memref<128xi32, #tpu.memory_space<hbm>>) dst(%arg10 : memref<128xi32, #tpu.memory_space<vmem>>)
          tpu.yield
        }) : () -> ()
        %dma_start3A = arith.constant 0 : i32
        %dma_start3A_327 = arith.constant 0 : i32
        %dma_start3A_328 = tpu.memref_slice %arg2[%dma_start3A, %dma_start3A_327] : memref<67584x128xf32, #tpu.memory_space<hbm>> -> memref<67584x128xf32, #tpu.memory_space<hbm>>
        tpu.enqueue_indirect_dma source(%dma_start3A_328 : memref<67584x128xf32, #tpu.memory_space<hbm>>) target(%arg11 : memref<128x128xf32, #tpu.memory_space<vmem>>) offsets(%arg7 : memref<128xi32, #tpu.memory_space<vmem>>) semaphore(%arg17 : memref<!tpu.dma_semaphore, #tpu.memory_space<semaphore_mem>>)
        %dma_start3A_329 = arith.constant 0 : i32
        %dma_start3A_330 = arith.constant 0 : i32
        %dma_start3A_331 = tpu.memref_slice %arg2[%dma_start3A_329, %dma_start3A_330] : memref<67584x128xf32, #tpu.memory_space<hbm>> -> memref<67584x128xf32, #tpu.memory_space<hbm>>
        tpu.enqueue_indirect_dma source(%dma_start3A_331 : memref<67584x128xf32, #tpu.memory_space<hbm>>) target(%arg12 : memref<128x128xf32, #tpu.memory_space<vmem>>) offsets(%arg8 : memref<128xi32, #tpu.memory_space<vmem>>) semaphore(%arg17 : memref<!tpu.dma_semaphore, #tpu.memory_space<semaphore_mem>>)
        %dma_start3A_332 = arith.constant 0 : i32
        %dma_start3A_333 = arith.constant 0 : i32
        %dma_start3A_334 = tpu.memref_slice %arg2[%dma_start3A_332, %dma_start3A_333] : memref<67584x128xf32, #tpu.memory_space<hbm>> -> memref<67584x128xf32, #tpu.memory_space<hbm>>
        tpu.enqueue_indirect_dma source(%dma_start3A_334 : memref<67584x128xf32, #tpu.memory_space<hbm>>) target(%arg13 : memref<128x128xf32, #tpu.memory_space<vmem>>) offsets(%arg9 : memref<128xi32, #tpu.memory_space<vmem>>) semaphore(%arg17 : memref<!tpu.dma_semaphore, #tpu.memory_space<semaphore_mem>>)
        %dma_start3A_335 = arith.constant 0 : i32
        %dma_start3A_336 = arith.constant 0 : i32
        %dma_start3A_337 = tpu.memref_slice %arg2[%dma_start3A_335, %dma_start3A_336] : memref<67584x128xf32, #tpu.memory_space<hbm>> -> memref<67584x128xf32, #tpu.memory_space<hbm>>
        tpu.enqueue_indirect_dma source(%dma_start3A_337 : memref<67584x128xf32, #tpu.memory_space<hbm>>) target(%arg14 : memref<128x128xf32, #tpu.memory_space<vmem>>) offsets(%arg10 : memref<128xi32, #tpu.memory_space<vmem>>) semaphore(%arg17 : memref<!tpu.dma_semaphore, #tpu.memory_space<semaphore_mem>>)
        %dma_wait3A = arith.constant 0 : i32
        %dma_wait3A_338 = arith.constant 0 : i32
        %dma_wait3A_339 = tpu.memref_slice %arg2[%dma_wait3A, %dma_wait3A_338] : memref<67584x128xf32, #tpu.memory_space<hbm>> -> memref<67584x128xf32, #tpu.memory_space<hbm>>
        tpu.wait_indirect_dma semaphore(%arg17 : memref<!tpu.dma_semaphore, #tpu.memory_space<semaphore_mem>>) src(%dma_wait3A_339 : memref<67584x128xf32, #tpu.memory_space<hbm>>) dst(%arg11 : memref<128x128xf32, #tpu.memory_space<vmem>>)
        %dma_wait3A_340 = arith.constant 0 : i32
        %dma_wait3A_341 = arith.constant 0 : i32
        %dma_wait3A_342 = tpu.memref_slice %arg2[%dma_wait3A_340, %dma_wait3A_341] : memref<67584x128xf32, #tpu.memory_space<hbm>> -> memref<67584x128xf32, #tpu.memory_space<hbm>>
        tpu.wait_indirect_dma semaphore(%arg17 : memref<!tpu.dma_semaphore, #tpu.memory_space<semaphore_mem>>) src(%dma_wait3A_342 : memref<67584x128xf32, #tpu.memory_space<hbm>>) dst(%arg12 : memref<128x128xf32, #tpu.memory_space<vmem>>)
        %dma_wait3A_343 = arith.constant 0 : i32
        %dma_wait3A_344 = arith.constant 0 : i32
        %dma_wait3A_345 = tpu.memref_slice %arg2[%dma_wait3A_343, %dma_wait3A_344] : memref<67584x128xf32, #tpu.memory_space<hbm>> -> memref<67584x128xf32, #tpu.memory_space<hbm>>
        tpu.wait_indirect_dma semaphore(%arg17 : memref<!tpu.dma_semaphore, #tpu.memory_space<semaphore_mem>>) src(%dma_wait3A_345 : memref<67584x128xf32, #tpu.memory_space<hbm>>) dst(%arg13 : memref<128x128xf32, #tpu.memory_space<vmem>>)
        %dma_wait3A_346 = arith.constant 0 : i32
        %dma_wait3A_347 = arith.constant 0 : i32
        %dma_wait3A_348 = tpu.memref_slice %arg2[%dma_wait3A_346, %dma_wait3A_347] : memref<67584x128xf32, #tpu.memory_space<hbm>> -> memref<67584x128xf32, #tpu.memory_space<hbm>>
        tpu.wait_indirect_dma semaphore(%arg17 : memref<!tpu.dma_semaphore, #tpu.memory_space<semaphore_mem>>) src(%dma_wait3A_348 : memref<67584x128xf32, #tpu.memory_space<hbm>>) dst(%arg14 : memref<128x128xf32, #tpu.memory_space<vmem>>)
        %scan3A_349 = arith.constant 0 : i32
        %scan3A_350 = arith.constant 0 : i32
        %scan3A_351 = arith.constant 8 : i32
        %scan3A_352 = arith.addi %scan3A_350, %scan3A_351 : i32
        %scan3A_353 = arith.constant 1 : i32
        scf.for %scan3A_356 = %scan3A_350 to %scan3A_352 step %scan3A_353  : i32 {
          %mul3A_357 = arith.constant 16 : i32
          %mul3A_358 = arith.muli %scan3A_356, %mul3A_357 : i32
          %add3A_359 = arith.addi %mul3A_17, %mul3A_358 : i32
          %get3A_360 = arith.constant 0 : i32
          %get3A_361 = arith.index_cast %get3A_360 : i32 to index
          %get3A_362 = arith.index_cast %add3A_359 : i32 to index
          %get3A_363 = tpu.vector_load %arg6[%get3A_361, %get3A_362] {strides = array<i32>} : memref<4x1280xf32, #tpu.memory_space<vmem>>, vector<1x16xf32>,
          %get3A_364 = vector.shape_cast %get3A_363 : vector<1x16xf32> to vector<16xf32>
          %add3A_365 = arith.addi %mul3A_17, %mul3A_358 : i32
          %get3A_366 = arith.constant 1 : i32
          %get3A_367 = arith.index_cast %get3A_366 : i32 to index
          %get3A_368 = arith.index_cast %add3A_365 : i32 to index
          %get3A_369 = tpu.vector_load %arg6[%get3A_367, %get3A_368] {strides = array<i32>} : memref<4x1280xf32, #tpu.memory_space<vmem>>, vector<1x16xf32>,
          %get3A_370 = vector.shape_cast %get3A_369 : vector<1x16xf32> to vector<16xf32>
          %add3A_371 = arith.addi %mul3A_17, %mul3A_358 : i32
          %get3A_372 = arith.constant 2 : i32
          %get3A_373 = arith.index_cast %get3A_372 : i32 to index
          %get3A_374 = arith.index_cast %add3A_371 : i32 to index
          %get3A_375 = tpu.vector_load %arg6[%get3A_373, %get3A_374] {strides = array<i32>} : memref<4x1280xf32, #tpu.memory_space<vmem>>, vector<1x16xf32>,
          %get3A_376 = vector.shape_cast %get3A_375 : vector<1x16xf32> to vector<16xf32>
          %add3A_377 = arith.addi %mul3A_17, %mul3A_358 : i32
          %get3A_378 = arith.constant 3 : i32
          %get3A_379 = arith.index_cast %get3A_378 : i32 to index
          %get3A_380 = arith.index_cast %add3A_377 : i32 to index
          %get3A_381 = tpu.vector_load %arg6[%get3A_379, %get3A_380] {strides = array<i32>} : memref<4x1280xf32, #tpu.memory_space<vmem>>, vector<1x16xf32>,
          %get3A_382 = vector.shape_cast %get3A_381 : vector<1x16xf32> to vector<16xf32>
          %add3A_383 = arith.constant 0 : i32
          %add3A_384 = arith.addi %mul3A_358, %add3A_383 : i32
          %slice3A_385 = vector.extract_strided_slice %get3A_364 {offsets = [0], sizes = [1], strides = [1]} : vector<16xf32> to vector<1xf32>
          %squeeze3A_386 = vector.extract %slice3A_385[0] : f32 from vector<1xf32>
          %slice3A_387 = vector.extract_strided_slice %get3A_370 {offsets = [0], sizes = [1], strides = [1]} : vector<16xf32> to vector<1xf32>
          %squeeze3A_388 = vector.extract %slice3A_387[0] : f32 from vector<1xf32>
          %slice3A_389 = vector.extract_strided_slice %get3A_376 {offsets = [0], sizes = [1], strides = [1]} : vector<16xf32> to vector<1xf32>
          %squeeze3A_390 = vector.extract %slice3A_389[0] : f32 from vector<1xf32>
          %slice3A_391 = vector.extract_strided_slice %get3A_382 {offsets = [0], sizes = [1], strides = [1]} : vector<16xf32> to vector<1xf32>
          %squeeze3A_392 = vector.extract %slice3A_391[0] : f32 from vector<1xf32>
          %get3A_393 = arith.index_cast %add3A_384 : i32 to index
          %get3A_394 = arith.constant 0 : index
          %get3A_395 = tpu.vector_load %arg11[%get3A_393, %get3A_394] {strides = array<i32>} : memref<128x128xf32, #tpu.memory_space<vmem>>, vector<1x16xf32>,
          %get3A_396 = vector.shape_cast %get3A_395 : vector<1x16xf32> to vector<16xf32>
          %mul3A_397 = vector.broadcast %squeeze3A_386 : f32 to vector<16xf32>
          %mul3A_398 = arith.mulf %get3A_396, %mul3A_397 : vector<16xf32>
          %get3A_399 = arith.index_cast %add3A_384 : i32 to index
          %get3A_400 = arith.constant 0 : index
          %get3A_401 = tpu.vector_load %arg12[%get3A_399, %get3A_400] {strides = array<i32>} : memref<128x128xf32, #tpu.memory_space<vmem>>, vector<1x16xf32>,
          %get3A_402 = vector.shape_cast %get3A_401 : vector<1x16xf32> to vector<16xf32>
          %mul3A_403 = vector.broadcast %squeeze3A_388 : f32 to vector<16xf32>
          %mul3A_404 = arith.mulf %get3A_402, %mul3A_403 : vector<16xf32>
          %add3A_405 = arith.addf %mul3A_398, %mul3A_404 : vector<16xf32>
          %get3A_406 = arith.index_cast %add3A_384 : i32 to index
          %get3A_407 = arith.constant 0 : index
          %get3A_408 = tpu.vector_load %arg13[%get3A_406, %get3A_407] {strides = array<i32>} : memref<128x128xf32, #tpu.memory_space<vmem>>, vector<1x16xf32>,
          %get3A_409 = vector.shape_cast %get3A_408 : vector<1x16xf32> to vector<16xf32>
          %mul3A_410 = vector.broadcast %squeeze3A_390 : f32 to vector<16xf32>
          %mul3A_411 = arith.mulf %get3A_409, %mul3A_410 : vector<16xf32>
          %add3A_412 = arith.addf %add3A_405, %mul3A_411 : vector<16xf32>
          %get3A_413 = arith.index_cast %add3A_384 : i32 to index
          %get3A_414 = arith.constant 0 : index
          %get3A_415 = tpu.vector_load %arg14[%get3A_413, %get3A_414] {strides = array<i32>} : memref<128x128xf32, #tpu.memory_space<vmem>>, vector<1x16xf32>,
          %get3A_416 = vector.shape_cast %get3A_415 : vector<1x16xf32> to vector<16xf32>
          %mul3A_417 = vector.broadcast %squeeze3A_392 : f32 to vector<16xf32>
          %mul3A_418 = arith.mulf %get3A_416, %mul3A_417 : vector<16xf32>
          %add3A_419 = arith.addf %add3A_412, %mul3A_418 : vector<16xf32>
          %swap3A = arith.index_cast %add3A_384 : i32 to index
          %swap3A_420 = arith.constant 0 : index
          %swap3A_421 = tpu.vector_load %arg15[%swap3A, %swap3A_420] {strides = array<i32>} : memref<128x80xf32, #tpu.memory_space<vmem>>, vector<1x16xf32>,
          %swap3A_422 = vector.shape_cast %swap3A_421 : vector<1x16xf32> to vector<16xf32>
          %swap3A_423 = vector.shape_cast %add3A_419 : vector<16xf32> to vector<1x16xf32>
          tpu.vector_store %arg15[%swap3A, %swap3A_420], %swap3A_423 {strides = array<i32>} : memref<128x80xf32, #tpu.memory_space<vmem>>, vector<1x16xf32>,
          %get3A_424 = arith.index_cast %add3A_384 : i32 to index
          %get3A_425 = arith.constant 16 : index
          %get3A_426 = tpu.vector_load %arg11[%get3A_424, %get3A_425] {strides = array<i32>} : memref<128x128xf32, #tpu.memory_space<vmem>>, vector<1x16xf32>,
          %get3A_427 = vector.shape_cast %get3A_426 : vector<1x16xf32> to vector<16xf32>
          %mul3A_428 = vector.broadcast %squeeze3A_386 : f32 to vector<16xf32>
          %mul3A_429 = arith.mulf %get3A_427, %mul3A_428 : vector<16xf32>
          %get3A_430 = arith.index_cast %add3A_384 : i32 to index
          %get3A_431 = arith.constant 16 : index
          %get3A_432 = tpu.vector_load %arg12[%get3A_430, %get3A_431] {strides = array<i32>} : memref<128x128xf32, #tpu.memory_space<vmem>>, vector<1x16xf32>,
          %get3A_433 = vector.shape_cast %get3A_432 : vector<1x16xf32> to vector<16xf32>
          %mul3A_434 = vector.broadcast %squeeze3A_388 : f32 to vector<16xf32>
          %mul3A_435 = arith.mulf %get3A_433, %mul3A_434 : vector<16xf32>
          %add3A_436 = arith.addf %mul3A_429, %mul3A_435 : vector<16xf32>
          %get3A_437 = arith.index_cast %add3A_384 : i32 to index
          %get3A_438 = arith.constant 16 : index
          %get3A_439 = tpu.vector_load %arg13[%get3A_437, %get3A_438] {strides = array<i32>} : memref<128x128xf32, #tpu.memory_space<vmem>>, vector<1x16xf32>,
          %get3A_440 = vector.shape_cast %get3A_439 : vector<1x16xf32> to vector<16xf32>
          %mul3A_441 = vector.broadcast %squeeze3A_390 : f32 to vector<16xf32>
          %mul3A_442 = arith.mulf %get3A_440, %mul3A_441 : vector<16xf32>
          %add3A_443 = arith.addf %add3A_436, %mul3A_442 : vector<16xf32>
          %get3A_444 = arith.index_cast %add3A_384 : i32 to index
          %get3A_445 = arith.constant 16 : index
          %get3A_446 = tpu.vector_load %arg14[%get3A_444, %get3A_445] {strides = array<i32>} : memref<128x128xf32, #tpu.memory_space<vmem>>, vector<1x16xf32>,
          %get3A_447 = vector.shape_cast %get3A_446 : vector<1x16xf32> to vector<16xf32>
          %mul3A_448 = vector.broadcast %squeeze3A_392 : f32 to vector<16xf32>
          %mul3A_449 = arith.mulf %get3A_447, %mul3A_448 : vector<16xf32>
          %add3A_450 = arith.addf %add3A_443, %mul3A_449 : vector<16xf32>
          %swap3A_451 = arith.index_cast %add3A_384 : i32 to index
          %swap3A_452 = arith.constant 16 : index
          %swap3A_453 = tpu.vector_load %arg15[%swap3A_451, %swap3A_452] {strides = array<i32>} : memref<128x80xf32, #tpu.memory_space<vmem>>, vector<1x16xf32>,
          %swap3A_454 = vector.shape_cast %swap3A_453 : vector<1x16xf32> to vector<16xf32>
          %swap3A_455 = vector.shape_cast %add3A_450 : vector<16xf32> to vector<1x16xf32>
          tpu.vector_store %arg15[%swap3A_451, %swap3A_452], %swap3A_455 {strides = array<i32>} : memref<128x80xf32, #tpu.memory_space<vmem>>, vector<1x16xf32>,
          %get3A_456 = arith.index_cast %add3A_384 : i32 to index
          %get3A_457 = arith.constant 32 : index
          %get3A_458 = tpu.vector_load %arg11[%get3A_456, %get3A_457] {strides = array<i32>} : memref<128x128xf32, #tpu.memory_space<vmem>>, vector<1x16xf32>,
          %get3A_459 = vector.shape_cast %get3A_458 : vector<1x16xf32> to vector<16xf32>
          %mul3A_460 = vector.broadcast %squeeze3A_386 : f32 to vector<16xf32>
          %mul3A_461 = arith.mulf %get3A_459, %mul3A_460 : vector<16xf32>
          %get3A_462 = arith.index_cast %add3A_384 : i32 to index
          %get3A_463 = arith.constant 32 : index
          %get3A_464 = tpu.vector_load %arg12[%get3A_462, %get3A_463] {strides = array<i32>} : memref<128x128xf32, #tpu.memory_space<vmem>>, vector<1x16xf32>,
          %get3A_465 = vector.shape_cast %get3A_464 : vector<1x16xf32> to vector<16xf32>
          %mul3A_466 = vector.broadcast %squeeze3A_388 : f32 to vector<16xf32>
          %mul3A_467 = arith.mulf %get3A_465, %mul3A_466 : vector<16xf32>
          %add3A_468 = arith.addf %mul3A_461, %mul3A_467 : vector<16xf32>
          %get3A_469 = arith.index_cast %add3A_384 : i32 to index
          %get3A_470 = arith.constant 32 : index
          %get3A_471 = tpu.vector_load %arg13[%get3A_469, %get3A_470] {strides = array<i32>} : memref<128x128xf32, #tpu.memory_space<vmem>>, vector<1x16xf32>,
          %get3A_472 = vector.shape_cast %get3A_471 : vector<1x16xf32> to vector<16xf32>
          %mul3A_473 = vector.broadcast %squeeze3A_390 : f32 to vector<16xf32>
          %mul3A_474 = arith.mulf %get3A_472, %mul3A_473 : vector<16xf32>
          %add3A_475 = arith.addf %add3A_468, %mul3A_474 : vector<16xf32>
          %get3A_476 = arith.index_cast %add3A_384 : i32 to index
          %get3A_477 = arith.constant 32 : index
          %get3A_478 = tpu.vector_load %arg14[%get3A_476, %get3A_477] {strides = array<i32>} : memref<128x128xf32, #tpu.memory_space<vmem>>, vector<1x16xf32>,
          %get3A_479 = vector.shape_cast %get3A_478 : vector<1x16xf32> to vector<16xf32>
          %mul3A_480 = vector.broadcast %squeeze3A_392 : f32 to vector<16xf32>
          %mul3A_481 = arith.mulf %get3A_479, %mul3A_480 : vector<16xf32>
          %add3A_482 = arith.addf %add3A_475, %mul3A_481 : vector<16xf32>
          %swap3A_483 = arith.index_cast %add3A_384 : i32 to index
          %swap3A_484 = arith.constant 32 : index
          %swap3A_485 = tpu.vector_load %arg15[%swap3A_483, %swap3A_484] {strides = array<i32>} : memref<128x80xf32, #tpu.memory_space<vmem>>, vector<1x16xf32>,
          %swap3A_486 = vector.shape_cast %swap3A_485 : vector<1x16xf32> to vector<16xf32>
          %swap3A_487 = vector.shape_cast %add3A_482 : vector<16xf32> to vector<1x16xf32>
          tpu.vector_store %arg15[%swap3A_483, %swap3A_484], %swap3A_487 {strides = array<i32>} : memref<128x80xf32, #tpu.memory_space<vmem>>, vector<1x16xf32>,
          %get3A_488 = arith.index_cast %add3A_384 : i32 to index
          %get3A_489 = arith.constant 48 : index
          %get3A_490 = tpu.vector_load %arg11[%get3A_488, %get3A_489] {strides = array<i32>} : memref<128x128xf32, #tpu.memory_space<vmem>>, vector<1x16xf32>,
          %get3A_491 = vector.shape_cast %get3A_490 : vector<1x16xf32> to vector<16xf32>
          %mul3A_492 = vector.broadcast %squeeze3A_386 : f32 to vector<16xf32>
          %mul3A_493 = arith.mulf %get3A_491, %mul3A_492 : vector<16xf32>
          %get3A_494 = arith.index_cast %add3A_384 : i32 to index
          %get3A_495 = arith.constant 48 : index
          %get3A_496 = tpu.vector_load %arg12[%get3A_494, %get3A_495] {strides = array<i32>} : memref<128x128xf32, #tpu.memory_space<vmem>>, vector<1x16xf32>,
          %get3A_497 = vector.shape_cast %get3A_496 : vector<1x16xf32> to vector<16xf32>
          %mul3A_498 = vector.broadcast %squeeze3A_388 : f32 to vector<16xf32>
          %mul3A_499 = arith.mulf %get3A_497, %mul3A_498 : vector<16xf32>
          %add3A_500 = arith.addf %mul3A_493, %mul3A_499 : vector<16xf32>
          %get3A_501 = arith.index_cast %add3A_384 : i32 to index
          %get3A_502 = arith.constant 48 : index
          %get3A_503 = tpu.vector_load %arg13[%get3A_501, %get3A_502] {strides = array<i32>} : memref<128x128xf32, #tpu.memory_space<vmem>>, vector<1x16xf32>,
          %get3A_504 = vector.shape_cast %get3A_503 : vector<1x16xf32> to vector<16xf32>
          %mul3A_505 = vector.broadcast %squeeze3A_390 : f32 to vector<16xf32>
          %mul3A_506 = arith.mulf %get3A_504, %mul3A_505 : vector<16xf32>
          %add3A_507 = arith.addf %add3A_500, %mul3A_506 : vector<16xf32>
          %get3A_508 = arith.index_cast %add3A_384 : i32 to index
          %get3A_509 = arith.constant 48 : index
          %get3A_510 = tpu.vector_load %arg14[%get3A_508, %get3A_509] {strides = array<i32>} : memref<128x128xf32, #tpu.memory_space<vmem>>, vector<1x16xf32>,
          %get3A_511 = vector.shape_cast %get3A_510 : vector<1x16xf32> to vector<16xf32>
          %mul3A_512 = vector.broadcast %squeeze3A_392 : f32 to vector<16xf32>
          %mul3A_513 = arith.mulf %get3A_511, %mul3A_512 : vector<16xf32>
          %add3A_514 = arith.addf %add3A_507, %mul3A_513 : vector<16xf32>
          %swap3A_515 = arith.index_cast %add3A_384 : i32 to index
          %swap3A_516 = arith.constant 48 : index
          %swap3A_517 = tpu.vector_load %arg15[%swap3A_515, %swap3A_516] {strides = array<i32>} : memref<128x80xf32, #tpu.memory_space<vmem>>, vector<1x16xf32>,
          %swap3A_518 = vector.shape_cast %swap3A_517 : vector<1x16xf32> to vector<16xf32>
          %swap3A_519 = vector.shape_cast %add3A_514 : vector<16xf32> to vector<1x16xf32>
          tpu.vector_store %arg15[%swap3A_515, %swap3A_516], %swap3A_519 {strides = array<i32>} : memref<128x80xf32, #tpu.memory_space<vmem>>, vector<1x16xf32>,
          %get3A_520 = arith.index_cast %add3A_384 : i32 to index
          %get3A_521 = arith.constant 64 : index
          %get3A_522 = tpu.vector_load %arg11[%get3A_520, %get3A_521] {strides = array<i32>} : memref<128x128xf32, #tpu.memory_space<vmem>>, vector<1x16xf32>,
          %get3A_523 = vector.shape_cast %get3A_522 : vector<1x16xf32> to vector<16xf32>
          %mul3A_524 = vector.broadcast %squeeze3A_386 : f32 to vector<16xf32>
          %mul3A_525 = arith.mulf %get3A_523, %mul3A_524 : vector<16xf32>
          %get3A_526 = arith.index_cast %add3A_384 : i32 to index
          %get3A_527 = arith.constant 64 : index
          %get3A_528 = tpu.vector_load %arg12[%get3A_526, %get3A_527] {strides = array<i32>} : memref<128x128xf32, #tpu.memory_space<vmem>>, vector<1x16xf32>,
          %get3A_529 = vector.shape_cast %get3A_528 : vector<1x16xf32> to vector<16xf32>
          %mul3A_530 = vector.broadcast %squeeze3A_388 : f32 to vector<16xf32>
          %mul3A_531 = arith.mulf %get3A_529, %mul3A_530 : vector<16xf32>
          %add3A_532 = arith.addf %mul3A_525, %mul3A_531 : vector<16xf32>
          %get3A_533 = arith.index_cast %add3A_384 : i32 to index
          %get3A_534 = arith.constant 64 : index
          %get3A_535 = tpu.vector_load %arg13[%get3A_533, %get3A_534] {strides = array<i32>} : memref<128x128xf32, #tpu.memory_space<vmem>>, vector<1x16xf32>,
          %get3A_536 = vector.shape_cast %get3A_535 : vector<1x16xf32> to vector<16xf32>
          %mul3A_537 = vector.broadcast %squeeze3A_390 : f32 to vector<16xf32>
          %mul3A_538 = arith.mulf %get3A_536, %mul3A_537 : vector<16xf32>
          %add3A_539 = arith.addf %add3A_532, %mul3A_538 : vector<16xf32>
          %get3A_540 = arith.index_cast %add3A_384 : i32 to index
          %get3A_541 = arith.constant 64 : index
          %get3A_542 = tpu.vector_load %arg14[%get3A_540, %get3A_541] {strides = array<i32>} : memref<128x128xf32, #tpu.memory_space<vmem>>, vector<1x16xf32>,
          %get3A_543 = vector.shape_cast %get3A_542 : vector<1x16xf32> to vector<16xf32>
          %mul3A_544 = vector.broadcast %squeeze3A_392 : f32 to vector<16xf32>
          %mul3A_545 = arith.mulf %get3A_543, %mul3A_544 : vector<16xf32>
          %add3A_546 = arith.addf %add3A_539, %mul3A_545 : vector<16xf32>
          %swap3A_547 = arith.index_cast %add3A_384 : i32 to index
          %swap3A_548 = arith.constant 64 : index
          %swap3A_549 = tpu.vector_load %arg15[%swap3A_547, %swap3A_548] {strides = array<i32>} : memref<128x80xf32, #tpu.memory_space<vmem>>, vector<1x16xf32>,
          %swap3A_550 = vector.shape_cast %swap3A_549 : vector<1x16xf32> to vector<16xf32>
          %swap3A_551 = vector.shape_cast %add3A_546 : vector<16xf32> to vector<1x16xf32>
          tpu.vector_store %arg15[%swap3A_547, %swap3A_548], %swap3A_551 {strides = array<i32>} : memref<128x80xf32, #tpu.memory_space<vmem>>, vector<1x16xf32>,
          %add3A_552 = arith.constant 1 : i32
          %add3A_553 = arith.addi %mul3A_358, %add3A_552 : i32
          %slice3A_554 = vector.extract_strided_slice %get3A_364 {offsets = [1], sizes = [1], strides = [1]} : vector<16xf32> to vector<1xf32>
          %squeeze3A_555 = vector.extract %slice3A_554[0] : f32 from vector<1xf32>
          %slice3A_556 = vector.extract_strided_slice %get3A_370 {offsets = [1], sizes = [1], strides = [1]} : vector<16xf32> to vector<1xf32>
          %squeeze3A_557 = vector.extract %slice3A_556[0] : f32 from vector<1xf32>
          %slice3A_558 = vector.extract_strided_slice %get3A_376 {offsets = [1], sizes = [1], strides = [1]} : vector<16xf32> to vector<1xf32>
          %squeeze3A_559 = vector.extract %slice3A_558[0] : f32 from vector<1xf32>
          %slice3A_560 = vector.extract_strided_slice %get3A_382 {offsets = [1], sizes = [1], strides = [1]} : vector<16xf32> to vector<1xf32>
          %squeeze3A_561 = vector.extract %slice3A_560[0] : f32 from vector<1xf32>
          %get3A_562 = arith.index_cast %add3A_553 : i32 to index
          %get3A_563 = arith.constant 0 : index
          %get3A_564 = tpu.vector_load %arg11[%get3A_562, %get3A_563] {strides = array<i32>} : memref<128x128xf32, #tpu.memory_space<vmem>>, vector<1x16xf32>,
          %get3A_565 = vector.shape_cast %get3A_564 : vector<1x16xf32> to vector<16xf32>
          %mul3A_566 = vector.broadcast %squeeze3A_555 : f32 to vector<16xf32>
          %mul3A_567 = arith.mulf %get3A_565, %mul3A_566 : vector<16xf32>
          %get3A_568 = arith.index_cast %add3A_553 : i32 to index
          %get3A_569 = arith.constant 0 : index
          %get3A_570 = tpu.vector_load %arg12[%get3A_568, %get3A_569] {strides = array<i32>} : memref<128x128xf32, #tpu.memory_space<vmem>>, vector<1x16xf32>,
          %get3A_571 = vector.shape_cast %get3A_570 : vector<1x16xf32> to vector<16xf32>
          %mul3A_572 = vector.broadcast %squeeze3A_557 : f32 to vector<16xf32>
          %mul3A_573 = arith.mulf %get3A_571, %mul3A_572 : vector<16xf32>
          %add3A_574 = arith.addf %mul3A_567, %mul3A_573 : vector<16xf32>
          %get3A_575 = arith.index_cast %add3A_553 : i32 to index
          %get3A_576 = arith.constant 0 : index
          %get3A_577 = tpu.vector_load %arg13[%get3A_575, %get3A_576] {strides = array<i32>} : memref<128x128xf32, #tpu.memory_space<vmem>>, vector<1x16xf32>,
          %get3A_578 = vector.shape_cast %get3A_577 : vector<1x16xf32> to vector<16xf32>
          %mul3A_579 = vector.broadcast %squeeze3A_559 : f32 to vector<16xf32>
          %mul3A_580 = arith.mulf %get3A_578, %mul3A_579 : vector<16xf32>
          %add3A_581 = arith.addf %add3A_574, %mul3A_580 : vector<16xf32>
          %get3A_582 = arith.index_cast %add3A_553 : i32 to index
          %get3A_583 = arith.constant 0 : index
          %get3A_584 = tpu.vector_load %arg14[%get3A_582, %get3A_583] {strides = array<i32>} : memref<128x128xf32, #tpu.memory_space<vmem>>, vector<1x16xf32>,
          %get3A_585 = vector.shape_cast %get3A_584 : vector<1x16xf32> to vector<16xf32>
          %mul3A_586 = vector.broadcast %squeeze3A_561 : f32 to vector<16xf32>
          %mul3A_587 = arith.mulf %get3A_585, %mul3A_586 : vector<16xf32>
          %add3A_588 = arith.addf %add3A_581, %mul3A_587 : vector<16xf32>
          %swap3A_589 = arith.index_cast %add3A_553 : i32 to index
          %swap3A_590 = arith.constant 0 : index
          %swap3A_591 = tpu.vector_load %arg15[%swap3A_589, %swap3A_590] {strides = array<i32>} : memref<128x80xf32, #tpu.memory_space<vmem>>, vector<1x16xf32>,
          %swap3A_592 = vector.shape_cast %swap3A_591 : vector<1x16xf32> to vector<16xf32>
          %swap3A_593 = vector.shape_cast %add3A_588 : vector<16xf32> to vector<1x16xf32>
          tpu.vector_store %arg15[%swap3A_589, %swap3A_590], %swap3A_593 {strides = array<i32>} : memref<128x80xf32, #tpu.memory_space<vmem>>, vector<1x16xf32>,
          %get3A_594 = arith.index_cast %add3A_553 : i32 to index
          %get3A_595 = arith.constant 16 : index
          %get3A_596 = tpu.vector_load %arg11[%get3A_594, %get3A_595] {strides = array<i32>} : memref<128x128xf32, #tpu.memory_space<vmem>>, vector<1x16xf32>,
          %get3A_597 = vector.shape_cast %get3A_596 : vector<1x16xf32> to vector<16xf32>
          %mul3A_598 = vector.broadcast %squeeze3A_555 : f32 to vector<16xf32>
          %mul3A_599 = arith.mulf %get3A_597, %mul3A_598 : vector<16xf32>
          %get3A_600 = arith.index_cast %add3A_553 : i32 to index
          %get3A_601 = arith.constant 16 : index
          %get3A_602 = tpu.vector_load %arg12[%get3A_600, %get3A_601] {strides = array<i32>} : memref<128x128xf32, #tpu.memory_space<vmem>>, vector<1x16xf32>,
          %get3A_603 = vector.shape_cast %get3A_602 : vector<1x16xf32> to vector<16xf32>
          %mul3A_604 = vector.broadcast %squeeze3A_557 : f32 to vector<16xf32>
          %mul3A_605 = arith.mulf %get3A_603, %mul3A_604 : vector<16xf32>
          %add3A_606 = arith.addf %mul3A_599, %mul3A_605 : vector<16xf32>
          %get3A_607 = arith.index_cast %add3A_553 : i32 to index
          %get3A_608 = arith.constant 16 : index
          %get3A_609 = tpu.vector_load %arg13[%get3A_607, %get3A_608] {strides = array<i32>} : memref<128x128xf32, #tpu.memory_space<vmem>>, vector<1x16xf32>,
          %get3A_610 = vector.shape_cast %get3A_609 : vector<1x16xf32> to vector<16xf32>
          %mul3A_611 = vector.broadcast %squeeze3A_559 : f32 to vector<16xf32>
          %mul3A_612 = arith.mulf %get3A_610, %mul3A_611 : vector<16xf32>
          %add3A_613 = arith.addf %add3A_606, %mul3A_612 : vector<16xf32>
          %get3A_614 = arith.index_cast %add3A_553 : i32 to index
          %get3A_615 = arith.constant 16 : index
          %get3A_616 = tpu.vector_load %arg14[%get3A_614, %get3A_615] {strides = array<i32>} : memref<128x128xf32, #tpu.memory_space<vmem>>, vector<1x16xf32>,
          %get3A_617 = vector.shape_cast %get3A_616 : vector<1x16xf32> to vector<16xf32>
          %mul3A_618 = vector.broadcast %squeeze3A_561 : f32 to vector<16xf32>
          %mul3A_619 = arith.mulf %get3A_617, %mul3A_618 : vector<16xf32>
          %add3A_620 = arith.addf %add3A_613, %mul3A_619 : vector<16xf32>
          %swap3A_621 = arith.index_cast %add3A_553 : i32 to index
          %swap3A_622 = arith.constant 16 : index
          %swap3A_623 = tpu.vector_load %arg15[%swap3A_621, %swap3A_622] {strides = array<i32>} : memref<128x80xf32, #tpu.memory_space<vmem>>, vector<1x16xf32>,
          %swap3A_624 = vector.shape_cast %swap3A_623 : vector<1x16xf32> to vector<16xf32>
          %swap3A_625 = vector.shape_cast %add3A_620 : vector<16xf32> to vector<1x16xf32>
          tpu.vector_store %arg15[%swap3A_621, %swap3A_622], %swap3A_625 {strides = array<i32>} : memref<128x80xf32, #tpu.memory_space<vmem>>, vector<1x16xf32>,
          %get3A_626 = arith.index_cast %add3A_553 : i32 to index
          %get3A_627 = arith.constant 32 : index
          %get3A_628 = tpu.vector_load %arg11[%get3A_626, %get3A_627] {strides = array<i32>} : memref<128x128xf32, #tpu.memory_space<vmem>>, vector<1x16xf32>,
          %get3A_629 = vector.shape_cast %get3A_628 : vector<1x16xf32> to vector<16xf32>
          %mul3A_630 = vector.broadcast %squeeze3A_555 : f32 to vector<16xf32>
          %mul3A_631 = arith.mulf %get3A_629, %mul3A_630 : vector<16xf32>
          %get3A_632 = arith.index_cast %add3A_553 : i32 to index
          %get3A_633 = arith.constant 32 : index
          %get3A_634 = tpu.vector_load %arg12[%get3A_632, %get3A_633] {strides = array<i32>} : memref<128x128xf32, #tpu.memory_space<vmem>>, vector<1x16xf32>,
          %get3A_635 = vector.shape_cast %get3A_634 : vector<1x16xf32> to vector<16xf32>
          %mul3A_636 = vector.broadcast %squeeze3A_557 : f32 to vector<16xf32>
          %mul3A_637 = arith.mulf %get3A_635, %mul3A_636 : vector<16xf32>
          %add3A_638 = arith.addf %mul3A_631, %mul3A_637 : vector<16xf32>
          %get3A_639 = arith.index_cast %add3A_553 : i32 to index
          %get3A_640 = arith.constant 32 : index
          %get3A_641 = tpu.vector_load %arg13[%get3A_639, %get3A_640] {strides = array<i32>} : memref<128x128xf32, #tpu.memory_space<vmem>>, vector<1x16xf32>,
          %get3A_642 = vector.shape_cast %get3A_641 : vector<1x16xf32> to vector<16xf32>
          %mul3A_643 = vector.broadcast %squeeze3A_559 : f32 to vector<16xf32>
          %mul3A_644 = arith.mulf %get3A_642, %mul3A_643 : vector<16xf32>
          %add3A_645 = arith.addf %add3A_638, %mul3A_644 : vector<16xf32>
          %get3A_646 = arith.index_cast %add3A_553 : i32 to index
          %get3A_647 = arith.constant 32 : index
          %get3A_648 = tpu.vector_load %arg14[%get3A_646, %get3A_647] {strides = array<i32>} : memref<128x128xf32, #tpu.memory_space<vmem>>, vector<1x16xf32>,
          %get3A_649 = vector.shape_cast %get3A_648 : vector<1x16xf32> to vector<16xf32>
          %mul3A_650 = vector.broadcast %squeeze3A_561 : f32 to vector<16xf32>
          %mul3A_651 = arith.mulf %get3A_649, %mul3A_650 : vector<16xf32>
          %add3A_652 = arith.addf %add3A_645, %mul3A_651 : vector<16xf32>
          %swap3A_653 = arith.index_cast %add3A_553 : i32 to index
          %swap3A_654 = arith.constant 32 : index
          %swap3A_655 = tpu.vector_load %arg15[%swap3A_653, %swap3A_654] {strides = array<i32>} : memref<128x80xf32, #tpu.memory_space<vmem>>, vector<1x16xf32>,
          %swap3A_656 = vector.shape_cast %swap3A_655 : vector<1x16xf32> to vector<16xf32>
          %swap3A_657 = vector.shape_cast %add3A_652 : vector<16xf32> to vector<1x16xf32>
          tpu.vector_store %arg15[%swap3A_653, %swap3A_654], %swap3A_657 {strides = array<i32>} : memref<128x80xf32, #tpu.memory_space<vmem>>, vector<1x16xf32>,
          %get3A_658 = arith.index_cast %add3A_553 : i32 to index
          %get3A_659 = arith.constant 48 : index
          %get3A_660 = tpu.vector_load %arg11[%get3A_658, %get3A_659] {strides = array<i32>} : memref<128x128xf32, #tpu.memory_space<vmem>>, vector<1x16xf32>,
          %get3A_661 = vector.shape_cast %get3A_660 : vector<1x16xf32> to vector<16xf32>
          %mul3A_662 = vector.broadcast %squeeze3A_555 : f32 to vector<16xf32>
          %mul3A_663 = arith.mulf %get3A_661, %mul3A_662 : vector<16xf32>
          %get3A_664 = arith.index_cast %add3A_553 : i32 to index
          %get3A_665 = arith.constant 48 : index
          %get3A_666 = tpu.vector_load %arg12[%get3A_664, %get3A_665] {strides = array<i32>} : memref<128x128xf32, #tpu.memory_space<vmem>>, vector<1x16xf32>,
          %get3A_667 = vector.shape_cast %get3A_666 : vector<1x16xf32> to vector<16xf32>
          %mul3A_668 = vector.broadcast %squeeze3A_557 : f32 to vector<16xf32>
          %mul3A_669 = arith.mulf %get3A_667, %mul3A_668 : vector<16xf32>
          %add3A_670 = arith.addf %mul3A_663, %mul3A_669 : vector<16xf32>
          %get3A_671 = arith.index_cast %add3A_553 : i32 to index
          %get3A_672 = arith.constant 48 : index
          %get3A_673 = tpu.vector_load %arg13[%get3A_671, %get3A_672] {strides = array<i32>} : memref<128x128xf32, #tpu.memory_space<vmem>>, vector<1x16xf32>,
          %get3A_674 = vector.shape_cast %get3A_673 : vector<1x16xf32> to vector<16xf32>
          %mul3A_675 = vector.broadcast %squeeze3A_559 : f32 to vector<16xf32>
          %mul3A_676 = arith.mulf %get3A_674, %mul3A_675 : vector<16xf32>
          %add3A_677 = arith.addf %add3A_670, %mul3A_676 : vector<16xf32>
          %get3A_678 = arith.index_cast %add3A_553 : i32 to index
          %get3A_679 = arith.constant 48 : index
          %get3A_680 = tpu.vector_load %arg14[%get3A_678, %get3A_679] {strides = array<i32>} : memref<128x128xf32, #tpu.memory_space<vmem>>, vector<1x16xf32>,
          %get3A_681 = vector.shape_cast %get3A_680 : vector<1x16xf32> to vector<16xf32>
          %mul3A_682 = vector.broadcast %squeeze3A_561 : f32 to vector<16xf32>
          %mul3A_683 = arith.mulf %get3A_681, %mul3A_682 : vector<16xf32>
          %add3A_684 = arith.addf %add3A_677, %mul3A_683 : vector<16xf32>
          %swap3A_685 = arith.index_cast %add3A_553 : i32 to index
          %swap3A_686 = arith.constant 48 : index
          %swap3A_687 = tpu.vector_load %arg15[%swap3A_685, %swap3A_686] {strides = array<i32>} : memref<128x80xf32, #tpu.memory_space<vmem>>, vector<1x16xf32>,
          %swap3A_688 = vector.shape_cast %swap3A_687 : vector<1x16xf32> to vector<16xf32>
          %swap3A_689 = vector.shape_cast %add3A_684 : vector<16xf32> to vector<1x16xf32>
          tpu.vector_store %arg15[%swap3A_685, %swap3A_686], %swap3A_689 {strides = array<i32>} : memref<128x80xf32, #tpu.memory_space<vmem>>, vector<1x16xf32>,
          %get3A_690 = arith.index_cast %add3A_553 : i32 to index
          %get3A_691 = arith.constant 64 : index
          %get3A_692 = tpu.vector_load %arg11[%get3A_690, %get3A_691] {strides = array<i32>} : memref<128x128xf32, #tpu.memory_space<vmem>>, vector<1x16xf32>,
          %get3A_693 = vector.shape_cast %get3A_692 : vector<1x16xf32> to vector<16xf32>
          %mul3A_694 = vector.broadcast %squeeze3A_555 : f32 to vector<16xf32>
          %mul3A_695 = arith.mulf %get3A_693, %mul3A_694 : vector<16xf32>
          %get3A_696 = arith.index_cast %add3A_553 : i32 to index
          %get3A_697 = arith.constant 64 : index
          %get3A_698 = tpu.vector_load %arg12[%get3A_696, %get3A_697] {strides = array<i32>} : memref<128x128xf32, #tpu.memory_space<vmem>>, vector<1x16xf32>,
          %get3A_699 = vector.shape_cast %get3A_698 : vector<1x16xf32> to vector<16xf32>
          %mul3A_700 = vector.broadcast %squeeze3A_557 : f32 to vector<16xf32>
          %mul3A_701 = arith.mulf %get3A_699, %mul3A_700 : vector<16xf32>
          %add3A_702 = arith.addf %mul3A_695, %mul3A_701 : vector<16xf32>
          %get3A_703 = arith.index_cast %add3A_553 : i32 to index
          %get3A_704 = arith.constant 64 : index
          %get3A_705 = tpu.vector_load %arg13[%get3A_703, %get3A_704] {strides = array<i32>} : memref<128x128xf32, #tpu.memory_space<vmem>>, vector<1x16xf32>,
          %get3A_706 = vector.shape_cast %get3A_705 : vector<1x16xf32> to vector<16xf32>
          %mul3A_707 = vector.broadcast %squeeze3A_559 : f32 to vector<16xf32>
          %mul3A_708 = arith.mulf %get3A_706, %mul3A_707 : vector<16xf32>
          %add3A_709 = arith.addf %add3A_702, %mul3A_708 : vector<16xf32>
          %get3A_710 = arith.index_cast %add3A_553 : i32 to index
          %get3A_711 = arith.constant 64 : index
          %get3A_712 = tpu.vector_load %arg14[%get3A_710, %get3A_711] {strides = array<i32>} : memref<128x128xf32, #tpu.memory_space<vmem>>, vector<1x16xf32>,
          %get3A_713 = vector.shape_cast %get3A_712 : vector<1x16xf32> to vector<16xf32>
          %mul3A_714 = vector.broadcast %squeeze3A_561 : f32 to vector<16xf32>
          %mul3A_715 = arith.mulf %get3A_713, %mul3A_714 : vector<16xf32>
          %add3A_716 = arith.addf %add3A_709, %mul3A_715 : vector<16xf32>
          %swap3A_717 = arith.index_cast %add3A_553 : i32 to index
          %swap3A_718 = arith.constant 64 : index
          %swap3A_719 = tpu.vector_load %arg15[%swap3A_717, %swap3A_718] {strides = array<i32>} : memref<128x80xf32, #tpu.memory_space<vmem>>, vector<1x16xf32>,
          %swap3A_720 = vector.shape_cast %swap3A_719 : vector<1x16xf32> to vector<16xf32>
          %swap3A_721 = vector.shape_cast %add3A_716 : vector<16xf32> to vector<1x16xf32>
          tpu.vector_store %arg15[%swap3A_717, %swap3A_718], %swap3A_721 {strides = array<i32>} : memref<128x80xf32, #tpu.memory_space<vmem>>, vector<1x16xf32>,
          %add3A_722 = arith.constant 2 : i32
          %add3A_723 = arith.addi %mul3A_358, %add3A_722 : i32
          %slice3A_724 = vector.extract_strided_slice %get3A_364 {offsets = [2], sizes = [1], strides = [1]} : vector<16xf32> to vector<1xf32>
          %squeeze3A_725 = vector.extract %slice3A_724[0] : f32 from vector<1xf32>
          %slice3A_726 = vector.extract_strided_slice %get3A_370 {offsets = [2], sizes = [1], strides = [1]} : vector<16xf32> to vector<1xf32>
          %squeeze3A_727 = vector.extract %slice3A_726[0] : f32 from vector<1xf32>
          %slice3A_728 = vector.extract_strided_slice %get3A_376 {offsets = [2], sizes = [1], strides = [1]} : vector<16xf32> to vector<1xf32>
          %squeeze3A_729 = vector.extract %slice3A_728[0] : f32 from vector<1xf32>
          %slice3A_730 = vector.extract_strided_slice %get3A_382 {offsets = [2], sizes = [1], strides = [1]} : vector<16xf32> to vector<1xf32>
          %squeeze3A_731 = vector.extract %slice3A_730[0] : f32 from vector<1xf32>
          %get3A_732 = arith.index_cast %add3A_723 : i32 to index
          %get3A_733 = arith.constant 0 : index
          %get3A_734 = tpu.vector_load %arg11[%get3A_732, %get3A_733] {strides = array<i32>} : memref<128x128xf32, #tpu.memory_space<vmem>>, vector<1x16xf32>,
          %get3A_735 = vector.shape_cast %get3A_734 : vector<1x16xf32> to vector<16xf32>
          %mul3A_736 = vector.broadcast %squeeze3A_725 : f32 to vector<16xf32>
          %mul3A_737 = arith.mulf %get3A_735, %mul3A_736 : vector<16xf32>
          %get3A_738 = arith.index_cast %add3A_723 : i32 to index
          %get3A_739 = arith.constant 0 : index
          %get3A_740 = tpu.vector_load %arg12[%get3A_738, %get3A_739] {strides = array<i32>} : memref<128x128xf32, #tpu.memory_space<vmem>>, vector<1x16xf32>,
          %get3A_741 = vector.shape_cast %get3A_740 : vector<1x16xf32> to vector<16xf32>
          %mul3A_742 = vector.broadcast %squeeze3A_727 : f32 to vector<16xf32>
          %mul3A_743 = arith.mulf %get3A_741, %mul3A_742 : vector<16xf32>
          %add3A_744 = arith.addf %mul3A_737, %mul3A_743 : vector<16xf32>
          %get3A_745 = arith.index_cast %add3A_723 : i32 to index
          %get3A_746 = arith.constant 0 : index
          %get3A_747 = tpu.vector_load %arg13[%get3A_745, %get3A_746] {strides = array<i32>} : memref<128x128xf32, #tpu.memory_space<vmem>>, vector<1x16xf32>,
          %get3A_748 = vector.shape_cast %get3A_747 : vector<1x16xf32> to vector<16xf32>
          %mul3A_749 = vector.broadcast %squeeze3A_729 : f32 to vector<16xf32>
          %mul3A_750 = arith.mulf %get3A_748, %mul3A_749 : vector<16xf32>
          %add3A_751 = arith.addf %add3A_744, %mul3A_750 : vector<16xf32>
          %get3A_752 = arith.index_cast %add3A_723 : i32 to index
          %get3A_753 = arith.constant 0 : index
          %get3A_754 = tpu.vector_load %arg14[%get3A_752, %get3A_753] {strides = array<i32>} : memref<128x128xf32, #tpu.memory_space<vmem>>, vector<1x16xf32>,
          %get3A_755 = vector.shape_cast %get3A_754 : vector<1x16xf32> to vector<16xf32>
          %mul3A_756 = vector.broadcast %squeeze3A_731 : f32 to vector<16xf32>
          %mul3A_757 = arith.mulf %get3A_755, %mul3A_756 : vector<16xf32>
          %add3A_758 = arith.addf %add3A_751, %mul3A_757 : vector<16xf32>
          %swap3A_759 = arith.index_cast %add3A_723 : i32 to index
          %swap3A_760 = arith.constant 0 : index
          %swap3A_761 = tpu.vector_load %arg15[%swap3A_759, %swap3A_760] {strides = array<i32>} : memref<128x80xf32, #tpu.memory_space<vmem>>, vector<1x16xf32>,
          %swap3A_762 = vector.shape_cast %swap3A_761 : vector<1x16xf32> to vector<16xf32>
          %swap3A_763 = vector.shape_cast %add3A_758 : vector<16xf32> to vector<1x16xf32>
          tpu.vector_store %arg15[%swap3A_759, %swap3A_760], %swap3A_763 {strides = array<i32>} : memref<128x80xf32, #tpu.memory_space<vmem>>, vector<1x16xf32>,
          %get3A_764 = arith.index_cast %add3A_723 : i32 to index
          %get3A_765 = arith.constant 16 : index
          %get3A_766 = tpu.vector_load %arg11[%get3A_764, %get3A_765] {strides = array<i32>} : memref<128x128xf32, #tpu.memory_space<vmem>>, vector<1x16xf32>,
          %get3A_767 = vector.shape_cast %get3A_766 : vector<1x16xf32> to vector<16xf32>
          %mul3A_768 = vector.broadcast %squeeze3A_725 : f32 to vector<16xf32>
          %mul3A_769 = arith.mulf %get3A_767, %mul3A_768 : vector<16xf32>
          %get3A_770 = arith.index_cast %add3A_723 : i32 to index
          %get3A_771 = arith.constant 16 : index
          %get3A_772 = tpu.vector_load %arg12[%get3A_770, %get3A_771] {strides = array<i32>} : memref<128x128xf32, #tpu.memory_space<vmem>>, vector<1x16xf32>,
          %get3A_773 = vector.shape_cast %get3A_772 : vector<1x16xf32> to vector<16xf32>
          %mul3A_774 = vector.broadcast %squeeze3A_727 : f32 to vector<16xf32>
          %mul3A_775 = arith.mulf %get3A_773, %mul3A_774 : vector<16xf32>
          %add3A_776 = arith.addf %mul3A_769, %mul3A_775 : vector<16xf32>
          %get3A_777 = arith.index_cast %add3A_723 : i32 to index
          %get3A_778 = arith.constant 16 : index
          %get3A_779 = tpu.vector_load %arg13[%get3A_777, %get3A_778] {strides = array<i32>} : memref<128x128xf32, #tpu.memory_space<vmem>>, vector<1x16xf32>,
          %get3A_780 = vector.shape_cast %get3A_779 : vector<1x16xf32> to vector<16xf32>
          %mul3A_781 = vector.broadcast %squeeze3A_729 : f32 to vector<16xf32>
          %mul3A_782 = arith.mulf %get3A_780, %mul3A_781 : vector<16xf32>
          %add3A_783 = arith.addf %add3A_776, %mul3A_782 : vector<16xf32>
          %get3A_784 = arith.index_cast %add3A_723 : i32 to index
          %get3A_785 = arith.constant 16 : index
          %get3A_786 = tpu.vector_load %arg14[%get3A_784, %get3A_785] {strides = array<i32>} : memref<128x128xf32, #tpu.memory_space<vmem>>, vector<1x16xf32>,
          %get3A_787 = vector.shape_cast %get3A_786 : vector<1x16xf32> to vector<16xf32>
          %mul3A_788 = vector.broadcast %squeeze3A_731 : f32 to vector<16xf32>
          %mul3A_789 = arith.mulf %get3A_787, %mul3A_788 : vector<16xf32>
          %add3A_790 = arith.addf %add3A_783, %mul3A_789 : vector<16xf32>
          %swap3A_791 = arith.index_cast %add3A_723 : i32 to index
          %swap3A_792 = arith.constant 16 : index
          %swap3A_793 = tpu.vector_load %arg15[%swap3A_791, %swap3A_792] {strides = array<i32>} : memref<128x80xf32, #tpu.memory_space<vmem>>, vector<1x16xf32>,
          %swap3A_794 = vector.shape_cast %swap3A_793 : vector<1x16xf32> to vector<16xf32>
          %swap3A_795 = vector.shape_cast %add3A_790 : vector<16xf32> to vector<1x16xf32>
          tpu.vector_store %arg15[%swap3A_791, %swap3A_792], %swap3A_795 {strides = array<i32>} : memref<128x80xf32, #tpu.memory_space<vmem>>, vector<1x16xf32>,
          %get3A_796 = arith.index_cast %add3A_723 : i32 to index
          %get3A_797 = arith.constant 32 : index
          %get3A_798 = tpu.vector_load %arg11[%get3A_796, %get3A_797] {strides = array<i32>} : memref<128x128xf32, #tpu.memory_space<vmem>>, vector<1x16xf32>,
          %get3A_799 = vector.shape_cast %get3A_798 : vector<1x16xf32> to vector<16xf32>
          %mul3A_800 = vector.broadcast %squeeze3A_725 : f32 to vector<16xf32>
          %mul3A_801 = arith.mulf %get3A_799, %mul3A_800 : vector<16xf32>
          %get3A_802 = arith.index_cast %add3A_723 : i32 to index
          %get3A_803 = arith.constant 32 : index
          %get3A_804 = tpu.vector_load %arg12[%get3A_802, %get3A_803] {strides = array<i32>} : memref<128x128xf32, #tpu.memory_space<vmem>>, vector<1x16xf32>,
          %get3A_805 = vector.shape_cast %get3A_804 : vector<1x16xf32> to vector<16xf32>
          %mul3A_806 = vector.broadcast %squeeze3A_727 : f32 to vector<16xf32>
          %mul3A_807 = arith.mulf %get3A_805, %mul3A_806 : vector<16xf32>
          %add3A_808 = arith.addf %mul3A_801, %mul3A_807 : vector<16xf32>
          %get3A_809 = arith.index_cast %add3A_723 : i32 to index
          %get3A_810 = arith.constant 32 : index
          %get3A_811 = tpu.vector_load %arg13[%get3A_809, %get3A_810] {strides = array<i32>} : memref<128x128xf32, #tpu.memory_space<vmem>>, vector<1x16xf32>,
          %get3A_812 = vector.shape_cast %get3A_811 : vector<1x16xf32> to vector<16xf32>
          %mul3A_813 = vector.broadcast %squeeze3A_729 : f32 to vector<16xf32>
          %mul3A_814 = arith.mulf %get3A_812, %mul3A_813 : vector<16xf32>
          %add3A_815 = arith.addf %add3A_808, %mul3A_814 : vector<16xf32>
          %get3A_816 = arith.index_cast %add3A_723 : i32 to index
          %get3A_817 = arith.constant 32 : index
          %get3A_818 = tpu.vector_load %arg14[%get3A_816, %get3A_817] {strides = array<i32>} : memref<128x128xf32, #tpu.memory_space<vmem>>, vector<1x16xf32>,
          %get3A_819 = vector.shape_cast %get3A_818 : vector<1x16xf32> to vector<16xf32>
          %mul3A_820 = vector.broadcast %squeeze3A_731 : f32 to vector<16xf32>
          %mul3A_821 = arith.mulf %get3A_819, %mul3A_820 : vector<16xf32>
          %add3A_822 = arith.addf %add3A_815, %mul3A_821 : vector<16xf32>
          %swap3A_823 = arith.index_cast %add3A_723 : i32 to index
          %swap3A_824 = arith.constant 32 : index
          %swap3A_825 = tpu.vector_load %arg15[%swap3A_823, %swap3A_824] {strides = array<i32>} : memref<128x80xf32, #tpu.memory_space<vmem>>, vector<1x16xf32>,
          %swap3A_826 = vector.shape_cast %swap3A_825 : vector<1x16xf32> to vector<16xf32>
          %swap3A_827 = vector.shape_cast %add3A_822 : vector<16xf32> to vector<1x16xf32>
          tpu.vector_store %arg15[%swap3A_823, %swap3A_824], %swap3A_827 {strides = array<i32>} : memref<128x80xf32, #tpu.memory_space<vmem>>, vector<1x16xf32>,
          %get3A_828 = arith.index_cast %add3A_723 : i32 to index
          %get3A_829 = arith.constant 48 : index
          %get3A_830 = tpu.vector_load %arg11[%get3A_828, %get3A_829] {strides = array<i32>} : memref<128x128xf32, #tpu.memory_space<vmem>>, vector<1x16xf32>,
          %get3A_831 = vector.shape_cast %get3A_830 : vector<1x16xf32> to vector<16xf32>
          %mul3A_832 = vector.broadcast %squeeze3A_725 : f32 to vector<16xf32>
          %mul3A_833 = arith.mulf %get3A_831, %mul3A_832 : vector<16xf32>
          %get3A_834 = arith.index_cast %add3A_723 : i32 to index
          %get3A_835 = arith.constant 48 : index
          %get3A_836 = tpu.vector_load %arg12[%get3A_834, %get3A_835] {strides = array<i32>} : memref<128x128xf32, #tpu.memory_space<vmem>>, vector<1x16xf32>,
          %get3A_837 = vector.shape_cast %get3A_836 : vector<1x16xf32> to vector<16xf32>
          %mul3A_838 = vector.broadcast %squeeze3A_727 : f32 to vector<16xf32>
          %mul3A_839 = arith.mulf %get3A_837, %mul3A_838 : vector<16xf32>
          %add3A_840 = arith.addf %mul3A_833, %mul3A_839 : vector<16xf32>
          %get3A_841 = arith.index_cast %add3A_723 : i32 to index
          %get3A_842 = arith.constant 48 : index
          %get3A_843 = tpu.vector_load %arg13[%get3A_841, %get3A_842] {strides = array<i32>} : memref<128x128xf32, #tpu.memory_space<vmem>>, vector<1x16xf32>,
          %get3A_844 = vector.shape_cast %get3A_843 : vector<1x16xf32> to vector<16xf32>
          %mul3A_845 = vector.broadcast %squeeze3A_729 : f32 to vector<16xf32>
          %mul3A_846 = arith.mulf %get3A_844, %mul3A_845 : vector<16xf32>
          %add3A_847 = arith.addf %add3A_840, %mul3A_846 : vector<16xf32>
          %get3A_848 = arith.index_cast %add3A_723 : i32 to index
          %get3A_849 = arith.constant 48 : index
          %get3A_850 = tpu.vector_load %arg14[%get3A_848, %get3A_849] {strides = array<i32>} : memref<128x128xf32, #tpu.memory_space<vmem>>, vector<1x16xf32>,
          %get3A_851 = vector.shape_cast %get3A_850 : vector<1x16xf32> to vector<16xf32>
          %mul3A_852 = vector.broadcast %squeeze3A_731 : f32 to vector<16xf32>
          %mul3A_853 = arith.mulf %get3A_851, %mul3A_852 : vector<16xf32>
          %add3A_854 = arith.addf %add3A_847, %mul3A_853 : vector<16xf32>
          %swap3A_855 = arith.index_cast %add3A_723 : i32 to index
          %swap3A_856 = arith.constant 48 : index
          %swap3A_857 = tpu.vector_load %arg15[%swap3A_855, %swap3A_856] {strides = array<i32>} : memref<128x80xf32, #tpu.memory_space<vmem>>, vector<1x16xf32>,
          %swap3A_858 = vector.shape_cast %swap3A_857 : vector<1x16xf32> to vector<16xf32>
          %swap3A_859 = vector.shape_cast %add3A_854 : vector<16xf32> to vector<1x16xf32>
          tpu.vector_store %arg15[%swap3A_855, %swap3A_856], %swap3A_859 {strides = array<i32>} : memref<128x80xf32, #tpu.memory_space<vmem>>, vector<1x16xf32>,
          %get3A_860 = arith.index_cast %add3A_723 : i32 to index
          %get3A_861 = arith.constant 64 : index
          %get3A_862 = tpu.vector_load %arg11[%get3A_860, %get3A_861] {strides = array<i32>} : memref<128x128xf32, #tpu.memory_space<vmem>>, vector<1x16xf32>,
          %get3A_863 = vector.shape_cast %get3A_862 : vector<1x16xf32> to vector<16xf32>
          %mul3A_864 = vector.broadcast %squeeze3A_725 : f32 to vector<16xf32>
          %mul3A_865 = arith.mulf %get3A_863, %mul3A_864 : vector<16xf32>
          %get3A_866 = arith.index_cast %add3A_723 : i32 to index
          %get3A_867 = arith.constant 64 : index
          %get3A_868 = tpu.vector_load %arg12[%get3A_866, %get3A_867] {strides = array<i32>} : memref<128x128xf32, #tpu.memory_space<vmem>>, vector<1x16xf32>,
          %get3A_869 = vector.shape_cast %get3A_868 : vector<1x16xf32> to vector<16xf32>
          %mul3A_870 = vector.broadcast %squeeze3A_727 : f32 to vector<16xf32>
          %mul3A_871 = arith.mulf %get3A_869, %mul3A_870 : vector<16xf32>
          %add3A_872 = arith.addf %mul3A_865, %mul3A_871 : vector<16xf32>
          %get3A_873 = arith.index_cast %add3A_723 : i32 to index
          %get3A_874 = arith.constant 64 : index
          %get3A_875 = tpu.vector_load %arg13[%get3A_873, %get3A_874] {strides = array<i32>} : memref<128x128xf32, #tpu.memory_space<vmem>>, vector<1x16xf32>,
          %get3A_876 = vector.shape_cast %get3A_875 : vector<1x16xf32> to vector<16xf32>
          %mul3A_877 = vector.broadcast %squeeze3A_729 : f32 to vector<16xf32>
          %mul3A_878 = arith.mulf %get3A_876, %mul3A_877 : vector<16xf32>
          %add3A_879 = arith.addf %add3A_872, %mul3A_878 : vector<16xf32>
          %get3A_880 = arith.index_cast %add3A_723 : i32 to index
          %get3A_881 = arith.constant 64 : index
          %get3A_882 = tpu.vector_load %arg14[%get3A_880, %get3A_881] {strides = array<i32>} : memref<128x128xf32, #tpu.memory_space<vmem>>, vector<1x16xf32>,
          %get3A_883 = vector.shape_cast %get3A_882 : vector<1x16xf32> to vector<16xf32>
          %mul3A_884 = vector.broadcast %squeeze3A_731 : f32 to vector<16xf32>
          %mul3A_885 = arith.mulf %get3A_883, %mul3A_884 : vector<16xf32>
          %add3A_886 = arith.addf %add3A_879, %mul3A_885 : vector<16xf32>
          %swap3A_887 = arith.index_cast %add3A_723 : i32 to index
          %swap3A_888 = arith.constant 64 : index
          %swap3A_889 = tpu.vector_load %arg15[%swap3A_887, %swap3A_888] {strides = array<i32>} : memref<128x80xf32, #tpu.memory_space<vmem>>, vector<1x16xf32>,
          %swap3A_890 = vector.shape_cast %swap3A_889 : vector<1x16xf32> to vector<16xf32>
          %swap3A_891 = vector.shape_cast %add3A_886 : vector<16xf32> to vector<1x16xf32>
          tpu.vector_store %arg15[%swap3A_887, %swap3A_888], %swap3A_891 {strides = array<i32>} : memref<128x80xf32, #tpu.memory_space<vmem>>, vector<1x16xf32>,
          %add3A_892 = arith.constant 3 : i32
          %add3A_893 = arith.addi %mul3A_358, %add3A_892 : i32
          %slice3A_894 = vector.extract_strided_slice %get3A_364 {offsets = [3], sizes = [1], strides = [1]} : vector<16xf32> to vector<1xf32>
          %squeeze3A_895 = vector.extract %slice3A_894[0] : f32 from vector<1xf32>
          %slice3A_896 = vector.extract_strided_slice %get3A_370 {offsets = [3], sizes = [1], strides = [1]} : vector<16xf32> to vector<1xf32>
          %squeeze3A_897 = vector.extract %slice3A_896[0] : f32 from vector<1xf32>
          %slice3A_898 = vector.extract_strided_slice %get3A_376 {offsets = [3], sizes = [1], strides = [1]} : vector<16xf32> to vector<1xf32>
          %squeeze3A_899 = vector.extract %slice3A_898[0] : f32 from vector<1xf32>
          %slice3A_900 = vector.extract_strided_slice %get3A_382 {offsets = [3], sizes = [1], strides = [1]} : vector<16xf32> to vector<1xf32>
          %squeeze3A_901 = vector.extract %slice3A_900[0] : f32 from vector<1xf32>
          %get3A_902 = arith.index_cast %add3A_893 : i32 to index
          %get3A_903 = arith.constant 0 : index
          %get3A_904 = tpu.vector_load %arg11[%get3A_902, %get3A_903] {strides = array<i32>} : memref<128x128xf32, #tpu.memory_space<vmem>>, vector<1x16xf32>,
          %get3A_905 = vector.shape_cast %get3A_904 : vector<1x16xf32> to vector<16xf32>
          %mul3A_906 = vector.broadcast %squeeze3A_895 : f32 to vector<16xf32>
          %mul3A_907 = arith.mulf %get3A_905, %mul3A_906 : vector<16xf32>
          %get3A_908 = arith.index_cast %add3A_893 : i32 to index
          %get3A_909 = arith.constant 0 : index
          %get3A_910 = tpu.vector_load %arg12[%get3A_908, %get3A_909] {strides = array<i32>} : memref<128x128xf32, #tpu.memory_space<vmem>>, vector<1x16xf32>,
          %get3A_911 = vector.shape_cast %get3A_910 : vector<1x16xf32> to vector<16xf32>
          %mul3A_912 = vector.broadcast %squeeze3A_897 : f32 to vector<16xf32>
          %mul3A_913 = arith.mulf %get3A_911, %mul3A_912 : vector<16xf32>
          %add3A_914 = arith.addf %mul3A_907, %mul3A_913 : vector<16xf32>
          %get3A_915 = arith.index_cast %add3A_893 : i32 to index
          %get3A_916 = arith.constant 0 : index
          %get3A_917 = tpu.vector_load %arg13[%get3A_915, %get3A_916] {strides = array<i32>} : memref<128x128xf32, #tpu.memory_space<vmem>>, vector<1x16xf32>,
          %get3A_918 = vector.shape_cast %get3A_917 : vector<1x16xf32> to vector<16xf32>
          %mul3A_919 = vector.broadcast %squeeze3A_899 : f32 to vector<16xf32>
          %mul3A_920 = arith.mulf %get3A_918, %mul3A_919 : vector<16xf32>
          %add3A_921 = arith.addf %add3A_914, %mul3A_920 : vector<16xf32>
          %get3A_922 = arith.index_cast %add3A_893 : i32 to index
          %get3A_923 = arith.constant 0 : index
          %get3A_924 = tpu.vector_load %arg14[%get3A_922, %get3A_923] {strides = array<i32>} : memref<128x128xf32, #tpu.memory_space<vmem>>, vector<1x16xf32>,
          %get3A_925 = vector.shape_cast %get3A_924 : vector<1x16xf32> to vector<16xf32>
          %mul3A_926 = vector.broadcast %squeeze3A_901 : f32 to vector<16xf32>
          %mul3A_927 = arith.mulf %get3A_925, %mul3A_926 : vector<16xf32>
          %add3A_928 = arith.addf %add3A_921, %mul3A_927 : vector<16xf32>
          %swap3A_929 = arith.index_cast %add3A_893 : i32 to index
          %swap3A_930 = arith.constant 0 : index
          %swap3A_931 = tpu.vector_load %arg15[%swap3A_929, %swap3A_930] {strides = array<i32>} : memref<128x80xf32, #tpu.memory_space<vmem>>, vector<1x16xf32>,
          %swap3A_932 = vector.shape_cast %swap3A_931 : vector<1x16xf32> to vector<16xf32>
          %swap3A_933 = vector.shape_cast %add3A_928 : vector<16xf32> to vector<1x16xf32>
          tpu.vector_store %arg15[%swap3A_929, %swap3A_930], %swap3A_933 {strides = array<i32>} : memref<128x80xf32, #tpu.memory_space<vmem>>, vector<1x16xf32>,
          %get3A_934 = arith.index_cast %add3A_893 : i32 to index
          %get3A_935 = arith.constant 16 : index
          %get3A_936 = tpu.vector_load %arg11[%get3A_934, %get3A_935] {strides = array<i32>} : memref<128x128xf32, #tpu.memory_space<vmem>>, vector<1x16xf32>,
          %get3A_937 = vector.shape_cast %get3A_936 : vector<1x16xf32> to vector<16xf32>
          %mul3A_938 = vector.broadcast %squeeze3A_895 : f32 to vector<16xf32>
          %mul3A_939 = arith.mulf %get3A_937, %mul3A_938 : vector<16xf32>
          %get3A_940 = arith.index_cast %add3A_893 : i32 to index
          %get3A_941 = arith.constant 16 : index
          %get3A_942 = tpu.vector_load %arg12[%get3A_940, %get3A_941] {strides = array<i32>} : memref<128x128xf32, #tpu.memory_space<vmem>>, vector<1x16xf32>,
          %get3A_943 = vector.shape_cast %get3A_942 : vector<1x16xf32> to vector<16xf32>
          %mul3A_944 = vector.broadcast %squeeze3A_897 : f32 to vector<16xf32>
          %mul3A_945 = arith.mulf %get3A_943, %mul3A_944 : vector<16xf32>
          %add3A_946 = arith.addf %mul3A_939, %mul3A_945 : vector<16xf32>
          %get3A_947 = arith.index_cast %add3A_893 : i32 to index
          %get3A_948 = arith.constant 16 : index
          %get3A_949 = tpu.vector_load %arg13[%get3A_947, %get3A_948] {strides = array<i32>} : memref<128x128xf32, #tpu.memory_space<vmem>>, vector<1x16xf32>,
          %get3A_950 = vector.shape_cast %get3A_949 : vector<1x16xf32> to vector<16xf32>
          %mul3A_951 = vector.broadcast %squeeze3A_899 : f32 to vector<16xf32>
          %mul3A_952 = arith.mulf %get3A_950, %mul3A_951 : vector<16xf32>
          %add3A_953 = arith.addf %add3A_946, %mul3A_952 : vector<16xf32>
          %get3A_954 = arith.index_cast %add3A_893 : i32 to index
          %get3A_955 = arith.constant 16 : index
          %get3A_956 = tpu.vector_load %arg14[%get3A_954, %get3A_955] {strides = array<i32>} : memref<128x128xf32, #tpu.memory_space<vmem>>, vector<1x16xf32>,
          %get3A_957 = vector.shape_cast %get3A_956 : vector<1x16xf32> to vector<16xf32>
          %mul3A_958 = vector.broadcast %squeeze3A_901 : f32 to vector<16xf32>
          %mul3A_959 = arith.mulf %get3A_957, %mul3A_958 : vector<16xf32>
          %add3A_960 = arith.addf %add3A_953, %mul3A_959 : vector<16xf32>
          %swap3A_961 = arith.index_cast %add3A_893 : i32 to index
          %swap3A_962 = arith.constant 16 : index
          %swap3A_963 = tpu.vector_load %arg15[%swap3A_961, %swap3A_962] {strides = array<i32>} : memref<128x80xf32, #tpu.memory_space<vmem>>, vector<1x16xf32>,
          %swap3A_964 = vector.shape_cast %swap3A_963 : vector<1x16xf32> to vector<16xf32>
          %swap3A_965 = vector.shape_cast %add3A_960 : vector<16xf32> to vector<1x16xf32>
          tpu.vector_store %arg15[%swap3A_961, %swap3A_962], %swap3A_965 {strides = array<i32>} : memref<128x80xf32, #tpu.memory_space<vmem>>, vector<1x16xf32>,
          %get3A_966 = arith.index_cast %add3A_893 : i32 to index
          %get3A_967 = arith.constant 32 : index
          %get3A_968 = tpu.vector_load %arg11[%get3A_966, %get3A_967] {strides = array<i32>} : memref<128x128xf32, #tpu.memory_space<vmem>>, vector<1x16xf32>,
          %get3A_969 = vector.shape_cast %get3A_968 : vector<1x16xf32> to vector<16xf32>
          %mul3A_970 = vector.broadcast %squeeze3A_895 : f32 to vector<16xf32>
          %mul3A_971 = arith.mulf %get3A_969, %mul3A_970 : vector<16xf32>
          %get3A_972 = arith.index_cast %add3A_893 : i32 to index
          %get3A_973 = arith.constant 32 : index
          %get3A_974 = tpu.vector_load %arg12[%get3A_972, %get3A_973] {strides = array<i32>} : memref<128x128xf32, #tpu.memory_space<vmem>>, vector<1x16xf32>,
          %get3A_975 = vector.shape_cast %get3A_974 : vector<1x16xf32> to vector<16xf32>
          %mul3A_976 = vector.broadcast %squeeze3A_897 : f32 to vector<16xf32>
          %mul3A_977 = arith.mulf %get3A_975, %mul3A_976 : vector<16xf32>
          %add3A_978 = arith.addf %mul3A_971, %mul3A_977 : vector<16xf32>
          %get3A_979 = arith.index_cast %add3A_893 : i32 to index
          %get3A_980 = arith.constant 32 : index
          %get3A_981 = tpu.vector_load %arg13[%get3A_979, %get3A_980] {strides = array<i32>} : memref<128x128xf32, #tpu.memory_space<vmem>>, vector<1x16xf32>,
          %get3A_982 = vector.shape_cast %get3A_981 : vector<1x16xf32> to vector<16xf32>
          %mul3A_983 = vector.broadcast %squeeze3A_899 : f32 to vector<16xf32>
          %mul3A_984 = arith.mulf %get3A_982, %mul3A_983 : vector<16xf32>
          %add3A_985 = arith.addf %add3A_978, %mul3A_984 : vector<16xf32>
          %get3A_986 = arith.index_cast %add3A_893 : i32 to index
          %get3A_987 = arith.constant 32 : index
          %get3A_988 = tpu.vector_load %arg14[%get3A_986, %get3A_987] {strides = array<i32>} : memref<128x128xf32, #tpu.memory_space<vmem>>, vector<1x16xf32>,
          %get3A_989 = vector.shape_cast %get3A_988 : vector<1x16xf32> to vector<16xf32>
          %mul3A_990 = vector.broadcast %squeeze3A_901 : f32 to vector<16xf32>
          %mul3A_991 = arith.mulf %get3A_989, %mul3A_990 : vector<16xf32>
          %add3A_992 = arith.addf %add3A_985, %mul3A_991 : vector<16xf32>
          %swap3A_993 = arith.index_cast %add3A_893 : i32 to index
          %swap3A_994 = arith.constant 32 : index
          %swap3A_995 = tpu.vector_load %arg15[%swap3A_993, %swap3A_994] {strides = array<i32>} : memref<128x80xf32, #tpu.memory_space<vmem>>, vector<1x16xf32>,
          %swap3A_996 = vector.shape_cast %swap3A_995 : vector<1x16xf32> to vector<16xf32>
          %swap3A_997 = vector.shape_cast %add3A_992 : vector<16xf32> to vector<1x16xf32>
          tpu.vector_store %arg15[%swap3A_993, %swap3A_994], %swap3A_997 {strides = array<i32>} : memref<128x80xf32, #tpu.memory_space<vmem>>, vector<1x16xf32>,
          %get3A_998 = arith.index_cast %add3A_893 : i32 to index
          %get3A_999 = arith.constant 48 : index
          %get3A_1000 = tpu.vector_load %arg11[%get3A_998, %get3A_999] {strides = array<i32>} : memref<128x128xf32, #tpu.memory_space<vmem>>, vector<1x16xf32>,
          %get3A_1001 = vector.shape_cast %get3A_1000 : vector<1x16xf32> to vector<16xf32>
          %mul3A_1002 = vector.broadcast %squeeze3A_895 : f32 to vector<16xf32>
          %mul3A_1003 = arith.mulf %get3A_1001, %mul3A_1002 : vector<16xf32>
          %get3A_1004 = arith.index_cast %add3A_893 : i32 to index
          %get3A_1005 = arith.constant 48 : index
          %get3A_1006 = tpu.vector_load %arg12[%get3A_1004, %get3A_1005] {strides = array<i32>} : memref<128x128xf32, #tpu.memory_space<vmem>>, vector<1x16xf32>,
          %get3A_1007 = vector.shape_cast %get3A_1006 : vector<1x16xf32> to vector<16xf32>
          %mul3A_1008 = vector.broadcast %squeeze3A_897 : f32 to vector<16xf32>
          %mul3A_1009 = arith.mulf %get3A_1007, %mul3A_1008 : vector<16xf32>
          %add3A_1010 = arith.addf %mul3A_1003, %mul3A_1009 : vector<16xf32>
          %get3A_1011 = arith.index_cast %add3A_893 : i32 to index
          %get3A_1012 = arith.constant 48 : index
          %get3A_1013 = tpu.vector_load %arg13[%get3A_1011, %get3A_1012] {strides = array<i32>} : memref<128x128xf32, #tpu.memory_space<vmem>>, vector<1x16xf32>,
          %get3A_1014 = vector.shape_cast %get3A_1013 : vector<1x16xf32> to vector<16xf32>
          %mul3A_1015 = vector.broadcast %squeeze3A_899 : f32 to vector<16xf32>
          %mul3A_1016 = arith.mulf %get3A_1014, %mul3A_1015 : vector<16xf32>
          %add3A_1017 = arith.addf %add3A_1010, %mul3A_1016 : vector<16xf32>
          %get3A_1018 = arith.index_cast %add3A_893 : i32 to index
          %get3A_1019 = arith.constant 48 : index
          %get3A_1020 = tpu.vector_load %arg14[%get3A_1018, %get3A_1019] {strides = array<i32>} : memref<128x128xf32, #tpu.memory_space<vmem>>, vector<1x16xf32>,
          %get3A_1021 = vector.shape_cast %get3A_1020 : vector<1x16xf32> to vector<16xf32>
          %mul3A_1022 = vector.broadcast %squeeze3A_901 : f32 to vector<16xf32>
          %mul3A_1023 = arith.mulf %get3A_1021, %mul3A_1022 : vector<16xf32>
          %add3A_1024 = arith.addf %add3A_1017, %mul3A_1023 : vector<16xf32>
          %swap3A_1025 = arith.index_cast %add3A_893 : i32 to index
          %swap3A_1026 = arith.constant 48 : index
          %swap3A_1027 = tpu.vector_load %arg15[%swap3A_1025, %swap3A_1026] {strides = array<i32>} : memref<128x80xf32, #tpu.memory_space<vmem>>, vector<1x16xf32>,
          %swap3A_1028 = vector.shape_cast %swap3A_1027 : vector<1x16xf32> to vector<16xf32>
          %swap3A_1029 = vector.shape_cast %add3A_1024 : vector<16xf32> to vector<1x16xf32>
          tpu.vector_store %arg15[%swap3A_1025, %swap3A_1026], %swap3A_1029 {strides = array<i32>} : memref<128x80xf32, #tpu.memory_space<vmem>>, vector<1x16xf32>,
          %get3A_1030 = arith.index_cast %add3A_893 : i32 to index
          %get3A_1031 = arith.constant 64 : index
          %get3A_1032 = tpu.vector_load %arg11[%get3A_1030, %get3A_1031] {strides = array<i32>} : memref<128x128xf32, #tpu.memory_space<vmem>>, vector<1x16xf32>,
          %get3A_1033 = vector.shape_cast %get3A_1032 : vector<1x16xf32> to vector<16xf32>
          %mul3A_1034 = vector.broadcast %squeeze3A_895 : f32 to vector<16xf32>
          %mul3A_1035 = arith.mulf %get3A_1033, %mul3A_1034 : vector<16xf32>
          %get3A_1036 = arith.index_cast %add3A_893 : i32 to index
          %get3A_1037 = arith.constant 64 : index
          %get3A_1038 = tpu.vector_load %arg12[%get3A_1036, %get3A_1037] {strides = array<i32>} : memref<128x128xf32, #tpu.memory_space<vmem>>, vector<1x16xf32>,
          %get3A_1039 = vector.shape_cast %get3A_1038 : vector<1x16xf32> to vector<16xf32>
          %mul3A_1040 = vector.broadcast %squeeze3A_897 : f32 to vector<16xf32>
          %mul3A_1041 = arith.mulf %get3A_1039, %mul3A_1040 : vector<16xf32>
          %add3A_1042 = arith.addf %mul3A_1035, %mul3A_1041 : vector<16xf32>
          %get3A_1043 = arith.index_cast %add3A_893 : i32 to index
          %get3A_1044 = arith.constant 64 : index
          %get3A_1045 = tpu.vector_load %arg13[%get3A_1043, %get3A_1044] {strides = array<i32>} : memref<128x128xf32, #tpu.memory_space<vmem>>, vector<1x16xf32>,
          %get3A_1046 = vector.shape_cast %get3A_1045 : vector<1x16xf32> to vector<16xf32>
          %mul3A_1047 = vector.broadcast %squeeze3A_899 : f32 to vector<16xf32>
          %mul3A_1048 = arith.mulf %get3A_1046, %mul3A_1047 : vector<16xf32>
          %add3A_1049 = arith.addf %add3A_1042, %mul3A_1048 : vector<16xf32>
          %get3A_1050 = arith.index_cast %add3A_893 : i32 to index
          %get3A_1051 = arith.constant 64 : index
          %get3A_1052 = tpu.vector_load %arg14[%get3A_1050, %get3A_1051] {strides = array<i32>} : memref<128x128xf32, #tpu.memory_space<vmem>>, vector<1x16xf32>,
          %get3A_1053 = vector.shape_cast %get3A_1052 : vector<1x16xf32> to vector<16xf32>
          %mul3A_1054 = vector.broadcast %squeeze3A_901 : f32 to vector<16xf32>
          %mul3A_1055 = arith.mulf %get3A_1053, %mul3A_1054 : vector<16xf32>
          %add3A_1056 = arith.addf %add3A_1049, %mul3A_1055 : vector<16xf32>
          %swap3A_1057 = arith.index_cast %add3A_893 : i32 to index
          %swap3A_1058 = arith.constant 64 : index
          %swap3A_1059 = tpu.vector_load %arg15[%swap3A_1057, %swap3A_1058] {strides = array<i32>} : memref<128x80xf32, #tpu.memory_space<vmem>>, vector<1x16xf32>,
          %swap3A_1060 = vector.shape_cast %swap3A_1059 : vector<1x16xf32> to vector<16xf32>
          %swap3A_1061 = vector.shape_cast %add3A_1056 : vector<16xf32> to vector<1x16xf32>
          tpu.vector_store %arg15[%swap3A_1057, %swap3A_1058], %swap3A_1061 {strides = array<i32>} : memref<128x80xf32, #tpu.memory_space<vmem>>, vector<1x16xf32>,
          %add3A_1062 = arith.constant 4 : i32
          %add3A_1063 = arith.addi %mul3A_358, %add3A_1062 : i32
          %slice3A_1064 = vector.extract_strided_slice %get3A_364 {offsets = [4], sizes = [1], strides = [1]} : vector<16xf32> to vector<1xf32>
          %squeeze3A_1065 = vector.extract %slice3A_1064[0] : f32 from vector<1xf32>
          %slice3A_1066 = vector.extract_strided_slice %get3A_370 {offsets = [4], sizes = [1], strides = [1]} : vector<16xf32> to vector<1xf32>
          %squeeze3A_1067 = vector.extract %slice3A_1066[0] : f32 from vector<1xf32>
          %slice3A_1068 = vector.extract_strided_slice %get3A_376 {offsets = [4], sizes = [1], strides = [1]} : vector<16xf32> to vector<1xf32>
          %squeeze3A_1069 = vector.extract %slice3A_1068[0] : f32 from vector<1xf32>
          %slice3A_1070 = vector.extract_strided_slice %get3A_382 {offsets = [4], sizes = [1], strides = [1]} : vector<16xf32> to vector<1xf32>
          %squeeze3A_1071 = vector.extract %slice3A_1070[0] : f32 from vector<1xf32>
          %get3A_1072 = arith.index_cast %add3A_1063 : i32 to index
          %get3A_1073 = arith.constant 0 : index
          %get3A_1074 = tpu.vector_load %arg11[%get3A_1072, %get3A_1073] {strides = array<i32>} : memref<128x128xf32, #tpu.memory_space<vmem>>, vector<1x16xf32>,
          %get3A_1075 = vector.shape_cast %get3A_1074 : vector<1x16xf32> to vector<16xf32>
          %mul3A_1076 = vector.broadcast %squeeze3A_1065 : f32 to vector<16xf32>
          %mul3A_1077 = arith.mulf %get3A_1075, %mul3A_1076 : vector<16xf32>
          %get3A_1078 = arith.index_cast %add3A_1063 : i32 to index
          %get3A_1079 = arith.constant 0 : index
          %get3A_1080 = tpu.vector_load %arg12[%get3A_1078, %get3A_1079] {strides = array<i32>} : memref<128x128xf32, #tpu.memory_space<vmem>>, vector<1x16xf32>,
          %get3A_1081 = vector.shape_cast %get3A_1080 : vector<1x16xf32> to vector<16xf32>
          %mul3A_1082 = vector.broadcast %squeeze3A_1067 : f32 to vector<16xf32>
          %mul3A_1083 = arith.mulf %get3A_1081, %mul3A_1082 : vector<16xf32>
          %add3A_1084 = arith.addf %mul3A_1077, %mul3A_1083 : vector<16xf32>
          %get3A_1085 = arith.index_cast %add3A_1063 : i32 to index
          %get3A_1086 = arith.constant 0 : index
          %get3A_1087 = tpu.vector_load %arg13[%get3A_1085, %get3A_1086] {strides = array<i32>} : memref<128x128xf32, #tpu.memory_space<vmem>>, vector<1x16xf32>,
          %get3A_1088 = vector.shape_cast %get3A_1087 : vector<1x16xf32> to vector<16xf32>
          %mul3A_1089 = vector.broadcast %squeeze3A_1069 : f32 to vector<16xf32>
          %mul3A_1090 = arith.mulf %get3A_1088, %mul3A_1089 : vector<16xf32>
          %add3A_1091 = arith.addf %add3A_1084, %mul3A_1090 : vector<16xf32>
          %get3A_1092 = arith.index_cast %add3A_1063 : i32 to index
          %get3A_1093 = arith.constant 0 : index
          %get3A_1094 = tpu.vector_load %arg14[%get3A_1092, %get3A_1093] {strides = array<i32>} : memref<128x128xf32, #tpu.memory_space<vmem>>, vector<1x16xf32>,
          %get3A_1095 = vector.shape_cast %get3A_1094 : vector<1x16xf32> to vector<16xf32>
          %mul3A_1096 = vector.broadcast %squeeze3A_1071 : f32 to vector<16xf32>
          %mul3A_1097 = arith.mulf %get3A_1095, %mul3A_1096 : vector<16xf32>
          %add3A_1098 = arith.addf %add3A_1091, %mul3A_1097 : vector<16xf32>
          %swap3A_1099 = arith.index_cast %add3A_1063 : i32 to index
          %swap3A_1100 = arith.constant 0 : index
          %swap3A_1101 = tpu.vector_load %arg15[%swap3A_1099, %swap3A_1100] {strides = array<i32>} : memref<128x80xf32, #tpu.memory_space<vmem>>, vector<1x16xf32>,
          %swap3A_1102 = vector.shape_cast %swap3A_1101 : vector<1x16xf32> to vector<16xf32>
          %swap3A_1103 = vector.shape_cast %add3A_1098 : vector<16xf32> to vector<1x16xf32>
          tpu.vector_store %arg15[%swap3A_1099, %swap3A_1100], %swap3A_1103 {strides = array<i32>} : memref<128x80xf32, #tpu.memory_space<vmem>>, vector<1x16xf32>,
          %get3A_1104 = arith.index_cast %add3A_1063 : i32 to index
          %get3A_1105 = arith.constant 16 : index
          %get3A_1106 = tpu.vector_load %arg11[%get3A_1104, %get3A_1105] {strides = array<i32>} : memref<128x128xf32, #tpu.memory_space<vmem>>, vector<1x16xf32>,
          %get3A_1107 = vector.shape_cast %get3A_1106 : vector<1x16xf32> to vector<16xf32>
          %mul3A_1108 = vector.broadcast %squeeze3A_1065 : f32 to vector<16xf32>
          %mul3A_1109 = arith.mulf %get3A_1107, %mul3A_1108 : vector<16xf32>
          %get3A_1110 = arith.index_cast %add3A_1063 : i32 to index
          %get3A_1111 = arith.constant 16 : index
          %get3A_1112 = tpu.vector_load %arg12[%get3A_1110, %get3A_1111] {strides = array<i32>} : memref<128x128xf32, #tpu.memory_space<vmem>>, vector<1x16xf32>,
          %get3A_1113 = vector.shape_cast %get3A_1112 : vector<1x16xf32> to vector<16xf32>
          %mul3A_1114 = vector.broadcast %squeeze3A_1067 : f32 to vector<16xf32>
          %mul3A_1115 = arith.mulf %get3A_1113, %mul3A_1114 : vector<16xf32>
          %add3A_1116 = arith.addf %mul3A_1109, %mul3A_1115 : vector<16xf32>
          %get3A_1117 = arith.index_cast %add3A_1063 : i32 to index
          %get3A_1118 = arith.constant 16 : index
          %get3A_1119 = tpu.vector_load %arg13[%get3A_1117, %get3A_1118] {strides = array<i32>} : memref<128x128xf32, #tpu.memory_space<vmem>>, vector<1x16xf32>,
          %get3A_1120 = vector.shape_cast %get3A_1119 : vector<1x16xf32> to vector<16xf32>
          %mul3A_1121 = vector.broadcast %squeeze3A_1069 : f32 to vector<16xf32>
          %mul3A_1122 = arith.mulf %get3A_1120, %mul3A_1121 : vector<16xf32>
          %add3A_1123 = arith.addf %add3A_1116, %mul3A_1122 : vector<16xf32>
          %get3A_1124 = arith.index_cast %add3A_1063 : i32 to index
          %get3A_1125 = arith.constant 16 : index
          %get3A_1126 = tpu.vector_load %arg14[%get3A_1124, %get3A_1125] {strides = array<i32>} : memref<128x128xf32, #tpu.memory_space<vmem>>, vector<1x16xf32>,
          %get3A_1127 = vector.shape_cast %get3A_1126 : vector<1x16xf32> to vector<16xf32>
          %mul3A_1128 = vector.broadcast %squeeze3A_1071 : f32 to vector<16xf32>
          %mul3A_1129 = arith.mulf %get3A_1127, %mul3A_1128 : vector<16xf32>
          %add3A_1130 = arith.addf %add3A_1123, %mul3A_1129 : vector<16xf32>
          %swap3A_1131 = arith.index_cast %add3A_1063 : i32 to index
          %swap3A_1132 = arith.constant 16 : index
          %swap3A_1133 = tpu.vector_load %arg15[%swap3A_1131, %swap3A_1132] {strides = array<i32>} : memref<128x80xf32, #tpu.memory_space<vmem>>, vector<1x16xf32>,
          %swap3A_1134 = vector.shape_cast %swap3A_1133 : vector<1x16xf32> to vector<16xf32>
          %swap3A_1135 = vector.shape_cast %add3A_1130 : vector<16xf32> to vector<1x16xf32>
          tpu.vector_store %arg15[%swap3A_1131, %swap3A_1132], %swap3A_1135 {strides = array<i32>} : memref<128x80xf32, #tpu.memory_space<vmem>>, vector<1x16xf32>,
          %get3A_1136 = arith.index_cast %add3A_1063 : i32 to index
          %get3A_1137 = arith.constant 32 : index
          %get3A_1138 = tpu.vector_load %arg11[%get3A_1136, %get3A_1137] {strides = array<i32>} : memref<128x128xf32, #tpu.memory_space<vmem>>, vector<1x16xf32>,
          %get3A_1139 = vector.shape_cast %get3A_1138 : vector<1x16xf32> to vector<16xf32>
          %mul3A_1140 = vector.broadcast %squeeze3A_1065 : f32 to vector<16xf32>
          %mul3A_1141 = arith.mulf %get3A_1139, %mul3A_1140 : vector<16xf32>
          %get3A_1142 = arith.index_cast %add3A_1063 : i32 to index
          %get3A_1143 = arith.constant 32 : index
          %get3A_1144 = tpu.vector_load %arg12[%get3A_1142, %get3A_1143] {strides = array<i32>} : memref<128x128xf32, #tpu.memory_space<vmem>>, vector<1x16xf32>,
          %get3A_1145 = vector.shape_cast %get3A_1144 : vector<1x16xf32> to vector<16xf32>
          %mul3A_1146 = vector.broadcast %squeeze3A_1067 : f32 to vector<16xf32>
          %mul3A_1147 = arith.mulf %get3A_1145, %mul3A_1146 : vector<16xf32>
          %add3A_1148 = arith.addf %mul3A_1141, %mul3A_1147 : vector<16xf32>
          %get3A_1149 = arith.index_cast %add3A_1063 : i32 to index
          %get3A_1150 = arith.constant 32 : index
          %get3A_1151 = tpu.vector_load %arg13[%get3A_1149, %get3A_1150] {strides = array<i32>} : memref<128x128xf32, #tpu.memory_space<vmem>>, vector<1x16xf32>,
          %get3A_1152 = vector.shape_cast %get3A_1151 : vector<1x16xf32> to vector<16xf32>
          %mul3A_1153 = vector.broadcast %squeeze3A_1069 : f32 to vector<16xf32>
          %mul3A_1154 = arith.mulf %get3A_1152, %mul3A_1153 : vector<16xf32>
          %add3A_1155 = arith.addf %add3A_1148, %mul3A_1154 : vector<16xf32>
          %get3A_1156 = arith.index_cast %add3A_1063 : i32 to index
          %get3A_1157 = arith.constant 32 : index
          %get3A_1158 = tpu.vector_load %arg14[%get3A_1156, %get3A_1157] {strides = array<i32>} : memref<128x128xf32, #tpu.memory_space<vmem>>, vector<1x16xf32>,
          %get3A_1159 = vector.shape_cast %get3A_1158 : vector<1x16xf32> to vector<16xf32>
          %mul3A_1160 = vector.broadcast %squeeze3A_1071 : f32 to vector<16xf32>
          %mul3A_1161 = arith.mulf %get3A_1159, %mul3A_1160 : vector<16xf32>
          %add3A_1162 = arith.addf %add3A_1155, %mul3A_1161 : vector<16xf32>
          %swap3A_1163 = arith.index_cast %add3A_1063 : i32 to index
          %swap3A_1164 = arith.constant 32 : index
          %swap3A_1165 = tpu.vector_load %arg15[%swap3A_1163, %swap3A_1164] {strides = array<i32>} : memref<128x80xf32, #tpu.memory_space<vmem>>, vector<1x16xf32>,
          %swap3A_1166 = vector.shape_cast %swap3A_1165 : vector<1x16xf32> to vector<16xf32>
          %swap3A_1167 = vector.shape_cast %add3A_1162 : vector<16xf32> to vector<1x16xf32>
          tpu.vector_store %arg15[%swap3A_1163, %swap3A_1164], %swap3A_1167 {strides = array<i32>} : memref<128x80xf32, #tpu.memory_space<vmem>>, vector<1x16xf32>,
          %get3A_1168 = arith.index_cast %add3A_1063 : i32 to index
          %get3A_1169 = arith.constant 48 : index
          %get3A_1170 = tpu.vector_load %arg11[%get3A_1168, %get3A_1169] {strides = array<i32>} : memref<128x128xf32, #tpu.memory_space<vmem>>, vector<1x16xf32>,
          %get3A_1171 = vector.shape_cast %get3A_1170 : vector<1x16xf32> to vector<16xf32>
          %mul3A_1172 = vector.broadcast %squeeze3A_1065 : f32 to vector<16xf32>
          %mul3A_1173 = arith.mulf %get3A_1171, %mul3A_1172 : vector<16xf32>
          %get3A_1174 = arith.index_cast %add3A_1063 : i32 to index
          %get3A_1175 = arith.constant 48 : index
          %get3A_1176 = tpu.vector_load %arg12[%get3A_1174, %get3A_1175] {strides = array<i32>} : memref<128x128xf32, #tpu.memory_space<vmem>>, vector<1x16xf32>,
          %get3A_1177 = vector.shape_cast %get3A_1176 : vector<1x16xf32> to vector<16xf32>
          %mul3A_1178 = vector.broadcast %squeeze3A_1067 : f32 to vector<16xf32>
          %mul3A_1179 = arith.mulf %get3A_1177, %mul3A_1178 : vector<16xf32>
          %add3A_1180 = arith.addf %mul3A_1173, %mul3A_1179 : vector<16xf32>
          %get3A_1181 = arith.index_cast %add3A_1063 : i32 to index
          %get3A_1182 = arith.constant 48 : index
          %get3A_1183 = tpu.vector_load %arg13[%get3A_1181, %get3A_1182] {strides = array<i32>} : memref<128x128xf32, #tpu.memory_space<vmem>>, vector<1x16xf32>,
          %get3A_1184 = vector.shape_cast %get3A_1183 : vector<1x16xf32> to vector<16xf32>
          %mul3A_1185 = vector.broadcast %squeeze3A_1069 : f32 to vector<16xf32>
          %mul3A_1186 = arith.mulf %get3A_1184, %mul3A_1185 : vector<16xf32>
          %add3A_1187 = arith.addf %add3A_1180, %mul3A_1186 : vector<16xf32>
          %get3A_1188 = arith.index_cast %add3A_1063 : i32 to index
          %get3A_1189 = arith.constant 48 : index
          %get3A_1190 = tpu.vector_load %arg14[%get3A_1188, %get3A_1189] {strides = array<i32>} : memref<128x128xf32, #tpu.memory_space<vmem>>, vector<1x16xf32>,
          %get3A_1191 = vector.shape_cast %get3A_1190 : vector<1x16xf32> to vector<16xf32>
          %mul3A_1192 = vector.broadcast %squeeze3A_1071 : f32 to vector<16xf32>
          %mul3A_1193 = arith.mulf %get3A_1191, %mul3A_1192 : vector<16xf32>
          %add3A_1194 = arith.addf %add3A_1187, %mul3A_1193 : vector<16xf32>
          %swap3A_1195 = arith.index_cast %add3A_1063 : i32 to index
          %swap3A_1196 = arith.constant 48 : index
          %swap3A_1197 = tpu.vector_load %arg15[%swap3A_1195, %swap3A_1196] {strides = array<i32>} : memref<128x80xf32, #tpu.memory_space<vmem>>, vector<1x16xf32>,
          %swap3A_1198 = vector.shape_cast %swap3A_1197 : vector<1x16xf32> to vector<16xf32>
          %swap3A_1199 = vector.shape_cast %add3A_1194 : vector<16xf32> to vector<1x16xf32>
          tpu.vector_store %arg15[%swap3A_1195, %swap3A_1196], %swap3A_1199 {strides = array<i32>} : memref<128x80xf32, #tpu.memory_space<vmem>>, vector<1x16xf32>,
          %get3A_1200 = arith.index_cast %add3A_1063 : i32 to index
          %get3A_1201 = arith.constant 64 : index
          %get3A_1202 = tpu.vector_load %arg11[%get3A_1200, %get3A_1201] {strides = array<i32>} : memref<128x128xf32, #tpu.memory_space<vmem>>, vector<1x16xf32>,
          %get3A_1203 = vector.shape_cast %get3A_1202 : vector<1x16xf32> to vector<16xf32>
          %mul3A_1204 = vector.broadcast %squeeze3A_1065 : f32 to vector<16xf32>
          %mul3A_1205 = arith.mulf %get3A_1203, %mul3A_1204 : vector<16xf32>
          %get3A_1206 = arith.index_cast %add3A_1063 : i32 to index
          %get3A_1207 = arith.constant 64 : index
          %get3A_1208 = tpu.vector_load %arg12[%get3A_1206, %get3A_1207] {strides = array<i32>} : memref<128x128xf32, #tpu.memory_space<vmem>>, vector<1x16xf32>,
          %get3A_1209 = vector.shape_cast %get3A_1208 : vector<1x16xf32> to vector<16xf32>
          %mul3A_1210 = vector.broadcast %squeeze3A_1067 : f32 to vector<16xf32>
          %mul3A_1211 = arith.mulf %get3A_1209, %mul3A_1210 : vector<16xf32>
          %add3A_1212 = arith.addf %mul3A_1205, %mul3A_1211 : vector<16xf32>
          %get3A_1213 = arith.index_cast %add3A_1063 : i32 to index
          %get3A_1214 = arith.constant 64 : index
          %get3A_1215 = tpu.vector_load %arg13[%get3A_1213, %get3A_1214] {strides = array<i32>} : memref<128x128xf32, #tpu.memory_space<vmem>>, vector<1x16xf32>,
          %get3A_1216 = vector.shape_cast %get3A_1215 : vector<1x16xf32> to vector<16xf32>
          %mul3A_1217 = vector.broadcast %squeeze3A_1069 : f32 to vector<16xf32>
          %mul3A_1218 = arith.mulf %get3A_1216, %mul3A_1217 : vector<16xf32>
          %add3A_1219 = arith.addf %add3A_1212, %mul3A_1218 : vector<16xf32>
          %get3A_1220 = arith.index_cast %add3A_1063 : i32 to index
          %get3A_1221 = arith.constant 64 : index
          %get3A_1222 = tpu.vector_load %arg14[%get3A_1220, %get3A_1221] {strides = array<i32>} : memref<128x128xf32, #tpu.memory_space<vmem>>, vector<1x16xf32>,
          %get3A_1223 = vector.shape_cast %get3A_1222 : vector<1x16xf32> to vector<16xf32>
          %mul3A_1224 = vector.broadcast %squeeze3A_1071 : f32 to vector<16xf32>
          %mul3A_1225 = arith.mulf %get3A_1223, %mul3A_1224 : vector<16xf32>
          %add3A_1226 = arith.addf %add3A_1219, %mul3A_1225 : vector<16xf32>
          %swap3A_1227 = arith.index_cast %add3A_1063 : i32 to index
          %swap3A_1228 = arith.constant 64 : index
          %swap3A_1229 = tpu.vector_load %arg15[%swap3A_1227, %swap3A_1228] {strides = array<i32>} : memref<128x80xf32, #tpu.memory_space<vmem>>, vector<1x16xf32>,
          %swap3A_1230 = vector.shape_cast %swap3A_1229 : vector<1x16xf32> to vector<16xf32>
          %swap3A_1231 = vector.shape_cast %add3A_1226 : vector<16xf32> to vector<1x16xf32>
          tpu.vector_store %arg15[%swap3A_1227, %swap3A_1228], %swap3A_1231 {strides = array<i32>} : memref<128x80xf32, #tpu.memory_space<vmem>>, vector<1x16xf32>,
          %add3A_1232 = arith.constant 5 : i32
          %add3A_1233 = arith.addi %mul3A_358, %add3A_1232 : i32
          %slice3A_1234 = vector.extract_strided_slice %get3A_364 {offsets = [5], sizes = [1], strides = [1]} : vector<16xf32> to vector<1xf32>
          %squeeze3A_1235 = vector.extract %slice3A_1234[0] : f32 from vector<1xf32>
          %slice3A_1236 = vector.extract_strided_slice %get3A_370 {offsets = [5], sizes = [1], strides = [1]} : vector<16xf32> to vector<1xf32>
          %squeeze3A_1237 = vector.extract %slice3A_1236[0] : f32 from vector<1xf32>
          %slice3A_1238 = vector.extract_strided_slice %get3A_376 {offsets = [5], sizes = [1], strides = [1]} : vector<16xf32> to vector<1xf32>
          %squeeze3A_1239 = vector.extract %slice3A_1238[0] : f32 from vector<1xf32>
          %slice3A_1240 = vector.extract_strided_slice %get3A_382 {offsets = [5], sizes = [1], strides = [1]} : vector<16xf32> to vector<1xf32>
          %squeeze3A_1241 = vector.extract %slice3A_1240[0] : f32 from vector<1xf32>
          %get3A_1242 = arith.index_cast %add3A_1233 : i32 to index
          %get3A_1243 = arith.constant 0 : index
          %get3A_1244 = tpu.vector_load %arg11[%get3A_1242, %get3A_1243] {strides = array<i32>} : memref<128x128xf32, #tpu.memory_space<vmem>>, vector<1x16xf32>,
          %get3A_1245 = vector.shape_cast %get3A_1244 : vector<1x16xf32> to vector<16xf32>
          %mul3A_1246 = vector.broadcast %squeeze3A_1235 : f32 to vector<16xf32>
          %mul3A_1247 = arith.mulf %get3A_1245, %mul3A_1246 : vector<16xf32>
          %get3A_1248 = arith.index_cast %add3A_1233 : i32 to index
          %get3A_1249 = arith.constant 0 : index
          %get3A_1250 = tpu.vector_load %arg12[%get3A_1248, %get3A_1249] {strides = array<i32>} : memref<128x128xf32, #tpu.memory_space<vmem>>, vector<1x16xf32>,
          %get3A_1251 = vector.shape_cast %get3A_1250 : vector<1x16xf32> to vector<16xf32>
          %mul3A_1252 = vector.broadcast %squeeze3A_1237 : f32 to vector<16xf32>
          %mul3A_1253 = arith.mulf %get3A_1251, %mul3A_1252 : vector<16xf32>
          %add3A_1254 = arith.addf %mul3A_1247, %mul3A_1253 : vector<16xf32>
          %get3A_1255 = arith.index_cast %add3A_1233 : i32 to index
          %get3A_1256 = arith.constant 0 : index
          %get3A_1257 = tpu.vector_load %arg13[%get3A_1255, %get3A_1256] {strides = array<i32>} : memref<128x128xf32, #tpu.memory_space<vmem>>, vector<1x16xf32>,
          %get3A_1258 = vector.shape_cast %get3A_1257 : vector<1x16xf32> to vector<16xf32>
          %mul3A_1259 = vector.broadcast %squeeze3A_1239 : f32 to vector<16xf32>
          %mul3A_1260 = arith.mulf %get3A_1258, %mul3A_1259 : vector<16xf32>
          %add3A_1261 = arith.addf %add3A_1254, %mul3A_1260 : vector<16xf32>
          %get3A_1262 = arith.index_cast %add3A_1233 : i32 to index
          %get3A_1263 = arith.constant 0 : index
          %get3A_1264 = tpu.vector_load %arg14[%get3A_1262, %get3A_1263] {strides = array<i32>} : memref<128x128xf32, #tpu.memory_space<vmem>>, vector<1x16xf32>,
          %get3A_1265 = vector.shape_cast %get3A_1264 : vector<1x16xf32> to vector<16xf32>
          %mul3A_1266 = vector.broadcast %squeeze3A_1241 : f32 to vector<16xf32>
          %mul3A_1267 = arith.mulf %get3A_1265, %mul3A_1266 : vector<16xf32>
          %add3A_1268 = arith.addf %add3A_1261, %mul3A_1267 : vector<16xf32>
          %swap3A_1269 = arith.index_cast %add3A_1233 : i32 to index
          %swap3A_1270 = arith.constant 0 : index
          %swap3A_1271 = tpu.vector_load %arg15[%swap3A_1269, %swap3A_1270] {strides = array<i32>} : memref<128x80xf32, #tpu.memory_space<vmem>>, vector<1x16xf32>,
          %swap3A_1272 = vector.shape_cast %swap3A_1271 : vector<1x16xf32> to vector<16xf32>
          %swap3A_1273 = vector.shape_cast %add3A_1268 : vector<16xf32> to vector<1x16xf32>
          tpu.vector_store %arg15[%swap3A_1269, %swap3A_1270], %swap3A_1273 {strides = array<i32>} : memref<128x80xf32, #tpu.memory_space<vmem>>, vector<1x16xf32>,
          %get3A_1274 = arith.index_cast %add3A_1233 : i32 to index
          %get3A_1275 = arith.constant 16 : index
          %get3A_1276 = tpu.vector_load %arg11[%get3A_1274, %get3A_1275] {strides = array<i32>} : memref<128x128xf32, #tpu.memory_space<vmem>>, vector<1x16xf32>,
          %get3A_1277 = vector.shape_cast %get3A_1276 : vector<1x16xf32> to vector<16xf32>
          %mul3A_1278 = vector.broadcast %squeeze3A_1235 : f32 to vector<16xf32>
          %mul3A_1279 = arith.mulf %get3A_1277, %mul3A_1278 : vector<16xf32>
          %get3A_1280 = arith.index_cast %add3A_1233 : i32 to index
          %get3A_1281 = arith.constant 16 : index
          %get3A_1282 = tpu.vector_load %arg12[%get3A_1280, %get3A_1281] {strides = array<i32>} : memref<128x128xf32, #tpu.memory_space<vmem>>, vector<1x16xf32>,
          %get3A_1283 = vector.shape_cast %get3A_1282 : vector<1x16xf32> to vector<16xf32>
          %mul3A_1284 = vector.broadcast %squeeze3A_1237 : f32 to vector<16xf32>
          %mul3A_1285 = arith.mulf %get3A_1283, %mul3A_1284 : vector<16xf32>
          %add3A_1286 = arith.addf %mul3A_1279, %mul3A_1285 : vector<16xf32>
          %get3A_1287 = arith.index_cast %add3A_1233 : i32 to index
          %get3A_1288 = arith.constant 16 : index
          %get3A_1289 = tpu.vector_load %arg13[%get3A_1287, %get3A_1288] {strides = array<i32>} : memref<128x128xf32, #tpu.memory_space<vmem>>, vector<1x16xf32>,
          %get3A_1290 = vector.shape_cast %get3A_1289 : vector<1x16xf32> to vector<16xf32>
          %mul3A_1291 = vector.broadcast %squeeze3A_1239 : f32 to vector<16xf32>
          %mul3A_1292 = arith.mulf %get3A_1290, %mul3A_1291 : vector<16xf32>
          %add3A_1293 = arith.addf %add3A_1286, %mul3A_1292 : vector<16xf32>
          %get3A_1294 = arith.index_cast %add3A_1233 : i32 to index
          %get3A_1295 = arith.constant 16 : index
          %get3A_1296 = tpu.vector_load %arg14[%get3A_1294, %get3A_1295] {strides = array<i32>} : memref<128x128xf32, #tpu.memory_space<vmem>>, vector<1x16xf32>,
          %get3A_1297 = vector.shape_cast %get3A_1296 : vector<1x16xf32> to vector<16xf32>
          %mul3A_1298 = vector.broadcast %squeeze3A_1241 : f32 to vector<16xf32>
          %mul3A_1299 = arith.mulf %get3A_1297, %mul3A_1298 : vector<16xf32>
          %add3A_1300 = arith.addf %add3A_1293, %mul3A_1299 : vector<16xf32>
          %swap3A_1301 = arith.index_cast %add3A_1233 : i32 to index
          %swap3A_1302 = arith.constant 16 : index
          %swap3A_1303 = tpu.vector_load %arg15[%swap3A_1301, %swap3A_1302] {strides = array<i32>} : memref<128x80xf32, #tpu.memory_space<vmem>>, vector<1x16xf32>,
          %swap3A_1304 = vector.shape_cast %swap3A_1303 : vector<1x16xf32> to vector<16xf32>
          %swap3A_1305 = vector.shape_cast %add3A_1300 : vector<16xf32> to vector<1x16xf32>
          tpu.vector_store %arg15[%swap3A_1301, %swap3A_1302], %swap3A_1305 {strides = array<i32>} : memref<128x80xf32, #tpu.memory_space<vmem>>, vector<1x16xf32>,
          %get3A_1306 = arith.index_cast %add3A_1233 : i32 to index
          %get3A_1307 = arith.constant 32 : index
          %get3A_1308 = tpu.vector_load %arg11[%get3A_1306, %get3A_1307] {strides = array<i32>} : memref<128x128xf32, #tpu.memory_space<vmem>>, vector<1x16xf32>,
          %get3A_1309 = vector.shape_cast %get3A_1308 : vector<1x16xf32> to vector<16xf32>
          %mul3A_1310 = vector.broadcast %squeeze3A_1235 : f32 to vector<16xf32>
          %mul3A_1311 = arith.mulf %get3A_1309, %mul3A_1310 : vector<16xf32>
          %get3A_1312 = arith.index_cast %add3A_1233 : i32 to index
          %get3A_1313 = arith.constant 32 : index
          %get3A_1314 = tpu.vector_load %arg12[%get3A_1312, %get3A_1313] {strides = array<i32>} : memref<128x128xf32, #tpu.memory_space<vmem>>, vector<1x16xf32>,
          %get3A_1315 = vector.shape_cast %get3A_1314 : vector<1x16xf32> to vector<16xf32>
          %mul3A_1316 = vector.broadcast %squeeze3A_1237 : f32 to vector<16xf32>
          %mul3A_1317 = arith.mulf %get3A_1315, %mul3A_1316 : vector<16xf32>
          %add3A_1318 = arith.addf %mul3A_1311, %mul3A_1317 : vector<16xf32>
          %get3A_1319 = arith.index_cast %add3A_1233 : i32 to index
          %get3A_1320 = arith.constant 32 : index
          %get3A_1321 = tpu.vector_load %arg13[%get3A_1319, %get3A_1320] {strides = array<i32>} : memref<128x128xf32, #tpu.memory_space<vmem>>, vector<1x16xf32>,
          %get3A_1322 = vector.shape_cast %get3A_1321 : vector<1x16xf32> to vector<16xf32>
          %mul3A_1323 = vector.broadcast %squeeze3A_1239 : f32 to vector<16xf32>
          %mul3A_1324 = arith.mulf %get3A_1322, %mul3A_1323 : vector<16xf32>
          %add3A_1325 = arith.addf %add3A_1318, %mul3A_1324 : vector<16xf32>
          %get3A_1326 = arith.index_cast %add3A_1233 : i32 to index
          %get3A_1327 = arith.constant 32 : index
          %get3A_1328 = tpu.vector_load %arg14[%get3A_1326, %get3A_1327] {strides = array<i32>} : memref<128x128xf32, #tpu.memory_space<vmem>>, vector<1x16xf32>,
          %get3A_1329 = vector.shape_cast %get3A_1328 : vector<1x16xf32> to vector<16xf32>
          %mul3A_1330 = vector.broadcast %squeeze3A_1241 : f32 to vector<16xf32>
          %mul3A_1331 = arith.mulf %get3A_1329, %mul3A_1330 : vector<16xf32>
          %add3A_1332 = arith.addf %add3A_1325, %mul3A_1331 : vector<16xf32>
          %swap3A_1333 = arith.index_cast %add3A_1233 : i32 to index
          %swap3A_1334 = arith.constant 32 : index
          %swap3A_1335 = tpu.vector_load %arg15[%swap3A_1333, %swap3A_1334] {strides = array<i32>} : memref<128x80xf32, #tpu.memory_space<vmem>>, vector<1x16xf32>,
          %swap3A_1336 = vector.shape_cast %swap3A_1335 : vector<1x16xf32> to vector<16xf32>
          %swap3A_1337 = vector.shape_cast %add3A_1332 : vector<16xf32> to vector<1x16xf32>
          tpu.vector_store %arg15[%swap3A_1333, %swap3A_1334], %swap3A_1337 {strides = array<i32>} : memref<128x80xf32, #tpu.memory_space<vmem>>, vector<1x16xf32>,
          %get3A_1338 = arith.index_cast %add3A_1233 : i32 to index
          %get3A_1339 = arith.constant 48 : index
          %get3A_1340 = tpu.vector_load %arg11[%get3A_1338, %get3A_1339] {strides = array<i32>} : memref<128x128xf32, #tpu.memory_space<vmem>>, vector<1x16xf32>,
          %get3A_1341 = vector.shape_cast %get3A_1340 : vector<1x16xf32> to vector<16xf32>
          %mul3A_1342 = vector.broadcast %squeeze3A_1235 : f32 to vector<16xf32>
          %mul3A_1343 = arith.mulf %get3A_1341, %mul3A_1342 : vector<16xf32>
          %get3A_1344 = arith.index_cast %add3A_1233 : i32 to index
          %get3A_1345 = arith.constant 48 : index
          %get3A_1346 = tpu.vector_load %arg12[%get3A_1344, %get3A_1345] {strides = array<i32>} : memref<128x128xf32, #tpu.memory_space<vmem>>, vector<1x16xf32>,
          %get3A_1347 = vector.shape_cast %get3A_1346 : vector<1x16xf32> to vector<16xf32>
          %mul3A_1348 = vector.broadcast %squeeze3A_1237 : f32 to vector<16xf32>
          %mul3A_1349 = arith.mulf %get3A_1347, %mul3A_1348 : vector<16xf32>
          %add3A_1350 = arith.addf %mul3A_1343, %mul3A_1349 : vector<16xf32>
          %get3A_1351 = arith.index_cast %add3A_1233 : i32 to index
          %get3A_1352 = arith.constant 48 : index
          %get3A_1353 = tpu.vector_load %arg13[%get3A_1351, %get3A_1352] {strides = array<i32>} : memref<128x128xf32, #tpu.memory_space<vmem>>, vector<1x16xf32>,
          %get3A_1354 = vector.shape_cast %get3A_1353 : vector<1x16xf32> to vector<16xf32>
          %mul3A_1355 = vector.broadcast %squeeze3A_1239 : f32 to vector<16xf32>
          %mul3A_1356 = arith.mulf %get3A_1354, %mul3A_1355 : vector<16xf32>
          %add3A_1357 = arith.addf %add3A_1350, %mul3A_1356 : vector<16xf32>
          %get3A_1358 = arith.index_cast %add3A_1233 : i32 to index
          %get3A_1359 = arith.constant 48 : index
          %get3A_1360 = tpu.vector_load %arg14[%get3A_1358, %get3A_1359] {strides = array<i32>} : memref<128x128xf32, #tpu.memory_space<vmem>>, vector<1x16xf32>,
          %get3A_1361 = vector.shape_cast %get3A_1360 : vector<1x16xf32> to vector<16xf32>
          %mul3A_1362 = vector.broadcast %squeeze3A_1241 : f32 to vector<16xf32>
          %mul3A_1363 = arith.mulf %get3A_1361, %mul3A_1362 : vector<16xf32>
          %add3A_1364 = arith.addf %add3A_1357, %mul3A_1363 : vector<16xf32>
          %swap3A_1365 = arith.index_cast %add3A_1233 : i32 to index
          %swap3A_1366 = arith.constant 48 : index
          %swap3A_1367 = tpu.vector_load %arg15[%swap3A_1365, %swap3A_1366] {strides = array<i32>} : memref<128x80xf32, #tpu.memory_space<vmem>>, vector<1x16xf32>,
          %swap3A_1368 = vector.shape_cast %swap3A_1367 : vector<1x16xf32> to vector<16xf32>
          %swap3A_1369 = vector.shape_cast %add3A_1364 : vector<16xf32> to vector<1x16xf32>
          tpu.vector_store %arg15[%swap3A_1365, %swap3A_1366], %swap3A_1369 {strides = array<i32>} : memref<128x80xf32, #tpu.memory_space<vmem>>, vector<1x16xf32>,
          %get3A_1370 = arith.index_cast %add3A_1233 : i32 to index
          %get3A_1371 = arith.constant 64 : index
          %get3A_1372 = tpu.vector_load %arg11[%get3A_1370, %get3A_1371] {strides = array<i32>} : memref<128x128xf32, #tpu.memory_space<vmem>>, vector<1x16xf32>,
          %get3A_1373 = vector.shape_cast %get3A_1372 : vector<1x16xf32> to vector<16xf32>
          %mul3A_1374 = vector.broadcast %squeeze3A_1235 : f32 to vector<16xf32>
          %mul3A_1375 = arith.mulf %get3A_1373, %mul3A_1374 : vector<16xf32>
          %get3A_1376 = arith.index_cast %add3A_1233 : i32 to index
          %get3A_1377 = arith.constant 64 : index
          %get3A_1378 = tpu.vector_load %arg12[%get3A_1376, %get3A_1377] {strides = array<i32>} : memref<128x128xf32, #tpu.memory_space<vmem>>, vector<1x16xf32>,
          %get3A_1379 = vector.shape_cast %get3A_1378 : vector<1x16xf32> to vector<16xf32>
          %mul3A_1380 = vector.broadcast %squeeze3A_1237 : f32 to vector<16xf32>
          %mul3A_1381 = arith.mulf %get3A_1379, %mul3A_1380 : vector<16xf32>
          %add3A_1382 = arith.addf %mul3A_1375, %mul3A_1381 : vector<16xf32>
          %get3A_1383 = arith.index_cast %add3A_1233 : i32 to index
          %get3A_1384 = arith.constant 64 : index
          %get3A_1385 = tpu.vector_load %arg13[%get3A_1383, %get3A_1384] {strides = array<i32>} : memref<128x128xf32, #tpu.memory_space<vmem>>, vector<1x16xf32>,
          %get3A_1386 = vector.shape_cast %get3A_1385 : vector<1x16xf32> to vector<16xf32>
          %mul3A_1387 = vector.broadcast %squeeze3A_1239 : f32 to vector<16xf32>
          %mul3A_1388 = arith.mulf %get3A_1386, %mul3A_1387 : vector<16xf32>
          %add3A_1389 = arith.addf %add3A_1382, %mul3A_1388 : vector<16xf32>
          %get3A_1390 = arith.index_cast %add3A_1233 : i32 to index
          %get3A_1391 = arith.constant 64 : index
          %get3A_1392 = tpu.vector_load %arg14[%get3A_1390, %get3A_1391] {strides = array<i32>} : memref<128x128xf32, #tpu.memory_space<vmem>>, vector<1x16xf32>,
          %get3A_1393 = vector.shape_cast %get3A_1392 : vector<1x16xf32> to vector<16xf32>
          %mul3A_1394 = vector.broadcast %squeeze3A_1241 : f32 to vector<16xf32>
          %mul3A_1395 = arith.mulf %get3A_1393, %mul3A_1394 : vector<16xf32>
          %add3A_1396 = arith.addf %add3A_1389, %mul3A_1395 : vector<16xf32>
          %swap3A_1397 = arith.index_cast %add3A_1233 : i32 to index
          %swap3A_1398 = arith.constant 64 : index
          %swap3A_1399 = tpu.vector_load %arg15[%swap3A_1397, %swap3A_1398] {strides = array<i32>} : memref<128x80xf32, #tpu.memory_space<vmem>>, vector<1x16xf32>,
          %swap3A_1400 = vector.shape_cast %swap3A_1399 : vector<1x16xf32> to vector<16xf32>
          %swap3A_1401 = vector.shape_cast %add3A_1396 : vector<16xf32> to vector<1x16xf32>
          tpu.vector_store %arg15[%swap3A_1397, %swap3A_1398], %swap3A_1401 {strides = array<i32>} : memref<128x80xf32, #tpu.memory_space<vmem>>, vector<1x16xf32>,
          %add3A_1402 = arith.constant 6 : i32
          %add3A_1403 = arith.addi %mul3A_358, %add3A_1402 : i32
          %slice3A_1404 = vector.extract_strided_slice %get3A_364 {offsets = [6], sizes = [1], strides = [1]} : vector<16xf32> to vector<1xf32>
          %squeeze3A_1405 = vector.extract %slice3A_1404[0] : f32 from vector<1xf32>
          %slice3A_1406 = vector.extract_strided_slice %get3A_370 {offsets = [6], sizes = [1], strides = [1]} : vector<16xf32> to vector<1xf32>
          %squeeze3A_1407 = vector.extract %slice3A_1406[0] : f32 from vector<1xf32>
          %slice3A_1408 = vector.extract_strided_slice %get3A_376 {offsets = [6], sizes = [1], strides = [1]} : vector<16xf32> to vector<1xf32>
          %squeeze3A_1409 = vector.extract %slice3A_1408[0] : f32 from vector<1xf32>
          %slice3A_1410 = vector.extract_strided_slice %get3A_382 {offsets = [6], sizes = [1], strides = [1]} : vector<16xf32> to vector<1xf32>
          %squeeze3A_1411 = vector.extract %slice3A_1410[0] : f32 from vector<1xf32>
          %get3A_1412 = arith.index_cast %add3A_1403 : i32 to index
          %get3A_1413 = arith.constant 0 : index
          %get3A_1414 = tpu.vector_load %arg11[%get3A_1412, %get3A_1413] {strides = array<i32>} : memref<128x128xf32, #tpu.memory_space<vmem>>, vector<1x16xf32>,
          %get3A_1415 = vector.shape_cast %get3A_1414 : vector<1x16xf32> to vector<16xf32>
          %mul3A_1416 = vector.broadcast %squeeze3A_1405 : f32 to vector<16xf32>
          %mul3A_1417 = arith.mulf %get3A_1415, %mul3A_1416 : vector<16xf32>
          %get3A_1418 = arith.index_cast %add3A_1403 : i32 to index
          %get3A_1419 = arith.constant 0 : index
          %get3A_1420 = tpu.vector_load %arg12[%get3A_1418, %get3A_1419] {strides = array<i32>} : memref<128x128xf32, #tpu.memory_space<vmem>>, vector<1x16xf32>,
          %get3A_1421 = vector.shape_cast %get3A_1420 : vector<1x16xf32> to vector<16xf32>
          %mul3A_1422 = vector.broadcast %squeeze3A_1407 : f32 to vector<16xf32>
          %mul3A_1423 = arith.mulf %get3A_1421, %mul3A_1422 : vector<16xf32>
          %add3A_1424 = arith.addf %mul3A_1417, %mul3A_1423 : vector<16xf32>
          %get3A_1425 = arith.index_cast %add3A_1403 : i32 to index
          %get3A_1426 = arith.constant 0 : index
          %get3A_1427 = tpu.vector_load %arg13[%get3A_1425, %get3A_1426] {strides = array<i32>} : memref<128x128xf32, #tpu.memory_space<vmem>>, vector<1x16xf32>,
          %get3A_1428 = vector.shape_cast %get3A_1427 : vector<1x16xf32> to vector<16xf32>
          %mul3A_1429 = vector.broadcast %squeeze3A_1409 : f32 to vector<16xf32>
          %mul3A_1430 = arith.mulf %get3A_1428, %mul3A_1429 : vector<16xf32>
          %add3A_1431 = arith.addf %add3A_1424, %mul3A_1430 : vector<16xf32>
          %get3A_1432 = arith.index_cast %add3A_1403 : i32 to index
          %get3A_1433 = arith.constant 0 : index
          %get3A_1434 = tpu.vector_load %arg14[%get3A_1432, %get3A_1433] {strides = array<i32>} : memref<128x128xf32, #tpu.memory_space<vmem>>, vector<1x16xf32>,
          %get3A_1435 = vector.shape_cast %get3A_1434 : vector<1x16xf32> to vector<16xf32>
          %mul3A_1436 = vector.broadcast %squeeze3A_1411 : f32 to vector<16xf32>
          %mul3A_1437 = arith.mulf %get3A_1435, %mul3A_1436 : vector<16xf32>
          %add3A_1438 = arith.addf %add3A_1431, %mul3A_1437 : vector<16xf32>
          %swap3A_1439 = arith.index_cast %add3A_1403 : i32 to index
          %swap3A_1440 = arith.constant 0 : index
          %swap3A_1441 = tpu.vector_load %arg15[%swap3A_1439, %swap3A_1440] {strides = array<i32>} : memref<128x80xf32, #tpu.memory_space<vmem>>, vector<1x16xf32>,
          %swap3A_1442 = vector.shape_cast %swap3A_1441 : vector<1x16xf32> to vector<16xf32>
          %swap3A_1443 = vector.shape_cast %add3A_1438 : vector<16xf32> to vector<1x16xf32>
          tpu.vector_store %arg15[%swap3A_1439, %swap3A_1440], %swap3A_1443 {strides = array<i32>} : memref<128x80xf32, #tpu.memory_space<vmem>>, vector<1x16xf32>,
          %get3A_1444 = arith.index_cast %add3A_1403 : i32 to index
          %get3A_1445 = arith.constant 16 : index
          %get3A_1446 = tpu.vector_load %arg11[%get3A_1444, %get3A_1445] {strides = array<i32>} : memref<128x128xf32, #tpu.memory_space<vmem>>, vector<1x16xf32>,
          %get3A_1447 = vector.shape_cast %get3A_1446 : vector<1x16xf32> to vector<16xf32>
          %mul3A_1448 = vector.broadcast %squeeze3A_1405 : f32 to vector<16xf32>
          %mul3A_1449 = arith.mulf %get3A_1447, %mul3A_1448 : vector<16xf32>
          %get3A_1450 = arith.index_cast %add3A_1403 : i32 to index
          %get3A_1451 = arith.constant 16 : index
          %get3A_1452 = tpu.vector_load %arg12[%get3A_1450, %get3A_1451] {strides = array<i32>} : memref<128x128xf32, #tpu.memory_space<vmem>>, vector<1x16xf32>,
          %get3A_1453 = vector.shape_cast %get3A_1452 : vector<1x16xf32> to vector<16xf32>
          %mul3A_1454 = vector.broadcast %squeeze3A_1407 : f32 to vector<16xf32>
          %mul3A_1455 = arith.mulf %get3A_1453, %mul3A_1454 : vector<16xf32>
          %add3A_1456 = arith.addf %mul3A_1449, %mul3A_1455 : vector<16xf32>
          %get3A_1457 = arith.index_cast %add3A_1403 : i32 to index
          %get3A_1458 = arith.constant 16 : index
          %get3A_1459 = tpu.vector_load %arg13[%get3A_1457, %get3A_1458] {strides = array<i32>} : memref<128x128xf32, #tpu.memory_space<vmem>>, vector<1x16xf32>,
          %get3A_1460 = vector.shape_cast %get3A_1459 : vector<1x16xf32> to vector<16xf32>
          %mul3A_1461 = vector.broadcast %squeeze3A_1409 : f32 to vector<16xf32>
          %mul3A_1462 = arith.mulf %get3A_1460, %mul3A_1461 : vector<16xf32>
          %add3A_1463 = arith.addf %add3A_1456, %mul3A_1462 : vector<16xf32>
          %get3A_1464 = arith.index_cast %add3A_1403 : i32 to index
          %get3A_1465 = arith.constant 16 : index
          %get3A_1466 = tpu.vector_load %arg14[%get3A_1464, %get3A_1465] {strides = array<i32>} : memref<128x128xf32, #tpu.memory_space<vmem>>, vector<1x16xf32>,
          %get3A_1467 = vector.shape_cast %get3A_1466 : vector<1x16xf32> to vector<16xf32>
          %mul3A_1468 = vector.broadcast %squeeze3A_1411 : f32 to vector<16xf32>
          %mul3A_1469 = arith.mulf %get3A_1467, %mul3A_1468 : vector<16xf32>
          %add3A_1470 = arith.addf %add3A_1463, %mul3A_1469 : vector<16xf32>
          %swap3A_1471 = arith.index_cast %add3A_1403 : i32 to index
          %swap3A_1472 = arith.constant 16 : index
          %swap3A_1473 = tpu.vector_load %arg15[%swap3A_1471, %swap3A_1472] {strides = array<i32>} : memref<128x80xf32, #tpu.memory_space<vmem>>, vector<1x16xf32>,
          %swap3A_1474 = vector.shape_cast %swap3A_1473 : vector<1x16xf32> to vector<16xf32>
          %swap3A_1475 = vector.shape_cast %add3A_1470 : vector<16xf32> to vector<1x16xf32>
          tpu.vector_store %arg15[%swap3A_1471, %swap3A_1472], %swap3A_1475 {strides = array<i32>} : memref<128x80xf32, #tpu.memory_space<vmem>>, vector<1x16xf32>,
          %get3A_1476 = arith.index_cast %add3A_1403 : i32 to index
          %get3A_1477 = arith.constant 32 : index
          %get3A_1478 = tpu.vector_load %arg11[%get3A_1476, %get3A_1477] {strides = array<i32>} : memref<128x128xf32, #tpu.memory_space<vmem>>, vector<1x16xf32>,
          %get3A_1479 = vector.shape_cast %get3A_1478 : vector<1x16xf32> to vector<16xf32>
          %mul3A_1480 = vector.broadcast %squeeze3A_1405 : f32 to vector<16xf32>
          %mul3A_1481 = arith.mulf %get3A_1479, %mul3A_1480 : vector<16xf32>
          %get3A_1482 = arith.index_cast %add3A_1403 : i32 to index
          %get3A_1483 = arith.constant 32 : index
          %get3A_1484 = tpu.vector_load %arg12[%get3A_1482, %get3A_1483] {strides = array<i32>} : memref<128x128xf32, #tpu.memory_space<vmem>>, vector<1x16xf32>,
          %get3A_1485 = vector.shape_cast %get3A_1484 : vector<1x16xf32> to vector<16xf32>
          %mul3A_1486 = vector.broadcast %squeeze3A_1407 : f32 to vector<16xf32>
          %mul3A_1487 = arith.mulf %get3A_1485, %mul3A_1486 : vector<16xf32>
          %add3A_1488 = arith.addf %mul3A_1481, %mul3A_1487 : vector<16xf32>
          %get3A_1489 = arith.index_cast %add3A_1403 : i32 to index
          %get3A_1490 = arith.constant 32 : index
          %get3A_1491 = tpu.vector_load %arg13[%get3A_1489, %get3A_1490] {strides = array<i32>} : memref<128x128xf32, #tpu.memory_space<vmem>>, vector<1x16xf32>,
          %get3A_1492 = vector.shape_cast %get3A_1491 : vector<1x16xf32> to vector<16xf32>
          %mul3A_1493 = vector.broadcast %squeeze3A_1409 : f32 to vector<16xf32>
          %mul3A_1494 = arith.mulf %get3A_1492, %mul3A_1493 : vector<16xf32>
          %add3A_1495 = arith.addf %add3A_1488, %mul3A_1494 : vector<16xf32>
          %get3A_1496 = arith.index_cast %add3A_1403 : i32 to index
          %get3A_1497 = arith.constant 32 : index
          %get3A_1498 = tpu.vector_load %arg14[%get3A_1496, %get3A_1497] {strides = array<i32>} : memref<128x128xf32, #tpu.memory_space<vmem>>, vector<1x16xf32>,
          %get3A_1499 = vector.shape_cast %get3A_1498 : vector<1x16xf32> to vector<16xf32>
          %mul3A_1500 = vector.broadcast %squeeze3A_1411 : f32 to vector<16xf32>
          %mul3A_1501 = arith.mulf %get3A_1499, %mul3A_1500 : vector<16xf32>
          %add3A_1502 = arith.addf %add3A_1495, %mul3A_1501 : vector<16xf32>
          %swap3A_1503 = arith.index_cast %add3A_1403 : i32 to index
          %swap3A_1504 = arith.constant 32 : index
          %swap3A_1505 = tpu.vector_load %arg15[%swap3A_1503, %swap3A_1504] {strides = array<i32>} : memref<128x80xf32, #tpu.memory_space<vmem>>, vector<1x16xf32>,
          %swap3A_1506 = vector.shape_cast %swap3A_1505 : vector<1x16xf32> to vector<16xf32>
          %swap3A_1507 = vector.shape_cast %add3A_1502 : vector<16xf32> to vector<1x16xf32>
          tpu.vector_store %arg15[%swap3A_1503, %swap3A_1504], %swap3A_1507 {strides = array<i32>} : memref<128x80xf32, #tpu.memory_space<vmem>>, vector<1x16xf32>,
          %get3A_1508 = arith.index_cast %add3A_1403 : i32 to index
          %get3A_1509 = arith.constant 48 : index
          %get3A_1510 = tpu.vector_load %arg11[%get3A_1508, %get3A_1509] {strides = array<i32>} : memref<128x128xf32, #tpu.memory_space<vmem>>, vector<1x16xf32>,
          %get3A_1511 = vector.shape_cast %get3A_1510 : vector<1x16xf32> to vector<16xf32>
          %mul3A_1512 = vector.broadcast %squeeze3A_1405 : f32 to vector<16xf32>
          %mul3A_1513 = arith.mulf %get3A_1511, %mul3A_1512 : vector<16xf32>
          %get3A_1514 = arith.index_cast %add3A_1403 : i32 to index
          %get3A_1515 = arith.constant 48 : index
          %get3A_1516 = tpu.vector_load %arg12[%get3A_1514, %get3A_1515] {strides = array<i32>} : memref<128x128xf32, #tpu.memory_space<vmem>>, vector<1x16xf32>,
          %get3A_1517 = vector.shape_cast %get3A_1516 : vector<1x16xf32> to vector<16xf32>
          %mul3A_1518 = vector.broadcast %squeeze3A_1407 : f32 to vector<16xf32>
          %mul3A_1519 = arith.mulf %get3A_1517, %mul3A_1518 : vector<16xf32>
          %add3A_1520 = arith.addf %mul3A_1513, %mul3A_1519 : vector<16xf32>
          %get3A_1521 = arith.index_cast %add3A_1403 : i32 to index
          %get3A_1522 = arith.constant 48 : index
          %get3A_1523 = tpu.vector_load %arg13[%get3A_1521, %get3A_1522] {strides = array<i32>} : memref<128x128xf32, #tpu.memory_space<vmem>>, vector<1x16xf32>,
          %get3A_1524 = vector.shape_cast %get3A_1523 : vector<1x16xf32> to vector<16xf32>
          %mul3A_1525 = vector.broadcast %squeeze3A_1409 : f32 to vector<16xf32>
          %mul3A_1526 = arith.mulf %get3A_1524, %mul3A_1525 : vector<16xf32>
          %add3A_1527 = arith.addf %add3A_1520, %mul3A_1526 : vector<16xf32>
          %get3A_1528 = arith.index_cast %add3A_1403 : i32 to index
          %get3A_1529 = arith.constant 48 : index
          %get3A_1530 = tpu.vector_load %arg14[%get3A_1528, %get3A_1529] {strides = array<i32>} : memref<128x128xf32, #tpu.memory_space<vmem>>, vector<1x16xf32>,
          %get3A_1531 = vector.shape_cast %get3A_1530 : vector<1x16xf32> to vector<16xf32>
          %mul3A_1532 = vector.broadcast %squeeze3A_1411 : f32 to vector<16xf32>
          %mul3A_1533 = arith.mulf %get3A_1531, %mul3A_1532 : vector<16xf32>
          %add3A_1534 = arith.addf %add3A_1527, %mul3A_1533 : vector<16xf32>
          %swap3A_1535 = arith.index_cast %add3A_1403 : i32 to index
          %swap3A_1536 = arith.constant 48 : index
          %swap3A_1537 = tpu.vector_load %arg15[%swap3A_1535, %swap3A_1536] {strides = array<i32>} : memref<128x80xf32, #tpu.memory_space<vmem>>, vector<1x16xf32>,
          %swap3A_1538 = vector.shape_cast %swap3A_1537 : vector<1x16xf32> to vector<16xf32>
          %swap3A_1539 = vector.shape_cast %add3A_1534 : vector<16xf32> to vector<1x16xf32>
          tpu.vector_store %arg15[%swap3A_1535, %swap3A_1536], %swap3A_1539 {strides = array<i32>} : memref<128x80xf32, #tpu.memory_space<vmem>>, vector<1x16xf32>,
          %get3A_1540 = arith.index_cast %add3A_1403 : i32 to index
          %get3A_1541 = arith.constant 64 : index
          %get3A_1542 = tpu.vector_load %arg11[%get3A_1540, %get3A_1541] {strides = array<i32>} : memref<128x128xf32, #tpu.memory_space<vmem>>, vector<1x16xf32>,
          %get3A_1543 = vector.shape_cast %get3A_1542 : vector<1x16xf32> to vector<16xf32>
          %mul3A_1544 = vector.broadcast %squeeze3A_1405 : f32 to vector<16xf32>
          %mul3A_1545 = arith.mulf %get3A_1543, %mul3A_1544 : vector<16xf32>
          %get3A_1546 = arith.index_cast %add3A_1403 : i32 to index
          %get3A_1547 = arith.constant 64 : index
          %get3A_1548 = tpu.vector_load %arg12[%get3A_1546, %get3A_1547] {strides = array<i32>} : memref<128x128xf32, #tpu.memory_space<vmem>>, vector<1x16xf32>,
          %get3A_1549 = vector.shape_cast %get3A_1548 : vector<1x16xf32> to vector<16xf32>
          %mul3A_1550 = vector.broadcast %squeeze3A_1407 : f32 to vector<16xf32>
          %mul3A_1551 = arith.mulf %get3A_1549, %mul3A_1550 : vector<16xf32>
          %add3A_1552 = arith.addf %mul3A_1545, %mul3A_1551 : vector<16xf32>
          %get3A_1553 = arith.index_cast %add3A_1403 : i32 to index
          %get3A_1554 = arith.constant 64 : index
          %get3A_1555 = tpu.vector_load %arg13[%get3A_1553, %get3A_1554] {strides = array<i32>} : memref<128x128xf32, #tpu.memory_space<vmem>>, vector<1x16xf32>,
          %get3A_1556 = vector.shape_cast %get3A_1555 : vector<1x16xf32> to vector<16xf32>
          %mul3A_1557 = vector.broadcast %squeeze3A_1409 : f32 to vector<16xf32>
          %mul3A_1558 = arith.mulf %get3A_1556, %mul3A_1557 : vector<16xf32>
          %add3A_1559 = arith.addf %add3A_1552, %mul3A_1558 : vector<16xf32>
          %get3A_1560 = arith.index_cast %add3A_1403 : i32 to index
          %get3A_1561 = arith.constant 64 : index
          %get3A_1562 = tpu.vector_load %arg14[%get3A_1560, %get3A_1561] {strides = array<i32>} : memref<128x128xf32, #tpu.memory_space<vmem>>, vector<1x16xf32>,
          %get3A_1563 = vector.shape_cast %get3A_1562 : vector<1x16xf32> to vector<16xf32>
          %mul3A_1564 = vector.broadcast %squeeze3A_1411 : f32 to vector<16xf32>
          %mul3A_1565 = arith.mulf %get3A_1563, %mul3A_1564 : vector<16xf32>
          %add3A_1566 = arith.addf %add3A_1559, %mul3A_1565 : vector<16xf32>
          %swap3A_1567 = arith.index_cast %add3A_1403 : i32 to index
          %swap3A_1568 = arith.constant 64 : index
          %swap3A_1569 = tpu.vector_load %arg15[%swap3A_1567, %swap3A_1568] {strides = array<i32>} : memref<128x80xf32, #tpu.memory_space<vmem>>, vector<1x16xf32>,
          %swap3A_1570 = vector.shape_cast %swap3A_1569 : vector<1x16xf32> to vector<16xf32>
          %swap3A_1571 = vector.shape_cast %add3A_1566 : vector<16xf32> to vector<1x16xf32>
          tpu.vector_store %arg15[%swap3A_1567, %swap3A_1568], %swap3A_1571 {strides = array<i32>} : memref<128x80xf32, #tpu.memory_space<vmem>>, vector<1x16xf32>,
          %add3A_1572 = arith.constant 7 : i32
          %add3A_1573 = arith.addi %mul3A_358, %add3A_1572 : i32
          %slice3A_1574 = vector.extract_strided_slice %get3A_364 {offsets = [7], sizes = [1], strides = [1]} : vector<16xf32> to vector<1xf32>
          %squeeze3A_1575 = vector.extract %slice3A_1574[0] : f32 from vector<1xf32>
          %slice3A_1576 = vector.extract_strided_slice %get3A_370 {offsets = [7], sizes = [1], strides = [1]} : vector<16xf32> to vector<1xf32>
          %squeeze3A_1577 = vector.extract %slice3A_1576[0] : f32 from vector<1xf32>
          %slice3A_1578 = vector.extract_strided_slice %get3A_376 {offsets = [7], sizes = [1], strides = [1]} : vector<16xf32> to vector<1xf32>
          %squeeze3A_1579 = vector.extract %slice3A_1578[0] : f32 from vector<1xf32>
          %slice3A_1580 = vector.extract_strided_slice %get3A_382 {offsets = [7], sizes = [1], strides = [1]} : vector<16xf32> to vector<1xf32>
          %squeeze3A_1581 = vector.extract %slice3A_1580[0] : f32 from vector<1xf32>
          %get3A_1582 = arith.index_cast %add3A_1573 : i32 to index
          %get3A_1583 = arith.constant 0 : index
          %get3A_1584 = tpu.vector_load %arg11[%get3A_1582, %get3A_1583] {strides = array<i32>} : memref<128x128xf32, #tpu.memory_space<vmem>>, vector<1x16xf32>,
          %get3A_1585 = vector.shape_cast %get3A_1584 : vector<1x16xf32> to vector<16xf32>
          %mul3A_1586 = vector.broadcast %squeeze3A_1575 : f32 to vector<16xf32>
          %mul3A_1587 = arith.mulf %get3A_1585, %mul3A_1586 : vector<16xf32>
          %get3A_1588 = arith.index_cast %add3A_1573 : i32 to index
          %get3A_1589 = arith.constant 0 : index
          %get3A_1590 = tpu.vector_load %arg12[%get3A_1588, %get3A_1589] {strides = array<i32>} : memref<128x128xf32, #tpu.memory_space<vmem>>, vector<1x16xf32>,
          %get3A_1591 = vector.shape_cast %get3A_1590 : vector<1x16xf32> to vector<16xf32>
          %mul3A_1592 = vector.broadcast %squeeze3A_1577 : f32 to vector<16xf32>
          %mul3A_1593 = arith.mulf %get3A_1591, %mul3A_1592 : vector<16xf32>
          %add3A_1594 = arith.addf %mul3A_1587, %mul3A_1593 : vector<16xf32>
          %get3A_1595 = arith.index_cast %add3A_1573 : i32 to index
          %get3A_1596 = arith.constant 0 : index
          %get3A_1597 = tpu.vector_load %arg13[%get3A_1595, %get3A_1596] {strides = array<i32>} : memref<128x128xf32, #tpu.memory_space<vmem>>, vector<1x16xf32>,
          %get3A_1598 = vector.shape_cast %get3A_1597 : vector<1x16xf32> to vector<16xf32>
          %mul3A_1599 = vector.broadcast %squeeze3A_1579 : f32 to vector<16xf32>
          %mul3A_1600 = arith.mulf %get3A_1598, %mul3A_1599 : vector<16xf32>
          %add3A_1601 = arith.addf %add3A_1594, %mul3A_1600 : vector<16xf32>
          %get3A_1602 = arith.index_cast %add3A_1573 : i32 to index
          %get3A_1603 = arith.constant 0 : index
          %get3A_1604 = tpu.vector_load %arg14[%get3A_1602, %get3A_1603] {strides = array<i32>} : memref<128x128xf32, #tpu.memory_space<vmem>>, vector<1x16xf32>,
          %get3A_1605 = vector.shape_cast %get3A_1604 : vector<1x16xf32> to vector<16xf32>
          %mul3A_1606 = vector.broadcast %squeeze3A_1581 : f32 to vector<16xf32>
          %mul3A_1607 = arith.mulf %get3A_1605, %mul3A_1606 : vector<16xf32>
          %add3A_1608 = arith.addf %add3A_1601, %mul3A_1607 : vector<16xf32>
          %swap3A_1609 = arith.index_cast %add3A_1573 : i32 to index
          %swap3A_1610 = arith.constant 0 : index
          %swap3A_1611 = tpu.vector_load %arg15[%swap3A_1609, %swap3A_1610] {strides = array<i32>} : memref<128x80xf32, #tpu.memory_space<vmem>>, vector<1x16xf32>,
          %swap3A_1612 = vector.shape_cast %swap3A_1611 : vector<1x16xf32> to vector<16xf32>
          %swap3A_1613 = vector.shape_cast %add3A_1608 : vector<16xf32> to vector<1x16xf32>
          tpu.vector_store %arg15[%swap3A_1609, %swap3A_1610], %swap3A_1613 {strides = array<i32>} : memref<128x80xf32, #tpu.memory_space<vmem>>, vector<1x16xf32>,
          %get3A_1614 = arith.index_cast %add3A_1573 : i32 to index
          %get3A_1615 = arith.constant 16 : index
          %get3A_1616 = tpu.vector_load %arg11[%get3A_1614, %get3A_1615] {strides = array<i32>} : memref<128x128xf32, #tpu.memory_space<vmem>>, vector<1x16xf32>,
          %get3A_1617 = vector.shape_cast %get3A_1616 : vector<1x16xf32> to vector<16xf32>
          %mul3A_1618 = vector.broadcast %squeeze3A_1575 : f32 to vector<16xf32>
          %mul3A_1619 = arith.mulf %get3A_1617, %mul3A_1618 : vector<16xf32>
          %get3A_1620 = arith.index_cast %add3A_1573 : i32 to index
          %get3A_1621 = arith.constant 16 : index
          %get3A_1622 = tpu.vector_load %arg12[%get3A_1620, %get3A_1621] {strides = array<i32>} : memref<128x128xf32, #tpu.memory_space<vmem>>, vector<1x16xf32>,
          %get3A_1623 = vector.shape_cast %get3A_1622 : vector<1x16xf32> to vector<16xf32>
          %mul3A_1624 = vector.broadcast %squeeze3A_1577 : f32 to vector<16xf32>
          %mul3A_1625 = arith.mulf %get3A_1623, %mul3A_1624 : vector<16xf32>
          %add3A_1626 = arith.addf %mul3A_1619, %mul3A_1625 : vector<16xf32>
          %get3A_1627 = arith.index_cast %add3A_1573 : i32 to index
          %get3A_1628 = arith.constant 16 : index
          %get3A_1629 = tpu.vector_load %arg13[%get3A_1627, %get3A_1628] {strides = array<i32>} : memref<128x128xf32, #tpu.memory_space<vmem>>, vector<1x16xf32>,
          %get3A_1630 = vector.shape_cast %get3A_1629 : vector<1x16xf32> to vector<16xf32>
          %mul3A_1631 = vector.broadcast %squeeze3A_1579 : f32 to vector<16xf32>
          %mul3A_1632 = arith.mulf %get3A_1630, %mul3A_1631 : vector<16xf32>
          %add3A_1633 = arith.addf %add3A_1626, %mul3A_1632 : vector<16xf32>
          %get3A_1634 = arith.index_cast %add3A_1573 : i32 to index
          %get3A_1635 = arith.constant 16 : index
          %get3A_1636 = tpu.vector_load %arg14[%get3A_1634, %get3A_1635] {strides = array<i32>} : memref<128x128xf32, #tpu.memory_space<vmem>>, vector<1x16xf32>,
          %get3A_1637 = vector.shape_cast %get3A_1636 : vector<1x16xf32> to vector<16xf32>
          %mul3A_1638 = vector.broadcast %squeeze3A_1581 : f32 to vector<16xf32>
          %mul3A_1639 = arith.mulf %get3A_1637, %mul3A_1638 : vector<16xf32>
          %add3A_1640 = arith.addf %add3A_1633, %mul3A_1639 : vector<16xf32>
          %swap3A_1641 = arith.index_cast %add3A_1573 : i32 to index
          %swap3A_1642 = arith.constant 16 : index
          %swap3A_1643 = tpu.vector_load %arg15[%swap3A_1641, %swap3A_1642] {strides = array<i32>} : memref<128x80xf32, #tpu.memory_space<vmem>>, vector<1x16xf32>,
          %swap3A_1644 = vector.shape_cast %swap3A_1643 : vector<1x16xf32> to vector<16xf32>
          %swap3A_1645 = vector.shape_cast %add3A_1640 : vector<16xf32> to vector<1x16xf32>
          tpu.vector_store %arg15[%swap3A_1641, %swap3A_1642], %swap3A_1645 {strides = array<i32>} : memref<128x80xf32, #tpu.memory_space<vmem>>, vector<1x16xf32>,
          %get3A_1646 = arith.index_cast %add3A_1573 : i32 to index
          %get3A_1647 = arith.constant 32 : index
          %get3A_1648 = tpu.vector_load %arg11[%get3A_1646, %get3A_1647] {strides = array<i32>} : memref<128x128xf32, #tpu.memory_space<vmem>>, vector<1x16xf32>,
          %get3A_1649 = vector.shape_cast %get3A_1648 : vector<1x16xf32> to vector<16xf32>
          %mul3A_1650 = vector.broadcast %squeeze3A_1575 : f32 to vector<16xf32>
          %mul3A_1651 = arith.mulf %get3A_1649, %mul3A_1650 : vector<16xf32>
          %get3A_1652 = arith.index_cast %add3A_1573 : i32 to index
          %get3A_1653 = arith.constant 32 : index
          %get3A_1654 = tpu.vector_load %arg12[%get3A_1652, %get3A_1653] {strides = array<i32>} : memref<128x128xf32, #tpu.memory_space<vmem>>, vector<1x16xf32>,
          %get3A_1655 = vector.shape_cast %get3A_1654 : vector<1x16xf32> to vector<16xf32>
          %mul3A_1656 = vector.broadcast %squeeze3A_1577 : f32 to vector<16xf32>
          %mul3A_1657 = arith.mulf %get3A_1655, %mul3A_1656 : vector<16xf32>
          %add3A_1658 = arith.addf %mul3A_1651, %mul3A_1657 : vector<16xf32>
          %get3A_1659 = arith.index_cast %add3A_1573 : i32 to index
          %get3A_1660 = arith.constant 32 : index
          %get3A_1661 = tpu.vector_load %arg13[%get3A_1659, %get3A_1660] {strides = array<i32>} : memref<128x128xf32, #tpu.memory_space<vmem>>, vector<1x16xf32>,
          %get3A_1662 = vector.shape_cast %get3A_1661 : vector<1x16xf32> to vector<16xf32>
          %mul3A_1663 = vector.broadcast %squeeze3A_1579 : f32 to vector<16xf32>
          %mul3A_1664 = arith.mulf %get3A_1662, %mul3A_1663 : vector<16xf32>
          %add3A_1665 = arith.addf %add3A_1658, %mul3A_1664 : vector<16xf32>
          %get3A_1666 = arith.index_cast %add3A_1573 : i32 to index
          %get3A_1667 = arith.constant 32 : index
          %get3A_1668 = tpu.vector_load %arg14[%get3A_1666, %get3A_1667] {strides = array<i32>} : memref<128x128xf32, #tpu.memory_space<vmem>>, vector<1x16xf32>,
          %get3A_1669 = vector.shape_cast %get3A_1668 : vector<1x16xf32> to vector<16xf32>
          %mul3A_1670 = vector.broadcast %squeeze3A_1581 : f32 to vector<16xf32>
          %mul3A_1671 = arith.mulf %get3A_1669, %mul3A_1670 : vector<16xf32>
          %add3A_1672 = arith.addf %add3A_1665, %mul3A_1671 : vector<16xf32>
          %swap3A_1673 = arith.index_cast %add3A_1573 : i32 to index
          %swap3A_1674 = arith.constant 32 : index
          %swap3A_1675 = tpu.vector_load %arg15[%swap3A_1673, %swap3A_1674] {strides = array<i32>} : memref<128x80xf32, #tpu.memory_space<vmem>>, vector<1x16xf32>,
          %swap3A_1676 = vector.shape_cast %swap3A_1675 : vector<1x16xf32> to vector<16xf32>
          %swap3A_1677 = vector.shape_cast %add3A_1672 : vector<16xf32> to vector<1x16xf32>
          tpu.vector_store %arg15[%swap3A_1673, %swap3A_1674], %swap3A_1677 {strides = array<i32>} : memref<128x80xf32, #tpu.memory_space<vmem>>, vector<1x16xf32>,
          %get3A_1678 = arith.index_cast %add3A_1573 : i32 to index
          %get3A_1679 = arith.constant 48 : index
          %get3A_1680 = tpu.vector_load %arg11[%get3A_1678, %get3A_1679] {strides = array<i32>} : memref<128x128xf32, #tpu.memory_space<vmem>>, vector<1x16xf32>,
          %get3A_1681 = vector.shape_cast %get3A_1680 : vector<1x16xf32> to vector<16xf32>
          %mul3A_1682 = vector.broadcast %squeeze3A_1575 : f32 to vector<16xf32>
          %mul3A_1683 = arith.mulf %get3A_1681, %mul3A_1682 : vector<16xf32>
          %get3A_1684 = arith.index_cast %add3A_1573 : i32 to index
          %get3A_1685 = arith.constant 48 : index
          %get3A_1686 = tpu.vector_load %arg12[%get3A_1684, %get3A_1685] {strides = array<i32>} : memref<128x128xf32, #tpu.memory_space<vmem>>, vector<1x16xf32>,
          %get3A_1687 = vector.shape_cast %get3A_1686 : vector<1x16xf32> to vector<16xf32>
          %mul3A_1688 = vector.broadcast %squeeze3A_1577 : f32 to vector<16xf32>
          %mul3A_1689 = arith.mulf %get3A_1687, %mul3A_1688 : vector<16xf32>
          %add3A_1690 = arith.addf %mul3A_1683, %mul3A_1689 : vector<16xf32>
          %get3A_1691 = arith.index_cast %add3A_1573 : i32 to index
          %get3A_1692 = arith.constant 48 : index
          %get3A_1693 = tpu.vector_load %arg13[%get3A_1691, %get3A_1692] {strides = array<i32>} : memref<128x128xf32, #tpu.memory_space<vmem>>, vector<1x16xf32>,
          %get3A_1694 = vector.shape_cast %get3A_1693 : vector<1x16xf32> to vector<16xf32>
          %mul3A_1695 = vector.broadcast %squeeze3A_1579 : f32 to vector<16xf32>
          %mul3A_1696 = arith.mulf %get3A_1694, %mul3A_1695 : vector<16xf32>
          %add3A_1697 = arith.addf %add3A_1690, %mul3A_1696 : vector<16xf32>
          %get3A_1698 = arith.index_cast %add3A_1573 : i32 to index
          %get3A_1699 = arith.constant 48 : index
          %get3A_1700 = tpu.vector_load %arg14[%get3A_1698, %get3A_1699] {strides = array<i32>} : memref<128x128xf32, #tpu.memory_space<vmem>>, vector<1x16xf32>,
          %get3A_1701 = vector.shape_cast %get3A_1700 : vector<1x16xf32> to vector<16xf32>
          %mul3A_1702 = vector.broadcast %squeeze3A_1581 : f32 to vector<16xf32>
          %mul3A_1703 = arith.mulf %get3A_1701, %mul3A_1702 : vector<16xf32>
          %add3A_1704 = arith.addf %add3A_1697, %mul3A_1703 : vector<16xf32>
          %swap3A_1705 = arith.index_cast %add3A_1573 : i32 to index
          %swap3A_1706 = arith.constant 48 : index
          %swap3A_1707 = tpu.vector_load %arg15[%swap3A_1705, %swap3A_1706] {strides = array<i32>} : memref<128x80xf32, #tpu.memory_space<vmem>>, vector<1x16xf32>,
          %swap3A_1708 = vector.shape_cast %swap3A_1707 : vector<1x16xf32> to vector<16xf32>
          %swap3A_1709 = vector.shape_cast %add3A_1704 : vector<16xf32> to vector<1x16xf32>
          tpu.vector_store %arg15[%swap3A_1705, %swap3A_1706], %swap3A_1709 {strides = array<i32>} : memref<128x80xf32, #tpu.memory_space<vmem>>, vector<1x16xf32>,
          %get3A_1710 = arith.index_cast %add3A_1573 : i32 to index
          %get3A_1711 = arith.constant 64 : index
          %get3A_1712 = tpu.vector_load %arg11[%get3A_1710, %get3A_1711] {strides = array<i32>} : memref<128x128xf32, #tpu.memory_space<vmem>>, vector<1x16xf32>,
          %get3A_1713 = vector.shape_cast %get3A_1712 : vector<1x16xf32> to vector<16xf32>
          %mul3A_1714 = vector.broadcast %squeeze3A_1575 : f32 to vector<16xf32>
          %mul3A_1715 = arith.mulf %get3A_1713, %mul3A_1714 : vector<16xf32>
          %get3A_1716 = arith.index_cast %add3A_1573 : i32 to index
          %get3A_1717 = arith.constant 64 : index
          %get3A_1718 = tpu.vector_load %arg12[%get3A_1716, %get3A_1717] {strides = array<i32>} : memref<128x128xf32, #tpu.memory_space<vmem>>, vector<1x16xf32>,
          %get3A_1719 = vector.shape_cast %get3A_1718 : vector<1x16xf32> to vector<16xf32>
          %mul3A_1720 = vector.broadcast %squeeze3A_1577 : f32 to vector<16xf32>
          %mul3A_1721 = arith.mulf %get3A_1719, %mul3A_1720 : vector<16xf32>
          %add3A_1722 = arith.addf %mul3A_1715, %mul3A_1721 : vector<16xf32>
          %get3A_1723 = arith.index_cast %add3A_1573 : i32 to index
          %get3A_1724 = arith.constant 64 : index
          %get3A_1725 = tpu.vector_load %arg13[%get3A_1723, %get3A_1724] {strides = array<i32>} : memref<128x128xf32, #tpu.memory_space<vmem>>, vector<1x16xf32>,
          %get3A_1726 = vector.shape_cast %get3A_1725 : vector<1x16xf32> to vector<16xf32>
          %mul3A_1727 = vector.broadcast %squeeze3A_1579 : f32 to vector<16xf32>
          %mul3A_1728 = arith.mulf %get3A_1726, %mul3A_1727 : vector<16xf32>
          %add3A_1729 = arith.addf %add3A_1722, %mul3A_1728 : vector<16xf32>
          %get3A_1730 = arith.index_cast %add3A_1573 : i32 to index
          %get3A_1731 = arith.constant 64 : index
          %get3A_1732 = tpu.vector_load %arg14[%get3A_1730, %get3A_1731] {strides = array<i32>} : memref<128x128xf32, #tpu.memory_space<vmem>>, vector<1x16xf32>,
          %get3A_1733 = vector.shape_cast %get3A_1732 : vector<1x16xf32> to vector<16xf32>
          %mul3A_1734 = vector.broadcast %squeeze3A_1581 : f32 to vector<16xf32>
          %mul3A_1735 = arith.mulf %get3A_1733, %mul3A_1734 : vector<16xf32>
          %add3A_1736 = arith.addf %add3A_1729, %mul3A_1735 : vector<16xf32>
          %swap3A_1737 = arith.index_cast %add3A_1573 : i32 to index
          %swap3A_1738 = arith.constant 64 : index
          %swap3A_1739 = tpu.vector_load %arg15[%swap3A_1737, %swap3A_1738] {strides = array<i32>} : memref<128x80xf32, #tpu.memory_space<vmem>>, vector<1x16xf32>,
          %swap3A_1740 = vector.shape_cast %swap3A_1739 : vector<1x16xf32> to vector<16xf32>
          %swap3A_1741 = vector.shape_cast %add3A_1736 : vector<16xf32> to vector<1x16xf32>
          tpu.vector_store %arg15[%swap3A_1737, %swap3A_1738], %swap3A_1741 {strides = array<i32>} : memref<128x80xf32, #tpu.memory_space<vmem>>, vector<1x16xf32>,
          %add3A_1742 = arith.constant 8 : i32
          %add3A_1743 = arith.addi %mul3A_358, %add3A_1742 : i32
          %slice3A_1744 = vector.extract_strided_slice %get3A_364 {offsets = [8], sizes = [1], strides = [1]} : vector<16xf32> to vector<1xf32>
          %squeeze3A_1745 = vector.extract %slice3A_1744[0] : f32 from vector<1xf32>
          %slice3A_1746 = vector.extract_strided_slice %get3A_370 {offsets = [8], sizes = [1], strides = [1]} : vector<16xf32> to vector<1xf32>
          %squeeze3A_1747 = vector.extract %slice3A_1746[0] : f32 from vector<1xf32>
          %slice3A_1748 = vector.extract_strided_slice %get3A_376 {offsets = [8], sizes = [1], strides = [1]} : vector<16xf32> to vector<1xf32>
          %squeeze3A_1749 = vector.extract %slice3A_1748[0] : f32 from vector<1xf32>
          %slice3A_1750 = vector.extract_strided_slice %get3A_382 {offsets = [8], sizes = [1], strides = [1]} : vector<16xf32> to vector<1xf32>
          %squeeze3A_1751 = vector.extract %slice3A_1750[0] : f32 from vector<1xf32>
          %get3A_1752 = arith.index_cast %add3A_1743 : i32 to index
          %get3A_1753 = arith.constant 0 : index
          %get3A_1754 = tpu.vector_load %arg11[%get3A_1752, %get3A_1753] {strides = array<i32>} : memref<128x128xf32, #tpu.memory_space<vmem>>, vector<1x16xf32>,
          %get3A_1755 = vector.shape_cast %get3A_1754 : vector<1x16xf32> to vector<16xf32>
          %mul3A_1756 = vector.broadcast %squeeze3A_1745 : f32 to vector<16xf32>
          %mul3A_1757 = arith.mulf %get3A_1755, %mul3A_1756 : vector<16xf32>
          %get3A_1758 = arith.index_cast %add3A_1743 : i32 to index
          %get3A_1759 = arith.constant 0 : index
          %get3A_1760 = tpu.vector_load %arg12[%get3A_1758, %get3A_1759] {strides = array<i32>} : memref<128x128xf32, #tpu.memory_space<vmem>>, vector<1x16xf32>,
          %get3A_1761 = vector.shape_cast %get3A_1760 : vector<1x16xf32> to vector<16xf32>
          %mul3A_1762 = vector.broadcast %squeeze3A_1747 : f32 to vector<16xf32>
          %mul3A_1763 = arith.mulf %get3A_1761, %mul3A_1762 : vector<16xf32>
          %add3A_1764 = arith.addf %mul3A_1757, %mul3A_1763 : vector<16xf32>
          %get3A_1765 = arith.index_cast %add3A_1743 : i32 to index
          %get3A_1766 = arith.constant 0 : index
          %get3A_1767 = tpu.vector_load %arg13[%get3A_1765, %get3A_1766] {strides = array<i32>} : memref<128x128xf32, #tpu.memory_space<vmem>>, vector<1x16xf32>,
          %get3A_1768 = vector.shape_cast %get3A_1767 : vector<1x16xf32> to vector<16xf32>
          %mul3A_1769 = vector.broadcast %squeeze3A_1749 : f32 to vector<16xf32>
          %mul3A_1770 = arith.mulf %get3A_1768, %mul3A_1769 : vector<16xf32>
          %add3A_1771 = arith.addf %add3A_1764, %mul3A_1770 : vector<16xf32>
          %get3A_1772 = arith.index_cast %add3A_1743 : i32 to index
          %get3A_1773 = arith.constant 0 : index
          %get3A_1774 = tpu.vector_load %arg14[%get3A_1772, %get3A_1773] {strides = array<i32>} : memref<128x128xf32, #tpu.memory_space<vmem>>, vector<1x16xf32>,
          %get3A_1775 = vector.shape_cast %get3A_1774 : vector<1x16xf32> to vector<16xf32>
          %mul3A_1776 = vector.broadcast %squeeze3A_1751 : f32 to vector<16xf32>
          %mul3A_1777 = arith.mulf %get3A_1775, %mul3A_1776 : vector<16xf32>
          %add3A_1778 = arith.addf %add3A_1771, %mul3A_1777 : vector<16xf32>
          %swap3A_1779 = arith.index_cast %add3A_1743 : i32 to index
          %swap3A_1780 = arith.constant 0 : index
          %swap3A_1781 = tpu.vector_load %arg15[%swap3A_1779, %swap3A_1780] {strides = array<i32>} : memref<128x80xf32, #tpu.memory_space<vmem>>, vector<1x16xf32>,
          %swap3A_1782 = vector.shape_cast %swap3A_1781 : vector<1x16xf32> to vector<16xf32>
          %swap3A_1783 = vector.shape_cast %add3A_1778 : vector<16xf32> to vector<1x16xf32>
          tpu.vector_store %arg15[%swap3A_1779, %swap3A_1780], %swap3A_1783 {strides = array<i32>} : memref<128x80xf32, #tpu.memory_space<vmem>>, vector<1x16xf32>,
          %get3A_1784 = arith.index_cast %add3A_1743 : i32 to index
          %get3A_1785 = arith.constant 16 : index
          %get3A_1786 = tpu.vector_load %arg11[%get3A_1784, %get3A_1785] {strides = array<i32>} : memref<128x128xf32, #tpu.memory_space<vmem>>, vector<1x16xf32>,
          %get3A_1787 = vector.shape_cast %get3A_1786 : vector<1x16xf32> to vector<16xf32>
          %mul3A_1788 = vector.broadcast %squeeze3A_1745 : f32 to vector<16xf32>
          %mul3A_1789 = arith.mulf %get3A_1787, %mul3A_1788 : vector<16xf32>
          %get3A_1790 = arith.index_cast %add3A_1743 : i32 to index
          %get3A_1791 = arith.constant 16 : index
          %get3A_1792 = tpu.vector_load %arg12[%get3A_1790, %get3A_1791] {strides = array<i32>} : memref<128x128xf32, #tpu.memory_space<vmem>>, vector<1x16xf32>,
          %get3A_1793 = vector.shape_cast %get3A_1792 : vector<1x16xf32> to vector<16xf32>
          %mul3A_1794 = vector.broadcast %squeeze3A_1747 : f32 to vector<16xf32>
          %mul3A_1795 = arith.mulf %get3A_1793, %mul3A_1794 : vector<16xf32>
          %add3A_1796 = arith.addf %mul3A_1789, %mul3A_1795 : vector<16xf32>
          %get3A_1797 = arith.index_cast %add3A_1743 : i32 to index
          %get3A_1798 = arith.constant 16 : index
          %get3A_1799 = tpu.vector_load %arg13[%get3A_1797, %get3A_1798] {strides = array<i32>} : memref<128x128xf32, #tpu.memory_space<vmem>>, vector<1x16xf32>,
          %get3A_1800 = vector.shape_cast %get3A_1799 : vector<1x16xf32> to vector<16xf32>
          %mul3A_1801 = vector.broadcast %squeeze3A_1749 : f32 to vector<16xf32>
          %mul3A_1802 = arith.mulf %get3A_1800, %mul3A_1801 : vector<16xf32>
          %add3A_1803 = arith.addf %add3A_1796, %mul3A_1802 : vector<16xf32>
          %get3A_1804 = arith.index_cast %add3A_1743 : i32 to index
          %get3A_1805 = arith.constant 16 : index
          %get3A_1806 = tpu.vector_load %arg14[%get3A_1804, %get3A_1805] {strides = array<i32>} : memref<128x128xf32, #tpu.memory_space<vmem>>, vector<1x16xf32>,
          %get3A_1807 = vector.shape_cast %get3A_1806 : vector<1x16xf32> to vector<16xf32>
          %mul3A_1808 = vector.broadcast %squeeze3A_1751 : f32 to vector<16xf32>
          %mul3A_1809 = arith.mulf %get3A_1807, %mul3A_1808 : vector<16xf32>
          %add3A_1810 = arith.addf %add3A_1803, %mul3A_1809 : vector<16xf32>
          %swap3A_1811 = arith.index_cast %add3A_1743 : i32 to index
          %swap3A_1812 = arith.constant 16 : index
          %swap3A_1813 = tpu.vector_load %arg15[%swap3A_1811, %swap3A_1812] {strides = array<i32>} : memref<128x80xf32, #tpu.memory_space<vmem>>, vector<1x16xf32>,
          %swap3A_1814 = vector.shape_cast %swap3A_1813 : vector<1x16xf32> to vector<16xf32>
          %swap3A_1815 = vector.shape_cast %add3A_1810 : vector<16xf32> to vector<1x16xf32>
          tpu.vector_store %arg15[%swap3A_1811, %swap3A_1812], %swap3A_1815 {strides = array<i32>} : memref<128x80xf32, #tpu.memory_space<vmem>>, vector<1x16xf32>,
          %get3A_1816 = arith.index_cast %add3A_1743 : i32 to index
          %get3A_1817 = arith.constant 32 : index
          %get3A_1818 = tpu.vector_load %arg11[%get3A_1816, %get3A_1817] {strides = array<i32>} : memref<128x128xf32, #tpu.memory_space<vmem>>, vector<1x16xf32>,
          %get3A_1819 = vector.shape_cast %get3A_1818 : vector<1x16xf32> to vector<16xf32>
          %mul3A_1820 = vector.broadcast %squeeze3A_1745 : f32 to vector<16xf32>
          %mul3A_1821 = arith.mulf %get3A_1819, %mul3A_1820 : vector<16xf32>
          %get3A_1822 = arith.index_cast %add3A_1743 : i32 to index
          %get3A_1823 = arith.constant 32 : index
          %get3A_1824 = tpu.vector_load %arg12[%get3A_1822, %get3A_1823] {strides = array<i32>} : memref<128x128xf32, #tpu.memory_space<vmem>>, vector<1x16xf32>,
          %get3A_1825 = vector.shape_cast %get3A_1824 : vector<1x16xf32> to vector<16xf32>
          %mul3A_1826 = vector.broadcast %squeeze3A_1747 : f32 to vector<16xf32>
          %mul3A_1827 = arith.mulf %get3A_1825, %mul3A_1826 : vector<16xf32>
          %add3A_1828 = arith.addf %mul3A_1821, %mul3A_1827 : vector<16xf32>
          %get3A_1829 = arith.index_cast %add3A_1743 : i32 to index
          %get3A_1830 = arith.constant 32 : index
          %get3A_1831 = tpu.vector_load %arg13[%get3A_1829, %get3A_1830] {strides = array<i32>} : memref<128x128xf32, #tpu.memory_space<vmem>>, vector<1x16xf32>,
          %get3A_1832 = vector.shape_cast %get3A_1831 : vector<1x16xf32> to vector<16xf32>
          %mul3A_1833 = vector.broadcast %squeeze3A_1749 : f32 to vector<16xf32>
          %mul3A_1834 = arith.mulf %get3A_1832, %mul3A_1833 : vector<16xf32>
          %add3A_1835 = arith.addf %add3A_1828, %mul3A_1834 : vector<16xf32>
          %get3A_1836 = arith.index_cast %add3A_1743 : i32 to index
          %get3A_1837 = arith.constant 32 : index
          %get3A_1838 = tpu.vector_load %arg14[%get3A_1836, %get3A_1837] {strides = array<i32>} : memref<128x128xf32, #tpu.memory_space<vmem>>, vector<1x16xf32>,
          %get3A_1839 = vector.shape_cast %get3A_1838 : vector<1x16xf32> to vector<16xf32>
          %mul3A_1840 = vector.broadcast %squeeze3A_1751 : f32 to vector<16xf32>
          %mul3A_1841 = arith.mulf %get3A_1839, %mul3A_1840 : vector<16xf32>
          %add3A_1842 = arith.addf %add3A_1835, %mul3A_1841 : vector<16xf32>
          %swap3A_1843 = arith.index_cast %add3A_1743 : i32 to index
          %swap3A_1844 = arith.constant 32 : index
          %swap3A_1845 = tpu.vector_load %arg15[%swap3A_1843, %swap3A_1844] {strides = array<i32>} : memref<128x80xf32, #tpu.memory_space<vmem>>, vector<1x16xf32>,
          %swap3A_1846 = vector.shape_cast %swap3A_1845 : vector<1x16xf32> to vector<16xf32>
          %swap3A_1847 = vector.shape_cast %add3A_1842 : vector<16xf32> to vector<1x16xf32>
          tpu.vector_store %arg15[%swap3A_1843, %swap3A_1844], %swap3A_1847 {strides = array<i32>} : memref<128x80xf32, #tpu.memory_space<vmem>>, vector<1x16xf32>,
          %get3A_1848 = arith.index_cast %add3A_1743 : i32 to index
          %get3A_1849 = arith.constant 48 : index
          %get3A_1850 = tpu.vector_load %arg11[%get3A_1848, %get3A_1849] {strides = array<i32>} : memref<128x128xf32, #tpu.memory_space<vmem>>, vector<1x16xf32>,
          %get3A_1851 = vector.shape_cast %get3A_1850 : vector<1x16xf32> to vector<16xf32>
          %mul3A_1852 = vector.broadcast %squeeze3A_1745 : f32 to vector<16xf32>
          %mul3A_1853 = arith.mulf %get3A_1851, %mul3A_1852 : vector<16xf32>
          %get3A_1854 = arith.index_cast %add3A_1743 : i32 to index
          %get3A_1855 = arith.constant 48 : index
          %get3A_1856 = tpu.vector_load %arg12[%get3A_1854, %get3A_1855] {strides = array<i32>} : memref<128x128xf32, #tpu.memory_space<vmem>>, vector<1x16xf32>,
          %get3A_1857 = vector.shape_cast %get3A_1856 : vector<1x16xf32> to vector<16xf32>
          %mul3A_1858 = vector.broadcast %squeeze3A_1747 : f32 to vector<16xf32>
          %mul3A_1859 = arith.mulf %get3A_1857, %mul3A_1858 : vector<16xf32>
          %add3A_1860 = arith.addf %mul3A_1853, %mul3A_1859 : vector<16xf32>
          %get3A_1861 = arith.index_cast %add3A_1743 : i32 to index
          %get3A_1862 = arith.constant 48 : index
          %get3A_1863 = tpu.vector_load %arg13[%get3A_1861, %get3A_1862] {strides = array<i32>} : memref<128x128xf32, #tpu.memory_space<vmem>>, vector<1x16xf32>,
          %get3A_1864 = vector.shape_cast %get3A_1863 : vector<1x16xf32> to vector<16xf32>
          %mul3A_1865 = vector.broadcast %squeeze3A_1749 : f32 to vector<16xf32>
          %mul3A_1866 = arith.mulf %get3A_1864, %mul3A_1865 : vector<16xf32>
          %add3A_1867 = arith.addf %add3A_1860, %mul3A_1866 : vector<16xf32>
          %get3A_1868 = arith.index_cast %add3A_1743 : i32 to index
          %get3A_1869 = arith.constant 48 : index
          %get3A_1870 = tpu.vector_load %arg14[%get3A_1868, %get3A_1869] {strides = array<i32>} : memref<128x128xf32, #tpu.memory_space<vmem>>, vector<1x16xf32>,
          %get3A_1871 = vector.shape_cast %get3A_1870 : vector<1x16xf32> to vector<16xf32>
          %mul3A_1872 = vector.broadcast %squeeze3A_1751 : f32 to vector<16xf32>
          %mul3A_1873 = arith.mulf %get3A_1871, %mul3A_1872 : vector<16xf32>
          %add3A_1874 = arith.addf %add3A_1867, %mul3A_1873 : vector<16xf32>
          %swap3A_1875 = arith.index_cast %add3A_1743 : i32 to index
          %swap3A_1876 = arith.constant 48 : index
          %swap3A_1877 = tpu.vector_load %arg15[%swap3A_1875, %swap3A_1876] {strides = array<i32>} : memref<128x80xf32, #tpu.memory_space<vmem>>, vector<1x16xf32>,
          %swap3A_1878 = vector.shape_cast %swap3A_1877 : vector<1x16xf32> to vector<16xf32>
          %swap3A_1879 = vector.shape_cast %add3A_1874 : vector<16xf32> to vector<1x16xf32>
          tpu.vector_store %arg15[%swap3A_1875, %swap3A_1876], %swap3A_1879 {strides = array<i32>} : memref<128x80xf32, #tpu.memory_space<vmem>>, vector<1x16xf32>,
          %get3A_1880 = arith.index_cast %add3A_1743 : i32 to index
          %get3A_1881 = arith.constant 64 : index
          %get3A_1882 = tpu.vector_load %arg11[%get3A_1880, %get3A_1881] {strides = array<i32>} : memref<128x128xf32, #tpu.memory_space<vmem>>, vector<1x16xf32>,
          %get3A_1883 = vector.shape_cast %get3A_1882 : vector<1x16xf32> to vector<16xf32>
          %mul3A_1884 = vector.broadcast %squeeze3A_1745 : f32 to vector<16xf32>
          %mul3A_1885 = arith.mulf %get3A_1883, %mul3A_1884 : vector<16xf32>
          %get3A_1886 = arith.index_cast %add3A_1743 : i32 to index
          %get3A_1887 = arith.constant 64 : index
          %get3A_1888 = tpu.vector_load %arg12[%get3A_1886, %get3A_1887] {strides = array<i32>} : memref<128x128xf32, #tpu.memory_space<vmem>>, vector<1x16xf32>,
          %get3A_1889 = vector.shape_cast %get3A_1888 : vector<1x16xf32> to vector<16xf32>
          %mul3A_1890 = vector.broadcast %squeeze3A_1747 : f32 to vector<16xf32>
          %mul3A_1891 = arith.mulf %get3A_1889, %mul3A_1890 : vector<16xf32>
          %add3A_1892 = arith.addf %mul3A_1885, %mul3A_1891 : vector<16xf32>
          %get3A_1893 = arith.index_cast %add3A_1743 : i32 to index
          %get3A_1894 = arith.constant 64 : index
          %get3A_1895 = tpu.vector_load %arg13[%get3A_1893, %get3A_1894] {strides = array<i32>} : memref<128x128xf32, #tpu.memory_space<vmem>>, vector<1x16xf32>,
          %get3A_1896 = vector.shape_cast %get3A_1895 : vector<1x16xf32> to vector<16xf32>
          %mul3A_1897 = vector.broadcast %squeeze3A_1749 : f32 to vector<16xf32>
          %mul3A_1898 = arith.mulf %get3A_1896, %mul3A_1897 : vector<16xf32>
          %add3A_1899 = arith.addf %add3A_1892, %mul3A_1898 : vector<16xf32>
          %get3A_1900 = arith.index_cast %add3A_1743 : i32 to index
          %get3A_1901 = arith.constant 64 : index
          %get3A_1902 = tpu.vector_load %arg14[%get3A_1900, %get3A_1901] {strides = array<i32>} : memref<128x128xf32, #tpu.memory_space<vmem>>, vector<1x16xf32>,
          %get3A_1903 = vector.shape_cast %get3A_1902 : vector<1x16xf32> to vector<16xf32>
          %mul3A_1904 = vector.broadcast %squeeze3A_1751 : f32 to vector<16xf32>
          %mul3A_1905 = arith.mulf %get3A_1903, %mul3A_1904 : vector<16xf32>
          %add3A_1906 = arith.addf %add3A_1899, %mul3A_1905 : vector<16xf32>
          %swap3A_1907 = arith.index_cast %add3A_1743 : i32 to index
          %swap3A_1908 = arith.constant 64 : index
          %swap3A_1909 = tpu.vector_load %arg15[%swap3A_1907, %swap3A_1908] {strides = array<i32>} : memref<128x80xf32, #tpu.memory_space<vmem>>, vector<1x16xf32>,
          %swap3A_1910 = vector.shape_cast %swap3A_1909 : vector<1x16xf32> to vector<16xf32>
          %swap3A_1911 = vector.shape_cast %add3A_1906 : vector<16xf32> to vector<1x16xf32>
          tpu.vector_store %arg15[%swap3A_1907, %swap3A_1908], %swap3A_1911 {strides = array<i32>} : memref<128x80xf32, #tpu.memory_space<vmem>>, vector<1x16xf32>,
          %add3A_1912 = arith.constant 9 : i32
          %add3A_1913 = arith.addi %mul3A_358, %add3A_1912 : i32
          %slice3A_1914 = vector.extract_strided_slice %get3A_364 {offsets = [9], sizes = [1], strides = [1]} : vector<16xf32> to vector<1xf32>
          %squeeze3A_1915 = vector.extract %slice3A_1914[0] : f32 from vector<1xf32>
          %slice3A_1916 = vector.extract_strided_slice %get3A_370 {offsets = [9], sizes = [1], strides = [1]} : vector<16xf32> to vector<1xf32>
          %squeeze3A_1917 = vector.extract %slice3A_1916[0] : f32 from vector<1xf32>
          %slice3A_1918 = vector.extract_strided_slice %get3A_376 {offsets = [9], sizes = [1], strides = [1]} : vector<16xf32> to vector<1xf32>
          %squeeze3A_1919 = vector.extract %slice3A_1918[0] : f32 from vector<1xf32>
          %slice3A_1920 = vector.extract_strided_slice %get3A_382 {offsets = [9], sizes = [1], strides = [1]} : vector<16xf32> to vector<1xf32>
          %squeeze3A_1921 = vector.extract %slice3A_1920[0] : f32 from vector<1xf32>
          %get3A_1922 = arith.index_cast %add3A_1913 : i32 to index
          %get3A_1923 = arith.constant 0 : index
          %get3A_1924 = tpu.vector_load %arg11[%get3A_1922, %get3A_1923] {strides = array<i32>} : memref<128x128xf32, #tpu.memory_space<vmem>>, vector<1x16xf32>,
          %get3A_1925 = vector.shape_cast %get3A_1924 : vector<1x16xf32> to vector<16xf32>
          %mul3A_1926 = vector.broadcast %squeeze3A_1915 : f32 to vector<16xf32>
          %mul3A_1927 = arith.mulf %get3A_1925, %mul3A_1926 : vector<16xf32>
          %get3A_1928 = arith.index_cast %add3A_1913 : i32 to index
          %get3A_1929 = arith.constant 0 : index
          %get3A_1930 = tpu.vector_load %arg12[%get3A_1928, %get3A_1929] {strides = array<i32>} : memref<128x128xf32, #tpu.memory_space<vmem>>, vector<1x16xf32>,
          %get3A_1931 = vector.shape_cast %get3A_1930 : vector<1x16xf32> to vector<16xf32>
          %mul3A_1932 = vector.broadcast %squeeze3A_1917 : f32 to vector<16xf32>
          %mul3A_1933 = arith.mulf %get3A_1931, %mul3A_1932 : vector<16xf32>
          %add3A_1934 = arith.addf %mul3A_1927, %mul3A_1933 : vector<16xf32>
          %get3A_1935 = arith.index_cast %add3A_1913 : i32 to index
          %get3A_1936 = arith.constant 0 : index
          %get3A_1937 = tpu.vector_load %arg13[%get3A_1935, %get3A_1936] {strides = array<i32>} : memref<128x128xf32, #tpu.memory_space<vmem>>, vector<1x16xf32>,
          %get3A_1938 = vector.shape_cast %get3A_1937 : vector<1x16xf32> to vector<16xf32>
          %mul3A_1939 = vector.broadcast %squeeze3A_1919 : f32 to vector<16xf32>
          %mul3A_1940 = arith.mulf %get3A_1938, %mul3A_1939 : vector<16xf32>
          %add3A_1941 = arith.addf %add3A_1934, %mul3A_1940 : vector<16xf32>
          %get3A_1942 = arith.index_cast %add3A_1913 : i32 to index
          %get3A_1943 = arith.constant 0 : index
          %get3A_1944 = tpu.vector_load %arg14[%get3A_1942, %get3A_1943] {strides = array<i32>} : memref<128x128xf32, #tpu.memory_space<vmem>>, vector<1x16xf32>,
          %get3A_1945 = vector.shape_cast %get3A_1944 : vector<1x16xf32> to vector<16xf32>
          %mul3A_1946 = vector.broadcast %squeeze3A_1921 : f32 to vector<16xf32>
          %mul3A_1947 = arith.mulf %get3A_1945, %mul3A_1946 : vector<16xf32>
          %add3A_1948 = arith.addf %add3A_1941, %mul3A_1947 : vector<16xf32>
          %swap3A_1949 = arith.index_cast %add3A_1913 : i32 to index
          %swap3A_1950 = arith.constant 0 : index
          %swap3A_1951 = tpu.vector_load %arg15[%swap3A_1949, %swap3A_1950] {strides = array<i32>} : memref<128x80xf32, #tpu.memory_space<vmem>>, vector<1x16xf32>,
          %swap3A_1952 = vector.shape_cast %swap3A_1951 : vector<1x16xf32> to vector<16xf32>
          %swap3A_1953 = vector.shape_cast %add3A_1948 : vector<16xf32> to vector<1x16xf32>
          tpu.vector_store %arg15[%swap3A_1949, %swap3A_1950], %swap3A_1953 {strides = array<i32>} : memref<128x80xf32, #tpu.memory_space<vmem>>, vector<1x16xf32>,
          %get3A_1954 = arith.index_cast %add3A_1913 : i32 to index
          %get3A_1955 = arith.constant 16 : index
          %get3A_1956 = tpu.vector_load %arg11[%get3A_1954, %get3A_1955] {strides = array<i32>} : memref<128x128xf32, #tpu.memory_space<vmem>>, vector<1x16xf32>,
          %get3A_1957 = vector.shape_cast %get3A_1956 : vector<1x16xf32> to vector<16xf32>
          %mul3A_1958 = vector.broadcast %squeeze3A_1915 : f32 to vector<16xf32>
          %mul3A_1959 = arith.mulf %get3A_1957, %mul3A_1958 : vector<16xf32>
          %get3A_1960 = arith.index_cast %add3A_1913 : i32 to index
          %get3A_1961 = arith.constant 16 : index
          %get3A_1962 = tpu.vector_load %arg12[%get3A_1960, %get3A_1961] {strides = array<i32>} : memref<128x128xf32, #tpu.memory_space<vmem>>, vector<1x16xf32>,
          %get3A_1963 = vector.shape_cast %get3A_1962 : vector<1x16xf32> to vector<16xf32>
          %mul3A_1964 = vector.broadcast %squeeze3A_1917 : f32 to vector<16xf32>
          %mul3A_1965 = arith.mulf %get3A_1963, %mul3A_1964 : vector<16xf32>
          %add3A_1966 = arith.addf %mul3A_1959, %mul3A_1965 : vector<16xf32>
          %get3A_1967 = arith.index_cast %add3A_1913 : i32 to index
          %get3A_1968 = arith.constant 16 : index
          %get3A_1969 = tpu.vector_load %arg13[%get3A_1967, %get3A_1968] {strides = array<i32>} : memref<128x128xf32, #tpu.memory_space<vmem>>, vector<1x16xf32>,
          %get3A_1970 = vector.shape_cast %get3A_1969 : vector<1x16xf32> to vector<16xf32>
          %mul3A_1971 = vector.broadcast %squeeze3A_1919 : f32 to vector<16xf32>
          %mul3A_1972 = arith.mulf %get3A_1970, %mul3A_1971 : vector<16xf32>
          %add3A_1973 = arith.addf %add3A_1966, %mul3A_1972 : vector<16xf32>
          %get3A_1974 = arith.index_cast %add3A_1913 : i32 to index
          %get3A_1975 = arith.constant 16 : index
          %get3A_1976 = tpu.vector_load %arg14[%get3A_1974, %get3A_1975] {strides = array<i32>} : memref<128x128xf32, #tpu.memory_space<vmem>>, vector<1x16xf32>,
          %get3A_1977 = vector.shape_cast %get3A_1976 : vector<1x16xf32> to vector<16xf32>
          %mul3A_1978 = vector.broadcast %squeeze3A_1921 : f32 to vector<16xf32>
          %mul3A_1979 = arith.mulf %get3A_1977, %mul3A_1978 : vector<16xf32>
          %add3A_1980 = arith.addf %add3A_1973, %mul3A_1979 : vector<16xf32>
          %swap3A_1981 = arith.index_cast %add3A_1913 : i32 to index
          %swap3A_1982 = arith.constant 16 : index
          %swap3A_1983 = tpu.vector_load %arg15[%swap3A_1981, %swap3A_1982] {strides = array<i32>} : memref<128x80xf32, #tpu.memory_space<vmem>>, vector<1x16xf32>,
          %swap3A_1984 = vector.shape_cast %swap3A_1983 : vector<1x16xf32> to vector<16xf32>
          %swap3A_1985 = vector.shape_cast %add3A_1980 : vector<16xf32> to vector<1x16xf32>
          tpu.vector_store %arg15[%swap3A_1981, %swap3A_1982], %swap3A_1985 {strides = array<i32>} : memref<128x80xf32, #tpu.memory_space<vmem>>, vector<1x16xf32>,
          %get3A_1986 = arith.index_cast %add3A_1913 : i32 to index
          %get3A_1987 = arith.constant 32 : index
          %get3A_1988 = tpu.vector_load %arg11[%get3A_1986, %get3A_1987] {strides = array<i32>} : memref<128x128xf32, #tpu.memory_space<vmem>>, vector<1x16xf32>,
          %get3A_1989 = vector.shape_cast %get3A_1988 : vector<1x16xf32> to vector<16xf32>
          %mul3A_1990 = vector.broadcast %squeeze3A_1915 : f32 to vector<16xf32>
          %mul3A_1991 = arith.mulf %get3A_1989, %mul3A_1990 : vector<16xf32>
          %get3A_1992 = arith.index_cast %add3A_1913 : i32 to index
          %get3A_1993 = arith.constant 32 : index
          %get3A_1994 = tpu.vector_load %arg12[%get3A_1992, %get3A_1993] {strides = array<i32>} : memref<128x128xf32, #tpu.memory_space<vmem>>, vector<1x16xf32>,
          %get3A_1995 = vector.shape_cast %get3A_1994 : vector<1x16xf32> to vector<16xf32>
          %mul3A_1996 = vector.broadcast %squeeze3A_1917 : f32 to vector<16xf32>
          %mul3A_1997 = arith.mulf %get3A_1995, %mul3A_1996 : vector<16xf32>
          %add3A_1998 = arith.addf %mul3A_1991, %mul3A_1997 : vector<16xf32>
          %get3A_1999 = arith.index_cast %add3A_1913 : i32 to index
          %get3A_2000 = arith.constant 32 : index
          %get3A_2001 = tpu.vector_load %arg13[%get3A_1999, %get3A_2000] {strides = array<i32>} : memref<128x128xf32, #tpu.memory_space<vmem>>, vector<1x16xf32>,
          %get3A_2002 = vector.shape_cast %get3A_2001 : vector<1x16xf32> to vector<16xf32>
          %mul3A_2003 = vector.broadcast %squeeze3A_1919 : f32 to vector<16xf32>
          %mul3A_2004 = arith.mulf %get3A_2002, %mul3A_2003 : vector<16xf32>
          %add3A_2005 = arith.addf %add3A_1998, %mul3A_2004 : vector<16xf32>
          %get3A_2006 = arith.index_cast %add3A_1913 : i32 to index
          %get3A_2007 = arith.constant 32 : index
          %get3A_2008 = tpu.vector_load %arg14[%get3A_2006, %get3A_2007] {strides = array<i32>} : memref<128x128xf32, #tpu.memory_space<vmem>>, vector<1x16xf32>,
          %get3A_2009 = vector.shape_cast %get3A_2008 : vector<1x16xf32> to vector<16xf32>
          %mul3A_2010 = vector.broadcast %squeeze3A_1921 : f32 to vector<16xf32>
          %mul3A_2011 = arith.mulf %get3A_2009, %mul3A_2010 : vector<16xf32>
          %add3A_2012 = arith.addf %add3A_2005, %mul3A_2011 : vector<16xf32>
          %swap3A_2013 = arith.index_cast %add3A_1913 : i32 to index
          %swap3A_2014 = arith.constant 32 : index
          %swap3A_2015 = tpu.vector_load %arg15[%swap3A_2013, %swap3A_2014] {strides = array<i32>} : memref<128x80xf32, #tpu.memory_space<vmem>>, vector<1x16xf32>,
          %swap3A_2016 = vector.shape_cast %swap3A_2015 : vector<1x16xf32> to vector<16xf32>
          %swap3A_2017 = vector.shape_cast %add3A_2012 : vector<16xf32> to vector<1x16xf32>
          tpu.vector_store %arg15[%swap3A_2013, %swap3A_2014], %swap3A_2017 {strides = array<i32>} : memref<128x80xf32, #tpu.memory_space<vmem>>, vector<1x16xf32>,
          %get3A_2018 = arith.index_cast %add3A_1913 : i32 to index
          %get3A_2019 = arith.constant 48 : index
          %get3A_2020 = tpu.vector_load %arg11[%get3A_2018, %get3A_2019] {strides = array<i32>} : memref<128x128xf32, #tpu.memory_space<vmem>>, vector<1x16xf32>,
          %get3A_2021 = vector.shape_cast %get3A_2020 : vector<1x16xf32> to vector<16xf32>
          %mul3A_2022 = vector.broadcast %squeeze3A_1915 : f32 to vector<16xf32>
          %mul3A_2023 = arith.mulf %get3A_2021, %mul3A_2022 : vector<16xf32>
          %get3A_2024 = arith.index_cast %add3A_1913 : i32 to index
          %get3A_2025 = arith.constant 48 : index
          %get3A_2026 = tpu.vector_load %arg12[%get3A_2024, %get3A_2025] {strides = array<i32>} : memref<128x128xf32, #tpu.memory_space<vmem>>, vector<1x16xf32>,
          %get3A_2027 = vector.shape_cast %get3A_2026 : vector<1x16xf32> to vector<16xf32>
          %mul3A_2028 = vector.broadcast %squeeze3A_1917 : f32 to vector<16xf32>
          %mul3A_2029 = arith.mulf %get3A_2027, %mul3A_2028 : vector<16xf32>
          %add3A_2030 = arith.addf %mul3A_2023, %mul3A_2029 : vector<16xf32>
          %get3A_2031 = arith.index_cast %add3A_1913 : i32 to index
          %get3A_2032 = arith.constant 48 : index
          %get3A_2033 = tpu.vector_load %arg13[%get3A_2031, %get3A_2032] {strides = array<i32>} : memref<128x128xf32, #tpu.memory_space<vmem>>, vector<1x16xf32>,
          %get3A_2034 = vector.shape_cast %get3A_2033 : vector<1x16xf32> to vector<16xf32>
          %mul3A_2035 = vector.broadcast %squeeze3A_1919 : f32 to vector<16xf32>
          %mul3A_2036 = arith.mulf %get3A_2034, %mul3A_2035 : vector<16xf32>
          %add3A_2037 = arith.addf %add3A_2030, %mul3A_2036 : vector<16xf32>
          %get3A_2038 = arith.index_cast %add3A_1913 : i32 to index
          %get3A_2039 = arith.constant 48 : index
          %get3A_2040 = tpu.vector_load %arg14[%get3A_2038, %get3A_2039] {strides = array<i32>} : memref<128x128xf32, #tpu.memory_space<vmem>>, vector<1x16xf32>,
          %get3A_2041 = vector.shape_cast %get3A_2040 : vector<1x16xf32> to vector<16xf32>
          %mul3A_2042 = vector.broadcast %squeeze3A_1921 : f32 to vector<16xf32>
          %mul3A_2043 = arith.mulf %get3A_2041, %mul3A_2042 : vector<16xf32>
          %add3A_2044 = arith.addf %add3A_2037, %mul3A_2043 : vector<16xf32>
          %swap3A_2045 = arith.index_cast %add3A_1913 : i32 to index
          %swap3A_2046 = arith.constant 48 : index
          %swap3A_2047 = tpu.vector_load %arg15[%swap3A_2045, %swap3A_2046] {strides = array<i32>} : memref<128x80xf32, #tpu.memory_space<vmem>>, vector<1x16xf32>,
          %swap3A_2048 = vector.shape_cast %swap3A_2047 : vector<1x16xf32> to vector<16xf32>
          %swap3A_2049 = vector.shape_cast %add3A_2044 : vector<16xf32> to vector<1x16xf32>
          tpu.vector_store %arg15[%swap3A_2045, %swap3A_2046], %swap3A_2049 {strides = array<i32>} : memref<128x80xf32, #tpu.memory_space<vmem>>, vector<1x16xf32>,
          %get3A_2050 = arith.index_cast %add3A_1913 : i32 to index
          %get3A_2051 = arith.constant 64 : index
          %get3A_2052 = tpu.vector_load %arg11[%get3A_2050, %get3A_2051] {strides = array<i32>} : memref<128x128xf32, #tpu.memory_space<vmem>>, vector<1x16xf32>,
          %get3A_2053 = vector.shape_cast %get3A_2052 : vector<1x16xf32> to vector<16xf32>
          %mul3A_2054 = vector.broadcast %squeeze3A_1915 : f32 to vector<16xf32>
          %mul3A_2055 = arith.mulf %get3A_2053, %mul3A_2054 : vector<16xf32>
          %get3A_2056 = arith.index_cast %add3A_1913 : i32 to index
          %get3A_2057 = arith.constant 64 : index
          %get3A_2058 = tpu.vector_load %arg12[%get3A_2056, %get3A_2057] {strides = array<i32>} : memref<128x128xf32, #tpu.memory_space<vmem>>, vector<1x16xf32>,
          %get3A_2059 = vector.shape_cast %get3A_2058 : vector<1x16xf32> to vector<16xf32>
          %mul3A_2060 = vector.broadcast %squeeze3A_1917 : f32 to vector<16xf32>
          %mul3A_2061 = arith.mulf %get3A_2059, %mul3A_2060 : vector<16xf32>
          %add3A_2062 = arith.addf %mul3A_2055, %mul3A_2061 : vector<16xf32>
          %get3A_2063 = arith.index_cast %add3A_1913 : i32 to index
          %get3A_2064 = arith.constant 64 : index
          %get3A_2065 = tpu.vector_load %arg13[%get3A_2063, %get3A_2064] {strides = array<i32>} : memref<128x128xf32, #tpu.memory_space<vmem>>, vector<1x16xf32>,
          %get3A_2066 = vector.shape_cast %get3A_2065 : vector<1x16xf32> to vector<16xf32>
          %mul3A_2067 = vector.broadcast %squeeze3A_1919 : f32 to vector<16xf32>
          %mul3A_2068 = arith.mulf %get3A_2066, %mul3A_2067 : vector<16xf32>
          %add3A_2069 = arith.addf %add3A_2062, %mul3A_2068 : vector<16xf32>
          %get3A_2070 = arith.index_cast %add3A_1913 : i32 to index
          %get3A_2071 = arith.constant 64 : index
          %get3A_2072 = tpu.vector_load %arg14[%get3A_2070, %get3A_2071] {strides = array<i32>} : memref<128x128xf32, #tpu.memory_space<vmem>>, vector<1x16xf32>,
          %get3A_2073 = vector.shape_cast %get3A_2072 : vector<1x16xf32> to vector<16xf32>
          %mul3A_2074 = vector.broadcast %squeeze3A_1921 : f32 to vector<16xf32>
          %mul3A_2075 = arith.mulf %get3A_2073, %mul3A_2074 : vector<16xf32>
          %add3A_2076 = arith.addf %add3A_2069, %mul3A_2075 : vector<16xf32>
          %swap3A_2077 = arith.index_cast %add3A_1913 : i32 to index
          %swap3A_2078 = arith.constant 64 : index
          %swap3A_2079 = tpu.vector_load %arg15[%swap3A_2077, %swap3A_2078] {strides = array<i32>} : memref<128x80xf32, #tpu.memory_space<vmem>>, vector<1x16xf32>,
          %swap3A_2080 = vector.shape_cast %swap3A_2079 : vector<1x16xf32> to vector<16xf32>
          %swap3A_2081 = vector.shape_cast %add3A_2076 : vector<16xf32> to vector<1x16xf32>
          tpu.vector_store %arg15[%swap3A_2077, %swap3A_2078], %swap3A_2081 {strides = array<i32>} : memref<128x80xf32, #tpu.memory_space<vmem>>, vector<1x16xf32>,
          %add3A_2082 = arith.constant 10 : i32
          %add3A_2083 = arith.addi %mul3A_358, %add3A_2082 : i32
          %slice3A_2084 = vector.extract_strided_slice %get3A_364 {offsets = [10], sizes = [1], strides = [1]} : vector<16xf32> to vector<1xf32>
          %squeeze3A_2085 = vector.extract %slice3A_2084[0] : f32 from vector<1xf32>
          %slice3A_2086 = vector.extract_strided_slice %get3A_370 {offsets = [10], sizes = [1], strides = [1]} : vector<16xf32> to vector<1xf32>
          %squeeze3A_2087 = vector.extract %slice3A_2086[0] : f32 from vector<1xf32>
          %slice3A_2088 = vector.extract_strided_slice %get3A_376 {offsets = [10], sizes = [1], strides = [1]} : vector<16xf32> to vector<1xf32>
          %squeeze3A_2089 = vector.extract %slice3A_2088[0] : f32 from vector<1xf32>
          %slice3A_2090 = vector.extract_strided_slice %get3A_382 {offsets = [10], sizes = [1], strides = [1]} : vector<16xf32> to vector<1xf32>
          %squeeze3A_2091 = vector.extract %slice3A_2090[0] : f32 from vector<1xf32>
          %get3A_2092 = arith.index_cast %add3A_2083 : i32 to index
          %get3A_2093 = arith.constant 0 : index
          %get3A_2094 = tpu.vector_load %arg11[%get3A_2092, %get3A_2093] {strides = array<i32>} : memref<128x128xf32, #tpu.memory_space<vmem>>, vector<1x16xf32>,
          %get3A_2095 = vector.shape_cast %get3A_2094 : vector<1x16xf32> to vector<16xf32>
          %mul3A_2096 = vector.broadcast %squeeze3A_2085 : f32 to vector<16xf32>
          %mul3A_2097 = arith.mulf %get3A_2095, %mul3A_2096 : vector<16xf32>
          %get3A_2098 = arith.index_cast %add3A_2083 : i32 to index
          %get3A_2099 = arith.constant 0 : index
          %get3A_2100 = tpu.vector_load %arg12[%get3A_2098, %get3A_2099] {strides = array<i32>} : memref<128x128xf32, #tpu.memory_space<vmem>>, vector<1x16xf32>,
          %get3A_2101 = vector.shape_cast %get3A_2100 : vector<1x16xf32> to vector<16xf32>
          %mul3A_2102 = vector.broadcast %squeeze3A_2087 : f32 to vector<16xf32>
          %mul3A_2103 = arith.mulf %get3A_2101, %mul3A_2102 : vector<16xf32>
          %add3A_2104 = arith.addf %mul3A_2097, %mul3A_2103 : vector<16xf32>
          %get3A_2105 = arith.index_cast %add3A_2083 : i32 to index
          %get3A_2106 = arith.constant 0 : index
          %get3A_2107 = tpu.vector_load %arg13[%get3A_2105, %get3A_2106] {strides = array<i32>} : memref<128x128xf32, #tpu.memory_space<vmem>>, vector<1x16xf32>,
          %get3A_2108 = vector.shape_cast %get3A_2107 : vector<1x16xf32> to vector<16xf32>
          %mul3A_2109 = vector.broadcast %squeeze3A_2089 : f32 to vector<16xf32>
          %mul3A_2110 = arith.mulf %get3A_2108, %mul3A_2109 : vector<16xf32>
          %add3A_2111 = arith.addf %add3A_2104, %mul3A_2110 : vector<16xf32>
          %get3A_2112 = arith.index_cast %add3A_2083 : i32 to index
          %get3A_2113 = arith.constant 0 : index
          %get3A_2114 = tpu.vector_load %arg14[%get3A_2112, %get3A_2113] {strides = array<i32>} : memref<128x128xf32, #tpu.memory_space<vmem>>, vector<1x16xf32>,
          %get3A_2115 = vector.shape_cast %get3A_2114 : vector<1x16xf32> to vector<16xf32>
          %mul3A_2116 = vector.broadcast %squeeze3A_2091 : f32 to vector<16xf32>
          %mul3A_2117 = arith.mulf %get3A_2115, %mul3A_2116 : vector<16xf32>
          %add3A_2118 = arith.addf %add3A_2111, %mul3A_2117 : vector<16xf32>
          %swap3A_2119 = arith.index_cast %add3A_2083 : i32 to index
          %swap3A_2120 = arith.constant 0 : index
          %swap3A_2121 = tpu.vector_load %arg15[%swap3A_2119, %swap3A_2120] {strides = array<i32>} : memref<128x80xf32, #tpu.memory_space<vmem>>, vector<1x16xf32>,
          %swap3A_2122 = vector.shape_cast %swap3A_2121 : vector<1x16xf32> to vector<16xf32>
          %swap3A_2123 = vector.shape_cast %add3A_2118 : vector<16xf32> to vector<1x16xf32>
          tpu.vector_store %arg15[%swap3A_2119, %swap3A_2120], %swap3A_2123 {strides = array<i32>} : memref<128x80xf32, #tpu.memory_space<vmem>>, vector<1x16xf32>,
          %get3A_2124 = arith.index_cast %add3A_2083 : i32 to index
          %get3A_2125 = arith.constant 16 : index
          %get3A_2126 = tpu.vector_load %arg11[%get3A_2124, %get3A_2125] {strides = array<i32>} : memref<128x128xf32, #tpu.memory_space<vmem>>, vector<1x16xf32>,
          %get3A_2127 = vector.shape_cast %get3A_2126 : vector<1x16xf32> to vector<16xf32>
          %mul3A_2128 = vector.broadcast %squeeze3A_2085 : f32 to vector<16xf32>
          %mul3A_2129 = arith.mulf %get3A_2127, %mul3A_2128 : vector<16xf32>
          %get3A_2130 = arith.index_cast %add3A_2083 : i32 to index
          %get3A_2131 = arith.constant 16 : index
          %get3A_2132 = tpu.vector_load %arg12[%get3A_2130, %get3A_2131] {strides = array<i32>} : memref<128x128xf32, #tpu.memory_space<vmem>>, vector<1x16xf32>,
          %get3A_2133 = vector.shape_cast %get3A_2132 : vector<1x16xf32> to vector<16xf32>
          %mul3A_2134 = vector.broadcast %squeeze3A_2087 : f32 to vector<16xf32>
          %mul3A_2135 = arith.mulf %get3A_2133, %mul3A_2134 : vector<16xf32>
          %add3A_2136 = arith.addf %mul3A_2129, %mul3A_2135 : vector<16xf32>
          %get3A_2137 = arith.index_cast %add3A_2083 : i32 to index
          %get3A_2138 = arith.constant 16 : index
          %get3A_2139 = tpu.vector_load %arg13[%get3A_2137, %get3A_2138] {strides = array<i32>} : memref<128x128xf32, #tpu.memory_space<vmem>>, vector<1x16xf32>,
          %get3A_2140 = vector.shape_cast %get3A_2139 : vector<1x16xf32> to vector<16xf32>
          %mul3A_2141 = vector.broadcast %squeeze3A_2089 : f32 to vector<16xf32>
          %mul3A_2142 = arith.mulf %get3A_2140, %mul3A_2141 : vector<16xf32>
          %add3A_2143 = arith.addf %add3A_2136, %mul3A_2142 : vector<16xf32>
          %get3A_2144 = arith.index_cast %add3A_2083 : i32 to index
          %get3A_2145 = arith.constant 16 : index
          %get3A_2146 = tpu.vector_load %arg14[%get3A_2144, %get3A_2145] {strides = array<i32>} : memref<128x128xf32, #tpu.memory_space<vmem>>, vector<1x16xf32>,
          %get3A_2147 = vector.shape_cast %get3A_2146 : vector<1x16xf32> to vector<16xf32>
          %mul3A_2148 = vector.broadcast %squeeze3A_2091 : f32 to vector<16xf32>
          %mul3A_2149 = arith.mulf %get3A_2147, %mul3A_2148 : vector<16xf32>
          %add3A_2150 = arith.addf %add3A_2143, %mul3A_2149 : vector<16xf32>
          %swap3A_2151 = arith.index_cast %add3A_2083 : i32 to index
          %swap3A_2152 = arith.constant 16 : index
          %swap3A_2153 = tpu.vector_load %arg15[%swap3A_2151, %swap3A_2152] {strides = array<i32>} : memref<128x80xf32, #tpu.memory_space<vmem>>, vector<1x16xf32>,
          %swap3A_2154 = vector.shape_cast %swap3A_2153 : vector<1x16xf32> to vector<16xf32>
          %swap3A_2155 = vector.shape_cast %add3A_2150 : vector<16xf32> to vector<1x16xf32>
          tpu.vector_store %arg15[%swap3A_2151, %swap3A_2152], %swap3A_2155 {strides = array<i32>} : memref<128x80xf32, #tpu.memory_space<vmem>>, vector<1x16xf32>,
          %get3A_2156 = arith.index_cast %add3A_2083 : i32 to index
          %get3A_2157 = arith.constant 32 : index
          %get3A_2158 = tpu.vector_load %arg11[%get3A_2156, %get3A_2157] {strides = array<i32>} : memref<128x128xf32, #tpu.memory_space<vmem>>, vector<1x16xf32>,
          %get3A_2159 = vector.shape_cast %get3A_2158 : vector<1x16xf32> to vector<16xf32>
          %mul3A_2160 = vector.broadcast %squeeze3A_2085 : f32 to vector<16xf32>
          %mul3A_2161 = arith.mulf %get3A_2159, %mul3A_2160 : vector<16xf32>
          %get3A_2162 = arith.index_cast %add3A_2083 : i32 to index
          %get3A_2163 = arith.constant 32 : index
          %get3A_2164 = tpu.vector_load %arg12[%get3A_2162, %get3A_2163] {strides = array<i32>} : memref<128x128xf32, #tpu.memory_space<vmem>>, vector<1x16xf32>,
          %get3A_2165 = vector.shape_cast %get3A_2164 : vector<1x16xf32> to vector<16xf32>
          %mul3A_2166 = vector.broadcast %squeeze3A_2087 : f32 to vector<16xf32>
          %mul3A_2167 = arith.mulf %get3A_2165, %mul3A_2166 : vector<16xf32>
          %add3A_2168 = arith.addf %mul3A_2161, %mul3A_2167 : vector<16xf32>
          %get3A_2169 = arith.index_cast %add3A_2083 : i32 to index
          %get3A_2170 = arith.constant 32 : index
          %get3A_2171 = tpu.vector_load %arg13[%get3A_2169, %get3A_2170] {strides = array<i32>} : memref<128x128xf32, #tpu.memory_space<vmem>>, vector<1x16xf32>,
          %get3A_2172 = vector.shape_cast %get3A_2171 : vector<1x16xf32> to vector<16xf32>
          %mul3A_2173 = vector.broadcast %squeeze3A_2089 : f32 to vector<16xf32>
          %mul3A_2174 = arith.mulf %get3A_2172, %mul3A_2173 : vector<16xf32>
          %add3A_2175 = arith.addf %add3A_2168, %mul3A_2174 : vector<16xf32>
          %get3A_2176 = arith.index_cast %add3A_2083 : i32 to index
          %get3A_2177 = arith.constant 32 : index
          %get3A_2178 = tpu.vector_load %arg14[%get3A_2176, %get3A_2177] {strides = array<i32>} : memref<128x128xf32, #tpu.memory_space<vmem>>, vector<1x16xf32>,
          %get3A_2179 = vector.shape_cast %get3A_2178 : vector<1x16xf32> to vector<16xf32>
          %mul3A_2180 = vector.broadcast %squeeze3A_2091 : f32 to vector<16xf32>
          %mul3A_2181 = arith.mulf %get3A_2179, %mul3A_2180 : vector<16xf32>
          %add3A_2182 = arith.addf %add3A_2175, %mul3A_2181 : vector<16xf32>
          %swap3A_2183 = arith.index_cast %add3A_2083 : i32 to index
          %swap3A_2184 = arith.constant 32 : index
          %swap3A_2185 = tpu.vector_load %arg15[%swap3A_2183, %swap3A_2184] {strides = array<i32>} : memref<128x80xf32, #tpu.memory_space<vmem>>, vector<1x16xf32>,
          %swap3A_2186 = vector.shape_cast %swap3A_2185 : vector<1x16xf32> to vector<16xf32>
          %swap3A_2187 = vector.shape_cast %add3A_2182 : vector<16xf32> to vector<1x16xf32>
          tpu.vector_store %arg15[%swap3A_2183, %swap3A_2184], %swap3A_2187 {strides = array<i32>} : memref<128x80xf32, #tpu.memory_space<vmem>>, vector<1x16xf32>,
          %get3A_2188 = arith.index_cast %add3A_2083 : i32 to index
          %get3A_2189 = arith.constant 48 : index
          %get3A_2190 = tpu.vector_load %arg11[%get3A_2188, %get3A_2189] {strides = array<i32>} : memref<128x128xf32, #tpu.memory_space<vmem>>, vector<1x16xf32>,
          %get3A_2191 = vector.shape_cast %get3A_2190 : vector<1x16xf32> to vector<16xf32>
          %mul3A_2192 = vector.broadcast %squeeze3A_2085 : f32 to vector<16xf32>
          %mul3A_2193 = arith.mulf %get3A_2191, %mul3A_2192 : vector<16xf32>
          %get3A_2194 = arith.index_cast %add3A_2083 : i32 to index
          %get3A_2195 = arith.constant 48 : index
          %get3A_2196 = tpu.vector_load %arg12[%get3A_2194, %get3A_2195] {strides = array<i32>} : memref<128x128xf32, #tpu.memory_space<vmem>>, vector<1x16xf32>,
          %get3A_2197 = vector.shape_cast %get3A_2196 : vector<1x16xf32> to vector<16xf32>
          %mul3A_2198 = vector.broadcast %squeeze3A_2087 : f32 to vector<16xf32>
          %mul3A_2199 = arith.mulf %get3A_2197, %mul3A_2198 : vector<16xf32>
          %add3A_2200 = arith.addf %mul3A_2193, %mul3A_2199 : vector<16xf32>
          %get3A_2201 = arith.index_cast %add3A_2083 : i32 to index
          %get3A_2202 = arith.constant 48 : index
          %get3A_2203 = tpu.vector_load %arg13[%get3A_2201, %get3A_2202] {strides = array<i32>} : memref<128x128xf32, #tpu.memory_space<vmem>>, vector<1x16xf32>,
          %get3A_2204 = vector.shape_cast %get3A_2203 : vector<1x16xf32> to vector<16xf32>
          %mul3A_2205 = vector.broadcast %squeeze3A_2089 : f32 to vector<16xf32>
          %mul3A_2206 = arith.mulf %get3A_2204, %mul3A_2205 : vector<16xf32>
          %add3A_2207 = arith.addf %add3A_2200, %mul3A_2206 : vector<16xf32>
          %get3A_2208 = arith.index_cast %add3A_2083 : i32 to index
          %get3A_2209 = arith.constant 48 : index
          %get3A_2210 = tpu.vector_load %arg14[%get3A_2208, %get3A_2209] {strides = array<i32>} : memref<128x128xf32, #tpu.memory_space<vmem>>, vector<1x16xf32>,
          %get3A_2211 = vector.shape_cast %get3A_2210 : vector<1x16xf32> to vector<16xf32>
          %mul3A_2212 = vector.broadcast %squeeze3A_2091 : f32 to vector<16xf32>
          %mul3A_2213 = arith.mulf %get3A_2211, %mul3A_2212 : vector<16xf32>
          %add3A_2214 = arith.addf %add3A_2207, %mul3A_2213 : vector<16xf32>
          %swap3A_2215 = arith.index_cast %add3A_2083 : i32 to index
          %swap3A_2216 = arith.constant 48 : index
          %swap3A_2217 = tpu.vector_load %arg15[%swap3A_2215, %swap3A_2216] {strides = array<i32>} : memref<128x80xf32, #tpu.memory_space<vmem>>, vector<1x16xf32>,
          %swap3A_2218 = vector.shape_cast %swap3A_2217 : vector<1x16xf32> to vector<16xf32>
          %swap3A_2219 = vector.shape_cast %add3A_2214 : vector<16xf32> to vector<1x16xf32>
          tpu.vector_store %arg15[%swap3A_2215, %swap3A_2216], %swap3A_2219 {strides = array<i32>} : memref<128x80xf32, #tpu.memory_space<vmem>>, vector<1x16xf32>,
          %get3A_2220 = arith.index_cast %add3A_2083 : i32 to index
          %get3A_2221 = arith.constant 64 : index
          %get3A_2222 = tpu.vector_load %arg11[%get3A_2220, %get3A_2221] {strides = array<i32>} : memref<128x128xf32, #tpu.memory_space<vmem>>, vector<1x16xf32>,
          %get3A_2223 = vector.shape_cast %get3A_2222 : vector<1x16xf32> to vector<16xf32>
          %mul3A_2224 = vector.broadcast %squeeze3A_2085 : f32 to vector<16xf32>
          %mul3A_2225 = arith.mulf %get3A_2223, %mul3A_2224 : vector<16xf32>
          %get3A_2226 = arith.index_cast %add3A_2083 : i32 to index
          %get3A_2227 = arith.constant 64 : index
          %get3A_2228 = tpu.vector_load %arg12[%get3A_2226, %get3A_2227] {strides = array<i32>} : memref<128x128xf32, #tpu.memory_space<vmem>>, vector<1x16xf32>,
          %get3A_2229 = vector.shape_cast %get3A_2228 : vector<1x16xf32> to vector<16xf32>
          %mul3A_2230 = vector.broadcast %squeeze3A_2087 : f32 to vector<16xf32>
          %mul3A_2231 = arith.mulf %get3A_2229, %mul3A_2230 : vector<16xf32>
          %add3A_2232 = arith.addf %mul3A_2225, %mul3A_2231 : vector<16xf32>
          %get3A_2233 = arith.index_cast %add3A_2083 : i32 to index
          %get3A_2234 = arith.constant 64 : index
          %get3A_2235 = tpu.vector_load %arg13[%get3A_2233, %get3A_2234] {strides = array<i32>} : memref<128x128xf32, #tpu.memory_space<vmem>>, vector<1x16xf32>,
          %get3A_2236 = vector.shape_cast %get3A_2235 : vector<1x16xf32> to vector<16xf32>
          %mul3A_2237 = vector.broadcast %squeeze3A_2089 : f32 to vector<16xf32>
          %mul3A_2238 = arith.mulf %get3A_2236, %mul3A_2237 : vector<16xf32>
          %add3A_2239 = arith.addf %add3A_2232, %mul3A_2238 : vector<16xf32>
          %get3A_2240 = arith.index_cast %add3A_2083 : i32 to index
          %get3A_2241 = arith.constant 64 : index
          %get3A_2242 = tpu.vector_load %arg14[%get3A_2240, %get3A_2241] {strides = array<i32>} : memref<128x128xf32, #tpu.memory_space<vmem>>, vector<1x16xf32>,
          %get3A_2243 = vector.shape_cast %get3A_2242 : vector<1x16xf32> to vector<16xf32>
          %mul3A_2244 = vector.broadcast %squeeze3A_2091 : f32 to vector<16xf32>
          %mul3A_2245 = arith.mulf %get3A_2243, %mul3A_2244 : vector<16xf32>
          %add3A_2246 = arith.addf %add3A_2239, %mul3A_2245 : vector<16xf32>
          %swap3A_2247 = arith.index_cast %add3A_2083 : i32 to index
          %swap3A_2248 = arith.constant 64 : index
          %swap3A_2249 = tpu.vector_load %arg15[%swap3A_2247, %swap3A_2248] {strides = array<i32>} : memref<128x80xf32, #tpu.memory_space<vmem>>, vector<1x16xf32>,
          %swap3A_2250 = vector.shape_cast %swap3A_2249 : vector<1x16xf32> to vector<16xf32>
          %swap3A_2251 = vector.shape_cast %add3A_2246 : vector<16xf32> to vector<1x16xf32>
          tpu.vector_store %arg15[%swap3A_2247, %swap3A_2248], %swap3A_2251 {strides = array<i32>} : memref<128x80xf32, #tpu.memory_space<vmem>>, vector<1x16xf32>,
          %add3A_2252 = arith.constant 11 : i32
          %add3A_2253 = arith.addi %mul3A_358, %add3A_2252 : i32
          %slice3A_2254 = vector.extract_strided_slice %get3A_364 {offsets = [11], sizes = [1], strides = [1]} : vector<16xf32> to vector<1xf32>
          %squeeze3A_2255 = vector.extract %slice3A_2254[0] : f32 from vector<1xf32>
          %slice3A_2256 = vector.extract_strided_slice %get3A_370 {offsets = [11], sizes = [1], strides = [1]} : vector<16xf32> to vector<1xf32>
          %squeeze3A_2257 = vector.extract %slice3A_2256[0] : f32 from vector<1xf32>
          %slice3A_2258 = vector.extract_strided_slice %get3A_376 {offsets = [11], sizes = [1], strides = [1]} : vector<16xf32> to vector<1xf32>
          %squeeze3A_2259 = vector.extract %slice3A_2258[0] : f32 from vector<1xf32>
          %slice3A_2260 = vector.extract_strided_slice %get3A_382 {offsets = [11], sizes = [1], strides = [1]} : vector<16xf32> to vector<1xf32>
          %squeeze3A_2261 = vector.extract %slice3A_2260[0] : f32 from vector<1xf32>
          %get3A_2262 = arith.index_cast %add3A_2253 : i32 to index
          %get3A_2263 = arith.constant 0 : index
          %get3A_2264 = tpu.vector_load %arg11[%get3A_2262, %get3A_2263] {strides = array<i32>} : memref<128x128xf32, #tpu.memory_space<vmem>>, vector<1x16xf32>,
          %get3A_2265 = vector.shape_cast %get3A_2264 : vector<1x16xf32> to vector<16xf32>
          %mul3A_2266 = vector.broadcast %squeeze3A_2255 : f32 to vector<16xf32>
          %mul3A_2267 = arith.mulf %get3A_2265, %mul3A_2266 : vector<16xf32>
          %get3A_2268 = arith.index_cast %add3A_2253 : i32 to index
          %get3A_2269 = arith.constant 0 : index
          %get3A_2270 = tpu.vector_load %arg12[%get3A_2268, %get3A_2269] {strides = array<i32>} : memref<128x128xf32, #tpu.memory_space<vmem>>, vector<1x16xf32>,
          %get3A_2271 = vector.shape_cast %get3A_2270 : vector<1x16xf32> to vector<16xf32>
          %mul3A_2272 = vector.broadcast %squeeze3A_2257 : f32 to vector<16xf32>
          %mul3A_2273 = arith.mulf %get3A_2271, %mul3A_2272 : vector<16xf32>
          %add3A_2274 = arith.addf %mul3A_2267, %mul3A_2273 : vector<16xf32>
          %get3A_2275 = arith.index_cast %add3A_2253 : i32 to index
          %get3A_2276 = arith.constant 0 : index
          %get3A_2277 = tpu.vector_load %arg13[%get3A_2275, %get3A_2276] {strides = array<i32>} : memref<128x128xf32, #tpu.memory_space<vmem>>, vector<1x16xf32>,
          %get3A_2278 = vector.shape_cast %get3A_2277 : vector<1x16xf32> to vector<16xf32>
          %mul3A_2279 = vector.broadcast %squeeze3A_2259 : f32 to vector<16xf32>
          %mul3A_2280 = arith.mulf %get3A_2278, %mul3A_2279 : vector<16xf32>
          %add3A_2281 = arith.addf %add3A_2274, %mul3A_2280 : vector<16xf32>
          %get3A_2282 = arith.index_cast %add3A_2253 : i32 to index
          %get3A_2283 = arith.constant 0 : index
          %get3A_2284 = tpu.vector_load %arg14[%get3A_2282, %get3A_2283] {strides = array<i32>} : memref<128x128xf32, #tpu.memory_space<vmem>>, vector<1x16xf32>,
          %get3A_2285 = vector.shape_cast %get3A_2284 : vector<1x16xf32> to vector<16xf32>
          %mul3A_2286 = vector.broadcast %squeeze3A_2261 : f32 to vector<16xf32>
          %mul3A_2287 = arith.mulf %get3A_2285, %mul3A_2286 : vector<16xf32>
          %add3A_2288 = arith.addf %add3A_2281, %mul3A_2287 : vector<16xf32>
          %swap3A_2289 = arith.index_cast %add3A_2253 : i32 to index
          %swap3A_2290 = arith.constant 0 : index
          %swap3A_2291 = tpu.vector_load %arg15[%swap3A_2289, %swap3A_2290] {strides = array<i32>} : memref<128x80xf32, #tpu.memory_space<vmem>>, vector<1x16xf32>,
          %swap3A_2292 = vector.shape_cast %swap3A_2291 : vector<1x16xf32> to vector<16xf32>
          %swap3A_2293 = vector.shape_cast %add3A_2288 : vector<16xf32> to vector<1x16xf32>
          tpu.vector_store %arg15[%swap3A_2289, %swap3A_2290], %swap3A_2293 {strides = array<i32>} : memref<128x80xf32, #tpu.memory_space<vmem>>, vector<1x16xf32>,
          %get3A_2294 = arith.index_cast %add3A_2253 : i32 to index
          %get3A_2295 = arith.constant 16 : index
          %get3A_2296 = tpu.vector_load %arg11[%get3A_2294, %get3A_2295] {strides = array<i32>} : memref<128x128xf32, #tpu.memory_space<vmem>>, vector<1x16xf32>,
          %get3A_2297 = vector.shape_cast %get3A_2296 : vector<1x16xf32> to vector<16xf32>
          %mul3A_2298 = vector.broadcast %squeeze3A_2255 : f32 to vector<16xf32>
          %mul3A_2299 = arith.mulf %get3A_2297, %mul3A_2298 : vector<16xf32>
          %get3A_2300 = arith.index_cast %add3A_2253 : i32 to index
          %get3A_2301 = arith.constant 16 : index
          %get3A_2302 = tpu.vector_load %arg12[%get3A_2300, %get3A_2301] {strides = array<i32>} : memref<128x128xf32, #tpu.memory_space<vmem>>, vector<1x16xf32>,
          %get3A_2303 = vector.shape_cast %get3A_2302 : vector<1x16xf32> to vector<16xf32>
          %mul3A_2304 = vector.broadcast %squeeze3A_2257 : f32 to vector<16xf32>
          %mul3A_2305 = arith.mulf %get3A_2303, %mul3A_2304 : vector<16xf32>
          %add3A_2306 = arith.addf %mul3A_2299, %mul3A_2305 : vector<16xf32>
          %get3A_2307 = arith.index_cast %add3A_2253 : i32 to index
          %get3A_2308 = arith.constant 16 : index
          %get3A_2309 = tpu.vector_load %arg13[%get3A_2307, %get3A_2308] {strides = array<i32>} : memref<128x128xf32, #tpu.memory_space<vmem>>, vector<1x16xf32>,
          %get3A_2310 = vector.shape_cast %get3A_2309 : vector<1x16xf32> to vector<16xf32>
          %mul3A_2311 = vector.broadcast %squeeze3A_2259 : f32 to vector<16xf32>
          %mul3A_2312 = arith.mulf %get3A_2310, %mul3A_2311 : vector<16xf32>
          %add3A_2313 = arith.addf %add3A_2306, %mul3A_2312 : vector<16xf32>
          %get3A_2314 = arith.index_cast %add3A_2253 : i32 to index
          %get3A_2315 = arith.constant 16 : index
          %get3A_2316 = tpu.vector_load %arg14[%get3A_2314, %get3A_2315] {strides = array<i32>} : memref<128x128xf32, #tpu.memory_space<vmem>>, vector<1x16xf32>,
          %get3A_2317 = vector.shape_cast %get3A_2316 : vector<1x16xf32> to vector<16xf32>
          %mul3A_2318 = vector.broadcast %squeeze3A_2261 : f32 to vector<16xf32>
          %mul3A_2319 = arith.mulf %get3A_2317, %mul3A_2318 : vector<16xf32>
          %add3A_2320 = arith.addf %add3A_2313, %mul3A_2319 : vector<16xf32>
          %swap3A_2321 = arith.index_cast %add3A_2253 : i32 to index
          %swap3A_2322 = arith.constant 16 : index
          %swap3A_2323 = tpu.vector_load %arg15[%swap3A_2321, %swap3A_2322] {strides = array<i32>} : memref<128x80xf32, #tpu.memory_space<vmem>>, vector<1x16xf32>,
          %swap3A_2324 = vector.shape_cast %swap3A_2323 : vector<1x16xf32> to vector<16xf32>
          %swap3A_2325 = vector.shape_cast %add3A_2320 : vector<16xf32> to vector<1x16xf32>
          tpu.vector_store %arg15[%swap3A_2321, %swap3A_2322], %swap3A_2325 {strides = array<i32>} : memref<128x80xf32, #tpu.memory_space<vmem>>, vector<1x16xf32>,
          %get3A_2326 = arith.index_cast %add3A_2253 : i32 to index
          %get3A_2327 = arith.constant 32 : index
          %get3A_2328 = tpu.vector_load %arg11[%get3A_2326, %get3A_2327] {strides = array<i32>} : memref<128x128xf32, #tpu.memory_space<vmem>>, vector<1x16xf32>,
          %get3A_2329 = vector.shape_cast %get3A_2328 : vector<1x16xf32> to vector<16xf32>
          %mul3A_2330 = vector.broadcast %squeeze3A_2255 : f32 to vector<16xf32>
          %mul3A_2331 = arith.mulf %get3A_2329, %mul3A_2330 : vector<16xf32>
          %get3A_2332 = arith.index_cast %add3A_2253 : i32 to index
          %get3A_2333 = arith.constant 32 : index
          %get3A_2334 = tpu.vector_load %arg12[%get3A_2332, %get3A_2333] {strides = array<i32>} : memref<128x128xf32, #tpu.memory_space<vmem>>, vector<1x16xf32>,
          %get3A_2335 = vector.shape_cast %get3A_2334 : vector<1x16xf32> to vector<16xf32>
          %mul3A_2336 = vector.broadcast %squeeze3A_2257 : f32 to vector<16xf32>
          %mul3A_2337 = arith.mulf %get3A_2335, %mul3A_2336 : vector<16xf32>
          %add3A_2338 = arith.addf %mul3A_2331, %mul3A_2337 : vector<16xf32>
          %get3A_2339 = arith.index_cast %add3A_2253 : i32 to index
          %get3A_2340 = arith.constant 32 : index
          %get3A_2341 = tpu.vector_load %arg13[%get3A_2339, %get3A_2340] {strides = array<i32>} : memref<128x128xf32, #tpu.memory_space<vmem>>, vector<1x16xf32>,
          %get3A_2342 = vector.shape_cast %get3A_2341 : vector<1x16xf32> to vector<16xf32>
          %mul3A_2343 = vector.broadcast %squeeze3A_2259 : f32 to vector<16xf32>
          %mul3A_2344 = arith.mulf %get3A_2342, %mul3A_2343 : vector<16xf32>
          %add3A_2345 = arith.addf %add3A_2338, %mul3A_2344 : vector<16xf32>
          %get3A_2346 = arith.index_cast %add3A_2253 : i32 to index
          %get3A_2347 = arith.constant 32 : index
          %get3A_2348 = tpu.vector_load %arg14[%get3A_2346, %get3A_2347] {strides = array<i32>} : memref<128x128xf32, #tpu.memory_space<vmem>>, vector<1x16xf32>,
          %get3A_2349 = vector.shape_cast %get3A_2348 : vector<1x16xf32> to vector<16xf32>
          %mul3A_2350 = vector.broadcast %squeeze3A_2261 : f32 to vector<16xf32>
          %mul3A_2351 = arith.mulf %get3A_2349, %mul3A_2350 : vector<16xf32>
          %add3A_2352 = arith.addf %add3A_2345, %mul3A_2351 : vector<16xf32>
          %swap3A_2353 = arith.index_cast %add3A_2253 : i32 to index
          %swap3A_2354 = arith.constant 32 : index
          %swap3A_2355 = tpu.vector_load %arg15[%swap3A_2353, %swap3A_2354] {strides = array<i32>} : memref<128x80xf32, #tpu.memory_space<vmem>>, vector<1x16xf32>,
          %swap3A_2356 = vector.shape_cast %swap3A_2355 : vector<1x16xf32> to vector<16xf32>
          %swap3A_2357 = vector.shape_cast %add3A_2352 : vector<16xf32> to vector<1x16xf32>
          tpu.vector_store %arg15[%swap3A_2353, %swap3A_2354], %swap3A_2357 {strides = array<i32>} : memref<128x80xf32, #tpu.memory_space<vmem>>, vector<1x16xf32>,
          %get3A_2358 = arith.index_cast %add3A_2253 : i32 to index
          %get3A_2359 = arith.constant 48 : index
          %get3A_2360 = tpu.vector_load %arg11[%get3A_2358, %get3A_2359] {strides = array<i32>} : memref<128x128xf32, #tpu.memory_space<vmem>>, vector<1x16xf32>,
          %get3A_2361 = vector.shape_cast %get3A_2360 : vector<1x16xf32> to vector<16xf32>
          %mul3A_2362 = vector.broadcast %squeeze3A_2255 : f32 to vector<16xf32>
          %mul3A_2363 = arith.mulf %get3A_2361, %mul3A_2362 : vector<16xf32>
          %get3A_2364 = arith.index_cast %add3A_2253 : i32 to index
          %get3A_2365 = arith.constant 48 : index
          %get3A_2366 = tpu.vector_load %arg12[%get3A_2364, %get3A_2365] {strides = array<i32>} : memref<128x128xf32, #tpu.memory_space<vmem>>, vector<1x16xf32>,
          %get3A_2367 = vector.shape_cast %get3A_2366 : vector<1x16xf32> to vector<16xf32>
          %mul3A_2368 = vector.broadcast %squeeze3A_2257 : f32 to vector<16xf32>
          %mul3A_2369 = arith.mulf %get3A_2367, %mul3A_2368 : vector<16xf32>
          %add3A_2370 = arith.addf %mul3A_2363, %mul3A_2369 : vector<16xf32>
          %get3A_2371 = arith.index_cast %add3A_2253 : i32 to index
          %get3A_2372 = arith.constant 48 : index
          %get3A_2373 = tpu.vector_load %arg13[%get3A_2371, %get3A_2372] {strides = array<i32>} : memref<128x128xf32, #tpu.memory_space<vmem>>, vector<1x16xf32>,
          %get3A_2374 = vector.shape_cast %get3A_2373 : vector<1x16xf32> to vector<16xf32>
          %mul3A_2375 = vector.broadcast %squeeze3A_2259 : f32 to vector<16xf32>
          %mul3A_2376 = arith.mulf %get3A_2374, %mul3A_2375 : vector<16xf32>
          %add3A_2377 = arith.addf %add3A_2370, %mul3A_2376 : vector<16xf32>
          %get3A_2378 = arith.index_cast %add3A_2253 : i32 to index
          %get3A_2379 = arith.constant 48 : index
          %get3A_2380 = tpu.vector_load %arg14[%get3A_2378, %get3A_2379] {strides = array<i32>} : memref<128x128xf32, #tpu.memory_space<vmem>>, vector<1x16xf32>,
          %get3A_2381 = vector.shape_cast %get3A_2380 : vector<1x16xf32> to vector<16xf32>
          %mul3A_2382 = vector.broadcast %squeeze3A_2261 : f32 to vector<16xf32>
          %mul3A_2383 = arith.mulf %get3A_2381, %mul3A_2382 : vector<16xf32>
          %add3A_2384 = arith.addf %add3A_2377, %mul3A_2383 : vector<16xf32>
          %swap3A_2385 = arith.index_cast %add3A_2253 : i32 to index
          %swap3A_2386 = arith.constant 48 : index
          %swap3A_2387 = tpu.vector_load %arg15[%swap3A_2385, %swap3A_2386] {strides = array<i32>} : memref<128x80xf32, #tpu.memory_space<vmem>>, vector<1x16xf32>,
          %swap3A_2388 = vector.shape_cast %swap3A_2387 : vector<1x16xf32> to vector<16xf32>
          %swap3A_2389 = vector.shape_cast %add3A_2384 : vector<16xf32> to vector<1x16xf32>
          tpu.vector_store %arg15[%swap3A_2385, %swap3A_2386], %swap3A_2389 {strides = array<i32>} : memref<128x80xf32, #tpu.memory_space<vmem>>, vector<1x16xf32>,
          %get3A_2390 = arith.index_cast %add3A_2253 : i32 to index
          %get3A_2391 = arith.constant 64 : index
          %get3A_2392 = tpu.vector_load %arg11[%get3A_2390, %get3A_2391] {strides = array<i32>} : memref<128x128xf32, #tpu.memory_space<vmem>>, vector<1x16xf32>,
          %get3A_2393 = vector.shape_cast %get3A_2392 : vector<1x16xf32> to vector<16xf32>
          %mul3A_2394 = vector.broadcast %squeeze3A_2255 : f32 to vector<16xf32>
          %mul3A_2395 = arith.mulf %get3A_2393, %mul3A_2394 : vector<16xf32>
          %get3A_2396 = arith.index_cast %add3A_2253 : i32 to index
          %get3A_2397 = arith.constant 64 : index
          %get3A_2398 = tpu.vector_load %arg12[%get3A_2396, %get3A_2397] {strides = array<i32>} : memref<128x128xf32, #tpu.memory_space<vmem>>, vector<1x16xf32>,
          %get3A_2399 = vector.shape_cast %get3A_2398 : vector<1x16xf32> to vector<16xf32>
          %mul3A_2400 = vector.broadcast %squeeze3A_2257 : f32 to vector<16xf32>
          %mul3A_2401 = arith.mulf %get3A_2399, %mul3A_2400 : vector<16xf32>
          %add3A_2402 = arith.addf %mul3A_2395, %mul3A_2401 : vector<16xf32>
          %get3A_2403 = arith.index_cast %add3A_2253 : i32 to index
          %get3A_2404 = arith.constant 64 : index
          %get3A_2405 = tpu.vector_load %arg13[%get3A_2403, %get3A_2404] {strides = array<i32>} : memref<128x128xf32, #tpu.memory_space<vmem>>, vector<1x16xf32>,
          %get3A_2406 = vector.shape_cast %get3A_2405 : vector<1x16xf32> to vector<16xf32>
          %mul3A_2407 = vector.broadcast %squeeze3A_2259 : f32 to vector<16xf32>
          %mul3A_2408 = arith.mulf %get3A_2406, %mul3A_2407 : vector<16xf32>
          %add3A_2409 = arith.addf %add3A_2402, %mul3A_2408 : vector<16xf32>
          %get3A_2410 = arith.index_cast %add3A_2253 : i32 to index
          %get3A_2411 = arith.constant 64 : index
          %get3A_2412 = tpu.vector_load %arg14[%get3A_2410, %get3A_2411] {strides = array<i32>} : memref<128x128xf32, #tpu.memory_space<vmem>>, vector<1x16xf32>,
          %get3A_2413 = vector.shape_cast %get3A_2412 : vector<1x16xf32> to vector<16xf32>
          %mul3A_2414 = vector.broadcast %squeeze3A_2261 : f32 to vector<16xf32>
          %mul3A_2415 = arith.mulf %get3A_2413, %mul3A_2414 : vector<16xf32>
          %add3A_2416 = arith.addf %add3A_2409, %mul3A_2415 : vector<16xf32>
          %swap3A_2417 = arith.index_cast %add3A_2253 : i32 to index
          %swap3A_2418 = arith.constant 64 : index
          %swap3A_2419 = tpu.vector_load %arg15[%swap3A_2417, %swap3A_2418] {strides = array<i32>} : memref<128x80xf32, #tpu.memory_space<vmem>>, vector<1x16xf32>,
          %swap3A_2420 = vector.shape_cast %swap3A_2419 : vector<1x16xf32> to vector<16xf32>
          %swap3A_2421 = vector.shape_cast %add3A_2416 : vector<16xf32> to vector<1x16xf32>
          tpu.vector_store %arg15[%swap3A_2417, %swap3A_2418], %swap3A_2421 {strides = array<i32>} : memref<128x80xf32, #tpu.memory_space<vmem>>, vector<1x16xf32>,
          %add3A_2422 = arith.constant 12 : i32
          %add3A_2423 = arith.addi %mul3A_358, %add3A_2422 : i32
          %slice3A_2424 = vector.extract_strided_slice %get3A_364 {offsets = [12], sizes = [1], strides = [1]} : vector<16xf32> to vector<1xf32>
          %squeeze3A_2425 = vector.extract %slice3A_2424[0] : f32 from vector<1xf32>
          %slice3A_2426 = vector.extract_strided_slice %get3A_370 {offsets = [12], sizes = [1], strides = [1]} : vector<16xf32> to vector<1xf32>
          %squeeze3A_2427 = vector.extract %slice3A_2426[0] : f32 from vector<1xf32>
          %slice3A_2428 = vector.extract_strided_slice %get3A_376 {offsets = [12], sizes = [1], strides = [1]} : vector<16xf32> to vector<1xf32>
          %squeeze3A_2429 = vector.extract %slice3A_2428[0] : f32 from vector<1xf32>
          %slice3A_2430 = vector.extract_strided_slice %get3A_382 {offsets = [12], sizes = [1], strides = [1]} : vector<16xf32> to vector<1xf32>
          %squeeze3A_2431 = vector.extract %slice3A_2430[0] : f32 from vector<1xf32>
          %get3A_2432 = arith.index_cast %add3A_2423 : i32 to index
          %get3A_2433 = arith.constant 0 : index
          %get3A_2434 = tpu.vector_load %arg11[%get3A_2432, %get3A_2433] {strides = array<i32>} : memref<128x128xf32, #tpu.memory_space<vmem>>, vector<1x16xf32>,
          %get3A_2435 = vector.shape_cast %get3A_2434 : vector<1x16xf32> to vector<16xf32>
          %mul3A_2436 = vector.broadcast %squeeze3A_2425 : f32 to vector<16xf32>
          %mul3A_2437 = arith.mulf %get3A_2435, %mul3A_2436 : vector<16xf32>
          %get3A_2438 = arith.index_cast %add3A_2423 : i32 to index
          %get3A_2439 = arith.constant 0 : index
          %get3A_2440 = tpu.vector_load %arg12[%get3A_2438, %get3A_2439] {strides = array<i32>} : memref<128x128xf32, #tpu.memory_space<vmem>>, vector<1x16xf32>,
          %get3A_2441 = vector.shape_cast %get3A_2440 : vector<1x16xf32> to vector<16xf32>
          %mul3A_2442 = vector.broadcast %squeeze3A_2427 : f32 to vector<16xf32>
          %mul3A_2443 = arith.mulf %get3A_2441, %mul3A_2442 : vector<16xf32>
          %add3A_2444 = arith.addf %mul3A_2437, %mul3A_2443 : vector<16xf32>
          %get3A_2445 = arith.index_cast %add3A_2423 : i32 to index
          %get3A_2446 = arith.constant 0 : index
          %get3A_2447 = tpu.vector_load %arg13[%get3A_2445, %get3A_2446] {strides = array<i32>} : memref<128x128xf32, #tpu.memory_space<vmem>>, vector<1x16xf32>,
          %get3A_2448 = vector.shape_cast %get3A_2447 : vector<1x16xf32> to vector<16xf32>
          %mul3A_2449 = vector.broadcast %squeeze3A_2429 : f32 to vector<16xf32>
          %mul3A_2450 = arith.mulf %get3A_2448, %mul3A_2449 : vector<16xf32>
          %add3A_2451 = arith.addf %add3A_2444, %mul3A_2450 : vector<16xf32>
          %get3A_2452 = arith.index_cast %add3A_2423 : i32 to index
          %get3A_2453 = arith.constant 0 : index
          %get3A_2454 = tpu.vector_load %arg14[%get3A_2452, %get3A_2453] {strides = array<i32>} : memref<128x128xf32, #tpu.memory_space<vmem>>, vector<1x16xf32>,
          %get3A_2455 = vector.shape_cast %get3A_2454 : vector<1x16xf32> to vector<16xf32>
          %mul3A_2456 = vector.broadcast %squeeze3A_2431 : f32 to vector<16xf32>
          %mul3A_2457 = arith.mulf %get3A_2455, %mul3A_2456 : vector<16xf32>
          %add3A_2458 = arith.addf %add3A_2451, %mul3A_2457 : vector<16xf32>
          %swap3A_2459 = arith.index_cast %add3A_2423 : i32 to index
          %swap3A_2460 = arith.constant 0 : index
          %swap3A_2461 = tpu.vector_load %arg15[%swap3A_2459, %swap3A_2460] {strides = array<i32>} : memref<128x80xf32, #tpu.memory_space<vmem>>, vector<1x16xf32>,
          %swap3A_2462 = vector.shape_cast %swap3A_2461 : vector<1x16xf32> to vector<16xf32>
          %swap3A_2463 = vector.shape_cast %add3A_2458 : vector<16xf32> to vector<1x16xf32>
          tpu.vector_store %arg15[%swap3A_2459, %swap3A_2460], %swap3A_2463 {strides = array<i32>} : memref<128x80xf32, #tpu.memory_space<vmem>>, vector<1x16xf32>,
          %get3A_2464 = arith.index_cast %add3A_2423 : i32 to index
          %get3A_2465 = arith.constant 16 : index
          %get3A_2466 = tpu.vector_load %arg11[%get3A_2464, %get3A_2465] {strides = array<i32>} : memref<128x128xf32, #tpu.memory_space<vmem>>, vector<1x16xf32>,
          %get3A_2467 = vector.shape_cast %get3A_2466 : vector<1x16xf32> to vector<16xf32>
          %mul3A_2468 = vector.broadcast %squeeze3A_2425 : f32 to vector<16xf32>
          %mul3A_2469 = arith.mulf %get3A_2467, %mul3A_2468 : vector<16xf32>
          %get3A_2470 = arith.index_cast %add3A_2423 : i32 to index
          %get3A_2471 = arith.constant 16 : index
          %get3A_2472 = tpu.vector_load %arg12[%get3A_2470, %get3A_2471] {strides = array<i32>} : memref<128x128xf32, #tpu.memory_space<vmem>>, vector<1x16xf32>,
          %get3A_2473 = vector.shape_cast %get3A_2472 : vector<1x16xf32> to vector<16xf32>
          %mul3A_2474 = vector.broadcast %squeeze3A_2427 : f32 to vector<16xf32>
          %mul3A_2475 = arith.mulf %get3A_2473, %mul3A_2474 : vector<16xf32>
          %add3A_2476 = arith.addf %mul3A_2469, %mul3A_2475 : vector<16xf32>
          %get3A_2477 = arith.index_cast %add3A_2423 : i32 to index
          %get3A_2478 = arith.constant 16 : index
          %get3A_2479 = tpu.vector_load %arg13[%get3A_2477, %get3A_2478] {strides = array<i32>} : memref<128x128xf32, #tpu.memory_space<vmem>>, vector<1x16xf32>,
          %get3A_2480 = vector.shape_cast %get3A_2479 : vector<1x16xf32> to vector<16xf32>
          %mul3A_2481 = vector.broadcast %squeeze3A_2429 : f32 to vector<16xf32>
          %mul3A_2482 = arith.mulf %get3A_2480, %mul3A_2481 : vector<16xf32>
          %add3A_2483 = arith.addf %add3A_2476, %mul3A_2482 : vector<16xf32>
          %get3A_2484 = arith.index_cast %add3A_2423 : i32 to index
          %get3A_2485 = arith.constant 16 : index
          %get3A_2486 = tpu.vector_load %arg14[%get3A_2484, %get3A_2485] {strides = array<i32>} : memref<128x128xf32, #tpu.memory_space<vmem>>, vector<1x16xf32>,
          %get3A_2487 = vector.shape_cast %get3A_2486 : vector<1x16xf32> to vector<16xf32>
          %mul3A_2488 = vector.broadcast %squeeze3A_2431 : f32 to vector<16xf32>
          %mul3A_2489 = arith.mulf %get3A_2487, %mul3A_2488 : vector<16xf32>
          %add3A_2490 = arith.addf %add3A_2483, %mul3A_2489 : vector<16xf32>
          %swap3A_2491 = arith.index_cast %add3A_2423 : i32 to index
          %swap3A_2492 = arith.constant 16 : index
          %swap3A_2493 = tpu.vector_load %arg15[%swap3A_2491, %swap3A_2492] {strides = array<i32>} : memref<128x80xf32, #tpu.memory_space<vmem>>, vector<1x16xf32>,
          %swap3A_2494 = vector.shape_cast %swap3A_2493 : vector<1x16xf32> to vector<16xf32>
          %swap3A_2495 = vector.shape_cast %add3A_2490 : vector<16xf32> to vector<1x16xf32>
          tpu.vector_store %arg15[%swap3A_2491, %swap3A_2492], %swap3A_2495 {strides = array<i32>} : memref<128x80xf32, #tpu.memory_space<vmem>>, vector<1x16xf32>,
          %get3A_2496 = arith.index_cast %add3A_2423 : i32 to index
          %get3A_2497 = arith.constant 32 : index
          %get3A_2498 = tpu.vector_load %arg11[%get3A_2496, %get3A_2497] {strides = array<i32>} : memref<128x128xf32, #tpu.memory_space<vmem>>, vector<1x16xf32>,
          %get3A_2499 = vector.shape_cast %get3A_2498 : vector<1x16xf32> to vector<16xf32>
          %mul3A_2500 = vector.broadcast %squeeze3A_2425 : f32 to vector<16xf32>
          %mul3A_2501 = arith.mulf %get3A_2499, %mul3A_2500 : vector<16xf32>
          %get3A_2502 = arith.index_cast %add3A_2423 : i32 to index
          %get3A_2503 = arith.constant 32 : index
          %get3A_2504 = tpu.vector_load %arg12[%get3A_2502, %get3A_2503] {strides = array<i32>} : memref<128x128xf32, #tpu.memory_space<vmem>>, vector<1x16xf32>,
          %get3A_2505 = vector.shape_cast %get3A_2504 : vector<1x16xf32> to vector<16xf32>
          %mul3A_2506 = vector.broadcast %squeeze3A_2427 : f32 to vector<16xf32>
          %mul3A_2507 = arith.mulf %get3A_2505, %mul3A_2506 : vector<16xf32>
          %add3A_2508 = arith.addf %mul3A_2501, %mul3A_2507 : vector<16xf32>
          %get3A_2509 = arith.index_cast %add3A_2423 : i32 to index
          %get3A_2510 = arith.constant 32 : index
          %get3A_2511 = tpu.vector_load %arg13[%get3A_2509, %get3A_2510] {strides = array<i32>} : memref<128x128xf32, #tpu.memory_space<vmem>>, vector<1x16xf32>,
          %get3A_2512 = vector.shape_cast %get3A_2511 : vector<1x16xf32> to vector<16xf32>
          %mul3A_2513 = vector.broadcast %squeeze3A_2429 : f32 to vector<16xf32>
          %mul3A_2514 = arith.mulf %get3A_2512, %mul3A_2513 : vector<16xf32>
          %add3A_2515 = arith.addf %add3A_2508, %mul3A_2514 : vector<16xf32>
          %get3A_2516 = arith.index_cast %add3A_2423 : i32 to index
          %get3A_2517 = arith.constant 32 : index
          %get3A_2518 = tpu.vector_load %arg14[%get3A_2516, %get3A_2517] {strides = array<i32>} : memref<128x128xf32, #tpu.memory_space<vmem>>, vector<1x16xf32>,
          %get3A_2519 = vector.shape_cast %get3A_2518 : vector<1x16xf32> to vector<16xf32>
          %mul3A_2520 = vector.broadcast %squeeze3A_2431 : f32 to vector<16xf32>
          %mul3A_2521 = arith.mulf %get3A_2519, %mul3A_2520 : vector<16xf32>
          %add3A_2522 = arith.addf %add3A_2515, %mul3A_2521 : vector<16xf32>
          %swap3A_2523 = arith.index_cast %add3A_2423 : i32 to index
          %swap3A_2524 = arith.constant 32 : index
          %swap3A_2525 = tpu.vector_load %arg15[%swap3A_2523, %swap3A_2524] {strides = array<i32>} : memref<128x80xf32, #tpu.memory_space<vmem>>, vector<1x16xf32>,
          %swap3A_2526 = vector.shape_cast %swap3A_2525 : vector<1x16xf32> to vector<16xf32>
          %swap3A_2527 = vector.shape_cast %add3A_2522 : vector<16xf32> to vector<1x16xf32>
          tpu.vector_store %arg15[%swap3A_2523, %swap3A_2524], %swap3A_2527 {strides = array<i32>} : memref<128x80xf32, #tpu.memory_space<vmem>>, vector<1x16xf32>,
          %get3A_2528 = arith.index_cast %add3A_2423 : i32 to index
          %get3A_2529 = arith.constant 48 : index
          %get3A_2530 = tpu.vector_load %arg11[%get3A_2528, %get3A_2529] {strides = array<i32>} : memref<128x128xf32, #tpu.memory_space<vmem>>, vector<1x16xf32>,
          %get3A_2531 = vector.shape_cast %get3A_2530 : vector<1x16xf32> to vector<16xf32>
          %mul3A_2532 = vector.broadcast %squeeze3A_2425 : f32 to vector<16xf32>
          %mul3A_2533 = arith.mulf %get3A_2531, %mul3A_2532 : vector<16xf32>
          %get3A_2534 = arith.index_cast %add3A_2423 : i32 to index
          %get3A_2535 = arith.constant 48 : index
          %get3A_2536 = tpu.vector_load %arg12[%get3A_2534, %get3A_2535] {strides = array<i32>} : memref<128x128xf32, #tpu.memory_space<vmem>>, vector<1x16xf32>,
          %get3A_2537 = vector.shape_cast %get3A_2536 : vector<1x16xf32> to vector<16xf32>
          %mul3A_2538 = vector.broadcast %squeeze3A_2427 : f32 to vector<16xf32>
          %mul3A_2539 = arith.mulf %get3A_2537, %mul3A_2538 : vector<16xf32>
          %add3A_2540 = arith.addf %mul3A_2533, %mul3A_2539 : vector<16xf32>
          %get3A_2541 = arith.index_cast %add3A_2423 : i32 to index
          %get3A_2542 = arith.constant 48 : index
          %get3A_2543 = tpu.vector_load %arg13[%get3A_2541, %get3A_2542] {strides = array<i32>} : memref<128x128xf32, #tpu.memory_space<vmem>>, vector<1x16xf32>,
          %get3A_2544 = vector.shape_cast %get3A_2543 : vector<1x16xf32> to vector<16xf32>
          %mul3A_2545 = vector.broadcast %squeeze3A_2429 : f32 to vector<16xf32>
          %mul3A_2546 = arith.mulf %get3A_2544, %mul3A_2545 : vector<16xf32>
          %add3A_2547 = arith.addf %add3A_2540, %mul3A_2546 : vector<16xf32>
          %get3A_2548 = arith.index_cast %add3A_2423 : i32 to index
          %get3A_2549 = arith.constant 48 : index
          %get3A_2550 = tpu.vector_load %arg14[%get3A_2548, %get3A_2549] {strides = array<i32>} : memref<128x128xf32, #tpu.memory_space<vmem>>, vector<1x16xf32>,
          %get3A_2551 = vector.shape_cast %get3A_2550 : vector<1x16xf32> to vector<16xf32>
          %mul3A_2552 = vector.broadcast %squeeze3A_2431 : f32 to vector<16xf32>
          %mul3A_2553 = arith.mulf %get3A_2551, %mul3A_2552 : vector<16xf32>
          %add3A_2554 = arith.addf %add3A_2547, %mul3A_2553 : vector<16xf32>
          %swap3A_2555 = arith.index_cast %add3A_2423 : i32 to index
          %swap3A_2556 = arith.constant 48 : index
          %swap3A_2557 = tpu.vector_load %arg15[%swap3A_2555, %swap3A_2556] {strides = array<i32>} : memref<128x80xf32, #tpu.memory_space<vmem>>, vector<1x16xf32>,
          %swap3A_2558 = vector.shape_cast %swap3A_2557 : vector<1x16xf32> to vector<16xf32>
          %swap3A_2559 = vector.shape_cast %add3A_2554 : vector<16xf32> to vector<1x16xf32>
          tpu.vector_store %arg15[%swap3A_2555, %swap3A_2556], %swap3A_2559 {strides = array<i32>} : memref<128x80xf32, #tpu.memory_space<vmem>>, vector<1x16xf32>,
          %get3A_2560 = arith.index_cast %add3A_2423 : i32 to index
          %get3A_2561 = arith.constant 64 : index
          %get3A_2562 = tpu.vector_load %arg11[%get3A_2560, %get3A_2561] {strides = array<i32>} : memref<128x128xf32, #tpu.memory_space<vmem>>, vector<1x16xf32>,
          %get3A_2563 = vector.shape_cast %get3A_2562 : vector<1x16xf32> to vector<16xf32>
          %mul3A_2564 = vector.broadcast %squeeze3A_2425 : f32 to vector<16xf32>
          %mul3A_2565 = arith.mulf %get3A_2563, %mul3A_2564 : vector<16xf32>
          %get3A_2566 = arith.index_cast %add3A_2423 : i32 to index
          %get3A_2567 = arith.constant 64 : index
          %get3A_2568 = tpu.vector_load %arg12[%get3A_2566, %get3A_2567] {strides = array<i32>} : memref<128x128xf32, #tpu.memory_space<vmem>>, vector<1x16xf32>,
          %get3A_2569 = vector.shape_cast %get3A_2568 : vector<1x16xf32> to vector<16xf32>
          %mul3A_2570 = vector.broadcast %squeeze3A_2427 : f32 to vector<16xf32>
          %mul3A_2571 = arith.mulf %get3A_2569, %mul3A_2570 : vector<16xf32>
          %add3A_2572 = arith.addf %mul3A_2565, %mul3A_2571 : vector<16xf32>
          %get3A_2573 = arith.index_cast %add3A_2423 : i32 to index
          %get3A_2574 = arith.constant 64 : index
          %get3A_2575 = tpu.vector_load %arg13[%get3A_2573, %get3A_2574] {strides = array<i32>} : memref<128x128xf32, #tpu.memory_space<vmem>>, vector<1x16xf32>,
          %get3A_2576 = vector.shape_cast %get3A_2575 : vector<1x16xf32> to vector<16xf32>
          %mul3A_2577 = vector.broadcast %squeeze3A_2429 : f32 to vector<16xf32>
          %mul3A_2578 = arith.mulf %get3A_2576, %mul3A_2577 : vector<16xf32>
          %add3A_2579 = arith.addf %add3A_2572, %mul3A_2578 : vector<16xf32>
          %get3A_2580 = arith.index_cast %add3A_2423 : i32 to index
          %get3A_2581 = arith.constant 64 : index
          %get3A_2582 = tpu.vector_load %arg14[%get3A_2580, %get3A_2581] {strides = array<i32>} : memref<128x128xf32, #tpu.memory_space<vmem>>, vector<1x16xf32>,
          %get3A_2583 = vector.shape_cast %get3A_2582 : vector<1x16xf32> to vector<16xf32>
          %mul3A_2584 = vector.broadcast %squeeze3A_2431 : f32 to vector<16xf32>
          %mul3A_2585 = arith.mulf %get3A_2583, %mul3A_2584 : vector<16xf32>
          %add3A_2586 = arith.addf %add3A_2579, %mul3A_2585 : vector<16xf32>
          %swap3A_2587 = arith.index_cast %add3A_2423 : i32 to index
          %swap3A_2588 = arith.constant 64 : index
          %swap3A_2589 = tpu.vector_load %arg15[%swap3A_2587, %swap3A_2588] {strides = array<i32>} : memref<128x80xf32, #tpu.memory_space<vmem>>, vector<1x16xf32>,
          %swap3A_2590 = vector.shape_cast %swap3A_2589 : vector<1x16xf32> to vector<16xf32>
          %swap3A_2591 = vector.shape_cast %add3A_2586 : vector<16xf32> to vector<1x16xf32>
          tpu.vector_store %arg15[%swap3A_2587, %swap3A_2588], %swap3A_2591 {strides = array<i32>} : memref<128x80xf32, #tpu.memory_space<vmem>>, vector<1x16xf32>,
          %add3A_2592 = arith.constant 13 : i32
          %add3A_2593 = arith.addi %mul3A_358, %add3A_2592 : i32
          %slice3A_2594 = vector.extract_strided_slice %get3A_364 {offsets = [13], sizes = [1], strides = [1]} : vector<16xf32> to vector<1xf32>
          %squeeze3A_2595 = vector.extract %slice3A_2594[0] : f32 from vector<1xf32>
          %slice3A_2596 = vector.extract_strided_slice %get3A_370 {offsets = [13], sizes = [1], strides = [1]} : vector<16xf32> to vector<1xf32>
          %squeeze3A_2597 = vector.extract %slice3A_2596[0] : f32 from vector<1xf32>
          %slice3A_2598 = vector.extract_strided_slice %get3A_376 {offsets = [13], sizes = [1], strides = [1]} : vector<16xf32> to vector<1xf32>
          %squeeze3A_2599 = vector.extract %slice3A_2598[0] : f32 from vector<1xf32>
          %slice3A_2600 = vector.extract_strided_slice %get3A_382 {offsets = [13], sizes = [1], strides = [1]} : vector<16xf32> to vector<1xf32>
          %squeeze3A_2601 = vector.extract %slice3A_2600[0] : f32 from vector<1xf32>
          %get3A_2602 = arith.index_cast %add3A_2593 : i32 to index
          %get3A_2603 = arith.constant 0 : index
          %get3A_2604 = tpu.vector_load %arg11[%get3A_2602, %get3A_2603] {strides = array<i32>} : memref<128x128xf32, #tpu.memory_space<vmem>>, vector<1x16xf32>,
          %get3A_2605 = vector.shape_cast %get3A_2604 : vector<1x16xf32> to vector<16xf32>
          %mul3A_2606 = vector.broadcast %squeeze3A_2595 : f32 to vector<16xf32>
          %mul3A_2607 = arith.mulf %get3A_2605, %mul3A_2606 : vector<16xf32>
          %get3A_2608 = arith.index_cast %add3A_2593 : i32 to index
          %get3A_2609 = arith.constant 0 : index
          %get3A_2610 = tpu.vector_load %arg12[%get3A_2608, %get3A_2609] {strides = array<i32>} : memref<128x128xf32, #tpu.memory_space<vmem>>, vector<1x16xf32>,
          %get3A_2611 = vector.shape_cast %get3A_2610 : vector<1x16xf32> to vector<16xf32>
          %mul3A_2612 = vector.broadcast %squeeze3A_2597 : f32 to vector<16xf32>
          %mul3A_2613 = arith.mulf %get3A_2611, %mul3A_2612 : vector<16xf32>
          %add3A_2614 = arith.addf %mul3A_2607, %mul3A_2613 : vector<16xf32>
          %get3A_2615 = arith.index_cast %add3A_2593 : i32 to index
          %get3A_2616 = arith.constant 0 : index
          %get3A_2617 = tpu.vector_load %arg13[%get3A_2615, %get3A_2616] {strides = array<i32>} : memref<128x128xf32, #tpu.memory_space<vmem>>, vector<1x16xf32>,
          %get3A_2618 = vector.shape_cast %get3A_2617 : vector<1x16xf32> to vector<16xf32>
          %mul3A_2619 = vector.broadcast %squeeze3A_2599 : f32 to vector<16xf32>
          %mul3A_2620 = arith.mulf %get3A_2618, %mul3A_2619 : vector<16xf32>
          %add3A_2621 = arith.addf %add3A_2614, %mul3A_2620 : vector<16xf32>
          %get3A_2622 = arith.index_cast %add3A_2593 : i32 to index
          %get3A_2623 = arith.constant 0 : index
          %get3A_2624 = tpu.vector_load %arg14[%get3A_2622, %get3A_2623] {strides = array<i32>} : memref<128x128xf32, #tpu.memory_space<vmem>>, vector<1x16xf32>,
          %get3A_2625 = vector.shape_cast %get3A_2624 : vector<1x16xf32> to vector<16xf32>
          %mul3A_2626 = vector.broadcast %squeeze3A_2601 : f32 to vector<16xf32>
          %mul3A_2627 = arith.mulf %get3A_2625, %mul3A_2626 : vector<16xf32>
          %add3A_2628 = arith.addf %add3A_2621, %mul3A_2627 : vector<16xf32>
          %swap3A_2629 = arith.index_cast %add3A_2593 : i32 to index
          %swap3A_2630 = arith.constant 0 : index
          %swap3A_2631 = tpu.vector_load %arg15[%swap3A_2629, %swap3A_2630] {strides = array<i32>} : memref<128x80xf32, #tpu.memory_space<vmem>>, vector<1x16xf32>,
          %swap3A_2632 = vector.shape_cast %swap3A_2631 : vector<1x16xf32> to vector<16xf32>
          %swap3A_2633 = vector.shape_cast %add3A_2628 : vector<16xf32> to vector<1x16xf32>
          tpu.vector_store %arg15[%swap3A_2629, %swap3A_2630], %swap3A_2633 {strides = array<i32>} : memref<128x80xf32, #tpu.memory_space<vmem>>, vector<1x16xf32>,
          %get3A_2634 = arith.index_cast %add3A_2593 : i32 to index
          %get3A_2635 = arith.constant 16 : index
          %get3A_2636 = tpu.vector_load %arg11[%get3A_2634, %get3A_2635] {strides = array<i32>} : memref<128x128xf32, #tpu.memory_space<vmem>>, vector<1x16xf32>,
          %get3A_2637 = vector.shape_cast %get3A_2636 : vector<1x16xf32> to vector<16xf32>
          %mul3A_2638 = vector.broadcast %squeeze3A_2595 : f32 to vector<16xf32>
          %mul3A_2639 = arith.mulf %get3A_2637, %mul3A_2638 : vector<16xf32>
          %get3A_2640 = arith.index_cast %add3A_2593 : i32 to index
          %get3A_2641 = arith.constant 16 : index
          %get3A_2642 = tpu.vector_load %arg12[%get3A_2640, %get3A_2641] {strides = array<i32>} : memref<128x128xf32, #tpu.memory_space<vmem>>, vector<1x16xf32>,
          %get3A_2643 = vector.shape_cast %get3A_2642 : vector<1x16xf32> to vector<16xf32>
          %mul3A_2644 = vector.broadcast %squeeze3A_2597 : f32 to vector<16xf32>
          %mul3A_2645 = arith.mulf %get3A_2643, %mul3A_2644 : vector<16xf32>
          %add3A_2646 = arith.addf %mul3A_2639, %mul3A_2645 : vector<16xf32>
          %get3A_2647 = arith.index_cast %add3A_2593 : i32 to index
          %get3A_2648 = arith.constant 16 : index
          %get3A_2649 = tpu.vector_load %arg13[%get3A_2647, %get3A_2648] {strides = array<i32>} : memref<128x128xf32, #tpu.memory_space<vmem>>, vector<1x16xf32>,
          %get3A_2650 = vector.shape_cast %get3A_2649 : vector<1x16xf32> to vector<16xf32>
          %mul3A_2651 = vector.broadcast %squeeze3A_2599 : f32 to vector<16xf32>
          %mul3A_2652 = arith.mulf %get3A_2650, %mul3A_2651 : vector<16xf32>
          %add3A_2653 = arith.addf %add3A_2646, %mul3A_2652 : vector<16xf32>
          %get3A_2654 = arith.index_cast %add3A_2593 : i32 to index
          %get3A_2655 = arith.constant 16 : index
          %get3A_2656 = tpu.vector_load %arg14[%get3A_2654, %get3A_2655] {strides = array<i32>} : memref<128x128xf32, #tpu.memory_space<vmem>>, vector<1x16xf32>,
          %get3A_2657 = vector.shape_cast %get3A_2656 : vector<1x16xf32> to vector<16xf32>
          %mul3A_2658 = vector.broadcast %squeeze3A_2601 : f32 to vector<16xf32>
          %mul3A_2659 = arith.mulf %get3A_2657, %mul3A_2658 : vector<16xf32>
          %add3A_2660 = arith.addf %add3A_2653, %mul3A_2659 : vector<16xf32>
          %swap3A_2661 = arith.index_cast %add3A_2593 : i32 to index
          %swap3A_2662 = arith.constant 16 : index
          %swap3A_2663 = tpu.vector_load %arg15[%swap3A_2661, %swap3A_2662] {strides = array<i32>} : memref<128x80xf32, #tpu.memory_space<vmem>>, vector<1x16xf32>,
          %swap3A_2664 = vector.shape_cast %swap3A_2663 : vector<1x16xf32> to vector<16xf32>
          %swap3A_2665 = vector.shape_cast %add3A_2660 : vector<16xf32> to vector<1x16xf32>
          tpu.vector_store %arg15[%swap3A_2661, %swap3A_2662], %swap3A_2665 {strides = array<i32>} : memref<128x80xf32, #tpu.memory_space<vmem>>, vector<1x16xf32>,
          %get3A_2666 = arith.index_cast %add3A_2593 : i32 to index
          %get3A_2667 = arith.constant 32 : index
          %get3A_2668 = tpu.vector_load %arg11[%get3A_2666, %get3A_2667] {strides = array<i32>} : memref<128x128xf32, #tpu.memory_space<vmem>>, vector<1x16xf32>,
          %get3A_2669 = vector.shape_cast %get3A_2668 : vector<1x16xf32> to vector<16xf32>
          %mul3A_2670 = vector.broadcast %squeeze3A_2595 : f32 to vector<16xf32>
          %mul3A_2671 = arith.mulf %get3A_2669, %mul3A_2670 : vector<16xf32>
          %get3A_2672 = arith.index_cast %add3A_2593 : i32 to index
          %get3A_2673 = arith.constant 32 : index
          %get3A_2674 = tpu.vector_load %arg12[%get3A_2672, %get3A_2673] {strides = array<i32>} : memref<128x128xf32, #tpu.memory_space<vmem>>, vector<1x16xf32>,
          %get3A_2675 = vector.shape_cast %get3A_2674 : vector<1x16xf32> to vector<16xf32>
          %mul3A_2676 = vector.broadcast %squeeze3A_2597 : f32 to vector<16xf32>
          %mul3A_2677 = arith.mulf %get3A_2675, %mul3A_2676 : vector<16xf32>
          %add3A_2678 = arith.addf %mul3A_2671, %mul3A_2677 : vector<16xf32>
          %get3A_2679 = arith.index_cast %add3A_2593 : i32 to index
          %get3A_2680 = arith.constant 32 : index
          %get3A_2681 = tpu.vector_load %arg13[%get3A_2679, %get3A_2680] {strides = array<i32>} : memref<128x128xf32, #tpu.memory_space<vmem>>, vector<1x16xf32>,
          %get3A_2682 = vector.shape_cast %get3A_2681 : vector<1x16xf32> to vector<16xf32>
          %mul3A_2683 = vector.broadcast %squeeze3A_2599 : f32 to vector<16xf32>
          %mul3A_2684 = arith.mulf %get3A_2682, %mul3A_2683 : vector<16xf32>
          %add3A_2685 = arith.addf %add3A_2678, %mul3A_2684 : vector<16xf32>
          %get3A_2686 = arith.index_cast %add3A_2593 : i32 to index
          %get3A_2687 = arith.constant 32 : index
          %get3A_2688 = tpu.vector_load %arg14[%get3A_2686, %get3A_2687] {strides = array<i32>} : memref<128x128xf32, #tpu.memory_space<vmem>>, vector<1x16xf32>,
          %get3A_2689 = vector.shape_cast %get3A_2688 : vector<1x16xf32> to vector<16xf32>
          %mul3A_2690 = vector.broadcast %squeeze3A_2601 : f32 to vector<16xf32>
          %mul3A_2691 = arith.mulf %get3A_2689, %mul3A_2690 : vector<16xf32>
          %add3A_2692 = arith.addf %add3A_2685, %mul3A_2691 : vector<16xf32>
          %swap3A_2693 = arith.index_cast %add3A_2593 : i32 to index
          %swap3A_2694 = arith.constant 32 : index
          %swap3A_2695 = tpu.vector_load %arg15[%swap3A_2693, %swap3A_2694] {strides = array<i32>} : memref<128x80xf32, #tpu.memory_space<vmem>>, vector<1x16xf32>,
          %swap3A_2696 = vector.shape_cast %swap3A_2695 : vector<1x16xf32> to vector<16xf32>
          %swap3A_2697 = vector.shape_cast %add3A_2692 : vector<16xf32> to vector<1x16xf32>
          tpu.vector_store %arg15[%swap3A_2693, %swap3A_2694], %swap3A_2697 {strides = array<i32>} : memref<128x80xf32, #tpu.memory_space<vmem>>, vector<1x16xf32>,
          %get3A_2698 = arith.index_cast %add3A_2593 : i32 to index
          %get3A_2699 = arith.constant 48 : index
          %get3A_2700 = tpu.vector_load %arg11[%get3A_2698, %get3A_2699] {strides = array<i32>} : memref<128x128xf32, #tpu.memory_space<vmem>>, vector<1x16xf32>,
          %get3A_2701 = vector.shape_cast %get3A_2700 : vector<1x16xf32> to vector<16xf32>
          %mul3A_2702 = vector.broadcast %squeeze3A_2595 : f32 to vector<16xf32>
          %mul3A_2703 = arith.mulf %get3A_2701, %mul3A_2702 : vector<16xf32>
          %get3A_2704 = arith.index_cast %add3A_2593 : i32 to index
          %get3A_2705 = arith.constant 48 : index
          %get3A_2706 = tpu.vector_load %arg12[%get3A_2704, %get3A_2705] {strides = array<i32>} : memref<128x128xf32, #tpu.memory_space<vmem>>, vector<1x16xf32>,
          %get3A_2707 = vector.shape_cast %get3A_2706 : vector<1x16xf32> to vector<16xf32>
          %mul3A_2708 = vector.broadcast %squeeze3A_2597 : f32 to vector<16xf32>
          %mul3A_2709 = arith.mulf %get3A_2707, %mul3A_2708 : vector<16xf32>
          %add3A_2710 = arith.addf %mul3A_2703, %mul3A_2709 : vector<16xf32>
          %get3A_2711 = arith.index_cast %add3A_2593 : i32 to index
          %get3A_2712 = arith.constant 48 : index
          %get3A_2713 = tpu.vector_load %arg13[%get3A_2711, %get3A_2712] {strides = array<i32>} : memref<128x128xf32, #tpu.memory_space<vmem>>, vector<1x16xf32>,
          %get3A_2714 = vector.shape_cast %get3A_2713 : vector<1x16xf32> to vector<16xf32>
          %mul3A_2715 = vector.broadcast %squeeze3A_2599 : f32 to vector<16xf32>
          %mul3A_2716 = arith.mulf %get3A_2714, %mul3A_2715 : vector<16xf32>
          %add3A_2717 = arith.addf %add3A_2710, %mul3A_2716 : vector<16xf32>
          %get3A_2718 = arith.index_cast %add3A_2593 : i32 to index
          %get3A_2719 = arith.constant 48 : index
          %get3A_2720 = tpu.vector_load %arg14[%get3A_2718, %get3A_2719] {strides = array<i32>} : memref<128x128xf32, #tpu.memory_space<vmem>>, vector<1x16xf32>,
          %get3A_2721 = vector.shape_cast %get3A_2720 : vector<1x16xf32> to vector<16xf32>
          %mul3A_2722 = vector.broadcast %squeeze3A_2601 : f32 to vector<16xf32>
          %mul3A_2723 = arith.mulf %get3A_2721, %mul3A_2722 : vector<16xf32>
          %add3A_2724 = arith.addf %add3A_2717, %mul3A_2723 : vector<16xf32>
          %swap3A_2725 = arith.index_cast %add3A_2593 : i32 to index
          %swap3A_2726 = arith.constant 48 : index
          %swap3A_2727 = tpu.vector_load %arg15[%swap3A_2725, %swap3A_2726] {strides = array<i32>} : memref<128x80xf32, #tpu.memory_space<vmem>>, vector<1x16xf32>,
          %swap3A_2728 = vector.shape_cast %swap3A_2727 : vector<1x16xf32> to vector<16xf32>
          %swap3A_2729 = vector.shape_cast %add3A_2724 : vector<16xf32> to vector<1x16xf32>
          tpu.vector_store %arg15[%swap3A_2725, %swap3A_2726], %swap3A_2729 {strides = array<i32>} : memref<128x80xf32, #tpu.memory_space<vmem>>, vector<1x16xf32>,
          %get3A_2730 = arith.index_cast %add3A_2593 : i32 to index
          %get3A_2731 = arith.constant 64 : index
          %get3A_2732 = tpu.vector_load %arg11[%get3A_2730, %get3A_2731] {strides = array<i32>} : memref<128x128xf32, #tpu.memory_space<vmem>>, vector<1x16xf32>,
          %get3A_2733 = vector.shape_cast %get3A_2732 : vector<1x16xf32> to vector<16xf32>
          %mul3A_2734 = vector.broadcast %squeeze3A_2595 : f32 to vector<16xf32>
          %mul3A_2735 = arith.mulf %get3A_2733, %mul3A_2734 : vector<16xf32>
          %get3A_2736 = arith.index_cast %add3A_2593 : i32 to index
          %get3A_2737 = arith.constant 64 : index
          %get3A_2738 = tpu.vector_load %arg12[%get3A_2736, %get3A_2737] {strides = array<i32>} : memref<128x128xf32, #tpu.memory_space<vmem>>, vector<1x16xf32>,
          %get3A_2739 = vector.shape_cast %get3A_2738 : vector<1x16xf32> to vector<16xf32>
          %mul3A_2740 = vector.broadcast %squeeze3A_2597 : f32 to vector<16xf32>
          %mul3A_2741 = arith.mulf %get3A_2739, %mul3A_2740 : vector<16xf32>
          %add3A_2742 = arith.addf %mul3A_2735, %mul3A_2741 : vector<16xf32>
          %get3A_2743 = arith.index_cast %add3A_2593 : i32 to index
          %get3A_2744 = arith.constant 64 : index
          %get3A_2745 = tpu.vector_load %arg13[%get3A_2743, %get3A_2744] {strides = array<i32>} : memref<128x128xf32, #tpu.memory_space<vmem>>, vector<1x16xf32>,
          %get3A_2746 = vector.shape_cast %get3A_2745 : vector<1x16xf32> to vector<16xf32>
          %mul3A_2747 = vector.broadcast %squeeze3A_2599 : f32 to vector<16xf32>
          %mul3A_2748 = arith.mulf %get3A_2746, %mul3A_2747 : vector<16xf32>
          %add3A_2749 = arith.addf %add3A_2742, %mul3A_2748 : vector<16xf32>
          %get3A_2750 = arith.index_cast %add3A_2593 : i32 to index
          %get3A_2751 = arith.constant 64 : index
          %get3A_2752 = tpu.vector_load %arg14[%get3A_2750, %get3A_2751] {strides = array<i32>} : memref<128x128xf32, #tpu.memory_space<vmem>>, vector<1x16xf32>,
          %get3A_2753 = vector.shape_cast %get3A_2752 : vector<1x16xf32> to vector<16xf32>
          %mul3A_2754 = vector.broadcast %squeeze3A_2601 : f32 to vector<16xf32>
          %mul3A_2755 = arith.mulf %get3A_2753, %mul3A_2754 : vector<16xf32>
          %add3A_2756 = arith.addf %add3A_2749, %mul3A_2755 : vector<16xf32>
          %swap3A_2757 = arith.index_cast %add3A_2593 : i32 to index
          %swap3A_2758 = arith.constant 64 : index
          %swap3A_2759 = tpu.vector_load %arg15[%swap3A_2757, %swap3A_2758] {strides = array<i32>} : memref<128x80xf32, #tpu.memory_space<vmem>>, vector<1x16xf32>,
          %swap3A_2760 = vector.shape_cast %swap3A_2759 : vector<1x16xf32> to vector<16xf32>
          %swap3A_2761 = vector.shape_cast %add3A_2756 : vector<16xf32> to vector<1x16xf32>
          tpu.vector_store %arg15[%swap3A_2757, %swap3A_2758], %swap3A_2761 {strides = array<i32>} : memref<128x80xf32, #tpu.memory_space<vmem>>, vector<1x16xf32>,
          %add3A_2762 = arith.constant 14 : i32
          %add3A_2763 = arith.addi %mul3A_358, %add3A_2762 : i32
          %slice3A_2764 = vector.extract_strided_slice %get3A_364 {offsets = [14], sizes = [1], strides = [1]} : vector<16xf32> to vector<1xf32>
          %squeeze3A_2765 = vector.extract %slice3A_2764[0] : f32 from vector<1xf32>
          %slice3A_2766 = vector.extract_strided_slice %get3A_370 {offsets = [14], sizes = [1], strides = [1]} : vector<16xf32> to vector<1xf32>
          %squeeze3A_2767 = vector.extract %slice3A_2766[0] : f32 from vector<1xf32>
          %slice3A_2768 = vector.extract_strided_slice %get3A_376 {offsets = [14], sizes = [1], strides = [1]} : vector<16xf32> to vector<1xf32>
          %squeeze3A_2769 = vector.extract %slice3A_2768[0] : f32 from vector<1xf32>
          %slice3A_2770 = vector.extract_strided_slice %get3A_382 {offsets = [14], sizes = [1], strides = [1]} : vector<16xf32> to vector<1xf32>
          %squeeze3A_2771 = vector.extract %slice3A_2770[0] : f32 from vector<1xf32>
          %get3A_2772 = arith.index_cast %add3A_2763 : i32 to index
          %get3A_2773 = arith.constant 0 : index
          %get3A_2774 = tpu.vector_load %arg11[%get3A_2772, %get3A_2773] {strides = array<i32>} : memref<128x128xf32, #tpu.memory_space<vmem>>, vector<1x16xf32>,
          %get3A_2775 = vector.shape_cast %get3A_2774 : vector<1x16xf32> to vector<16xf32>
          %mul3A_2776 = vector.broadcast %squeeze3A_2765 : f32 to vector<16xf32>
          %mul3A_2777 = arith.mulf %get3A_2775, %mul3A_2776 : vector<16xf32>
          %get3A_2778 = arith.index_cast %add3A_2763 : i32 to index
          %get3A_2779 = arith.constant 0 : index
          %get3A_2780 = tpu.vector_load %arg12[%get3A_2778, %get3A_2779] {strides = array<i32>} : memref<128x128xf32, #tpu.memory_space<vmem>>, vector<1x16xf32>,
          %get3A_2781 = vector.shape_cast %get3A_2780 : vector<1x16xf32> to vector<16xf32>
          %mul3A_2782 = vector.broadcast %squeeze3A_2767 : f32 to vector<16xf32>
          %mul3A_2783 = arith.mulf %get3A_2781, %mul3A_2782 : vector<16xf32>
          %add3A_2784 = arith.addf %mul3A_2777, %mul3A_2783 : vector<16xf32>
          %get3A_2785 = arith.index_cast %add3A_2763 : i32 to index
          %get3A_2786 = arith.constant 0 : index
          %get3A_2787 = tpu.vector_load %arg13[%get3A_2785, %get3A_2786] {strides = array<i32>} : memref<128x128xf32, #tpu.memory_space<vmem>>, vector<1x16xf32>,
          %get3A_2788 = vector.shape_cast %get3A_2787 : vector<1x16xf32> to vector<16xf32>
          %mul3A_2789 = vector.broadcast %squeeze3A_2769 : f32 to vector<16xf32>
          %mul3A_2790 = arith.mulf %get3A_2788, %mul3A_2789 : vector<16xf32>
          %add3A_2791 = arith.addf %add3A_2784, %mul3A_2790 : vector<16xf32>
          %get3A_2792 = arith.index_cast %add3A_2763 : i32 to index
          %get3A_2793 = arith.constant 0 : index
          %get3A_2794 = tpu.vector_load %arg14[%get3A_2792, %get3A_2793] {strides = array<i32>} : memref<128x128xf32, #tpu.memory_space<vmem>>, vector<1x16xf32>,
          %get3A_2795 = vector.shape_cast %get3A_2794 : vector<1x16xf32> to vector<16xf32>
          %mul3A_2796 = vector.broadcast %squeeze3A_2771 : f32 to vector<16xf32>
          %mul3A_2797 = arith.mulf %get3A_2795, %mul3A_2796 : vector<16xf32>
          %add3A_2798 = arith.addf %add3A_2791, %mul3A_2797 : vector<16xf32>
          %swap3A_2799 = arith.index_cast %add3A_2763 : i32 to index
          %swap3A_2800 = arith.constant 0 : index
          %swap3A_2801 = tpu.vector_load %arg15[%swap3A_2799, %swap3A_2800] {strides = array<i32>} : memref<128x80xf32, #tpu.memory_space<vmem>>, vector<1x16xf32>,
          %swap3A_2802 = vector.shape_cast %swap3A_2801 : vector<1x16xf32> to vector<16xf32>
          %swap3A_2803 = vector.shape_cast %add3A_2798 : vector<16xf32> to vector<1x16xf32>
          tpu.vector_store %arg15[%swap3A_2799, %swap3A_2800], %swap3A_2803 {strides = array<i32>} : memref<128x80xf32, #tpu.memory_space<vmem>>, vector<1x16xf32>,
          %get3A_2804 = arith.index_cast %add3A_2763 : i32 to index
          %get3A_2805 = arith.constant 16 : index
          %get3A_2806 = tpu.vector_load %arg11[%get3A_2804, %get3A_2805] {strides = array<i32>} : memref<128x128xf32, #tpu.memory_space<vmem>>, vector<1x16xf32>,
          %get3A_2807 = vector.shape_cast %get3A_2806 : vector<1x16xf32> to vector<16xf32>
          %mul3A_2808 = vector.broadcast %squeeze3A_2765 : f32 to vector<16xf32>
          %mul3A_2809 = arith.mulf %get3A_2807, %mul3A_2808 : vector<16xf32>
          %get3A_2810 = arith.index_cast %add3A_2763 : i32 to index
          %get3A_2811 = arith.constant 16 : index
          %get3A_2812 = tpu.vector_load %arg12[%get3A_2810, %get3A_2811] {strides = array<i32>} : memref<128x128xf32, #tpu.memory_space<vmem>>, vector<1x16xf32>,
          %get3A_2813 = vector.shape_cast %get3A_2812 : vector<1x16xf32> to vector<16xf32>
          %mul3A_2814 = vector.broadcast %squeeze3A_2767 : f32 to vector<16xf32>
          %mul3A_2815 = arith.mulf %get3A_2813, %mul3A_2814 : vector<16xf32>
          %add3A_2816 = arith.addf %mul3A_2809, %mul3A_2815 : vector<16xf32>
          %get3A_2817 = arith.index_cast %add3A_2763 : i32 to index
          %get3A_2818 = arith.constant 16 : index
          %get3A_2819 = tpu.vector_load %arg13[%get3A_2817, %get3A_2818] {strides = array<i32>} : memref<128x128xf32, #tpu.memory_space<vmem>>, vector<1x16xf32>,
          %get3A_2820 = vector.shape_cast %get3A_2819 : vector<1x16xf32> to vector<16xf32>
          %mul3A_2821 = vector.broadcast %squeeze3A_2769 : f32 to vector<16xf32>
          %mul3A_2822 = arith.mulf %get3A_2820, %mul3A_2821 : vector<16xf32>
          %add3A_2823 = arith.addf %add3A_2816, %mul3A_2822 : vector<16xf32>
          %get3A_2824 = arith.index_cast %add3A_2763 : i32 to index
          %get3A_2825 = arith.constant 16 : index
          %get3A_2826 = tpu.vector_load %arg14[%get3A_2824, %get3A_2825] {strides = array<i32>} : memref<128x128xf32, #tpu.memory_space<vmem>>, vector<1x16xf32>,
          %get3A_2827 = vector.shape_cast %get3A_2826 : vector<1x16xf32> to vector<16xf32>
          %mul3A_2828 = vector.broadcast %squeeze3A_2771 : f32 to vector<16xf32>
          %mul3A_2829 = arith.mulf %get3A_2827, %mul3A_2828 : vector<16xf32>
          %add3A_2830 = arith.addf %add3A_2823, %mul3A_2829 : vector<16xf32>
          %swap3A_2831 = arith.index_cast %add3A_2763 : i32 to index
          %swap3A_2832 = arith.constant 16 : index
          %swap3A_2833 = tpu.vector_load %arg15[%swap3A_2831, %swap3A_2832] {strides = array<i32>} : memref<128x80xf32, #tpu.memory_space<vmem>>, vector<1x16xf32>,
          %swap3A_2834 = vector.shape_cast %swap3A_2833 : vector<1x16xf32> to vector<16xf32>
          %swap3A_2835 = vector.shape_cast %add3A_2830 : vector<16xf32> to vector<1x16xf32>
          tpu.vector_store %arg15[%swap3A_2831, %swap3A_2832], %swap3A_2835 {strides = array<i32>} : memref<128x80xf32, #tpu.memory_space<vmem>>, vector<1x16xf32>,
          %get3A_2836 = arith.index_cast %add3A_2763 : i32 to index
          %get3A_2837 = arith.constant 32 : index
          %get3A_2838 = tpu.vector_load %arg11[%get3A_2836, %get3A_2837] {strides = array<i32>} : memref<128x128xf32, #tpu.memory_space<vmem>>, vector<1x16xf32>,
          %get3A_2839 = vector.shape_cast %get3A_2838 : vector<1x16xf32> to vector<16xf32>
          %mul3A_2840 = vector.broadcast %squeeze3A_2765 : f32 to vector<16xf32>
          %mul3A_2841 = arith.mulf %get3A_2839, %mul3A_2840 : vector<16xf32>
          %get3A_2842 = arith.index_cast %add3A_2763 : i32 to index
          %get3A_2843 = arith.constant 32 : index
          %get3A_2844 = tpu.vector_load %arg12[%get3A_2842, %get3A_2843] {strides = array<i32>} : memref<128x128xf32, #tpu.memory_space<vmem>>, vector<1x16xf32>,
          %get3A_2845 = vector.shape_cast %get3A_2844 : vector<1x16xf32> to vector<16xf32>
          %mul3A_2846 = vector.broadcast %squeeze3A_2767 : f32 to vector<16xf32>
          %mul3A_2847 = arith.mulf %get3A_2845, %mul3A_2846 : vector<16xf32>
          %add3A_2848 = arith.addf %mul3A_2841, %mul3A_2847 : vector<16xf32>
          %get3A_2849 = arith.index_cast %add3A_2763 : i32 to index
          %get3A_2850 = arith.constant 32 : index
          %get3A_2851 = tpu.vector_load %arg13[%get3A_2849, %get3A_2850] {strides = array<i32>} : memref<128x128xf32, #tpu.memory_space<vmem>>, vector<1x16xf32>,
          %get3A_2852 = vector.shape_cast %get3A_2851 : vector<1x16xf32> to vector<16xf32>
          %mul3A_2853 = vector.broadcast %squeeze3A_2769 : f32 to vector<16xf32>
          %mul3A_2854 = arith.mulf %get3A_2852, %mul3A_2853 : vector<16xf32>
          %add3A_2855 = arith.addf %add3A_2848, %mul3A_2854 : vector<16xf32>
          %get3A_2856 = arith.index_cast %add3A_2763 : i32 to index
          %get3A_2857 = arith.constant 32 : index
          %get3A_2858 = tpu.vector_load %arg14[%get3A_2856, %get3A_2857] {strides = array<i32>} : memref<128x128xf32, #tpu.memory_space<vmem>>, vector<1x16xf32>,
          %get3A_2859 = vector.shape_cast %get3A_2858 : vector<1x16xf32> to vector<16xf32>
          %mul3A_2860 = vector.broadcast %squeeze3A_2771 : f32 to vector<16xf32>
          %mul3A_2861 = arith.mulf %get3A_2859, %mul3A_2860 : vector<16xf32>
          %add3A_2862 = arith.addf %add3A_2855, %mul3A_2861 : vector<16xf32>
          %swap3A_2863 = arith.index_cast %add3A_2763 : i32 to index
          %swap3A_2864 = arith.constant 32 : index
          %swap3A_2865 = tpu.vector_load %arg15[%swap3A_2863, %swap3A_2864] {strides = array<i32>} : memref<128x80xf32, #tpu.memory_space<vmem>>, vector<1x16xf32>,
          %swap3A_2866 = vector.shape_cast %swap3A_2865 : vector<1x16xf32> to vector<16xf32>
          %swap3A_2867 = vector.shape_cast %add3A_2862 : vector<16xf32> to vector<1x16xf32>
          tpu.vector_store %arg15[%swap3A_2863, %swap3A_2864], %swap3A_2867 {strides = array<i32>} : memref<128x80xf32, #tpu.memory_space<vmem>>, vector<1x16xf32>,
          %get3A_2868 = arith.index_cast %add3A_2763 : i32 to index
          %get3A_2869 = arith.constant 48 : index
          %get3A_2870 = tpu.vector_load %arg11[%get3A_2868, %get3A_2869] {strides = array<i32>} : memref<128x128xf32, #tpu.memory_space<vmem>>, vector<1x16xf32>,
          %get3A_2871 = vector.shape_cast %get3A_2870 : vector<1x16xf32> to vector<16xf32>
          %mul3A_2872 = vector.broadcast %squeeze3A_2765 : f32 to vector<16xf32>
          %mul3A_2873 = arith.mulf %get3A_2871, %mul3A_2872 : vector<16xf32>
          %get3A_2874 = arith.index_cast %add3A_2763 : i32 to index
          %get3A_2875 = arith.constant 48 : index
          %get3A_2876 = tpu.vector_load %arg12[%get3A_2874, %get3A_2875] {strides = array<i32>} : memref<128x128xf32, #tpu.memory_space<vmem>>, vector<1x16xf32>,
          %get3A_2877 = vector.shape_cast %get3A_2876 : vector<1x16xf32> to vector<16xf32>
          %mul3A_2878 = vector.broadcast %squeeze3A_2767 : f32 to vector<16xf32>
          %mul3A_2879 = arith.mulf %get3A_2877, %mul3A_2878 : vector<16xf32>
          %add3A_2880 = arith.addf %mul3A_2873, %mul3A_2879 : vector<16xf32>
          %get3A_2881 = arith.index_cast %add3A_2763 : i32 to index
          %get3A_2882 = arith.constant 48 : index
          %get3A_2883 = tpu.vector_load %arg13[%get3A_2881, %get3A_2882] {strides = array<i32>} : memref<128x128xf32, #tpu.memory_space<vmem>>, vector<1x16xf32>,
          %get3A_2884 = vector.shape_cast %get3A_2883 : vector<1x16xf32> to vector<16xf32>
          %mul3A_2885 = vector.broadcast %squeeze3A_2769 : f32 to vector<16xf32>
          %mul3A_2886 = arith.mulf %get3A_2884, %mul3A_2885 : vector<16xf32>
          %add3A_2887 = arith.addf %add3A_2880, %mul3A_2886 : vector<16xf32>
          %get3A_2888 = arith.index_cast %add3A_2763 : i32 to index
          %get3A_2889 = arith.constant 48 : index
          %get3A_2890 = tpu.vector_load %arg14[%get3A_2888, %get3A_2889] {strides = array<i32>} : memref<128x128xf32, #tpu.memory_space<vmem>>, vector<1x16xf32>,
          %get3A_2891 = vector.shape_cast %get3A_2890 : vector<1x16xf32> to vector<16xf32>
          %mul3A_2892 = vector.broadcast %squeeze3A_2771 : f32 to vector<16xf32>
          %mul3A_2893 = arith.mulf %get3A_2891, %mul3A_2892 : vector<16xf32>
          %add3A_2894 = arith.addf %add3A_2887, %mul3A_2893 : vector<16xf32>
          %swap3A_2895 = arith.index_cast %add3A_2763 : i32 to index
          %swap3A_2896 = arith.constant 48 : index
          %swap3A_2897 = tpu.vector_load %arg15[%swap3A_2895, %swap3A_2896] {strides = array<i32>} : memref<128x80xf32, #tpu.memory_space<vmem>>, vector<1x16xf32>,
          %swap3A_2898 = vector.shape_cast %swap3A_2897 : vector<1x16xf32> to vector<16xf32>
          %swap3A_2899 = vector.shape_cast %add3A_2894 : vector<16xf32> to vector<1x16xf32>
          tpu.vector_store %arg15[%swap3A_2895, %swap3A_2896], %swap3A_2899 {strides = array<i32>} : memref<128x80xf32, #tpu.memory_space<vmem>>, vector<1x16xf32>,
          %get3A_2900 = arith.index_cast %add3A_2763 : i32 to index
          %get3A_2901 = arith.constant 64 : index
          %get3A_2902 = tpu.vector_load %arg11[%get3A_2900, %get3A_2901] {strides = array<i32>} : memref<128x128xf32, #tpu.memory_space<vmem>>, vector<1x16xf32>,
          %get3A_2903 = vector.shape_cast %get3A_2902 : vector<1x16xf32> to vector<16xf32>
          %mul3A_2904 = vector.broadcast %squeeze3A_2765 : f32 to vector<16xf32>
          %mul3A_2905 = arith.mulf %get3A_2903, %mul3A_2904 : vector<16xf32>
          %get3A_2906 = arith.index_cast %add3A_2763 : i32 to index
          %get3A_2907 = arith.constant 64 : index
          %get3A_2908 = tpu.vector_load %arg12[%get3A_2906, %get3A_2907] {strides = array<i32>} : memref<128x128xf32, #tpu.memory_space<vmem>>, vector<1x16xf32>,
          %get3A_2909 = vector.shape_cast %get3A_2908 : vector<1x16xf32> to vector<16xf32>
          %mul3A_2910 = vector.broadcast %squeeze3A_2767 : f32 to vector<16xf32>
          %mul3A_2911 = arith.mulf %get3A_2909, %mul3A_2910 : vector<16xf32>
          %add3A_2912 = arith.addf %mul3A_2905, %mul3A_2911 : vector<16xf32>
          %get3A_2913 = arith.index_cast %add3A_2763 : i32 to index
          %get3A_2914 = arith.constant 64 : index
          %get3A_2915 = tpu.vector_load %arg13[%get3A_2913, %get3A_2914] {strides = array<i32>} : memref<128x128xf32, #tpu.memory_space<vmem>>, vector<1x16xf32>,
          %get3A_2916 = vector.shape_cast %get3A_2915 : vector<1x16xf32> to vector<16xf32>
          %mul3A_2917 = vector.broadcast %squeeze3A_2769 : f32 to vector<16xf32>
          %mul3A_2918 = arith.mulf %get3A_2916, %mul3A_2917 : vector<16xf32>
          %add3A_2919 = arith.addf %add3A_2912, %mul3A_2918 : vector<16xf32>
          %get3A_2920 = arith.index_cast %add3A_2763 : i32 to index
          %get3A_2921 = arith.constant 64 : index
          %get3A_2922 = tpu.vector_load %arg14[%get3A_2920, %get3A_2921] {strides = array<i32>} : memref<128x128xf32, #tpu.memory_space<vmem>>, vector<1x16xf32>,
          %get3A_2923 = vector.shape_cast %get3A_2922 : vector<1x16xf32> to vector<16xf32>
          %mul3A_2924 = vector.broadcast %squeeze3A_2771 : f32 to vector<16xf32>
          %mul3A_2925 = arith.mulf %get3A_2923, %mul3A_2924 : vector<16xf32>
          %add3A_2926 = arith.addf %add3A_2919, %mul3A_2925 : vector<16xf32>
          %swap3A_2927 = arith.index_cast %add3A_2763 : i32 to index
          %swap3A_2928 = arith.constant 64 : index
          %swap3A_2929 = tpu.vector_load %arg15[%swap3A_2927, %swap3A_2928] {strides = array<i32>} : memref<128x80xf32, #tpu.memory_space<vmem>>, vector<1x16xf32>,
          %swap3A_2930 = vector.shape_cast %swap3A_2929 : vector<1x16xf32> to vector<16xf32>
          %swap3A_2931 = vector.shape_cast %add3A_2926 : vector<16xf32> to vector<1x16xf32>
          tpu.vector_store %arg15[%swap3A_2927, %swap3A_2928], %swap3A_2931 {strides = array<i32>} : memref<128x80xf32, #tpu.memory_space<vmem>>, vector<1x16xf32>,
          %add3A_2932 = arith.constant 15 : i32
          %add3A_2933 = arith.addi %mul3A_358, %add3A_2932 : i32
          %slice3A_2934 = vector.extract_strided_slice %get3A_364 {offsets = [15], sizes = [1], strides = [1]} : vector<16xf32> to vector<1xf32>
          %squeeze3A_2935 = vector.extract %slice3A_2934[0] : f32 from vector<1xf32>
          %slice3A_2936 = vector.extract_strided_slice %get3A_370 {offsets = [15], sizes = [1], strides = [1]} : vector<16xf32> to vector<1xf32>
          %squeeze3A_2937 = vector.extract %slice3A_2936[0] : f32 from vector<1xf32>
          %slice3A_2938 = vector.extract_strided_slice %get3A_376 {offsets = [15], sizes = [1], strides = [1]} : vector<16xf32> to vector<1xf32>
          %squeeze3A_2939 = vector.extract %slice3A_2938[0] : f32 from vector<1xf32>
          %slice3A_2940 = vector.extract_strided_slice %get3A_382 {offsets = [15], sizes = [1], strides = [1]} : vector<16xf32> to vector<1xf32>
          %squeeze3A_2941 = vector.extract %slice3A_2940[0] : f32 from vector<1xf32>
          %get3A_2942 = arith.index_cast %add3A_2933 : i32 to index
          %get3A_2943 = arith.constant 0 : index
          %get3A_2944 = tpu.vector_load %arg11[%get3A_2942, %get3A_2943] {strides = array<i32>} : memref<128x128xf32, #tpu.memory_space<vmem>>, vector<1x16xf32>,
          %get3A_2945 = vector.shape_cast %get3A_2944 : vector<1x16xf32> to vector<16xf32>
          %mul3A_2946 = vector.broadcast %squeeze3A_2935 : f32 to vector<16xf32>
          %mul3A_2947 = arith.mulf %get3A_2945, %mul3A_2946 : vector<16xf32>
          %get3A_2948 = arith.index_cast %add3A_2933 : i32 to index
          %get3A_2949 = arith.constant 0 : index
          %get3A_2950 = tpu.vector_load %arg12[%get3A_2948, %get3A_2949] {strides = array<i32>} : memref<128x128xf32, #tpu.memory_space<vmem>>, vector<1x16xf32>,
          %get3A_2951 = vector.shape_cast %get3A_2950 : vector<1x16xf32> to vector<16xf32>
          %mul3A_2952 = vector.broadcast %squeeze3A_2937 : f32 to vector<16xf32>
          %mul3A_2953 = arith.mulf %get3A_2951, %mul3A_2952 : vector<16xf32>
          %add3A_2954 = arith.addf %mul3A_2947, %mul3A_2953 : vector<16xf32>
          %get3A_2955 = arith.index_cast %add3A_2933 : i32 to index
          %get3A_2956 = arith.constant 0 : index
          %get3A_2957 = tpu.vector_load %arg13[%get3A_2955, %get3A_2956] {strides = array<i32>} : memref<128x128xf32, #tpu.memory_space<vmem>>, vector<1x16xf32>,
          %get3A_2958 = vector.shape_cast %get3A_2957 : vector<1x16xf32> to vector<16xf32>
          %mul3A_2959 = vector.broadcast %squeeze3A_2939 : f32 to vector<16xf32>
          %mul3A_2960 = arith.mulf %get3A_2958, %mul3A_2959 : vector<16xf32>
          %add3A_2961 = arith.addf %add3A_2954, %mul3A_2960 : vector<16xf32>
          %get3A_2962 = arith.index_cast %add3A_2933 : i32 to index
          %get3A_2963 = arith.constant 0 : index
          %get3A_2964 = tpu.vector_load %arg14[%get3A_2962, %get3A_2963] {strides = array<i32>} : memref<128x128xf32, #tpu.memory_space<vmem>>, vector<1x16xf32>,
          %get3A_2965 = vector.shape_cast %get3A_2964 : vector<1x16xf32> to vector<16xf32>
          %mul3A_2966 = vector.broadcast %squeeze3A_2941 : f32 to vector<16xf32>
          %mul3A_2967 = arith.mulf %get3A_2965, %mul3A_2966 : vector<16xf32>
          %add3A_2968 = arith.addf %add3A_2961, %mul3A_2967 : vector<16xf32>
          %swap3A_2969 = arith.index_cast %add3A_2933 : i32 to index
          %swap3A_2970 = arith.constant 0 : index
          %swap3A_2971 = tpu.vector_load %arg15[%swap3A_2969, %swap3A_2970] {strides = array<i32>} : memref<128x80xf32, #tpu.memory_space<vmem>>, vector<1x16xf32>,
          %swap3A_2972 = vector.shape_cast %swap3A_2971 : vector<1x16xf32> to vector<16xf32>
          %swap3A_2973 = vector.shape_cast %add3A_2968 : vector<16xf32> to vector<1x16xf32>
          tpu.vector_store %arg15[%swap3A_2969, %swap3A_2970], %swap3A_2973 {strides = array<i32>} : memref<128x80xf32, #tpu.memory_space<vmem>>, vector<1x16xf32>,
          %get3A_2974 = arith.index_cast %add3A_2933 : i32 to index
          %get3A_2975 = arith.constant 16 : index
          %get3A_2976 = tpu.vector_load %arg11[%get3A_2974, %get3A_2975] {strides = array<i32>} : memref<128x128xf32, #tpu.memory_space<vmem>>, vector<1x16xf32>,
          %get3A_2977 = vector.shape_cast %get3A_2976 : vector<1x16xf32> to vector<16xf32>
          %mul3A_2978 = vector.broadcast %squeeze3A_2935 : f32 to vector<16xf32>
          %mul3A_2979 = arith.mulf %get3A_2977, %mul3A_2978 : vector<16xf32>
          %get3A_2980 = arith.index_cast %add3A_2933 : i32 to index
          %get3A_2981 = arith.constant 16 : index
          %get3A_2982 = tpu.vector_load %arg12[%get3A_2980, %get3A_2981] {strides = array<i32>} : memref<128x128xf32, #tpu.memory_space<vmem>>, vector<1x16xf32>,
          %get3A_2983 = vector.shape_cast %get3A_2982 : vector<1x16xf32> to vector<16xf32>
          %mul3A_2984 = vector.broadcast %squeeze3A_2937 : f32 to vector<16xf32>
          %mul3A_2985 = arith.mulf %get3A_2983, %mul3A_2984 : vector<16xf32>
          %add3A_2986 = arith.addf %mul3A_2979, %mul3A_2985 : vector<16xf32>
          %get3A_2987 = arith.index_cast %add3A_2933 : i32 to index
          %get3A_2988 = arith.constant 16 : index
          %get3A_2989 = tpu.vector_load %arg13[%get3A_2987, %get3A_2988] {strides = array<i32>} : memref<128x128xf32, #tpu.memory_space<vmem>>, vector<1x16xf32>,
          %get3A_2990 = vector.shape_cast %get3A_2989 : vector<1x16xf32> to vector<16xf32>
          %mul3A_2991 = vector.broadcast %squeeze3A_2939 : f32 to vector<16xf32>
          %mul3A_2992 = arith.mulf %get3A_2990, %mul3A_2991 : vector<16xf32>
          %add3A_2993 = arith.addf %add3A_2986, %mul3A_2992 : vector<16xf32>
          %get3A_2994 = arith.index_cast %add3A_2933 : i32 to index
          %get3A_2995 = arith.constant 16 : index
          %get3A_2996 = tpu.vector_load %arg14[%get3A_2994, %get3A_2995] {strides = array<i32>} : memref<128x128xf32, #tpu.memory_space<vmem>>, vector<1x16xf32>,
          %get3A_2997 = vector.shape_cast %get3A_2996 : vector<1x16xf32> to vector<16xf32>
          %mul3A_2998 = vector.broadcast %squeeze3A_2941 : f32 to vector<16xf32>
          %mul3A_2999 = arith.mulf %get3A_2997, %mul3A_2998 : vector<16xf32>
          %add3A_3000 = arith.addf %add3A_2993, %mul3A_2999 : vector<16xf32>
          %swap3A_3001 = arith.index_cast %add3A_2933 : i32 to index
          %swap3A_3002 = arith.constant 16 : index
          %swap3A_3003 = tpu.vector_load %arg15[%swap3A_3001, %swap3A_3002] {strides = array<i32>} : memref<128x80xf32, #tpu.memory_space<vmem>>, vector<1x16xf32>,
          %swap3A_3004 = vector.shape_cast %swap3A_3003 : vector<1x16xf32> to vector<16xf32>
          %swap3A_3005 = vector.shape_cast %add3A_3000 : vector<16xf32> to vector<1x16xf32>
          tpu.vector_store %arg15[%swap3A_3001, %swap3A_3002], %swap3A_3005 {strides = array<i32>} : memref<128x80xf32, #tpu.memory_space<vmem>>, vector<1x16xf32>,
          %get3A_3006 = arith.index_cast %add3A_2933 : i32 to index
          %get3A_3007 = arith.constant 32 : index
          %get3A_3008 = tpu.vector_load %arg11[%get3A_3006, %get3A_3007] {strides = array<i32>} : memref<128x128xf32, #tpu.memory_space<vmem>>, vector<1x16xf32>,
          %get3A_3009 = vector.shape_cast %get3A_3008 : vector<1x16xf32> to vector<16xf32>
          %mul3A_3010 = vector.broadcast %squeeze3A_2935 : f32 to vector<16xf32>
          %mul3A_3011 = arith.mulf %get3A_3009, %mul3A_3010 : vector<16xf32>
          %get3A_3012 = arith.index_cast %add3A_2933 : i32 to index
          %get3A_3013 = arith.constant 32 : index
          %get3A_3014 = tpu.vector_load %arg12[%get3A_3012, %get3A_3013] {strides = array<i32>} : memref<128x128xf32, #tpu.memory_space<vmem>>, vector<1x16xf32>,
          %get3A_3015 = vector.shape_cast %get3A_3014 : vector<1x16xf32> to vector<16xf32>
          %mul3A_3016 = vector.broadcast %squeeze3A_2937 : f32 to vector<16xf32>
          %mul3A_3017 = arith.mulf %get3A_3015, %mul3A_3016 : vector<16xf32>
          %add3A_3018 = arith.addf %mul3A_3011, %mul3A_3017 : vector<16xf32>
          %get3A_3019 = arith.index_cast %add3A_2933 : i32 to index
          %get3A_3020 = arith.constant 32 : index
          %get3A_3021 = tpu.vector_load %arg13[%get3A_3019, %get3A_3020] {strides = array<i32>} : memref<128x128xf32, #tpu.memory_space<vmem>>, vector<1x16xf32>,
          %get3A_3022 = vector.shape_cast %get3A_3021 : vector<1x16xf32> to vector<16xf32>
          %mul3A_3023 = vector.broadcast %squeeze3A_2939 : f32 to vector<16xf32>
          %mul3A_3024 = arith.mulf %get3A_3022, %mul3A_3023 : vector<16xf32>
          %add3A_3025 = arith.addf %add3A_3018, %mul3A_3024 : vector<16xf32>
          %get3A_3026 = arith.index_cast %add3A_2933 : i32 to index
          %get3A_3027 = arith.constant 32 : index
          %get3A_3028 = tpu.vector_load %arg14[%get3A_3026, %get3A_3027] {strides = array<i32>} : memref<128x128xf32, #tpu.memory_space<vmem>>, vector<1x16xf32>,
          %get3A_3029 = vector.shape_cast %get3A_3028 : vector<1x16xf32> to vector<16xf32>
          %mul3A_3030 = vector.broadcast %squeeze3A_2941 : f32 to vector<16xf32>
          %mul3A_3031 = arith.mulf %get3A_3029, %mul3A_3030 : vector<16xf32>
          %add3A_3032 = arith.addf %add3A_3025, %mul3A_3031 : vector<16xf32>
          %swap3A_3033 = arith.index_cast %add3A_2933 : i32 to index
          %swap3A_3034 = arith.constant 32 : index
          %swap3A_3035 = tpu.vector_load %arg15[%swap3A_3033, %swap3A_3034] {strides = array<i32>} : memref<128x80xf32, #tpu.memory_space<vmem>>, vector<1x16xf32>,
          %swap3A_3036 = vector.shape_cast %swap3A_3035 : vector<1x16xf32> to vector<16xf32>
          %swap3A_3037 = vector.shape_cast %add3A_3032 : vector<16xf32> to vector<1x16xf32>
          tpu.vector_store %arg15[%swap3A_3033, %swap3A_3034], %swap3A_3037 {strides = array<i32>} : memref<128x80xf32, #tpu.memory_space<vmem>>, vector<1x16xf32>,
          %get3A_3038 = arith.index_cast %add3A_2933 : i32 to index
          %get3A_3039 = arith.constant 48 : index
          %get3A_3040 = tpu.vector_load %arg11[%get3A_3038, %get3A_3039] {strides = array<i32>} : memref<128x128xf32, #tpu.memory_space<vmem>>, vector<1x16xf32>,
          %get3A_3041 = vector.shape_cast %get3A_3040 : vector<1x16xf32> to vector<16xf32>
          %mul3A_3042 = vector.broadcast %squeeze3A_2935 : f32 to vector<16xf32>
          %mul3A_3043 = arith.mulf %get3A_3041, %mul3A_3042 : vector<16xf32>
          %get3A_3044 = arith.index_cast %add3A_2933 : i32 to index
          %get3A_3045 = arith.constant 48 : index
          %get3A_3046 = tpu.vector_load %arg12[%get3A_3044, %get3A_3045] {strides = array<i32>} : memref<128x128xf32, #tpu.memory_space<vmem>>, vector<1x16xf32>,
          %get3A_3047 = vector.shape_cast %get3A_3046 : vector<1x16xf32> to vector<16xf32>
          %mul3A_3048 = vector.broadcast %squeeze3A_2937 : f32 to vector<16xf32>
          %mul3A_3049 = arith.mulf %get3A_3047, %mul3A_3048 : vector<16xf32>
          %add3A_3050 = arith.addf %mul3A_3043, %mul3A_3049 : vector<16xf32>
          %get3A_3051 = arith.index_cast %add3A_2933 : i32 to index
          %get3A_3052 = arith.constant 48 : index
          %get3A_3053 = tpu.vector_load %arg13[%get3A_3051, %get3A_3052] {strides = array<i32>} : memref<128x128xf32, #tpu.memory_space<vmem>>, vector<1x16xf32>,
          %get3A_3054 = vector.shape_cast %get3A_3053 : vector<1x16xf32> to vector<16xf32>
          %mul3A_3055 = vector.broadcast %squeeze3A_2939 : f32 to vector<16xf32>
          %mul3A_3056 = arith.mulf %get3A_3054, %mul3A_3055 : vector<16xf32>
          %add3A_3057 = arith.addf %add3A_3050, %mul3A_3056 : vector<16xf32>
          %get3A_3058 = arith.index_cast %add3A_2933 : i32 to index
          %get3A_3059 = arith.constant 48 : index
          %get3A_3060 = tpu.vector_load %arg14[%get3A_3058, %get3A_3059] {strides = array<i32>} : memref<128x128xf32, #tpu.memory_space<vmem>>, vector<1x16xf32>,
          %get3A_3061 = vector.shape_cast %get3A_3060 : vector<1x16xf32> to vector<16xf32>
          %mul3A_3062 = vector.broadcast %squeeze3A_2941 : f32 to vector<16xf32>
          %mul3A_3063 = arith.mulf %get3A_3061, %mul3A_3062 : vector<16xf32>
          %add3A_3064 = arith.addf %add3A_3057, %mul3A_3063 : vector<16xf32>
          %swap3A_3065 = arith.index_cast %add3A_2933 : i32 to index
          %swap3A_3066 = arith.constant 48 : index
          %swap3A_3067 = tpu.vector_load %arg15[%swap3A_3065, %swap3A_3066] {strides = array<i32>} : memref<128x80xf32, #tpu.memory_space<vmem>>, vector<1x16xf32>,
          %swap3A_3068 = vector.shape_cast %swap3A_3067 : vector<1x16xf32> to vector<16xf32>
          %swap3A_3069 = vector.shape_cast %add3A_3064 : vector<16xf32> to vector<1x16xf32>
          tpu.vector_store %arg15[%swap3A_3065, %swap3A_3066], %swap3A_3069 {strides = array<i32>} : memref<128x80xf32, #tpu.memory_space<vmem>>, vector<1x16xf32>,
          %get3A_3070 = arith.index_cast %add3A_2933 : i32 to index
          %get3A_3071 = arith.constant 64 : index
          %get3A_3072 = tpu.vector_load %arg11[%get3A_3070, %get3A_3071] {strides = array<i32>} : memref<128x128xf32, #tpu.memory_space<vmem>>, vector<1x16xf32>,
          %get3A_3073 = vector.shape_cast %get3A_3072 : vector<1x16xf32> to vector<16xf32>
          %mul3A_3074 = vector.broadcast %squeeze3A_2935 : f32 to vector<16xf32>
          %mul3A_3075 = arith.mulf %get3A_3073, %mul3A_3074 : vector<16xf32>
          %get3A_3076 = arith.index_cast %add3A_2933 : i32 to index
          %get3A_3077 = arith.constant 64 : index
          %get3A_3078 = tpu.vector_load %arg12[%get3A_3076, %get3A_3077] {strides = array<i32>} : memref<128x128xf32, #tpu.memory_space<vmem>>, vector<1x16xf32>,
          %get3A_3079 = vector.shape_cast %get3A_3078 : vector<1x16xf32> to vector<16xf32>
          %mul3A_3080 = vector.broadcast %squeeze3A_2937 : f32 to vector<16xf32>
          %mul3A_3081 = arith.mulf %get3A_3079, %mul3A_3080 : vector<16xf32>
          %add3A_3082 = arith.addf %mul3A_3075, %mul3A_3081 : vector<16xf32>
          %get3A_3083 = arith.index_cast %add3A_2933 : i32 to index
          %get3A_3084 = arith.constant 64 : index
          %get3A_3085 = tpu.vector_load %arg13[%get3A_3083, %get3A_3084] {strides = array<i32>} : memref<128x128xf32, #tpu.memory_space<vmem>>, vector<1x16xf32>,
          %get3A_3086 = vector.shape_cast %get3A_3085 : vector<1x16xf32> to vector<16xf32>
          %mul3A_3087 = vector.broadcast %squeeze3A_2939 : f32 to vector<16xf32>
          %mul3A_3088 = arith.mulf %get3A_3086, %mul3A_3087 : vector<16xf32>
          %add3A_3089 = arith.addf %add3A_3082, %mul3A_3088 : vector<16xf32>
          %get3A_3090 = arith.index_cast %add3A_2933 : i32 to index
          %get3A_3091 = arith.constant 64 : index
          %get3A_3092 = tpu.vector_load %arg14[%get3A_3090, %get3A_3091] {strides = array<i32>} : memref<128x128xf32, #tpu.memory_space<vmem>>, vector<1x16xf32>,
          %get3A_3093 = vector.shape_cast %get3A_3092 : vector<1x16xf32> to vector<16xf32>
          %mul3A_3094 = vector.broadcast %squeeze3A_2941 : f32 to vector<16xf32>
          %mul3A_3095 = arith.mulf %get3A_3093, %mul3A_3094 : vector<16xf32>
          %add3A_3096 = arith.addf %add3A_3089, %mul3A_3095 : vector<16xf32>
          %swap3A_3097 = arith.index_cast %add3A_2933 : i32 to index
          %swap3A_3098 = arith.constant 64 : index
          %swap3A_3099 = tpu.vector_load %arg15[%swap3A_3097, %swap3A_3098] {strides = array<i32>} : memref<128x80xf32, #tpu.memory_space<vmem>>, vector<1x16xf32>,
          %swap3A_3100 = vector.shape_cast %swap3A_3099 : vector<1x16xf32> to vector<16xf32>
          %swap3A_3101 = vector.shape_cast %add3A_3096 : vector<16xf32> to vector<1x16xf32>
          tpu.vector_store %arg15[%swap3A_3097, %swap3A_3098], %swap3A_3101 {strides = array<i32>} : memref<128x80xf32, #tpu.memory_space<vmem>>, vector<1x16xf32>,
        }
        %scan3A_354 = arith.constant 8 : i32
        %add3A_355 = arith.addi %mul3A_2, %mul3A_17 : i32
        "tpu.region"() ({
          %run_scoped3A_356 = tpu.sem_alloc : memref<!tpu.dma_semaphore, #tpu.memory_space<semaphore_mem>>
          %dma_start3A_357 = arith.constant 0 : i32
          %dma_start3A_358 = tpu.memref_slice %arg5[%add3A_355, %dma_start3A_357] : memref<40960x80xf32, #tpu.memory_space<hbm>> -> memref<128x80xf32, #tpu.memory_space<hbm>>
          %dma_start3A_359 = arith.constant 0 : i32
          %dma_start3A_360 = tpu.memref_slice %arg5[%add3A_355, %dma_start3A_359] : memref<40960x80xf32, #tpu.memory_space<hbm>> -> memref<128x80xf32, #tpu.memory_space<hbm>>
          tpu.enqueue_dma source(%arg15 : memref<128x80xf32, #tpu.memory_space<vmem>>) target(%dma_start3A_360 : memref<128x80xf32, #tpu.memory_space<hbm>>) target_semaphore(%run_scoped3A_356 : memref<!tpu.dma_semaphore, #tpu.memory_space<semaphore_mem>>)
          %dma_wait3A_361 = arith.constant 0 : i32
          %dma_wait3A_362 = tpu.memref_slice %arg5[%add3A_355, %dma_wait3A_361] : memref<40960x80xf32, #tpu.memory_space<hbm>> -> memref<128x80xf32, #tpu.memory_space<hbm>>
          %dma_wait3A_363 = arith.constant 0 : i32
          %dma_wait3A_364 = tpu.memref_slice %arg5[%add3A_355, %dma_wait3A_363] : memref<40960x80xf32, #tpu.memory_space<hbm>> -> memref<128x80xf32, #tpu.memory_space<hbm>>
          tpu.wait_dma2 semaphore(%run_scoped3A_356 : memref<!tpu.dma_semaphore, #tpu.memory_space<semaphore_mem>>) src(%arg15 : memref<128x80xf32, #tpu.memory_space<vmem>>) dst(%dma_wait3A_364 : memref<128x80xf32, #tpu.memory_space<hbm>>)
          tpu.yield
        }) : () -> ()
      } else {
      }
      %le3A = arith.constant 0.000000e+00 : f32
      %le3A_316 = arith.cmpf ole, %max3A_313, %le3A : f32
      %convert_element_type3A_317 = arith.extui %le3A_316 : i1 to i32
      %cond3A_318 = arith.constant 0 : i32
      %cond3A_319 = arith.cmpi ne, %convert_element_type3A_317, %cond3A_318 : i32
      scf.if %cond3A_319 {
        %add3A_320 = arith.addi %mul3A_2, %mul3A_17 : i32
        "tpu.region"() ({
          %run_scoped3A = tpu.sem_alloc : memref<!tpu.dma_semaphore, #tpu.memory_space<semaphore_mem>>
          %dma_start3A = arith.constant 0 : i32
          %dma_start3A_321 = tpu.memref_slice %arg5[%add3A_320, %dma_start3A] : memref<40960x80xf32, #tpu.memory_space<hbm>> -> memref<128x80xf32, #tpu.memory_space<hbm>>
          %dma_start3A_322 = arith.constant 0 : i32
          %dma_start3A_323 = tpu.memref_slice %arg5[%add3A_320, %dma_start3A_322] : memref<40960x80xf32, #tpu.memory_space<hbm>> -> memref<128x80xf32, #tpu.memory_space<hbm>>
          tpu.enqueue_dma source(%arg16 : memref<128x80xf32, #tpu.memory_space<vmem>>) target(%dma_start3A_323 : memref<128x80xf32, #tpu.memory_space<hbm>>) target_semaphore(%run_scoped3A : memref<!tpu.dma_semaphore, #tpu.memory_space<semaphore_mem>>)
          %dma_wait3A = arith.constant 0 : i32
          %dma_wait3A_324 = tpu.memref_slice %arg5[%add3A_320, %dma_wait3A] : memref<40960x80xf32, #tpu.memory_space<hbm>> -> memref<128x80xf32, #tpu.memory_space<hbm>>
          %dma_wait3A_325 = arith.constant 0 : i32
          %dma_wait3A_326 = tpu.memref_slice %arg5[%add3A_320, %dma_wait3A_325] : memref<40960x80xf32, #tpu.memory_space<hbm>> -> memref<128x80xf32, #tpu.memory_space<hbm>>
          tpu.wait_dma2 semaphore(%run_scoped3A : memref<!tpu.dma_semaphore, #tpu.memory_space<semaphore_mem>>) src(%arg16 : memref<128x80xf32, #tpu.memory_space<vmem>>) dst(%dma_wait3A_326 : memref<128x80xf32, #tpu.memory_space<hbm>>)
          tpu.yield
        }) : () -> ()
      } else {
      }
    }
    %scan3A_14 = arith.constant 10 : i32
    return
  }
}

module attributes {stable_mosaic.version = 14 : i64} {
  func.func @_select_body(%arg0: memref<6x1250x128xi32, #tpu.memory_space<vmem>>, %arg1: memref<6x1250x128xi32, #tpu.memory_space<vmem>>, %arg2: memref<6x1250x128xi32, #tpu.memory_space<vmem>>, %arg3: memref<1250x128xf32, #tpu.memory_space<vmem>>, %arg4: memref<1250x128xi32, #tpu.memory_space<vmem>>, %arg5: memref<1250x128xf32, #tpu.memory_space<vmem>>) attributes {dimension_semantics = [], scalar_prefetch = 0 : i64, scratch_operands = 0 : i64, tpu.core_type = #tpu.core_type<tc>} {
    %iota3A = tpu.iota {dimensions = array<i32: 0>} : vector<1250x128xi32>
    %iota3A_0 = tpu.iota {dimensions = array<i32: 1>} : vector<1250x128xi32>
    %mul3A = arith.constant 128 : i32
    %mul3A_1 = vector.broadcast %mul3A : i32 to vector<1250x128xi32>
    %mul3A_2 = arith.muli %iota3A, %mul3A_1 : vector<1250x128xi32>
    %add3A = arith.addi %mul3A_2, %iota3A_0 : vector<1250x128xi32>
    %and3A = arith.constant 65535 : i32
    %and3A_3 = vector.broadcast %and3A : i32 to vector<1250x128xi32>
    %and3A_4 = arith.andi %add3A, %and3A_3 : vector<1250x128xi32>
    %broadcast_in_dim3A = arith.constant false
    %broadcast_in_dim3A_5 = vector.broadcast %broadcast_in_dim3A : i1 to vector<1250x128xi1>
    %get3A = arith.constant 0 : index
    %get3A_6 = arith.constant 0 : index
    %get3A_7 = arith.constant 0 : index
    %get3A_8 = vector.load %arg2[%get3A, %get3A_6, %get3A_7] : memref<6x1250x128xi32, #tpu.memory_space<vmem>>, vector<1x1250x128xi32>
    %get3A_9 = vector.shape_cast %get3A_8 : vector<1x1250x128xi32> to vector<1250x128xi32>
    %ne3A = arith.constant 0 : i32
    %ne3A_10 = vector.broadcast %ne3A : i32 to vector<1250x128xi32>
    %ne3A_11 = arith.cmpi ne, %get3A_9, %ne3A_10 : vector<1250x128xi32>
    %get3A_12 = arith.constant 0 : index
    %get3A_13 = arith.constant 0 : index
    %get3A_14 = arith.constant 0 : index
    %get3A_15 = vector.load %arg1[%get3A_12, %get3A_13, %get3A_14] : memref<6x1250x128xi32, #tpu.memory_space<vmem>>, vector<1x1250x128xi32>
    %get3A_16 = vector.shape_cast %get3A_15 : vector<1x1250x128xi32> to vector<1250x128xi32>
    %mul3A_17 = arith.constant 176 : i32
    %mul3A_18 = vector.broadcast %mul3A_17 : i32 to vector<1250x128xi32>
    %mul3A_19 = arith.muli %get3A_16, %mul3A_18 : vector<1250x128xi32>
    %add3A_20 = arith.constant 0 : i32
    %add3A_21 = vector.broadcast %add3A_20 : i32 to vector<1250x128xi32>
    %add3A_22 = arith.addi %add3A_21, %mul3A_19 : vector<1250x128xi32>
    %get3A_23 = arith.constant 0 : index
    %get3A_24 = arith.constant 0 : index
    %get3A_25 = arith.constant 0 : index
    %get3A_26 = vector.load %arg0[%get3A_23, %get3A_24, %get3A_25] : memref<6x1250x128xi32, #tpu.memory_space<vmem>>, vector<1x1250x128xi32>
    %get3A_27 = vector.shape_cast %get3A_26 : vector<1x1250x128xi32> to vector<1250x128xi32>
    %add3A_28 = arith.addi %add3A_22, %get3A_27 : vector<1250x128xi32>
    %select_n3A = arith.select %ne3A_11, %add3A_28, %and3A_4 : vector<1250x128xi1>, vector<1250x128xi32>
    %or3A = arith.ori %broadcast_in_dim3A_5, %ne3A_11 : vector<1250x128xi1>
    %get3A_29 = arith.constant 1 : index
    %get3A_30 = arith.constant 0 : index
    %get3A_31 = arith.constant 0 : index
    %get3A_32 = vector.load %arg2[%get3A_29, %get3A_30, %get3A_31] : memref<6x1250x128xi32, #tpu.memory_space<vmem>>, vector<1x1250x128xi32>
    %get3A_33 = vector.shape_cast %get3A_32 : vector<1x1250x128xi32> to vector<1250x128xi32>
    %ne3A_34 = arith.constant 0 : i32
    %ne3A_35 = vector.broadcast %ne3A_34 : i32 to vector<1250x128xi32>
    %ne3A_36 = arith.cmpi ne, %get3A_33, %ne3A_35 : vector<1250x128xi32>
    %get3A_37 = arith.constant 1 : index
    %get3A_38 = arith.constant 0 : index
    %get3A_39 = arith.constant 0 : index
    %get3A_40 = vector.load %arg1[%get3A_37, %get3A_38, %get3A_39] : memref<6x1250x128xi32, #tpu.memory_space<vmem>>, vector<1x1250x128xi32>
    %get3A_41 = vector.shape_cast %get3A_40 : vector<1x1250x128xi32> to vector<1250x128xi32>
    %mul3A_42 = arith.constant 176 : i32
    %mul3A_43 = vector.broadcast %mul3A_42 : i32 to vector<1250x128xi32>
    %mul3A_44 = arith.muli %get3A_41, %mul3A_43 : vector<1250x128xi32>
    %add3A_45 = arith.constant 11264 : i32
    %add3A_46 = vector.broadcast %add3A_45 : i32 to vector<1250x128xi32>
    %add3A_47 = arith.addi %add3A_46, %mul3A_44 : vector<1250x128xi32>
    %get3A_48 = arith.constant 1 : index
    %get3A_49 = arith.constant 0 : index
    %get3A_50 = arith.constant 0 : index
    %get3A_51 = vector.load %arg0[%get3A_48, %get3A_49, %get3A_50] : memref<6x1250x128xi32, #tpu.memory_space<vmem>>, vector<1x1250x128xi32>
    %get3A_52 = vector.shape_cast %get3A_51 : vector<1x1250x128xi32> to vector<1250x128xi32>
    %add3A_53 = arith.addi %add3A_47, %get3A_52 : vector<1250x128xi32>
    %select_n3A_54 = arith.select %ne3A_36, %add3A_53, %select_n3A : vector<1250x128xi1>, vector<1250x128xi32>
    %or3A_55 = arith.ori %or3A, %ne3A_36 : vector<1250x128xi1>
    %get3A_56 = arith.constant 2 : index
    %get3A_57 = arith.constant 0 : index
    %get3A_58 = arith.constant 0 : index
    %get3A_59 = vector.load %arg2[%get3A_56, %get3A_57, %get3A_58] : memref<6x1250x128xi32, #tpu.memory_space<vmem>>, vector<1x1250x128xi32>
    %get3A_60 = vector.shape_cast %get3A_59 : vector<1x1250x128xi32> to vector<1250x128xi32>
    %ne3A_61 = arith.constant 0 : i32
    %ne3A_62 = vector.broadcast %ne3A_61 : i32 to vector<1250x128xi32>
    %ne3A_63 = arith.cmpi ne, %get3A_60, %ne3A_62 : vector<1250x128xi32>
    %get3A_64 = arith.constant 2 : index
    %get3A_65 = arith.constant 0 : index
    %get3A_66 = arith.constant 0 : index
    %get3A_67 = vector.load %arg1[%get3A_64, %get3A_65, %get3A_66] : memref<6x1250x128xi32, #tpu.memory_space<vmem>>, vector<1x1250x128xi32>
    %get3A_68 = vector.shape_cast %get3A_67 : vector<1x1250x128xi32> to vector<1250x128xi32>
    %mul3A_69 = arith.constant 176 : i32
    %mul3A_70 = vector.broadcast %mul3A_69 : i32 to vector<1250x128xi32>
    %mul3A_71 = arith.muli %get3A_68, %mul3A_70 : vector<1250x128xi32>
    %add3A_72 = arith.constant 22528 : i32
    %add3A_73 = vector.broadcast %add3A_72 : i32 to vector<1250x128xi32>
    %add3A_74 = arith.addi %add3A_73, %mul3A_71 : vector<1250x128xi32>
    %get3A_75 = arith.constant 2 : index
    %get3A_76 = arith.constant 0 : index
    %get3A_77 = arith.constant 0 : index
    %get3A_78 = vector.load %arg0[%get3A_75, %get3A_76, %get3A_77] : memref<6x1250x128xi32, #tpu.memory_space<vmem>>, vector<1x1250x128xi32>
    %get3A_79 = vector.shape_cast %get3A_78 : vector<1x1250x128xi32> to vector<1250x128xi32>
    %add3A_80 = arith.addi %add3A_74, %get3A_79 : vector<1250x128xi32>
    %select_n3A_81 = arith.select %ne3A_63, %add3A_80, %select_n3A_54 : vector<1250x128xi1>, vector<1250x128xi32>
    %or3A_82 = arith.ori %or3A_55, %ne3A_63 : vector<1250x128xi1>
    %get3A_83 = arith.constant 3 : index
    %get3A_84 = arith.constant 0 : index
    %get3A_85 = arith.constant 0 : index
    %get3A_86 = vector.load %arg2[%get3A_83, %get3A_84, %get3A_85] : memref<6x1250x128xi32, #tpu.memory_space<vmem>>, vector<1x1250x128xi32>
    %get3A_87 = vector.shape_cast %get3A_86 : vector<1x1250x128xi32> to vector<1250x128xi32>
    %ne3A_88 = arith.constant 0 : i32
    %ne3A_89 = vector.broadcast %ne3A_88 : i32 to vector<1250x128xi32>
    %ne3A_90 = arith.cmpi ne, %get3A_87, %ne3A_89 : vector<1250x128xi32>
    %get3A_91 = arith.constant 3 : index
    %get3A_92 = arith.constant 0 : index
    %get3A_93 = arith.constant 0 : index
    %get3A_94 = vector.load %arg1[%get3A_91, %get3A_92, %get3A_93] : memref<6x1250x128xi32, #tpu.memory_space<vmem>>, vector<1x1250x128xi32>
    %get3A_95 = vector.shape_cast %get3A_94 : vector<1x1250x128xi32> to vector<1250x128xi32>
    %mul3A_96 = arith.constant 176 : i32
    %mul3A_97 = vector.broadcast %mul3A_96 : i32 to vector<1250x128xi32>
    %mul3A_98 = arith.muli %get3A_95, %mul3A_97 : vector<1250x128xi32>
    %add3A_99 = arith.constant 33792 : i32
    %add3A_100 = vector.broadcast %add3A_99 : i32 to vector<1250x128xi32>
    %add3A_101 = arith.addi %add3A_100, %mul3A_98 : vector<1250x128xi32>
    %get3A_102 = arith.constant 3 : index
    %get3A_103 = arith.constant 0 : index
    %get3A_104 = arith.constant 0 : index
    %get3A_105 = vector.load %arg0[%get3A_102, %get3A_103, %get3A_104] : memref<6x1250x128xi32, #tpu.memory_space<vmem>>, vector<1x1250x128xi32>
    %get3A_106 = vector.shape_cast %get3A_105 : vector<1x1250x128xi32> to vector<1250x128xi32>
    %add3A_107 = arith.addi %add3A_101, %get3A_106 : vector<1250x128xi32>
    %select_n3A_108 = arith.select %ne3A_90, %add3A_107, %select_n3A_81 : vector<1250x128xi1>, vector<1250x128xi32>
    %or3A_109 = arith.ori %or3A_82, %ne3A_90 : vector<1250x128xi1>
    %get3A_110 = arith.constant 4 : index
    %get3A_111 = arith.constant 0 : index
    %get3A_112 = arith.constant 0 : index
    %get3A_113 = vector.load %arg2[%get3A_110, %get3A_111, %get3A_112] : memref<6x1250x128xi32, #tpu.memory_space<vmem>>, vector<1x1250x128xi32>
    %get3A_114 = vector.shape_cast %get3A_113 : vector<1x1250x128xi32> to vector<1250x128xi32>
    %ne3A_115 = arith.constant 0 : i32
    %ne3A_116 = vector.broadcast %ne3A_115 : i32 to vector<1250x128xi32>
    %ne3A_117 = arith.cmpi ne, %get3A_114, %ne3A_116 : vector<1250x128xi32>
    %get3A_118 = arith.constant 4 : index
    %get3A_119 = arith.constant 0 : index
    %get3A_120 = arith.constant 0 : index
    %get3A_121 = vector.load %arg1[%get3A_118, %get3A_119, %get3A_120] : memref<6x1250x128xi32, #tpu.memory_space<vmem>>, vector<1x1250x128xi32>
    %get3A_122 = vector.shape_cast %get3A_121 : vector<1x1250x128xi32> to vector<1250x128xi32>
    %mul3A_123 = arith.constant 176 : i32
    %mul3A_124 = vector.broadcast %mul3A_123 : i32 to vector<1250x128xi32>
    %mul3A_125 = arith.muli %get3A_122, %mul3A_124 : vector<1250x128xi32>
    %add3A_126 = arith.constant 45056 : i32
    %add3A_127 = vector.broadcast %add3A_126 : i32 to vector<1250x128xi32>
    %add3A_128 = arith.addi %add3A_127, %mul3A_125 : vector<1250x128xi32>
    %get3A_129 = arith.constant 4 : index
    %get3A_130 = arith.constant 0 : index
    %get3A_131 = arith.constant 0 : index
    %get3A_132 = vector.load %arg0[%get3A_129, %get3A_130, %get3A_131] : memref<6x1250x128xi32, #tpu.memory_space<vmem>>, vector<1x1250x128xi32>
    %get3A_133 = vector.shape_cast %get3A_132 : vector<1x1250x128xi32> to vector<1250x128xi32>
    %add3A_134 = arith.addi %add3A_128, %get3A_133 : vector<1250x128xi32>
    %select_n3A_135 = arith.select %ne3A_117, %add3A_134, %select_n3A_108 : vector<1250x128xi1>, vector<1250x128xi32>
    %or3A_136 = arith.ori %or3A_109, %ne3A_117 : vector<1250x128xi1>
    %get3A_137 = arith.constant 5 : index
    %get3A_138 = arith.constant 0 : index
    %get3A_139 = arith.constant 0 : index
    %get3A_140 = vector.load %arg2[%get3A_137, %get3A_138, %get3A_139] : memref<6x1250x128xi32, #tpu.memory_space<vmem>>, vector<1x1250x128xi32>
    %get3A_141 = vector.shape_cast %get3A_140 : vector<1x1250x128xi32> to vector<1250x128xi32>
    %ne3A_142 = arith.constant 0 : i32
    %ne3A_143 = vector.broadcast %ne3A_142 : i32 to vector<1250x128xi32>
    %ne3A_144 = arith.cmpi ne, %get3A_141, %ne3A_143 : vector<1250x128xi32>
    %get3A_145 = arith.constant 5 : index
    %get3A_146 = arith.constant 0 : index
    %get3A_147 = arith.constant 0 : index
    %get3A_148 = vector.load %arg1[%get3A_145, %get3A_146, %get3A_147] : memref<6x1250x128xi32, #tpu.memory_space<vmem>>, vector<1x1250x128xi32>
    %get3A_149 = vector.shape_cast %get3A_148 : vector<1x1250x128xi32> to vector<1250x128xi32>
    %mul3A_150 = arith.constant 176 : i32
    %mul3A_151 = vector.broadcast %mul3A_150 : i32 to vector<1250x128xi32>
    %mul3A_152 = arith.muli %get3A_149, %mul3A_151 : vector<1250x128xi32>
    %add3A_153 = arith.constant 56320 : i32
    %add3A_154 = vector.broadcast %add3A_153 : i32 to vector<1250x128xi32>
    %add3A_155 = arith.addi %add3A_154, %mul3A_152 : vector<1250x128xi32>
    %get3A_156 = arith.constant 5 : index
    %get3A_157 = arith.constant 0 : index
    %get3A_158 = arith.constant 0 : index
    %get3A_159 = vector.load %arg0[%get3A_156, %get3A_157, %get3A_158] : memref<6x1250x128xi32, #tpu.memory_space<vmem>>, vector<1x1250x128xi32>
    %get3A_160 = vector.shape_cast %get3A_159 : vector<1x1250x128xi32> to vector<1250x128xi32>
    %add3A_161 = arith.addi %add3A_155, %get3A_160 : vector<1250x128xi32>
    %select_n3A_162 = arith.select %ne3A_144, %add3A_161, %select_n3A_135 : vector<1250x128xi1>, vector<1250x128xi32>
    %or3A_163 = arith.ori %or3A_136, %ne3A_144 : vector<1250x128xi1>
    %swap3A = arith.constant 0 : index
    %swap3A_164 = arith.constant 0 : index
    %swap3A_165 = vector.load %arg4[%swap3A, %swap3A_164] : memref<1250x128xi32, #tpu.memory_space<vmem>>, vector<1250x128xi32>
    tpu.vector_store %arg4[%swap3A, %swap3A_164], %select_n3A_162 {strides = array<i32>} : memref<1250x128xi32, #tpu.memory_space<vmem>>, vector<1250x128xi32>,
    %get3A_166 = arith.constant 0 : index
    %get3A_167 = arith.constant 0 : index
    %get3A_168 = vector.load %arg3[%get3A_166, %get3A_167] : memref<1250x128xf32, #tpu.memory_space<vmem>>, vector<1250x128xf32>
    %jit3A = arith.constant 0.000000e+00 : f32
    %broadcast_in_dim3A_169 = vector.broadcast %jit3A : f32 to vector<1250x128xf32>
    %select_n3A_170 = arith.select %or3A_163, %get3A_168, %broadcast_in_dim3A_169 : vector<1250x128xi1>, vector<1250x128xf32>
    %swap3A_171 = arith.constant 0 : index
    %swap3A_172 = arith.constant 0 : index
    %swap3A_173 = vector.load %arg5[%swap3A_171, %swap3A_172] : memref<1250x128xf32, #tpu.memory_space<vmem>>, vector<1250x128xf32>
    tpu.vector_store %arg5[%swap3A_171, %swap3A_172], %select_n3A_170 {strides = array<i32>} : memref<1250x128xf32, #tpu.memory_space<vmem>>, vector<1250x128xf32>,
    return
  }
}

module attributes {stable_mosaic.version = 14 : i64} {
  func.func @_conv_body(%arg0: i32, %arg1: memref<1x256x512xf32, #tpu.memory_space<vmem>>, %arg2: memref<128x256xf32, #tpu.memory_space<vmem>>, %arg3: memref<512x128xf32, #tpu.memory_space<vmem>>) attributes {dimension_semantics = [#tpu.dimension_semantics<arbitrary>], iteration_bounds = array<i64: 132>, scalar_prefetch = 0 : i64, scratch_operands = 0 : i64, tpu.core_type = #tpu.core_type<tc>, window_params = [{transform_indices = @transform_0, window_bounds = array<i64: 1, 256, 512>}, {pipeline_mode = #tpu.pipeline_mode<synchronous>, transform_indices = @transform_1, window_bounds = array<i64: 128, 256>}, {transform_indices = @transform_2, window_bounds = array<i64: 512, 128>}]} {
    %get3A = arith.constant 0 : index
    %get3A_0 = arith.constant 0 : index
    %get3A_1 = arith.constant 0 : index
    %get3A_2 = vector.load %arg1[%get3A, %get3A_0, %get3A_1] : memref<1x256x512xf32, #tpu.memory_space<vmem>>, vector<1x256x512xf32>
    %get3A_3 = vector.shape_cast %get3A_2 : vector<1x256x512xf32> to vector<256x512xf32>
    %get3A_4 = arith.constant 0 : index
    %get3A_5 = arith.constant 0 : index
    %get3A_6 = vector.load %arg2[%get3A_4, %get3A_5] : memref<128x256xf32, #tpu.memory_space<vmem>>, vector<128x256xf32>
    %dot_general3A = arith.constant dense<0.000000e+00> : vector<512x128xf32>
    %dot_general3A_7 = tpu.matmul %get3A_3, %get3A_6, %dot_general3A {dimension_numbers = #tpu.dot_dimension_numbers<[0], [1], [1], [0], [0, 1, 1, 0], [], []>, precision = #tpu.contract_precision<fp32>, transpose_lhs_hint = false} : vector<256x512xf32>, vector<128x256xf32>, vector<512x128xf32> -> vector<512x128xf32>
    %swap3A = arith.constant 0 : index
    %swap3A_8 = arith.constant 0 : index
    %swap3A_9 = vector.load %arg3[%swap3A, %swap3A_8] : memref<512x128xf32, #tpu.memory_space<vmem>>, vector<512x128xf32>
    tpu.vector_store %arg3[%swap3A, %swap3A_8], %dot_general3A_7 {strides = array<i32>} : memref<512x128xf32, #tpu.memory_space<vmem>>, vector<512x128xf32>,
    return
  }
  func.func @transform_0(%arg0: i32) -> (i32, i32, i32) {
    %jit3A = arith.constant 22 : i32
    %div3A = arith.divsi %arg0, %jit3A : i32
    %sign3A = arith.constant 0 : i32
    %sign3A_0 = arith.cmpi sgt, %arg0, %sign3A : i32
    %sign3A_1 = arith.extui %sign3A_0 : i1 to i32
    %sign3A_2 = arith.constant 0 : i32
    %sign3A_3 = arith.cmpi slt, %arg0, %sign3A_2 : i32
    %sign3A_4 = arith.extui %sign3A_3 : i1 to i32
    %sign3A_5 = arith.subi %sign3A_1, %sign3A_4 : i32
    %sign3A_6 = arith.constant 0 : i32
    %sign3A_7 = arith.cmpi sgt, %jit3A, %sign3A_6 : i32
    %sign3A_8 = arith.extui %sign3A_7 : i1 to i32
    %sign3A_9 = arith.constant 0 : i32
    %sign3A_10 = arith.cmpi slt, %jit3A, %sign3A_9 : i32
    %sign3A_11 = arith.extui %sign3A_10 : i1 to i32
    %sign3A_12 = arith.subi %sign3A_8, %sign3A_11 : i32
    %ne3A = arith.cmpi ne, %sign3A_5, %sign3A_12 : i32
    %rem3A = arith.remsi %arg0, %jit3A : i32
    %ne3A_13 = arith.constant 0 : i32
    %ne3A_14 = arith.cmpi ne, %rem3A, %ne3A_13 : i32
    %and3A = arith.andi %ne3A, %ne3A_14 : i1
    %sub3A = arith.constant 1 : i32
    %sub3A_15 = arith.subi %div3A, %sub3A : i32
    %select_n3A = arith.select %and3A, %sub3A_15, %div3A : i32
    %jit3A_16 = arith.constant 22 : i32
    %eq3A = arith.constant 0 : i32
    %eq3A_17 = arith.cmpi eq, %jit3A_16, %eq3A : i32
    %jit3A_18 = arith.constant 1 : i32
    %select_n3A_19 = arith.select %eq3A_17, %jit3A_18, %jit3A_16 : i32
    %rem3A_20 = arith.remsi %arg0, %select_n3A_19 : i32
    %ne3A_21 = arith.constant 0 : i32
    %ne3A_22 = arith.cmpi ne, %rem3A_20, %ne3A_21 : i32
    %lt3A = arith.constant 0 : i32
    %lt3A_23 = arith.cmpi slt, %rem3A_20, %lt3A : i32
    %lt3A_24 = arith.constant 0 : i32
    %lt3A_25 = arith.cmpi slt, %select_n3A_19, %lt3A_24 : i32
    %ne3A_26 = arith.xori %lt3A_23, %lt3A_25 : i1
    %and3A_27 = arith.andi %ne3A_26, %ne3A_22 : i1
    %add3A = arith.addi %rem3A_20, %select_n3A_19 : i32
    %select_n3A_28 = arith.select %and3A_27, %add3A, %rem3A_20 : i32
    %c0_i32 = arith.constant 0 : i32
    %c0_i32_29 = arith.constant 0 : i32
    return %select_n3A, %c0_i32, %select_n3A_28 : i32, i32, i32
  }
  func.func @transform_1(%arg0: i32) -> (i32, i32) {
    %c0_i32 = arith.constant 0 : i32
    %c0_i32_0 = arith.constant 0 : i32
    %c0_i32_1 = arith.constant 0 : i32
    return %c0_i32, %c0_i32_0 : i32, i32
  }
  func.func @transform_2(%arg0: i32) -> (i32, i32) {
    %c0_i32 = arith.constant 0 : i32
    %c0_i32_0 = arith.constant 0 : i32
    return %arg0, %c0_i32 : i32, i32
  }
}

module attributes {stable_mosaic.version = 14 : i64} {
  func.func @_bn_body(%arg0: memref<40960x80xf32, #tpu.memory_space<vmem>>, %arg1: memref<1x80xf32, #tpu.memory_space<vmem>>, %arg2: memref<1x80xf32, #tpu.memory_space<vmem>>, %arg3: memref<40000x80xf32, #tpu.memory_space<vmem>>) attributes {dimension_semantics = [], scalar_prefetch = 0 : i64, scratch_operands = 0 : i64, tpu.core_type = #tpu.core_type<tc>} {
    %get3A = arith.constant 0 : index
    %get3A_0 = arith.constant 0 : index
    %get3A_1 = vector.load %arg0[%get3A, %get3A_0] : memref<40960x80xf32, #tpu.memory_space<vmem>>, vector<40960x80xf32>
    %reduce_sum3A = arith.constant dense<0.000000e+00> : vector<80xf32>
    %reduce_sum3A_2 = vector.multi_reduction <add>, %get3A_1, %reduce_sum3A [0] : vector<40960x80xf32> to vector<80xf32>
    %broadcast_in_dim3A = vector.shape_cast %reduce_sum3A_2 : vector<80xf32> to vector<1x80xf32>
    %mul3A = arith.mulf %get3A_1, %get3A_1 : vector<40960x80xf32>
    %reduce_sum3A_3 = arith.constant dense<0.000000e+00> : vector<80xf32>
    %reduce_sum3A_4 = vector.multi_reduction <add>, %mul3A, %reduce_sum3A_3 [0] : vector<40960x80xf32> to vector<80xf32>
    %broadcast_in_dim3A_5 = vector.shape_cast %reduce_sum3A_4 : vector<80xf32> to vector<1x80xf32>
    %div3A = arith.constant 4.000000e+04 : f32
    %div3A_6 = vector.broadcast %div3A : f32 to vector<1x80xf32>
    %div3A_7 = arith.divf %broadcast_in_dim3A, %div3A_6 : vector<1x80xf32>
    %div3A_8 = arith.constant 4.000000e+04 : f32
    %div3A_9 = vector.broadcast %div3A_8 : f32 to vector<1x80xf32>
    %div3A_10 = arith.divf %broadcast_in_dim3A_5, %div3A_9 : vector<1x80xf32>
    %mul3A_11 = arith.mulf %div3A_7, %div3A_7 : vector<1x80xf32>
    %sub3A = arith.subf %div3A_10, %mul3A_11 : vector<1x80xf32>
    %slice3A = vector.extract_strided_slice %get3A_1 {offsets = [0, 0], sizes = [40000, 80], strides = [1, 1]} : vector<40960x80xf32> to vector<40000x80xf32>
    %sub3A_12 = vector.broadcast %div3A_7 : vector<1x80xf32> to vector<40000x80xf32>
    %sub3A_13 = arith.subf %slice3A, %sub3A_12 : vector<40000x80xf32>
    %add3A = arith.constant 9.99999974E-6 : f32
    %add3A_14 = vector.broadcast %add3A : f32 to vector<1x80xf32>
    %add3A_15 = arith.addf %sub3A, %add3A_14 : vector<1x80xf32>
    %rsqrt3A = math.rsqrt %add3A_15 : vector<1x80xf32>
    %mul3A_16 = vector.broadcast %rsqrt3A : vector<1x80xf32> to vector<40000x80xf32>
    %mul3A_17 = arith.mulf %sub3A_13, %mul3A_16 : vector<40000x80xf32>
    %get3A_18 = arith.constant 0 : index
    %get3A_19 = arith.constant 0 : index
    %get3A_20 = vector.load %arg1[%get3A_18, %get3A_19] : memref<1x80xf32, #tpu.memory_space<vmem>>, vector<1x80xf32>
    %mul3A_21 = vector.broadcast %get3A_20 : vector<1x80xf32> to vector<40000x80xf32>
    %mul3A_22 = arith.mulf %mul3A_17, %mul3A_21 : vector<40000x80xf32>
    %get3A_23 = arith.constant 0 : index
    %get3A_24 = arith.constant 0 : index
    %get3A_25 = vector.load %arg2[%get3A_23, %get3A_24] : memref<1x80xf32, #tpu.memory_space<vmem>>, vector<1x80xf32>
    %add3A_26 = vector.broadcast %get3A_25 : vector<1x80xf32> to vector<40000x80xf32>
    %add3A_27 = arith.addf %mul3A_22, %add3A_26 : vector<40000x80xf32>
    %max3A = arith.constant 0.000000e+00 : f32
    %max3A_28 = vector.broadcast %max3A : f32 to vector<40000x80xf32>
    %max3A_29 = arith.maximumf %add3A_27, %max3A_28 : vector<40000x80xf32>
    %swap3A = arith.constant 0 : index
    %swap3A_30 = arith.constant 0 : index
    %swap3A_31 = vector.load %arg3[%swap3A, %swap3A_30] : memref<40000x80xf32, #tpu.memory_space<vmem>>, vector<40000x80xf32>
    tpu.vector_store %arg3[%swap3A, %swap3A_30], %max3A_29 {strides = array<i32>} : memref<40000x80xf32, #tpu.memory_space<vmem>>, vector<40000x80xf32>,
    return
  }
}

</mosaic_0001>

<sc_bundles>
// kernel: kernel.6.cloned.1.call-start
scs
__scs_entry_jumppad:
0x0: {  	(pc) =	sbr.rel $0x88, $3  }
0x1: {  	(tag) =	ssettag $0x0;
	lr =	simm.s32 $0x1  }
0x2: {  	[smem:$0x3F99] =	sst lr;
	_ =	strace $0xD0000000  }
0x3: {  	_ = 	snop  }
0x4: {  	_ = 	snop  }
0x5: {  	_ = 	snop  }
0x6: {  	_ = 	snop  }
0x7: {  	_ = 	snop  }
__scs_overlays_trampoline_lowered:
0x8: {  	[smem:$0x3FA8] =	sst s0  }
0x9: {  	[smem:$0x3FA9] =	sst s1  }
0xa: {  	[smem:$0x3FAA] =	sst s2  }
0xb: {  	[smem:$0x3FAB] =	sst s3  }
0xc: {  	[smem:$0x3FAC] =	sst s4  }
0xd: {  	[smem:$0x3FAD] =	sst s5  }
0xe: {  	[smem:$0x3FAE] =	sst s6  }
0xf: {  	[smem:$0x3FAF] =	sst s7  }
0x10: {  	[smem:$0x3FB0] =	sst s8  }
0x11: {  	[smem:$0x3FB1] =	sst s9;
	s0 =	simm.s32 @!p0 $0x0  }
0x12: {  	s1 =	sld [smem:$0x3F97];
	s0 =	simm.s32 @p0 $0x1  }
0x13: {  	[smem:$0x3FB2] =	sst s0;
	s0 =	simm.s32 @!p1 $0x0  }
0x14: {  	s2 =	sld [smem:$0x3F96];
	s0 =	simm.s32 @p1 $0x1  }
0x15: {  	[smem:$0x3FB3] =	sst s0;
	s0 =	simm.s32 @!p2 $0x0  }
0x16: {  	s3 =	sld [smem:$0x3FDB];
	s0 =	simm.s32 @p2 $0x1  }
0x17: {  	s4 =	simm.s32 $0x1BF5;
	[smem:$0x3FB5] =	sst s0  }
0x18: {  	s0 =	sld [smem:$0x3F98];
	_ =	swait.ge [sflag:s4], $0x0  }
0x19: {  	s7 =	sld [smem:$0x3F99]  }
0x1a: {  	s8 =	sadd.s32 $0xFFFFE003, lr  }
0x1b: {  	s9 =	sadd.s32 $0xFFFFFEF7, lr;
	s5 =	simm.s32 $0xFFFFFFFF;
	p2 =	slt.u32 s8, $0xFFFFF086  }
0x1c: {  	p1 =	slt.u32 s9, $0xF7A;
	s5 =	simm.s32 @!p2 $0x0  }
0x1d: {  	s5 =	simm.s32 @p1 $0x1;
	p0 =	seq.s32 s7, s2  }
0x1e: {  	s7 =	smul.u32 @!p0 $0xF7A, s2;
	p2 =	seq.s32 @!p0 s5, $0x0  }
0x1f: {  	s9 =	smul.u32 $0xF7A, s1;
	s8 =	simm.s32 @!p0 $0x1BF5;
	p2 =	por !p2, p0  }
0x20: {  	[sflag:s8] =	ssyncset.s32 @!p0 $0xFFFFF086;
	s6 =	sadd.s32 @!p0 s3, s7;
	s7 =	simm.s32 @!p0 $0x108  }
0x21: {  	s3 =	sadd.s32 s3, s9;
	s6 =	sadd.s32 @!p0 $0x88, s6;
	s7 =	simm.s32 @p2 $0x1082  }
0x22: {  	[simem:s7], [sflag:s8] =	dma.local @!p0 [hbm:s6], $0xF7A  }
0x23: {  	s9 =	sor.u32 $0xD0000000, s2;
	s6 =	simm.s32 $0x108;
	_ =	swait.ge @!p0 [sflag:s8], $0x0  }
0x24: {  	s3 =	sadd.s32 $0x88, s3;
	s6 =	simm.s32 @!p1 $0x1082;
	[sflag:s4] =	ssyncset.s32 $0xFFFFF086  }
0x25: {  	[simem:s6], [sflag:s4] =	dma.local [hbm:s3], $0xF7A  }
0x26: {  	[smem:$0x3F99] =	sst s1;
	(tag) =	ssettag s2;
	_ =	strace s9  }
0x27: {  	s1 =	sld [smem:$0x3FA9]  }
0x28: {  	s2 =	sld [smem:$0x3FAA]  }
0x29: {  	s4 =	sld [smem:$0x3FAC]  }
0x2a: {  	p0 =	seq.s32 s5, $0x0;
	s5 =	sld [smem:$0x3FAD]  }
0x2b: {  	s6 =	sld [smem:$0x3FAE]  }
0x2c: {  	s7 =	sld [smem:$0x3FAF]  }
0x2d: {  	s3 =	simm.s32 $0x108;
	s8 =	sld [smem:$0x3FB0]  }
0x2e: {  	s3 =	simm.s32 @!p0 $0x1082;
	s9 =	sld [smem:$0x3FB1]  }
0x2f: {  	lr =	sadd.s32 s0, s3;
	s0 =	sld [smem:$0x3FA8]  }
0x30: {  	s3 =	sld [smem:$0x3FAB]  }
0x31: {  	[smem:$0x3FB4] =	sst s10  }
0x32: {  	s10 =	sld [smem:$0x3FB2];
	_ =	sdelay $0x3  }
0x33: {  	p0 =	seq.s32 s10, $0x1;
	s10 =	sld [smem:$0x3FB4];
	_ =	sdelay $0x3  }
0x34: {  	[smem:$0x3FB4] =	sst s10  }
0x35: {  	s10 =	sld [smem:$0x3FB3];
	_ =	sdelay $0x3  }
0x36: {  	p1 =	seq.s32 s10, $0x1;
	s10 =	sld [smem:$0x3FB4];
	_ =	sdelay $0x3  }
0x37: {  	[smem:$0x3FB4] =	sst s10  }
0x38: {  	s10 =	sld [smem:$0x3FB5]  }
0x39: {  	_ = 	snop;
	(pc) =	sbr.ind lr, $3  }
0x3a: {  	_ = 	snop  }
0x3b: {  	_ = 	snop  }
0x3c: {  	p2 =	seq.s32 s10, $0x1;
	s10 =	sld [smem:$0x3FB4]  }
0x3d: {  	_ =	shalt  }
0x3e: {  	_ =	shalt  }
0x3f: {  	_ =	shalt  }
0x40: {  	_ =	shalt  }
0x41: {  	_ =	shalt  }
0x42: {  	_ =	shalt  }
0x43: {  	_ =	shalt  }
0x44: {  	_ =	shalt  }
0x45: {  	_ =	shalt  }
0x46: {  	_ =	shalt  }
0x47: {  	_ =	shalt  }
0x48: {  	_ =	shalt  }
0x49: {  	_ =	shalt  }
0x4a: {  	_ =	shalt  }
0x4b: {  	_ =	shalt  }
0x4c: {  	_ =	shalt  }
0x4d: {  	_ =	shalt  }
0x4e: {  	_ =	shalt  }
0x4f: {  	_ =	shalt  }
0x50: {  	_ =	shalt  }
0x51: {  	_ =	shalt  }
0x52: {  	_ =	shalt  }
0x53: {  	_ =	shalt  }
0x54: {  	_ =	shalt  }
0x55: {  	_ =	shalt  }
0x56: {  	_ =	shalt  }
0x57: {  	_ =	shalt  }
0x58: {  	_ =	shalt  }
0x59: {  	_ =	shalt  }
0x5a: {  	_ =	shalt  }
0x5b: {  	_ =	shalt  }
0x5c: {  	_ =	shalt  }
0x5d: {  	_ =	shalt  }
0x5e: {  	_ =	shalt  }
0x5f: {  	_ =	shalt  }
0x60: {  	_ =	shalt  }
0x61: {  	_ =	shalt  }
0x62: {  	_ =	shalt  }
0x63: {  	_ =	shalt  }
0x64: {  	_ =	shalt  }
0x65: {  	_ =	shalt  }
0x66: {  	_ =	shalt  }
0x67: {  	_ =	shalt  }
0x68: {  	_ =	shalt  }
0x69: {  	_ =	shalt  }
0x6a: {  	_ =	shalt  }
0x6b: {  	_ =	shalt  }
0x6c: {  	_ =	shalt  }
0x6d: {  	_ =	shalt  }
0x6e: {  	_ =	shalt  }
0x6f: {  	_ =	shalt  }
0x70: {  	_ =	shalt  }
0x71: {  	_ =	shalt  }
0x72: {  	_ =	shalt  }
0x73: {  	_ =	shalt  }
0x74: {  	_ =	shalt  }
0x75: {  	_ =	shalt  }
0x76: {  	_ =	shalt  }
0x77: {  	_ =	shalt  }
0x78: {  	_ =	shalt  }
0x79: {  	_ =	shalt  }
0x7a: {  	_ =	shalt  }
0x7b: {  	_ =	shalt  }
0x7c: {  	_ =	shalt  }
0x7d: {  	_ =	shalt  }
0x7e: {  	_ =	shalt  }
0x7f: {  	_ =	shalt  }
0x80: {  	_ =	shalt  }
0x81: {  	_ =	shalt  }
0x82: {  	_ =	shalt  }
0x83: {  	_ =	shalt  }
0x84: {  	_ =	shalt  }
0x85: {  	_ =	shalt  }
0x86: {  	_ =	shalt  }
0x87: {  	_ =	shalt  }
.Lfunc_end0:
.L_simem_size_0:
called_computation_lowered:
.L_overlay_start_0:
0x88: {  	s2 =	sld [smem:$0x3FD9]  }
0x89: {  	s3 =	sld [smem:$0x3FFE];
	_ =	sdelay $0x1  }
0x8a: {  	s1 =	srdreg.scid  }
0x8b: {  	s0 =	sand.u32 $0x1, s1  }
0x8c: {  	s17 =	sshll.u32 s0, $0xA;
	s2 =	sadd.s32 s3, s2  }
0x8d: {  	s2 =	sadd.s32 s2, s17  }
0x8e: {  	[smem:$0x3FC0] =	sst s2  }
0x8f: {  	_ = 	snop  }
0x90: {  	s2 =	sld [smem:$0x3FD0];
	(tm) =	ssettm $0x1  }
0x91: {  	s18 =	sld [smem:$0x3FFB];
	_ =	sdelay $0x3  }
0x92: {  	_ =	strace s18  }
0x93: {  	s3 =	sld [smem:$0x3FFC];
	_ =	sdelay $0x3  }
0x94: {  	_ =	strace s3  }
0x95: {  	s3 =	sld [smem:$0x3FFD];
	_ =	sdelay $0x3  }
0x96: {  	_ =	strace s3  }
0x97: {  	_ =	strace $0x8FFFFFFF  }
0x98: {  	s19 =	sld [smem:$0x3FDB];
	_ =	sdelay $0x1  }
0x99: {  	s4 =	simm.s32 $_scs_section_size  }
0x9a: {  	s5 =	simm.s32 $_size__tile_overlayer_lowered;
	s6 =	simm.s32 $_tile_overlayer_lowered  }
0x9b: {  	s22 =	simm.s32 $0x1BFF;
	s21 =	sshll.u32 s6, $0x1;
	s3 =	sadd.s32 s4, s19  }
0x9c: {  	s7 =	simm.s32 $0x0;
	s20 =	sshll.u32 s5, $0x1;
	s5 =	sadd.s32 s21, s3  }
0x9d: {  	[timem:s7], [sflag:s22] =	dma.local [hbm:s5], s20  }
0x9e: {  	_ =	swait.ge [sflag:s22], s20  }
0x9f: {  	s4 =	ssub.s32 $0x0, s20;
	[sflag:s22] =	ssyncset.done $0x0  }
0xa0: {  	[sflag:s22] =	ssyncadd.s32 s4;
	_ =	sdelay $0x1  }
0xa1: {  	s23 =	simm.s32 $0x1B8B  }
0xa2: {  	_ =	swait.ge [sflag:s23], $0x1  }
0xa3: {  	[sflag:s23] =	ssyncset.done $0x0  }
0xa4: {  	s25 =	simm.s32 $0x1B8E;
	s24 =	sld [smem:$0x3FFE];
	[sflag:s23] =	ssyncadd.s32 $0xFFFFFFFF  }
0xa5: {  	s26 =	simm.s32 $execute0_lowered;
	[smem:$0x3FD2] =	sst s25  }
0xa6: {  	s5 =	sshll.u32 s26, $0x1;
	_ =	strace $0x80000046;
	[dreg:$0x1] =	wrdreg $0xFFFFFFFF  }
0xa7: {  	s28 =	simm.s32 $_size_execute0_lowered;
	s3 =	sadd.s32 s3, s5;
	[dreg:$0x0] =	wrdreg $0x0  }
0xa8: {  	s5 =	sshll.u32 s28, $0x1;
	[dreg:$0x2] =	wrdreg s3  }
0xa9: {  	[dreg:$0x3] =	wrdreg s5  }
0xaa: {  	[dreg:$0x4] =	wrdreg $0xC0  }
0xab: {  	_ =	task [dreg:s7], $0x5FFFF  }
0xac: {  	[dreg:$0x1] =	wrdreg $0xFFFFFFFF  }
0xad: {  	[dreg:$0x0] =	wrdreg $0x60  }
0xae: {  	[dreg:$0x2] =	wrdreg s24  }
0xaf: {  	[dreg:$0x3] =	wrdreg s2  }
0xb0: {  	[dreg:$0x4] =	wrdreg $0x9  }
0xb1: {  	_ =	task.clear_ibuf [dreg:s7], $0x5FFFF;
	_ =	strace $0x90000046  }
0xb2: {  	s29 =	simm.s32 $0x9;
	_ =	strace $0x80000048  }
0xb3: {  	_ =	swait.ge [sflag:s29], $0x1  }
0xb4: {  	[sflag:s29] =	ssyncadd.s32 $0xFFFFFFFF  }
0xb5: {  	_ =	strace $0x90000048  }
0xb6: {  	_ =	sfence  }
0xb7: {  	s30 =	sld [smem:$0x0];
	_ =	sdelay $0x2  }
0xb8: {  	s31 =	sshll.u32 s1, $0xD;
	s1 =	sshrl.u32 s1, $0x2  }
0xb9: {  	s3 =	sand.u32 $0x4000, s31;
	s1 =	sadd.s32 s1, s30  }
0xba: {  	s0 =	sor.u32 s3, s0;
	s1 =	sshll.u32 s1, $0x11  }
0xbb: {  	s0 =	sor.u32 s1, s0  }
0xbc: {  	s0 =	sadd.s32 $0x8F2B, s0  }
0xbd: {  	[sflag:s0] =	ssyncadd.remote.s32 $0x1  }
0xbe: {  	_ =	sfence.sel $0xFFFF  }
0xbf: {  	[dreg:$0x0] =	wrdreg $0xFFFFFFFF;
	(pc) =	sbr.abs _section_cstart, $3  }
0xc0: {  	[dreg:$0x1] =	wrdreg $0xFFFFFFFF  }
0xc1: {  	_ =	task.clear_ibuf [dreg:s7], $0x2FFFF;
	_ =	strace $0x9FFFFFFF  }
0xc2: {  	(tm) =	ssettm $0x7FFFFFFF  }
0xc3: {  	_ =	shalt  }
tec
execute0_lowered:
.L_overlay_start_1:
0x0: {  	(tag) =	ssettag $0x1  }
0x1: {  	s1 =	rddreg [dreg:$0x0]  }
0x2: {  	s3 =	srdreg.scid;
	s0 =	stileid.u32  }
0x3: {  	s2 =	rddreg [dreg:$0x1];
	s12 =	simm.s32 $0x2;
	s13 =	simm.s32 $0x1400  }
0x4: {  	s14 =	simm.s32 $0x3;
	s15 =	simm.s32 $0x1480;
	s16 =	simm.s32 $0x1500  }
0x5: {  	s17 =	simm.s32 $0x1580;
	s18 =	simm.s32 $0x80;
	s19 =	simm.s32 $0x1600  }
0x6: {  	s20 =	simm.s32 $0x5600;
	s21 =	simm.s32 $0x9600;
	s22 =	simm.s32 $0xD600  }
0x7: {  	s23 =	simm.s32 $0x1;
	s5 =	sand.u32 $0x1, s3;
	s4 =	sshll.u32 s0, $0x1  }
0x8: {  	s24 =	simm.s32 $0x11600;
	s25 =	simm.s32 $0x0;
	s6 =	sor.u32 s5, s4  }
0x9: {  	s3 =	simm.s32 $0x0;
	s9 =	sadd.s32 $0x20, s2;
	s7 =	smul.u32 $0x280, s6  }
.Ltmp0:
0xa: {  	s10 =	sadd.s32 $0x30, s2;
	[smem:$0x7FF] =	sst s3;
	(pc) =	sbr.rel .LBB2_1-.Ltmp0, $4  }
0xb: {  	s4 =	sadd.s32 $0x215600, s1;
	s8 =	ssub.s32 $0x2, s5;
	s5 =	sadd.s32 $0x600, s1  }
0xc: {  	_ =	strace $0x80000047;
	s30 =	sshrl.u32 s8, $0x1;
	s7 =	sadd.s32 s7, s1  }
0xd: {  	s6 =	smul.u32 $0x500, s6;
	s1 =	ssub.s32 s8, s30;
	s31 =	sadd.s32 $0x210600, s7  }
0xe: {  	v0 =	vimm.f32 $0.0e+00;
	s8 =	sadd.s32 $0x10, s2;
	s11 =	smax.u32 s1, $0x1;
	[dreg:$0x3] =	wrdreg s31  }
.LBB2_9:
0xf: {  	s25 =	sadd.s32 $0x1, s25  }
0x10: {  	p0 =	sne.s32 s25, s11  }
.Ltmp1:
0x11: {  	_ = 	snop;
	(pc) =	sbr.rel @!p0 .LBB2_10-.Ltmp1, $2  }
0x12: {  	_ =	sdelay $0x2  }
0x13: {  	v0 =	vimm.f32 $0.0e+00  }
.LBB2_1:
0x14: {  	s0 =	rddreg [dreg:$0x3]  }
0x15: {  	[tilespmem:s3], [sflag:$0x2] =	stream.linear.gather [hbm4b:s0+s3], $0x1400, $0x38;
	[tilespmem:$0x19600] =	vst v63  }
0x16: {  	_ =	swait.ge [sflag:s12], $0x1400  }
0x17: {  	[sflag:s12] =	ssyncset.done $0x0  }
0x18: {  	s26 =	simm.s32 $0x200;
	s1 =	simm.s32 $0x0;
	[sflag:s12] =	ssyncadd.s32 $0xFFFFEC00  }
.LBB2_2:
0x19: {  	p0 =	sne.s32 s26, $0xFE00;
	[tilespmem:s1+$0x15640] =	vst v0;
	s28 =	smov.u32 s26;
	s26 =	sadd.s32 $0x200, s26  }
.Ltmp2:
0x1a: {  	[tilespmem:s1+$0x15630] =	vst v0;
	(pc) =	sbr.rel @p0 .LBB2_2-.Ltmp2, $4  }
0x1b: {  	[tilespmem:s1+$0x15620] =	vst v0  }
0x1c: {  	[tilespmem:s1+$0x15600] =	vst v0  }
0x1d: {  	[tilespmem:s1+$0x15610] =	vst v0  }
0x1e: {  	s1 =	sshra.s32 s28, $0x2  }
.Ltmp3:
0x1f: {  	[tilespmem:s1+$0x15640] =	vst v0;
	(pc) =	sbr.rel .LBB2_4-.Ltmp3, $4  }
0x20: {  	[tilespmem:s1+$0x15630] =	vst v0  }
0x21: {  	[tilespmem:s1+$0x15620] =	vst v0  }
0x22: {  	[tilespmem:s1+$0x15600] =	vst v0  }
0x23: {  	[tilespmem:s1+$0x15610] =	vst v0;
	s26 =	simm.s32 $0x0  }
.LBB2_8:
0x24: {  	p0 =	sle.f32 s28, $0.0e+00;
	_ =	sdelay $0x1  }
0x25: {  	s26 =	sadd.s32 $0x1, s26;
	s0 =	sadd.s32 @p0 s6, s29  }
0x26: {  	p1 =	sne.s32 s26, $0xA;
	s0 =	sshll.u32 @p0 s0, $0x4  }
0x27: {  	s1 =	simm.s32 @p0 $0x0;
	s7 =	simm.s32 @p0 $0x15600;
	s0 =	sadd.s32 @p0 s5, s0  }
0x28: {  	[hbm4b:s0+s1] =	stream.linear.scatter @p0 [tilespmem:s7], [sflag:$0x2], $0x4000, $0x38;
	[tilespmem:$0x19600] =	vst v63  }
.Ltmp4:
0x29: {  	_ = 	snop;
	(pc) =	sbr.rel @!p1 .LBB2_9-.Ltmp4, $4  }
0x2a: {  	s0 =	simm.s32 @p0 $0x2  }
0x2b: {  	_ =	swait.ge @p0 [sflag:s0], $0x4000  }
0x2c: {  	[sflag:s0] =	ssyncset.done @p0 $0x0  }
0x2d: {  	[sflag:s0] =	ssyncadd.s32 @p0 $0xFFFFC000  }
.LBB2_4:
0x2e: {  	s1 =	sshll.u32 s26, $0x9  }
0x2f: {  	s1 =	sand.u32 $0x3FFFFE00, s1  }
0x30: {  	v0 =	vld [tilespmem:s1+$0x0]  }
0x31: {  	v1 =	vld [tilespmem:s1+$0x10]  }
0x32: {  	v2 =	vld [tilespmem:s1+$0x20]  }
0x33: {  	v3 =	vld [tilespmem:s1+$0x30]  }
0x34: {  	v4 =	vld [tilespmem:s1+$0x40]  }
0x35: {  	v5 =	vld [tilespmem:s1+$0x50]  }
0x36: {  	v38 =	vld [tilespmem:s1+$0x60];
	v0 =	vmax.f32 v0, v1  }
0x37: {  	v39 =	vld [tilespmem:s1+$0x70];
	v0 =	vmax.f32 v0, v2  }
0x38: {  	v40 =	vld [tilespmem:s1+$0x80];
	v0 =	vmax.f32 v0, v3  }
0x39: {  	v41 =	vld [tilespmem:s1+$0x90];
	v0 =	vmax.f32 v0, v4  }
0x3a: {  	v42 =	vld [tilespmem:s1+$0xA0];
	v0 =	vmax.f32 v0, v5  }
0x3b: {  	v43 =	vld [tilespmem:s1+$0xB0];
	v0 =	vmax.f32 v0, v38  }
0x3c: {  	v44 =	vld [tilespmem:s1+$0xC0];
	v0 =	vmax.f32 v0, v39  }
0x3d: {  	v45 =	vld [tilespmem:s1+$0xD0];
	v0 =	vmax.f32 v0, v40  }
0x3e: {  	v46 =	vld [tilespmem:s1+$0xE0];
	v0 =	vmax.f32 v0, v41  }
0x3f: {  	v47 =	vld [tilespmem:s1+$0xF0];
	v0 =	vmax.f32 v0, v42  }
0x40: {  	v48 =	vld [tilespmem:s1+$0x100];
	v0 =	vmax.f32 v0, v43  }
0x41: {  	v49 =	vld [tilespmem:s1+$0x110];
	v0 =	vmax.f32 v0, v44  }
0x42: {  	v50 =	vld [tilespmem:s1+$0x120];
	v0 =	vmax.f32 v0, v45  }
0x43: {  	v51 =	vld [tilespmem:s1+$0x130];
	v0 =	vmax.f32 v0, v46  }
0x44: {  	v52 =	vld [tilespmem:s1+$0x140];
	v0 =	vmax.f32 v0, v47  }
0x45: {  	v53 =	vld [tilespmem:s1+$0x150];
	v0 =	vmax.f32 v0, v48  }
0x46: {  	v54 =	vld [tilespmem:s1+$0x160];
	v0 =	vmax.f32 v0, v49  }
0x47: {  	v55 =	vld [tilespmem:s1+$0x170];
	v0 =	vmax.f32 v0, v50  }
0x48: {  	v56 =	vld [tilespmem:s1+$0x180];
	v0 =	vmax.f32 v0, v51  }
0x49: {  	v57 =	vld [tilespmem:s1+$0x190];
	v0 =	vmax.f32 v0, v52  }
0x4a: {  	v58 =	vld [tilespmem:s1+$0x1A0];
	v0 =	vmax.f32 v0, v53  }
0x4b: {  	v59 =	vld [tilespmem:s1+$0x1B0];
	v0 =	vmax.f32 v0, v54  }
0x4c: {  	v60 =	vld [tilespmem:s1+$0x1C0];
	v0 =	vmax.f32 v0, v55  }
0x4d: {  	v61 =	vld [tilespmem:s1+$0x1D0];
	v0 =	vmax.f32 v0, v56  }
0x4e: {  	v62 =	vld [tilespmem:s1+$0x1E0];
	v0 =	vmax.f32 v0, v57  }
0x4f: {  	v63 =	vld [tilespmem:s1+$0x1F0];
	v0 =	vmax.f32 v0, v58  }
0x50: {  	v0 =	vmax.f32 v0, v59  }
0x51: {  	v0 =	vmax.f32 v0, v60  }
0x52: {  	v0 =	vmax.f32 v0, v61  }
0x53: {  	v0 =	vmax.f32 v0, v62  }
0x54: {  	v0 =	vmax.f32 v0, v63  }
0x55: {  	(v2sf) =	vpush v0, $0x0  }
0x56: {  	(v2sf) =	vpush v0, $0x1  }
0x57: {  	(v2sf) =	vpush v0, $0x2  }
0x58: {  	(v2sf) =	vpush v0, $0x3  }
0x59: {  	(v2sf) =	vpush v0, $0x4  }
0x5a: {  	(v2sf) =	vpush v0, $0x5  }
0x5b: {  	(v2sf) =	vpush v0, $0x6  }
0x5c: {  	(v2sf) =	vpush v0, $0x7  }
0x5d: {  	(v2sf) =	vpush v0, $0x8  }
0x5e: {  	(v2sf) =	vpush v0, $0x9  }
0x5f: {  	(v2sf) =	vpush v0, $0xA  }
0x60: {  	(v2sf) =	vpush v0, $0xB  }
0x61: {  	(v2sf) =	vpush v0, $0xC  }
0x62: {  	(v2sf) =	vpush v0, $0xD  }
0x63: {  	(v2sf) =	vpush v0, $0xE  }
0x64: {  	s28 =	spop (v2sf);
	(v2sf) =	vpush v0, $0xF  }
0x65: {  	s29 =	spop (v2sf)  }
0x66: {  	s30 =	spop (v2sf);
	s28 =	smax.f32 s28, s29  }
0x67: {  	s29 =	spop (v2sf);
	s28 =	smax.f32 s28, s30  }
0x68: {  	s0 =	spop (v2sf);
	s28 =	smax.f32 s28, s29  }
0x69: {  	s29 =	spop (v2sf);
	s28 =	smax.f32 s28, s0  }
0x6a: {  	s7 =	spop (v2sf);
	s28 =	smax.f32 s28, s29  }
0x6b: {  	s29 =	spop (v2sf);
	s28 =	smax.f32 s28, s7  }
0x6c: {  	s31 =	spop (v2sf);
	s28 =	smax.f32 s28, s29  }
0x6d: {  	s29 =	spop (v2sf);
	s28 =	smax.f32 s28, s31  }
0x6e: {  	s0 =	spop (v2sf);
	s28 =	smax.f32 s28, s29  }
0x6f: {  	s29 =	spop (v2sf);
	s28 =	smax.f32 s28, s0  }
0x70: {  	s7 =	spop (v2sf);
	s28 =	smax.f32 s28, s29  }
0x71: {  	s29 =	spop (v2sf);
	s28 =	smax.f32 s28, s7  }
0x72: {  	s31 =	spop (v2sf);
	s28 =	smax.f32 s28, s29  }
0x73: {  	s28 =	smax.f32 s28, s31;
	s29 =	spop (v2sf)  }
0x74: {  	s28 =	smax.f32 s28, s29  }
0x75: {  	p0 =	sgt.f32 s28, $0.0e+00  }
.Ltmp5:
0x76: {  	_ = 	snop;
	(pc) =	sbr.rel @!p0 .LBB2_8-.Ltmp5, $2  }
0x77: {  	_ =	sdelay $0x2  }
0x78: {  	s29 =	sshll.u32 s26, $0x7  }
0x79: {  	s30 =	sadd.s32 s6, s29  }
0x7a: {  	s0 =	sshrl.u32 s30, $0x1  }
0x7b: {  	s31 =	simm.s32 $0x0;
	s7 =	sadd.s32 s2, s0  }
0x7c: {  	[tilespmem:s13], [sflag:$0x3] =	stream.linear.gather [hbm4b:s7+s31], $0x80, $0x38;
	[tilespmem:$0x19600] =	vst v63  }
0x7d: {  	_ =	swait.ge [sflag:s14], $0x80  }
0x7e: {  	[sflag:s14] =	ssyncset.done $0x0  }
0x7f: {  	s7 =	sadd.s32 s0, s8;
	[sflag:s14] =	ssyncadd.s32 $0xFFFFFF80  }
0x80: {  	[tilespmem:s15], [sflag:$0x3] =	stream.linear.gather [hbm4b:s7+s31], $0x80, $0x38;
	[tilespmem:$0x19600] =	vst v63  }
0x81: {  	_ =	swait.ge [sflag:s14], $0x80  }
0x82: {  	[sflag:s14] =	ssyncset.done $0x0  }
0x83: {  	s7 =	sadd.s32 s0, s9;
	[sflag:s14] =	ssyncadd.s32 $0xFFFFFF80  }
0x84: {  	[tilespmem:s16], [sflag:$0x3] =	stream.linear.gather [hbm4b:s7+s31], $0x80, $0x38;
	[tilespmem:$0x19600] =	vst v63  }
0x85: {  	_ =	swait.ge [sflag:s14], $0x80  }
0x86: {  	[sflag:s14] =	ssyncset.done $0x0  }
0x87: {  	s0 =	sadd.s32 s0, s10;
	[sflag:s14] =	ssyncadd.s32 $0xFFFFFF80  }
0x88: {  	[tilespmem:s17], [sflag:$0x3] =	stream.linear.gather [hbm4b:s0+s31], $0x80, $0x38;
	[tilespmem:$0x19600] =	vst v63  }
0x89: {  	_ =	swait.ge [sflag:s14], $0x80  }
0x8a: {  	[sflag:s14] =	ssyncset.done $0x0  }
0x8b: {  	[sflag:s14] =	ssyncadd.s32 $0xFFFFFF80  }
0x8c: {  	[tilespmem:s19], [sflag:$0x1] =	stream.indirect.gather [hbm4b:s4+s18], $0x80, s13, s18, $0xb8;
	[tilespmem:$0x19600] =	vst v63  }
0x8d: {  	_ = 	snop  }
0x8e: {  	[tilespmem:s20], [sflag:$0x1] =	stream.indirect.gather [hbm4b:s4+s18], $0x80, s15, s18, $0xb8;
	[tilespmem:$0x19600] =	vst v63  }
0x8f: {  	_ = 	snop  }
0x90: {  	[tilespmem:s21], [sflag:$0x1] =	stream.indirect.gather [hbm4b:s4+s18], $0x80, s16, s18, $0xb8;
	[tilespmem:$0x19600] =	vst v63  }
0x91: {  	_ = 	snop  }
0x92: {  	[tilespmem:s22], [sflag:$0x1] =	stream.indirect.gather [hbm4b:s4+s18], $0x80, s17, s18, $0xb8;
	[tilespmem:$0x19600] =	vst v63  }
0x93: {  	_ =	swait.ge [sflag:s23], $0x4000  }
0x94: {  	[sflag:s23] =	ssyncset.done $0x0  }
0x95: {  	[sflag:s23] =	ssyncadd.s32 $0xFFFFC000  }
0x96: {  	_ =	swait.ge [sflag:s23], $0x4000  }
0x97: {  	[sflag:s23] =	ssyncset.done $0x0  }
0x98: {  	[sflag:s23] =	ssyncadd.s32 $0xFFFFC000  }
0x99: {  	_ =	swait.ge [sflag:s23], $0x4000  }
0x9a: {  	[sflag:s23] =	ssyncset.done $0x0  }
0x9b: {  	[sflag:s23] =	ssyncadd.s32 $0xFFFFC000  }
0x9c: {  	_ =	swait.ge [sflag:s23], $0x4000  }
0x9d: {  	v0 =	vmov s1;
	[sflag:s23] =	ssyncset.done $0x0  }
0x9e: {  	[tilespmem:$0x1FFF0] =	vst v0;
	[sflag:s23] =	ssyncadd.s32 $0xFFFFC000  }
.LBB2_6:
0x9f: {  	s1 =	sshll.u32 s31, $0xB  }
0xa0: {  	v63 =	vld [tilespmem:s1+$0x5740];
	_ =	sdelay $0x4  }
0xa1: {  	[tilespmem:$0x1F690] =	vst v63;
	v63 =	vld [tilespmem:s1+$0x9740];
	_ =	sdelay $0x4  }
0xa2: {  	[tilespmem:$0x1F6D0] =	vst v63;
	v63 =	vld [tilespmem:s1+$0xD740];
	_ =	sdelay $0x4  }
0xa3: {  	[tilespmem:$0x1F6E0] =	vst v63;
	v63 =	vld [tilespmem:s1+$0x1780];
	_ =	sdelay $0x4  }
0xa4: {  	[tilespmem:$0x1F6B0] =	vst v63;
	v63 =	vld [tilespmem:s1+$0x5780];
	_ =	sdelay $0x4  }
0xa5: {  	[tilespmem:$0x1F6C0] =	vst v63;
	v63 =	vld [tilespmem:s1+$0x9780];
	_ =	sdelay $0x4  }
0xa6: {  	[tilespmem:$0x1F6F0] =	vst v63;
	v63 =	vld [tilespmem:s1+$0xD780];
	_ =	sdelay $0x4  }
0xa7: {  	[tilespmem:$0x1F700] =	vst v63;
	v63 =	vld [tilespmem:s1+$0x1790];
	_ =	sdelay $0x4  }
0xa8: {  	[tilespmem:$0x1F710] =	vst v63;
	v63 =	vld [tilespmem:s1+$0x5790];
	_ =	sdelay $0x4  }
0xa9: {  	[tilespmem:$0x1F720] =	vst v63;
	v63 =	vld [tilespmem:s1+$0x9790];
	_ =	sdelay $0x4  }
0xaa: {  	[tilespmem:$0x1F750] =	vst v63;
	v63 =	vld [tilespmem:s1+$0xD790];
	_ =	sdelay $0x4  }
0xab: {  	[tilespmem:$0x1F770] =	vst v63;
	v63 =	vld [tilespmem:s1+$0x17A0];
	_ =	sdelay $0x4  }
0xac: {  	[tilespmem:$0x1F730] =	vst v63;
	v63 =	vld [tilespmem:s1+$0x57A0];
	_ =	sdelay $0x4  }
0xad: {  	[tilespmem:$0x1F740] =	vst v63;
	v63 =	vld [tilespmem:s1+$0x97A0];
	_ =	sdelay $0x4  }
0xae: {  	[tilespmem:$0x1F760] =	vst v63;
	v63 =	vld [tilespmem:s1+$0xD7A0];
	_ =	sdelay $0x4  }
0xaf: {  	[tilespmem:$0x1F7A0] =	vst v63;
	v63 =	vld [tilespmem:s1+$0x17B0];
	_ =	sdelay $0x4  }
0xb0: {  	[tilespmem:$0x1F780] =	vst v63;
	v63 =	vld [tilespmem:s1+$0x57B0];
	_ =	sdelay $0x4  }
0xb1: {  	[tilespmem:$0x1F7B0] =	vst v63;
	v63 =	vld [tilespmem:s1+$0x97B0];
	_ =	sdelay $0x4  }
0xb2: {  	[tilespmem:$0x1F7D0] =	vst v63;
	v63 =	vld [tilespmem:s1+$0xD7B0];
	_ =	sdelay $0x4  }
0xb3: {  	[tilespmem:$0x1F7F0] =	vst v63;
	v63 =	vld [tilespmem:s1+$0x17C0];
	_ =	sdelay $0x4  }
0xb4: {  	[tilespmem:$0x1F790] =	vst v63;
	v63 =	vld [tilespmem:s1+$0x57C0];
	_ =	sdelay $0x4  }
0xb5: {  	[tilespmem:$0x1F7C0] =	vst v63;
	v63 =	vld [tilespmem:s1+$0x97C0];
	_ =	sdelay $0x4  }
0xb6: {  	[tilespmem:$0x1F7E0] =	vst v63;
	v63 =	vld [tilespmem:s1+$0xD7C0];
	_ =	sdelay $0x4  }
0xb7: {  	[tilespmem:$0x1F850] =	vst v63;
	v63 =	vld [tilespmem:s1+$0x1800];
	_ =	sdelay $0x4  }
0xb8: {  	[tilespmem:$0x1F800] =	vst v63;
	v63 =	vld [tilespmem:s1+$0x5800];
	_ =	sdelay $0x4  }
0xb9: {  	[tilespmem:$0x1F810] =	vst v63;
	v63 =	vld [tilespmem:s1+$0x9800];
	_ =	sdelay $0x4  }
0xba: {  	[tilespmem:$0x1F840] =	vst v63;
	v63 =	vld [tilespmem:s1+$0xD800];
	_ =	sdelay $0x4  }
0xbb: {  	[tilespmem:$0x1F870] =	vst v63;
	v63 =	vld [tilespmem:s1+$0x1810];
	_ =	sdelay $0x4  }
0xbc: {  	[tilespmem:$0x1F820] =	vst v63;
	v63 =	vld [tilespmem:s1+$0x5810];
	_ =	sdelay $0x4  }
0xbd: {  	[tilespmem:$0x1F830] =	vst v63;
	v63 =	vld [tilespmem:s1+$0x9810];
	_ =	sdelay $0x4  }
0xbe: {  	[tilespmem:$0x1F860] =	vst v63;
	v63 =	vld [tilespmem:s1+$0xD810];
	_ =	sdelay $0x4  }
0xbf: {  	[tilespmem:$0x1F880] =	vst v63;
	v63 =	vld [tilespmem:s1+$0x1820];
	_ =	sdelay $0x4  }
0xc0: {  	[tilespmem:$0x1F890] =	vst v63;
	v63 =	vld [tilespmem:s1+$0x5820];
	_ =	sdelay $0x4  }
0xc1: {  	[tilespmem:$0x1F8A0] =	vst v63;
	v63 =	vld [tilespmem:s1+$0x9820];
	_ =	sdelay $0x4  }
0xc2: {  	[tilespmem:$0x1F8E0] =	vst v63;
	v63 =	vld [tilespmem:s1+$0xD820];
	_ =	sdelay $0x4  }
0xc3: {  	[tilespmem:$0x1F8F0] =	vst v63;
	v63 =	vld [tilespmem:s1+$0x1830];
	_ =	sdelay $0x4  }
0xc4: {  	[tilespmem:$0x1F8B0] =	vst v63;
	v63 =	vld [tilespmem:s1+$0x5830];
	_ =	sdelay $0x4  }
0xc5: {  	[tilespmem:$0x1F8C0] =	vst v63;
	v63 =	vld [tilespmem:s1+$0x9830];
	_ =	sdelay $0x4  }
0xc6: {  	[tilespmem:$0x1F900] =	vst v63;
	v63 =	vld [tilespmem:s1+$0xD830];
	_ =	sdelay $0x4  }
0xc7: {  	[tilespmem:$0x1F920] =	vst v63;
	v63 =	vld [tilespmem:s1+$0x1840];
	_ =	sdelay $0x4  }
0xc8: {  	[tilespmem:$0x1F8D0] =	vst v63;
	v63 =	vld [tilespmem:s1+$0x5840];
	_ =	sdelay $0x4  }
0xc9: {  	[tilespmem:$0x1F910] =	vst v63;
	v63 =	vld [tilespmem:s1+$0x9840];
	_ =	sdelay $0x4  }
0xca: {  	[tilespmem:$0x1F950] =	vst v63;
	v63 =	vld [tilespmem:s1+$0xD840];
	_ =	sdelay $0x4  }
0xcb: {  	[tilespmem:$0x1F960] =	vst v63;
	v63 =	vld [tilespmem:s1+$0x1880];
	_ =	sdelay $0x1  }
0xcc: {  	v0 =	vld [tilespmem:$0x1FFF0]  }
0xcd: {  	v6 =	vld [tilespmem:s1+$0x1600]  }
0xce: {  	v8 =	vld [tilespmem:s1+$0x5600]  }
0xcf: {  	[tilespmem:$0x1F930] =	vst v63;
	v63 =	vld [tilespmem:s1+$0x5880]  }
0xd0: {  	v12 =	vld [tilespmem:s1+$0x9600]  }
0xd1: {  	v14 =	vld [tilespmem:s1+$0xD600]  }
0xd2: {  	v9 =	vld [tilespmem:s1+$0x1610]  }
0xd3: {  	v10 =	vld [tilespmem:s1+$0x5610]  }
0xd4: {  	[tilespmem:$0x1F940] =	vst v63;
	v63 =	vld [tilespmem:s1+$0x9880]  }
0xd5: {  	v11 =	vld [tilespmem:s1+$0x9610]  }
0xd6: {  	v13 =	vld [tilespmem:s1+$0xD610]  }
0xd7: {  	v3 =	vld [tilespmem:s1+$0x1620]  }
0xd8: {  	v15 =	vld [tilespmem:s1+$0x5620]  }
0xd9: {  	[tilespmem:$0x1F970] =	vst v63;
	v63 =	vld [tilespmem:s1+$0xD880]  }
0xda: {  	v4 =	vld [tilespmem:s1+$0x9620]  }
0xdb: {  	v7 =	vld [tilespmem:s1+$0xD620]  }
0xdc: {  	v16 =	vld [tilespmem:s1+$0x1630]  }
0xdd: {  	v17 =	vld [tilespmem:s1+$0x5630]  }
0xde: {  	[tilespmem:$0x1F980] =	vst v63;
	v63 =	vld [tilespmem:s1+$0x1890]  }
0xdf: {  	v5 =	vld [tilespmem:s1+$0x9630]  }
0xe0: {  	v26 =	vld [tilespmem:s1+$0xD630]  }
0xe1: {  	v18 =	vld [tilespmem:s1+$0x1640]  }
0xe2: {  	v23 =	vld [tilespmem:s1+$0x5640]  }
0xe3: {  	[tilespmem:$0x1F990] =	vst v63;
	v63 =	vld [tilespmem:s1+$0x5890]  }
0xe4: {  	v28 =	vld [tilespmem:s1+$0x9640]  }
0xe5: {  	v29 =	vld [tilespmem:s1+$0xD640]  }
0xe6: {  	v24 =	vld [tilespmem:s1+$0x1680]  }
0xe7: {  	v25 =	vld [tilespmem:s1+$0x5680]  }
0xe8: {  	[tilespmem:$0x1F9A0] =	vst v63;
	v63 =	vld [tilespmem:s1+$0x9890]  }
0xe9: {  	v30 =	vld [tilespmem:s1+$0x9680]  }
0xea: {  	v27 =	vld [tilespmem:s1+$0xD680]  }
0xeb: {  	v32 =	vld [tilespmem:s1+$0x1690]  }
0xec: {  	v33 =	vld [tilespmem:s1+$0x5690]  }
0xed: {  	[tilespmem:$0x1F9D0] =	vst v63;
	v63 =	vld [tilespmem:s1+$0xD890]  }
0xee: {  	v36 =	vld [tilespmem:s1+$0x9690]  }
0xef: {  	v40 =	vld [tilespmem:s1+$0xD690]  }
0xf0: {  	v34 =	vld [tilespmem:s1+$0x16A0]  }
0xf1: {  	v31 =	vld [tilespmem:s1+$0x56A0]  }
0xf2: {  	[tilespmem:$0x1F9F0] =	vst v63;
	v63 =	vld [tilespmem:s1+$0x18A0]  }
0xf3: {  	v35 =	vld [tilespmem:s1+$0x96A0]  }
0xf4: {  	v41 =	vld [tilespmem:s1+$0xD6A0]  }
0xf5: {  	v38 =	vld [tilespmem:s1+$0x16B0]  }
0xf6: {  	v42 =	vld [tilespmem:s1+$0x56B0]  }
0xf7: {  	[tilespmem:$0x1F9B0] =	vst v63;
	v63 =	vld [tilespmem:s1+$0x58A0]  }
0xf8: {  	v58 =	vld [tilespmem:s1+$0x96B0]  }
0xf9: {  	v46 =	vld [tilespmem:s1+$0xD6B0]  }
0xfa: {  	v37 =	vld [tilespmem:s1+$0x16C0]  }
0xfb: {  	v39 =	vld [tilespmem:s1+$0x56C0]  }
0xfc: {  	[tilespmem:$0x1F9C0] =	vst v63;
	v63 =	vld [tilespmem:s1+$0x98A0]  }
0xfd: {  	v43 =	vld [tilespmem:s1+$0x96C0]  }
0xfe: {  	v62 =	vld [tilespmem:s1+$0xD6C0]  }
0xff: {  	v44 =	vld [tilespmem:s1+$0x1700]  }
0x100: {  	v45 =	vld [tilespmem:s1+$0x5700]  }
0x101: {  	[tilespmem:$0x1F9E0] =	vst v63;
	v63 =	vld [tilespmem:s1+$0xD8A0]  }
0x102: {  	v51 =	vld [tilespmem:s1+$0x9700]  }
0x103: {  	v48 =	vld [tilespmem:s1+$0xD700]  }
0x104: {  	v54 =	vld [tilespmem:s1+$0x1710]  }
0x105: {  	v1 =	vld [tilespmem:s1+$0x98B0]  }
0x106: {  	s0 =	sshll.u32 s31, $0x4;
	[tilespmem:$0x1FA20] =	vst v63;
	v63 =	vld [tilespmem:s1+$0x18B0]  }
0x107: {  	s0 =	sand.u32 $0x3FFFFFF0, s0;
	v2 =	vld [tilespmem:s1+$0xD8B0]  }
0x108: {  	v20 =	vld.idx.msk [tilespmem:v0+s0+$0x0 ss:$0x1], $0xffff  }
0x109: {  	v19 =	vld.idx.msk [tilespmem:v0+s0+$0x80 ss:$0x1], $0xffff  }
0x10a: {  	v22 =	vld.idx.msk [tilespmem:v0+s0+$0x100 ss:$0x1], $0xffff  }
0x10b: {  	[tilespmem:$0x1FA00] =	vst v63;
	v63 =	vld [tilespmem:s1+$0x58B0]  }
0x10c: {  	v56 =	vld [tilespmem:s1+$0x5710]  }
0x10d: {  	v21 =	vld.idx.msk [tilespmem:v0+s0+$0x180 ss:$0x1], $0xffff  }
0x10e: {  	v47 =	vld [tilespmem:s1+$0x9710];
	[tilespmem:$0x1FA50] =	vst v1;
	v0 =	vbroadcast v20, $0x0;
	v1 =	vbroadcast v19, $0x0  }
0x10f: {  	v49 =	vld [tilespmem:s1+$0xD710];
	[tilespmem:$0x1FA70] =	vst v2;
	v2 =	vbroadcast v22, $0x0  }
0x110: {  	v6 =	vmul.f32 v6, v0;
	v8 =	vmul.f32 v8, v1;
	[tilespmem:$0x1FA30] =	vst v63;
	v63 =	vld [tilespmem:s1+$0x18C0]  }
0x111: {  	v52 =	vld [tilespmem:s1+$0x1720]  }
0x112: {  	v57 =	vld [tilespmem:s1+$0x5720];
	v6 =	vadd.f32 v8, v6;
	v8 =	vmul.f32 v12, v2;
	v12 =	vbroadcast v21, $0x0  }
0x113: {  	v60 =	vld [tilespmem:s1+$0x9720];
	v9 =	vmul.f32 v9, v0;
	v10 =	vmul.f32 v10, v1  }
0x114: {  	v6 =	vadd.f32 v8, v6;
	v8 =	vmul.f32 v14, v12;
	v14 =	vld [tilespmem:s1+$0x5900]  }
0x115: {  	v9 =	vadd.f32 v10, v9;
	v10 =	vmul.f32 v11, v2;
	[tilespmem:$0x1FA10] =	vst v63;
	v63 =	vld [tilespmem:s1+$0x58C0]  }
0x116: {  	v50 =	vld [tilespmem:s1+$0xD730]  }
0x117: {  	v9 =	vadd.f32 v10, v9;
	v10 =	vmul.f32 v13, v12;
	v13 =	vld [tilespmem:s1+$0xD900]  }
0x118: {  	v61 =	vld [tilespmem:s1+$0xD720]  }
0x119: {  	[tilespmem:$0x1FA80] =	vst v14;
	v14 =	vld [tilespmem:s1+$0x9900]  }
0x11a: {  	[tilespmem:$0x1FA40] =	vst v63;
	v63 =	vld [tilespmem:s1+$0x98C0]  }
0x11b: {  	[tilespmem:$0x1F6A0] =	vst v50;
	v6 =	vadd.f32 v8, v6;
	v8 =	vmul.f32 v15, v1;
	v15 =	vmul.f32 v16, v0;
	v16 =	vld [tilespmem:s1+$0x5910]  }
0x11c: {  	v17 =	vmul.f32 v17, v1;
	[tilespmem:$0x1FAE0] =	vst v13;
	v13 =	vld [tilespmem:s1+$0x1910]  }
0x11d: {  	v53 =	vld [tilespmem:s1+$0x1730];
	[tilespmem:$0x1FCF0] =	vst v6  }
0x11e: {  	[tilespmem:$0x1FAB0] =	vst v14;
	v14 =	vadd.f32 v10, v9;
	v9 =	vadd.f32 v17, v15;
	v15 =	vld [tilespmem:s1+$0x9910]  }
0x11f: {  	[tilespmem:$0x1FA60] =	vst v63;
	v63 =	vld [tilespmem:s1+$0xD8C0]  }
0x120: {  	v55 =	vld [tilespmem:s1+$0x5730];
	[tilespmem:$0x1FAA0] =	vst v16  }
0x121: {  	v59 =	vld [tilespmem:s1+$0x9730];
	v6 =	vmul.f32 v3, v0;
	[tilespmem:$0x1FA90] =	vst v13  }
0x122: {  	v50 =	vld [tilespmem:s1+$0x1740];
	v1 =	vmul.f32 v23, v1;
	[tilespmem:$0x1FD00] =	vst v14  }
0x123: {  	v0 =	vmul.f32 v18, v0;
	v6 =	vadd.f32 v8, v6;
	v14 =	vmul.f32 v4, v2;
	v4 =	vld [tilespmem:s1+$0xD910];
	[tilespmem:$0x1FAD0] =	vst v15  }
0x124: {  	v18 =	vmul.f32 v5, v2;
	v8 =	vbroadcast v20, $0x1;
	[tilespmem:$0x1FAC0] =	vst v63;
	v63 =	vld [tilespmem:s1+$0x1900]  }
0x125: {  	v16 =	vmul.f32 v26, v12;
	v17 =	vmul.f32 v7, v12;
	v6 =	vadd.f32 v14, v6;
	v5 =	vld [tilespmem:s1+$0x1920]  }
0x126: {  	v13 =	vbroadcast v19, $0x1;
	v9 =	vadd.f32 v18, v9;
	v18 =	vmul.f32 v24, v8;
	v24 =	vld [tilespmem:s1+$0x5920]  }
0x127: {  	v28 =	vmul.f32 v28, v2;
	v0 =	vadd.f32 v1, v0;
	v17 =	vadd.f32 v17, v6;
	v3 =	vld [tilespmem:s1+$0x9920]  }
0x128: {  	v23 =	vmul.f32 v25, v13;
	v26 =	vadd.f32 v16, v9;
	v9 =	vbroadcast v22, $0x1;
	v7 =	vld [tilespmem:s1+$0xD920]  }
0x129: {  	v11 =	vbroadcast v21, $0x1;
	v0 =	vadd.f32 v28, v0;
	[tilespmem:$0x1FD20] =	vst v17;
	v17 =	vld [tilespmem:s1+$0x1930]  }
0x12a: {  	v2 =	vmul.f32 v29, v12;
	v6 =	vadd.f32 v23, v18;
	v30 =	vmul.f32 v30, v9;
	v28 =	vld [tilespmem:s1+$0x5930]  }
0x12b: {  	v12 =	vmul.f32 v27, v11;
	v29 =	vmul.f32 v34, v8;
	[tilespmem:$0x1FD30] =	vst v26;
	v26 =	vld [tilespmem:s1+$0x9930]  }
0x12c: {  	v18 =	vmul.f32 v32, v8;
	v6 =	vadd.f32 v30, v6;
	v30 =	vmul.f32 v31, v13;
	v25 =	vld [tilespmem:s1+$0xD930]  }
0x12d: {  	v23 =	vmul.f32 v33, v13;
	v32 =	vmul.f32 v36, v9;
	v36 =	vld [tilespmem:s1+$0x1940]  }
0x12e: {  	v33 =	vadd.f32 v12, v6;
	v34 =	vadd.f32 v30, v29;
	v29 =	vld [tilespmem:s1+$0x9940]  }
0x12f: {  	v0 =	vadd.f32 v2, v0;
	v31 =	vadd.f32 v23, v18;
	v30 =	vld [tilespmem:s1+$0xD940]  }
0x130: {  	v35 =	vmul.f32 v35, v9;
	[tilespmem:$0x1FD50] =	vst v33;
	v33 =	vld [tilespmem:s1+$0x1980]  }
0x131: {  	v40 =	vmul.f32 v40, v11;
	[tilespmem:$0x1FD40] =	vst v0;
	v0 =	vadd.f32 v32, v31;
	v31 =	vmul.f32 v58, v9;
	v58 =	vld [tilespmem:s1+$0x5980]  }
0x132: {  	v16 =	vmul.f32 v38, v8;
	v2 =	vadd.f32 v35, v34;
	v34 =	vbroadcast v19, $0x2;
	v38 =	vld [tilespmem:s1+$0x9980]  }
0x133: {  	v27 =	vmul.f32 v42, v13;
	v9 =	vmul.f32 v43, v9;
	v43 =	vld [tilespmem:s1+$0x1990]  }
0x134: {  	v42 =	vmul.f32 v56, v34;
	v32 =	vbroadcast v20, $0x2;
	v56 =	vld [tilespmem:s1+$0x19A0];
	v0 =	vadd.f32 v40, v0  }
0x135: {  	v40 =	vld [tilespmem:s1+$0xD980]  }
0x136: {  	[tilespmem:$0x1FD60] =	vst v0;
	v0 =	vadd.f32 v27, v16;
	v27 =	vmul.f32 v53, v32;
	v53 =	vld [tilespmem:s1+$0xD9B0]  }
0x137: {  	v23 =	vmul.f32 v41, v11;
	[tilespmem:$0x1FAF0] =	vst v17;
	v17 =	vld [tilespmem:s1+$0x5940]  }
0x138: {  	[tilespmem:$0x1FB00] =	vst v28;
	v28 =	vmul.f32 v39, v13;
	v39 =	vmul.f32 v45, v34;
	v45 =	vld [tilespmem:s1+$0x5990]  }
0x139: {  	[tilespmem:$0x1FB10] =	vst v36;
	v36 =	vmul.f32 v46, v11;
	v11 =	vmul.f32 v62, v11;
	v62 =	vld [tilespmem:s1+$0xD990]  }
0x13a: {  	[tilespmem:$0x1FB40] =	vst v30;
	v30 =	vld [tilespmem:s1+$0x99A0]  }
0x13b: {  	[tilespmem:$0x1FB70] =	vst v43;
	v43 =	vld [tilespmem:s1+$0x59B0]  }
0x13c: {  	[tilespmem:$0x1FB30] =	vst v33;
	v13 =	vbroadcast v22, $0x2;
	v33 =	vld [tilespmem:s1+$0x19C0]  }
0x13d: {  	v0 =	vadd.f32 v31, v0;
	v31 =	vmul.f32 v50, v32;
	v50 =	vld [tilespmem:$0x1F6C0]  }
0x13e: {  	v15 =	vbroadcast v21, $0x2;
	v46 =	vmul.f32 v47, v13;
	v47 =	vld [tilespmem:s1+$0x9990]  }
0x13f: {  	v18 =	vmul.f32 v37, v8;
	v37 =	vmul.f32 v44, v32;
	[tilespmem:$0x1FB60] =	vst v40;
	v40 =	vld [tilespmem:s1+$0x19B0]  }
0x140: {  	v2 =	vadd.f32 v23, v2;
	v44 =	vmul.f32 v51, v13;
	v51 =	vmul.f32 v48, v15;
	v48 =	vld [tilespmem:$0x1F6B0]  }
0x141: {  	v1 =	vadd.f32 v28, v18;
	v18 =	vmul.f32 v57, v34;
	v57 =	vld [tilespmem:$0x1F6D0]  }
0x142: {  	[tilespmem:$0x1FD70] =	vst v2;
	v2 =	vadd.f32 v39, v37;
	v35 =	vmul.f32 v60, v13;
	v60 =	vld [tilespmem:$0x1F6E0]  }
0x143: {  	v41 =	vmul.f32 v54, v32;
	v0 =	vadd.f32 v36, v0;
	v36 =	vld [tilespmem:s1+$0xD9A0]  }
0x144: {  	v2 =	vadd.f32 v44, v2;
	v44 =	vld [tilespmem:$0x1F690]  }
0x145: {  	v1 =	vadd.f32 v9, v1;
	v9 =	vadd.f32 v42, v41;
	v41 =	vld [tilespmem:$0x1F740]  }
0x146: {  	[tilespmem:$0x1FBF0] =	vst v53;
	v53 =	vld [tilespmem:$0x1F760]  }
0x147: {  	[tilespmem:$0x1FB80] =	vst v45;
	v45 =	vld [tilespmem:$0x1F6A0]  }
0x148: {  	[tilespmem:$0x1FBB0] =	vst v62;
	v62 =	vld [tilespmem:s1+$0x99B0]  }
0x149: {  	[tilespmem:$0x1FBA0] =	vst v30;
	v30 =	vld [tilespmem:s1+$0x99C0]  }
0x14a: {  	v28 =	vmul.f32 v55, v34;
	[tilespmem:$0x1FBD0] =	vst v43;
	v43 =	vld [tilespmem:s1+$0x1A00]  }
0x14b: {  	[tilespmem:$0x1FB20] =	vst v17;
	v17 =	vmul.f32 v52, v32;
	v16 =	vadd.f32 v51, v2;
	v51 =	vld [tilespmem:s1+$0x59A0]  }
0x14c: {  	v8 =	vbroadcast v20, $0x3;
	v11 =	vadd.f32 v11, v1;
	v1 =	vadd.f32 v28, v27;
	v27 =	vld [tilespmem:$0x1F700]  }
0x14d: {  	v2 =	vadd.f32 v18, v17;
	v18 =	vld [tilespmem:$0x1F6F0]  }
0x14e: {  	v14 =	vmul.f32 v49, v15;
	v49 =	vmul.f32 v48, v8;
	v48 =	vld [tilespmem:s1+$0x5A00]  }
0x14f: {  	[tilespmem:$0x1FB50] =	vst v38;
	v38 =	vmul.f32 v59, v13;
	v59 =	vmul.f32 v57, v13;
	v57 =	vld [tilespmem:$0x1F770]  }
0x150: {  	v37 =	vmul.f32 v61, v15;
	v61 =	vmul.f32 v60, v15;
	v60 =	vld [tilespmem:$0x1F780]  }
0x151: {  	v17 =	vld [tilespmem:$0x1F790]  }
0x152: {  	v1 =	vadd.f32 v38, v1;
	v38 =	vld [tilespmem:$0x1F730]  }
0x153: {  	v12 =	vadd.f32 v46, v9;
	[tilespmem:$0x1FDA0] =	vst v16;
	v16 =	vld [tilespmem:s1+$0xDA00]  }
0x154: {  	v10 =	vmul.f32 v44, v34;
	v34 =	vld [tilespmem:s1+$0x59C0]  }
0x155: {  	v23 =	vadd.f32 v14, v12;
	v12 =	vbroadcast v19, $0x3;
	v2 =	vadd.f32 v35, v2;
	v35 =	vld [tilespmem:$0x1F720]  }
0x156: {  	[tilespmem:$0x1FBE0] =	vst v30;
	v30 =	vld [tilespmem:$0x1F830]  }
0x157: {  	v42 =	vmul.f32 v41, v12;
	v41 =	vld [tilespmem:$0x1F860]  }
0x158: {  	[tilespmem:$0x1FB90] =	vst v47;
	v46 =	vmul.f32 v45, v15;
	v55 =	vadd.f32 v10, v31;
	v31 =	vld [tilespmem:$0x1F710]  }
0x159: {  	[tilespmem:$0x1FD90] =	vst v11;
	v11 =	vbroadcast v22, $0x3;
	v47 =	vadd.f32 v37, v2;
	v37 =	vld [tilespmem:s1+$0xD9C0]  }
0x15a: {  	v52 =	vmul.f32 v50, v12;
	v54 =	vadd.f32 v46, v1;
	v46 =	vld [tilespmem:$0x1F750]  }
0x15b: {  	[tilespmem:$0x1FDB0] =	vst v23;
	v23 =	vmul.f32 v18, v11;
	v18 =	vld [tilespmem:$0x1F7A0]  }
0x15c: {  	v2 =	vadd.f32 v52, v49;
	v49 =	vld [tilespmem:$0x1F7F0]  }
0x15d: {  	v6 =	vadd.f32 v59, v55;
	v39 =	vmul.f32 v38, v8;
	v55 =	vld [tilespmem:s1+$0x9A00]  }
0x15e: {  	[tilespmem:$0x1FBC0] =	vst v36;
	v36 =	vmul.f32 v35, v12;
	v35 =	vld [tilespmem:$0x1F7B0]  }
0x15f: {  	v14 =	vbroadcast v21, $0x3;
	v15 =	vbroadcast v22, $0x4;
	v52 =	vadd.f32 v42, v39;
	v39 =	vld [tilespmem:s1+$0x1A10]  }
0x160: {  	v44 =	vadd.f32 v61, v6;
	v61 =	vmul.f32 v60, v8;
	v60 =	vld [tilespmem:$0x1F810]  }
0x161: {  	v28 =	vmul.f32 v27, v14;
	v2 =	vadd.f32 v23, v2;
	v42 =	vmul.f32 v41, v15;
	v41 =	vld [tilespmem:$0x1F8F0]  }
0x162: {  	[tilespmem:$0x1FC20] =	vst v37;
	v37 =	vld [tilespmem:$0x1F7C0]  }
0x163: {  	v50 =	vadd.f32 v28, v2;
	v28 =	vld [tilespmem:s1+$0x5A10]  }
0x164: {  	[tilespmem:$0x1FDD0] =	vst v54;
	v32 =	vmul.f32 v31, v8;
	v8 =	vmul.f32 v17, v8;
	v17 =	vld [tilespmem:$0x1F8C0]  }
0x165: {  	v54 =	vmul.f32 v53, v11;
	[tilespmem:$0x1FDE0] =	vst v44;
	v44 =	vld [tilespmem:$0x1F7D0]  }
0x166: {  	[tilespmem:$0x1FDC0] =	vst v47;
	v47 =	vmul.f32 v46, v11;
	v46 =	vld [tilespmem:$0x1F7E0]  }
0x167: {  	v2 =	vadd.f32 v54, v52;
	v54 =	vld [tilespmem:s1+$0x5A20]  }
0x168: {  	v23 =	vmul.f32 v18, v14;
	v52 =	vld [tilespmem:$0x1F880]  }
0x169: {  	v45 =	vadd.f32 v36, v32;
	[tilespmem:$0x1FC10] =	vst v55;
	v55 =	vld [tilespmem:$0x1F800]  }
0x16a: {  	[tilespmem:$0x1FC00] =	vst v43;
	v43 =	vadd.f32 v23, v2;
	v23 =	vld [tilespmem:$0x1F820]  }
0x16b: {  	v59 =	vmul.f32 v57, v14;
	v36 =	vmul.f32 v35, v12;
	v35 =	vld [tilespmem:$0x1F840];
	v6 =	vadd.f32 v47, v45  }
0x16c: {  	v47 =	vld [tilespmem:s1+$0xDA10]  }
0x16d: {  	v18 =	vbroadcast v21, $0x4;
	v38 =	vmul.f32 v37, v12;
	v32 =	vadd.f32 v59, v6;
	v59 =	vld [tilespmem:s1+$0x1A20]  }
0x16e: {  	v45 =	vmul.f32 v44, v11;
	v11 =	vmul.f32 v46, v11;
	v46 =	vld [tilespmem:$0x1F870]  }
0x16f: {  	v12 =	vbroadcast v19, $0x4;
	v53 =	vmul.f32 v52, v18;
	v52 =	vld [tilespmem:$0x1F920]  }
0x170: {  	v9 =	vbroadcast v20, $0x4;
	v8 =	vadd.f32 v38, v8;
	v38 =	vld [tilespmem:$0x1F850]  }
0x171: {  	[tilespmem:$0x1FDF0] =	vst v50;
	v50 =	vmul.f32 v49, v14;
	v6 =	vadd.f32 v36, v61;
	v61 =	vmul.f32 v60, v12;
	v60 =	vld [tilespmem:$0x1F8A0]  }
0x172: {  	v57 =	vmul.f32 v55, v9;
	v31 =	vmul.f32 v30, v12;
	[tilespmem:$0x1FE00] =	vst v32;
	v32 =	vld [tilespmem:s1+$0x9A20]  }
0x173: {  	v2 =	vadd.f32 v45, v6;
	v27 =	vmul.f32 v23, v9;
	v36 =	vmul.f32 v35, v15;
	v35 =	vld [tilespmem:$0x1F8E0]  }
0x174: {  	v8 =	vadd.f32 v11, v8;
	v6 =	vadd.f32 v61, v57;
	v57 =	vld [tilespmem:$0x1F890]  }
0x175: {  	v11 =	vadd.f32 v31, v27;
	v44 =	vadd.f32 v50, v2;
	v31 =	vld [tilespmem:$0x1F950]  }
0x176: {  	[tilespmem:$0x1FC40] =	vst v47;
	v47 =	vmul.f32 v46, v18;
	v46 =	vld [tilespmem:s1+$0x9A40]  }
0x177: {  	[tilespmem:$0x1FE20] =	vst v44;
	v44 =	vld [tilespmem:$0x1F900]  }
0x178: {  	v61 =	vmul.f32 v60, v12;
	v60 =	vld [tilespmem:$0x1F940]  }
0x179: {  	v45 =	vadd.f32 v36, v6;
	v50 =	vadd.f32 v42, v11;
	v42 =	vmul.f32 v41, v18;
	v41 =	vld [tilespmem:$0x1F960]  }
0x17a: {  	v14 =	vmul.f32 v38, v14;
	[tilespmem:$0x1FC60] =	vst v32;
	v32 =	vld [tilespmem:$0x1F8D0]  }
0x17b: {  	v55 =	vadd.f32 v47, v45;
	v47 =	vld [tilespmem:s1+$0xDA40]  }
0x17c: {  	v49 =	vadd.f32 v14, v8;
	v14 =	vld [tilespmem:$0x1F8B0]  }
0x17d: {  	[tilespmem:$0x1FC50] =	vst v59;
	v59 =	vmul.f32 v57, v9;
	v13 =	vadd.f32 v53, v50;
	v57 =	vld [tilespmem:$0x1F930]  }
0x17e: {  	[tilespmem:$0x1FE30] =	vst v49;
	v49 =	vld [tilespmem:$0x1F910]  }
0x17f: {  	v27 =	vmul.f32 v17, v12;
	v53 =	vmul.f32 v52, v18;
	v52 =	vld [tilespmem:$0x1F990];
	[tilespmem:$0x1FE50] =	vst v13  }
0x180: {  	[tilespmem:$0x1FC90] =	vst v46;
	v13 =	vbroadcast v19, $0x5;
	v46 =	vld [tilespmem:$0x1F980];
	v45 =	vmul.f32 v44, v15  }
0x181: {  	[tilespmem:$0x1FC30] =	vst v16;
	v44 =	vld [tilespmem:$0x1F970];
	v6 =	vmul.f32 v32, v9;
	v16 =	vmul.f32 v14, v9  }
0x182: {  	v2 =	vadd.f32 v61, v59;
	v61 =	vmul.f32 v60, v13;
	v60 =	vld [tilespmem:$0x1F9B0];
	v9 =	vbroadcast v20, $0x5  }
0x183: {  	v36 =	vmul.f32 v35, v15;
	v8 =	vadd.f32 v27, v16;
	v50 =	vmul.f32 v49, v12;
	v27 =	vld [tilespmem:s1+$0x9A80]  }
0x184: {  	v59 =	vmul.f32 v57, v9;
	v57 =	vld [tilespmem:$0x1F9A0]  }
0x185: {  	v2 =	vadd.f32 v36, v2;
	v36 =	vmul.f32 v31, v15;
	v6 =	vadd.f32 v50, v6;
	v50 =	vld [tilespmem:s1+$0x1A90]  }
0x186: {  	v15 =	vld [tilespmem:$0x1F9F0];
	v8 =	vadd.f32 v45, v8  }
0x187: {  	v6 =	vadd.f32 v36, v6;
	v36 =	vld [tilespmem:s1+$0x9A90]  }
0x188: {  	v14 =	vbroadcast v21, $0x5;
	v16 =	vadd.f32 v53, v8;
	v8 =	vbroadcast v22, $0x5;
	[tilespmem:$0x1FCB0] =	vst v27;
	v27 =	vld [tilespmem:$0x1F9C0]  }
0x189: {  	[tilespmem:$0x1FE40] =	vst v55;
	v55 =	vadd.f32 v42, v2;
	v42 =	vmul.f32 v41, v18;
	v18 =	vld [tilespmem:$0x1FA00];
	v53 =	vmul.f32 v52, v9  }
0x18a: {  	v2 =	vadd.f32 v61, v59;
	v59 =	vmul.f32 v57, v13;
	v45 =	vmul.f32 v44, v8;
	[tilespmem:$0x1FCC0] =	vst v50;
	v50 =	vld [tilespmem:$0x1F9D0]  }
0x18b: {  	v61 =	vmul.f32 v60, v9;
	v60 =	vld [tilespmem:$0x1F9E0];
	v41 =	vadd.f32 v42, v6  }
0x18c: {  	[tilespmem:$0x1FCA0] =	vst v47;
	v47 =	vmul.f32 v46, v14;
	v42 =	vadd.f32 v59, v53;
	v53 =	vld [tilespmem:s1+$0xDA90];
	v2 =	vadd.f32 v45, v2  }
0x18d: {  	[tilespmem:$0x1FCD0] =	vst v36;
	v36 =	vld [tilespmem:$0x1FA20];
	v31 =	vmul.f32 v27, v13  }
0x18e: {  	v57 =	vadd.f32 v47, v2;
	v47 =	vld [tilespmem:$0x1FA30]  }
0x18f: {  	v52 =	vmul.f32 v50, v8;
	v59 =	vadd.f32 v31, v61;
	v31 =	vld [tilespmem:$0x1FA10]  }
0x190: {  	v61 =	vmul.f32 v60, v8;
	v60 =	vld [tilespmem:$0x1FA50]  }
0x191: {  	v6 =	vadd.f32 v52, v42;
	v52 =	vld [tilespmem:$0x1FA40]  }
0x192: {  	v11 =	vld [tilespmem:s1+$0xDA30]  }
0x193: {  	[tilespmem:$0x1FE70] =	vst v16;
	v16 =	vmul.f32 v15, v14;
	v27 =	vmul.f32 v18, v9;
	v18 =	vld [tilespmem:$0x1FA70]  }
0x194: {  	[tilespmem:$0x1FE80] =	vst v41;
	v41 =	vmul.f32 v36, v14;
	v36 =	vld [tilespmem:$0x1FA90];
	v50 =	vmul.f32 v47, v13  }
0x195: {  	v2 =	vadd.f32 v61, v59;
	v44 =	vadd.f32 v16, v6;
	v61 =	vmul.f32 v60, v8;
	v60 =	vld [tilespmem:$0x1FAB0]  }
0x196: {  	[tilespmem:$0x1FCE0] =	vst v53;
	v9 =	vmul.f32 v31, v9;
	v6 =	vadd.f32 v50, v27;
	v27 =	vld [tilespmem:$0x1FA80];
	v53 =	vmul.f32 v52, v13  }
0x197: {  	v16 =	vld [tilespmem:$0x1FA60]  }
0x198: {  	v10 =	vbroadcast v20, $0x6;
	v50 =	vld [tilespmem:$0x1FAA0];
	v9 =	vadd.f32 v53, v9;
	v53 =	vbroadcast v22, $0x6  }
0x199: {  	v1 =	vbroadcast v21, $0x6;
	v37 =	vld [tilespmem:s1+$0xDA20];
	v15 =	vbroadcast v19, $0x6  }
0x19a: {  	[tilespmem:$0x1FE90] =	vst v57;
	v57 =	vadd.f32 v41, v2;
	v2 =	vadd.f32 v61, v6;
	v61 =	vmul.f32 v60, v53;
	v60 =	vld [tilespmem:$0x1FAE0]  }
0x19b: {  	[tilespmem:$0x1FE10] =	vst v43;
	v12 =	vld [tilespmem:$0x1FAC0];
	v13 =	vmul.f32 v63, v10;
	v31 =	vmul.f32 v27, v15  }
0x19c: {  	[tilespmem:$0x1FC80] =	vst v11;
	v11 =	vmul.f32 v18, v14;
	v8 =	vmul.f32 v16, v8;
	v27 =	vld [tilespmem:$0x1FAD0]  }
0x19d: {  	v43 =	vld [tilespmem:s1+$0x9A10];
	[tilespmem:$0x1FEA0] =	vst v44;
	v44 =	vmul.f32 v36, v10;
	v52 =	vmul.f32 v50, v15;
	v6 =	vadd.f32 v31, v13  }
0x19e: {  	v30 =	vld [tilespmem:s1+$0x1A30];
	v50 =	vadd.f32 v11, v2;
	v8 =	vadd.f32 v8, v9  }
0x19f: {  	v23 =	vld [tilespmem:s1+$0x5A30];
	v9 =	vadd.f32 v52, v44;
	v52 =	vadd.f32 v61, v6;
	v61 =	vmul.f32 v60, v1  }
0x1a0: {  	v14 =	vmul.f32 v12, v14;
	v12 =	vld [tilespmem:s1+$0xDAC0];
	[tilespmem:$0x1FEC0] =	vst v50;
	v50 =	vmul.f32 v5, v10  }
0x1a1: {  	[tilespmem:$0x1FC70] =	vst v37;
	v37 =	vld [tilespmem:s1+$0x9A30];
	v31 =	vmul.f32 v27, v53;
	v27 =	vadd.f32 v61, v52;
	v52 =	vmul.f32 v24, v15  }
0x1a2: {  	v17 =	vld [tilespmem:s1+$0x5A80];
	v13 =	vadd.f32 v14, v8  }
0x1a3: {  	[tilespmem:$0x1FD80] =	vst v0;
	v18 =	vmul.f32 v4, v1;
	v14 =	vadd.f32 v31, v9;
	v0 =	vadd.f32 v52, v50;
	v50 =	vld [tilespmem:$0x1FB10]  }
0x1a4: {  	[tilespmem:$0x1FED0] =	vst v13;
	v13 =	vld [tilespmem:$0x1FAF0]  }
0x1a5: {  	[tilespmem:$0x1FD10] =	vst v12;
	v12 =	vadd.f32 v18, v14;
	v18 =	vld [tilespmem:$0x1FB00]  }
0x1a6: {  	v38 =	vld [tilespmem:s1+$0x1A40]  }
0x1a7: {  	v35 =	vld [tilespmem:s1+$0x1A80]  }
0x1a8: {  	v6 =	vmul.f32 v50, v10;
	v50 =	vmul.f32 v26, v53;
	v26 =	vld [tilespmem:$0x1FB20]  }
0x1a9: {  	v32 =	vld [tilespmem:s1+$0x5A40]  }
0x1aa: {  	v49 =	vld [tilespmem:s1+$0x5A90];
	v14 =	vmul.f32 v13, v10;
	v24 =	vmul.f32 v18, v15  }
0x1ab: {  	v46 =	vld [tilespmem:s1+$0x1AA0]  }
0x1ac: {  	[tilespmem:$0x1FE60] =	vst v55;
	v55 =	vld [tilespmem:s1+$0xDA80];
	v24 =	vadd.f32 v24, v14  }
0x1ad: {  	v45 =	vld [tilespmem:s1+$0x9AA0];
	v11 =	vmul.f32 v26, v15  }
0x1ae: {  	v52 =	vmul.f32 v3, v53;
	v10 =	vld [tilespmem:$0x1FB40];
	v3 =	vadd.f32 v50, v24;
	v50 =	vmul.f32 v25, v1  }
0x1af: {  	v6 =	vadd.f32 v11, v6;
	v11 =	vld [tilespmem:$0x1FB50]  }
0x1b0: {  	v24 =	vld [tilespmem:$0x1FB30];
	v3 =	vadd.f32 v50, v3  }
0x1b1: {  	v42 =	vld [tilespmem:s1+$0x5AA0];
	v2 =	vbroadcast v19, $0x7  }
0x1b2: {  	v59 =	vld [tilespmem:s1+$0xDAA0];
	v52 =	vadd.f32 v52, v0;
	v14 =	vmul.f32 v7, v1;
	[tilespmem:$0x1FF10] =	vst v3;
	v3 =	vbroadcast v22, $0x7  }
0x1b3: {  	v13 =	vld [tilespmem:$0x1FB60];
	v0 =	vbroadcast v20, $0x7;
	v53 =	vmul.f32 v29, v53  }
0x1b4: {  	v4 =	vadd.f32 v14, v52;
	v9 =	vmul.f32 v10, v1;
	v1 =	vmul.f32 v11, v3;
	v11 =	vld [tilespmem:$0x1FBA0]  }
0x1b5: {  	v58 =	vmul.f32 v58, v2;
	v14 =	vld [tilespmem:$0x1FB70];
	v25 =	vmul.f32 v24, v0  }
0x1b6: {  	v47 =	vld [tilespmem:s1+$0x5AB0];
	[tilespmem:$0x1FF00] =	vst v4;
	v4 =	vbroadcast v21, $0x7;
	v6 =	vadd.f32 v53, v6  }
0x1b7: {  	v56 =	vmul.f32 v56, v0;
	v24 =	vld [tilespmem:$0x1FB80];
	v8 =	vadd.f32 v58, v25;
	v25 =	vmul.f32 v51, v2  }
0x1b8: {  	v41 =	vld [tilespmem:s1+$0x1AB0];
	v10 =	vmul.f32 v13, v4;
	v6 =	vadd.f32 v9, v6  }
0x1b9: {  	v9 =	vld [tilespmem:$0x1FB90];
	v8 =	vadd.f32 v1, v8;
	v1 =	vadd.f32 v25, v56;
	v13 =	vmul.f32 v11, v3  }
0x1ba: {  	v15 =	vmul.f32 v14, v0;
	v14 =	vld [tilespmem:$0x1FBB0]  }
0x1bb: {  	v1 =	vadd.f32 v13, v1;
	v13 =	vld [tilespmem:$0x1FBD0]  }
0x1bc: {  	[tilespmem:$0x1FEB0] =	vst v57;
	v57 =	vld [tilespmem:s1+$0x9AB0];
	v5 =	vmul.f32 v24, v2  }
0x1bd: {  	v24 =	vld [tilespmem:$0x1FBC0]  }
0x1be: {  	v63 =	vld [tilespmem:s1+$0xDAB0];
	[tilespmem:$0x1FF20] =	vst v6;
	v5 =	vadd.f32 v5, v15;
	v6 =	vmul.f32 v9, v3  }
0x1bf: {  	v36 =	vld [tilespmem:s1+$0x5AC0];
	v9 =	vmul.f32 v40, v0  }
0x1c0: {  	v16 =	vld [tilespmem:s1+$0x1AC0];
	v5 =	vadd.f32 v6, v5;
	v6 =	vmul.f32 v14, v4;
	v14 =	vmul.f32 v13, v2  }
0x1c1: {  	v44 =	vld [tilespmem:s1+$0x9AC0]  }
0x1c2: {  	v25 =	vmul.f32 v24, v4;
	v7 =	vadd.f32 v6, v5;
	v5 =	vadd.f32 v14, v9;
	v9 =	vld [tilespmem:$0x1FBE0]  }
0x1c3: {  	v60 =	vld [tilespmem:s1+$0x9B00];
	v10 =	vadd.f32 v10, v8  }
0x1c4: {  	v24 =	vadd.f32 v25, v1;
	v14 =	vld [tilespmem:$0x1FC00]  }
0x1c5: {  	v8 =	vmul.f32 v33, v0;
	[tilespmem:$0x1FF30] =	vst v10;
	v10 =	vbroadcast v20, $0x8;
	v13 =	vld [tilespmem:$0x1FBF0]  }
0x1c6: {  	v25 =	vmul.f32 v62, v3;
	[tilespmem:$0x1FF50] =	vst v24;
	v24 =	vld [tilespmem:$0x1FC10];
	v2 =	vmul.f32 v34, v2  }
0x1c7: {  	v31 =	vld [tilespmem:s1+$0x1B00];
	v3 =	vmul.f32 v9, v3;
	v9 =	vbroadcast v19, $0x8  }
0x1c8: {  	v61 =	vld [tilespmem:s1+$0xDB00];
	[tilespmem:$0x1FEE0] =	vst v27;
	v1 =	vbroadcast v22, $0x8  }
0x1c9: {  	v27 =	vld [tilespmem:s1+$0x5B00];
	[tilespmem:$0x1FEF0] =	vst v12;
	v2 =	vadd.f32 v2, v8;
	v0 =	vmul.f32 v14, v10;
	v48 =	vmul.f32 v48, v9  }
0x1ca: {  	v12 =	vld [tilespmem:s1+$0x5B10];
	[tilespmem:$0x1FF40] =	vst v7;
	v7 =	vadd.f32 v25, v5;
	v8 =	vmul.f32 v13, v4  }
0x1cb: {  	v18 =	vld [tilespmem:s1+$0x1B10];
	v6 =	vadd.f32 v3, v2;
	v3 =	vmul.f32 v24, v1;
	v5 =	vadd.f32 v48, v0  }
0x1cc: {  	v25 =	vadd.f32 v8, v7;
	v8 =	vld [tilespmem:$0x1FC40]  }
0x1cd: {  	v3 =	vadd.f32 v3, v5;
	v5 =	vld [tilespmem:$0x1FC30]  }
0x1ce: {  	v24 =	vld [tilespmem:$0x1FC20]  }
0x1cf: {  	v29 =	vld [tilespmem:s1+$0x5B20];
	v0 =	vbroadcast v21, $0x8  }
0x1d0: {  	v52 =	vld [tilespmem:s1+$0xDB10];
	v2 =	vmul.f32 v39, v10  }
0x1d1: {  	v28 =	vmul.f32 v28, v9;
	[tilespmem:$0x1FF60] =	vst v25;
	v25 =	vmul.f32 v8, v0;
	v8 =	vld [tilespmem:$0x1FC50]  }
0x1d2: {  	v26 =	vld [tilespmem:s1+$0x9B10];
	v7 =	vmul.f32 v5, v0  }
0x1d3: {  	v50 =	vld [tilespmem:s1+$0x1B20];
	v43 =	vmul.f32 v43, v1;
	v28 =	vadd.f32 v28, v2;
	v4 =	vmul.f32 v24, v4  }
0x1d4: {  	v53 =	vld [tilespmem:s1+$0xDB20];
	v7 =	vadd.f32 v7, v3  }
0x1d5: {  	v58 =	vld [tilespmem:s1+$0x9B20];
	v6 =	vadd.f32 v4, v6;
	v4 =	vadd.f32 v43, v28  }
0x1d6: {  	v51 =	vld [tilespmem:s1+$0x1B30];
	v3 =	vmul.f32 v8, v10;
	[tilespmem:$0x1FF80] =	vst v7;
	v7 =	vmul.f32 v54, v9  }
0x1d7: {  	v56 =	vld [tilespmem:s1+$0x9B30];
	v25 =	vadd.f32 v25, v4  }
0x1d8: {  	v4 =	vmul.f32 v30, v10;
	v3 =	vadd.f32 v7, v3;
	v7 =	vmul.f32 v38, v10;
	v10 =	vld [tilespmem:$0x1FC70]  }
0x1d9: {  	v15 =	vld [tilespmem:s1+$0x5B30]  }
0x1da: {  	v40 =	vld [tilespmem:s1+$0xDB30]  }
0x1db: {  	[tilespmem:$0x1FF90] =	vst v25;
	v25 =	vld [tilespmem:$0x1FC60]  }
0x1dc: {  	v33 =	vld [tilespmem:s1+$0xDB40]  }
0x1dd: {  	[tilespmem:$0x1FF70] =	vst v6;
	v6 =	vmul.f32 v10, v0;
	v10 =	vld [tilespmem:$0x1FC80]  }
0x1de: {  	v11 =	vld [tilespmem:s1+$0x1B40];
	v54 =	vmul.f32 v23, v9  }
0x1df: {  	v62 =	vld [tilespmem:s1+$0x9B40]  }
0x1e0: {  	v34 =	vld [tilespmem:s1+$0x5B40];
	v4 =	vadd.f32 v54, v4;
	v30 =	vmul.f32 v25, v1;
	v25 =	vmul.f32 v37, v1  }
0x1e1: {  	v13 =	vld [tilespmem:s1+$0x5B80]  }
0x1e2: {  	v14 =	vld [tilespmem:s1+$0x1B80];
	v4 =	vadd.f32 v25, v4;
	v25 =	vmul.f32 v10, v0  }
0x1e3: {  	v39 =	vld [tilespmem:s1+$0x9B80]  }
0x1e4: {  	v48 =	vld [tilespmem:s1+$0xDB80];
	v9 =	vmul.f32 v32, v9;
	v4 =	vadd.f32 v25, v4  }
0x1e5: {  	v24 =	vld [tilespmem:s1+$0x1B90]  }
0x1e6: {  	[tilespmem:$0x1FFB0] =	vst v4;
	v4 =	vadd.f32 v9, v7;
	v9 =	vld [tilespmem:$0x1FC90]  }
0x1e7: {  	v43 =	vld [tilespmem:s1+$0x9B90]  }
0x1e8: {  	v28 =	vld [tilespmem:s1+$0xDB90];
	v8 =	vbroadcast v20, $0x9;
	v37 =	vadd.f32 v30, v3;
	v3 =	vbroadcast v19, $0x9  }
0x1e9: {  	v5 =	vld [tilespmem:s1+$0x5B90]  }
0x1ea: {  	v17 =	vmul.f32 v17, v3;
	v37 =	vadd.f32 v6, v37;
	v6 =	vmul.f32 v35, v8;
	v25 =	vld [tilespmem:$0x1FCA0]  }
0x1eb: {  	v7 =	vmul.f32 v9, v1;
	v9 =	vld [tilespmem:$0x1FCB0]  }
0x1ec: {  	v6 =	vadd.f32 v17, v6;
	v17 =	vld [tilespmem:$0x1FCC0]  }
0x1ed: {  	v23 =	vld [tilespmem:s1+$0x1BA0]  }
0x1ee: {  	v32 =	vld [tilespmem:s1+$0x1BB0];
	v10 =	vbroadcast v22, $0x9  }
0x1ef: {  	v38 =	vld [tilespmem:s1+$0x5BA0];
	v0 =	vmul.f32 v25, v0;
	v4 =	vadd.f32 v7, v4  }
0x1f0: {  	v2 =	vbroadcast v21, $0x9;
	v54 =	vld [tilespmem:s1+$0x9BA0];
	v9 =	vmul.f32 v9, v10  }
0x1f1: {  	v30 =	vld [tilespmem:s1+$0xDBA0];
	v7 =	vmul.f32 v17, v8;
	v17 =	vmul.f32 v49, v3;
	v0 =	vadd.f32 v0, v4  }
0x1f2: {  	v35 =	vld [tilespmem:s1+$0x9BB0];
	[tilespmem:$0x1FFA0] =	vst v37;
	v1 =	vmul.f32 v55, v2;
	v6 =	vadd.f32 v9, v6  }
0x1f3: {  	v37 =	vld [tilespmem:s1+$0x5BB0];
	[tilespmem:$0x1FFC0] =	vst v0;
	v0 =	vadd.f32 v17, v7  }
0x1f4: {  	v17 =	vld [tilespmem:$0x1FCD0];
	v9 =	vmul.f32 v46, v8;
	v46 =	vmul.f32 v42, v3;
	v1 =	vadd.f32 v1, v6  }
0x1f5: {  	v25 =	vld [tilespmem:s1+$0xDBB0]  }
0x1f6: {  	[tilespmem:$0x1FFD0] =	vst v1;
	v1 =	vadd.f32 v46, v9;
	v9 =	vld [tilespmem:$0x1FCE0]  }
0x1f7: {  	v55 =	vld [tilespmem:s1+$0x1BC0]  }
0x1f8: {  	v49 =	vld [tilespmem:s1+$0x5BC0]  }
0x1f9: {  	v7 =	vmul.f32 v41, v8;
	v41 =	vld [tilespmem:s1+$0x9C00];
	v4 =	vmul.f32 v17, v10  }
0x1fa: {  	v47 =	vmul.f32 v47, v3;
	v42 =	vld [tilespmem:s1+$0x9BC0];
	v6 =	vmul.f32 v45, v10  }
0x1fb: {  	v3 =	vmul.f32 v36, v3;
	v36 =	vld [tilespmem:s1+$0xDC00];
	v0 =	vadd.f32 v4, v0;
	v4 =	vmul.f32 v9, v2  }
0x1fc: {  	v45 =	vld [tilespmem:s1+$0x1C00];
	v1 =	vadd.f32 v6, v1;
	v6 =	vmul.f32 v16, v8;
	v16 =	vmul.f32 v59, v2  }
0x1fd: {  	v17 =	vld [tilespmem:s1+$0xDBC0];
	v0 =	vadd.f32 v4, v0  }
0x1fe: {  	v46 =	vld [tilespmem:s1+$0x5C00];
	v8 =	vadd.f32 v16, v1;
	v16 =	vmul.f32 v57, v10;
	v9 =	vbroadcast v20, $0xA  }
0x1ff: {  	v59 =	vld [tilespmem:s1+$0x5C10];
	[tilespmem:$0x1FFE0] =	vst v0;
	v0 =	vadd.f32 v47, v7;
	v7 =	vmul.f32 v44, v10;
	v10 =	vbroadcast v19, $0xA  }
0x200: {  	v57 =	vld [tilespmem:s1+$0x1C10];
	v3 =	vadd.f32 v3, v6;
	v6 =	vmul.f32 v63, v2;
	v31 =	vmul.f32 v31, v9  }
0x201: {  	v47 =	vld [tilespmem:s1+$0x9C10];
	v4 =	vadd.f32 v16, v0;
	v63 =	vmul.f32 v27, v10;
	v0 =	vbroadcast v22, $0xA  }
0x202: {  	v44 =	vld [tilespmem:$0x1FCF0]  }
0x203: {  	v1 =	vadd.f32 v63, v31;
	v31 =	vmul.f32 v60, v0;
	v60 =	vld [tilespmem:$0x1FD00]  }
0x204: {  	v16 =	vld [tilespmem:s1+$0xDC10]  }
0x205: {  	v3 =	vadd.f32 v7, v3;
	v7 =	vmul.f32 v18, v9;
	v18 =	vld [tilespmem:s1+$0x1C20];
	v27 =	vbroadcast v21, $0xA  }
0x206: {  	v63 =	vld [tilespmem:s1+$0x9C20]  }
0x207: {  	v4 =	vadd.f32 v6, v4;
	v6 =	vmul.f32 v61, v27;
	v61 =	vld [tilespmem:$0x1FD40];
	v1 =	vadd.f32 v31, v1  }
0x208: {  	v12 =	vmul.f32 v12, v10;
	[tilespmem:s1+$0x11610] =	vst v60;
	v60 =	vld [tilespmem:$0x1FD10]  }
0x209: {  	v31 =	vadd.f32 v6, v1;
	v1 =	vmul.f32 v50, v9;
	v50 =	vld [tilespmem:$0x1FD50]  }
0x20a: {  	v7 =	vadd.f32 v12, v7;
	v12 =	vld [tilespmem:s1+$0xDC20]  }
0x20b: {  	v29 =	vmul.f32 v29, v10;
	[tilespmem:s1+$0x11600] =	vst v44;
	v44 =	vld [tilespmem:s1+$0x5C20]  }
0x20c: {  	[tilespmem:s1+$0x11640] =	vst v61;
	v61 =	vmul.f32 v15, v10;
	v10 =	vmul.f32 v34, v10;
	v34 =	vld [tilespmem:s1+$0x9C40]  }
0x20d: {  	v26 =	vmul.f32 v26, v0;
	v1 =	vadd.f32 v29, v1;
	v29 =	vld [tilespmem:s1+$0xDC30];
	v2 =	vmul.f32 v60, v2  }
0x20e: {  	[tilespmem:s1+$0x11680] =	vst v50;
	v50 =	vld [tilespmem:s1+$0x9C30]  }
0x20f: {  	v60 =	vld [tilespmem:$0x1FD20];
	v3 =	vadd.f32 v2, v3;
	v2 =	vadd.f32 v26, v7;
	v7 =	vmul.f32 v52, v27  }
0x210: {  	v52 =	vld [tilespmem:s1+$0x1C30]  }
0x211: {  	v26 =	vadd.f32 v7, v2;
	v2 =	vmul.f32 v51, v9;
	v51 =	vld [tilespmem:$0x1FD60]  }
0x212: {  	v6 =	vmul.f32 v11, v9;
	v9 =	vmul.f32 v58, v0;
	v58 =	vld [tilespmem:$0x1FD70]  }
0x213: {  	v7 =	vmul.f32 v53, v27;
	v53 =	vld [tilespmem:s1+$0x1C40]  }
0x214: {  	[tilespmem:s1+$0x11620] =	vst v60;
	v60 =	vld [tilespmem:$0x1FD30]  }
0x215: {  	v2 =	vadd.f32 v61, v2;
	v61 =	vmul.f32 v56, v0;
	v56 =	vld [tilespmem:$0x1FD80]  }
0x216: {  	v0 =	vmul.f32 v62, v0;
	v62 =	vld [tilespmem:$0x1FDE0]  }
0x217: {  	v2 =	vadd.f32 v61, v2;
	v61 =	vmul.f32 v40, v27;
	v40 =	vld [tilespmem:$0x1FDA0]  }
0x218: {  	[tilespmem:s1+$0x11690] =	vst v51;
	v51 =	vld [tilespmem:s1+$0x5C40]  }
0x219: {  	[tilespmem:s1+$0x116A0] =	vst v58;
	v58 =	vld [tilespmem:$0x1FD90]  }
0x21a: {  	[tilespmem:s1+$0x11630] =	vst v60;
	v60 =	vld [tilespmem:s1+$0x5C30]  }
0x21b: {  	v1 =	vadd.f32 v9, v1;
	v15 =	vadd.f32 v61, v2;
	v61 =	vld [tilespmem:$0x1FDC0]  }
0x21c: {  	v9 =	vbroadcast v20, $0xB;
	v2 =	vadd.f32 v10, v6;
	v6 =	vmul.f32 v33, v27;
	v27 =	vld [tilespmem:s1+$0x5C80]  }
0x21d: {  	v33 =	vld [tilespmem:$0x1FDD0]  }
0x21e: {  	v10 =	vmul.f32 v32, v9;
	v32 =	vld [tilespmem:s1+$0x1CA0]  }
0x21f: {  	[tilespmem:s1+$0x11740] =	vst v62;
	v62 =	vld [tilespmem:$0x1FE00]  }
0x220: {  	[tilespmem:s1+$0x116B0] =	vst v56;
	v56 =	vbroadcast v19, $0xB;
	v0 =	vadd.f32 v0, v2;
	v2 =	vmul.f32 v24, v9;
	v24 =	vld [tilespmem:s1+$0xDC80]  }
0x221: {  	v7 =	vadd.f32 v7, v1;
	v1 =	vmul.f32 v14, v9;
	[tilespmem:s1+$0x11700] =	vst v40;
	v40 =	vld [tilespmem:s1+$0xDC40]  }
0x222: {  	v14 =	vbroadcast v21, $0xB;
	v13 =	vmul.f32 v13, v56;
	[tilespmem:s1+$0x116C0] =	vst v58;
	v58 =	vld [tilespmem:$0x1FDB0]  }
0x223: {  	v11 =	vbroadcast v22, $0xB;
	[tilespmem:s1+$0x11730] =	vst v33;
	v33 =	vld [tilespmem:s1+$0x9C80]  }
0x224: {  	v5 =	vmul.f32 v5, v56;
	v1 =	vadd.f32 v13, v1;
	v13 =	vmul.f32 v48, v14;
	v48 =	vld [tilespmem:$0x1FDF0]  }
0x225: {  	[tilespmem:s1+$0x11720] =	vst v61;
	v61 =	vmul.f32 v39, v11;
	v39 =	vld [tilespmem:s1+$0x1C90]  }
0x226: {  	v2 =	vadd.f32 v5, v2;
	v5 =	vmul.f32 v43, v11;
	v43 =	vld [tilespmem:s1+$0x5C90]  }
0x227: {  	[tilespmem:s1+$0x11B10] =	vst v26;
	v38 =	vmul.f32 v38, v56;
	v26 =	vld [tilespmem:s1+$0x9D80]  }
0x228: {  	[tilespmem:s1+$0x11790] =	vst v62;
	v62 =	vld [tilespmem:$0x1FE20];
	v1 =	vadd.f32 v61, v1;
	v61 =	vmul.f32 v23, v9;
	v9 =	vmul.f32 v55, v9  }
0x229: {  	v55 =	vmul.f32 v37, v56;
	v37 =	vmul.f32 v49, v56;
	v56 =	vld [tilespmem:$0x1FE70]  }
0x22a: {  	[tilespmem:s1+$0x11710] =	vst v58;
	v58 =	vld [tilespmem:s1+$0x1C80]  }
0x22b: {  	v23 =	vadd.f32 v13, v1;
	v13 =	vld [tilespmem:s1+$0x9C90]  }
0x22c: {  	v1 =	vadd.f32 v38, v61;
	v38 =	vmul.f32 v28, v14;
	v28 =	vld [tilespmem:s1+$0xDC90]  }
0x22d: {  	v61 =	vmul.f32 v54, v11;
	v54 =	vld [tilespmem:$0x1FE40]  }
0x22e: {  	v2 =	vadd.f32 v5, v2;
	v9 =	vadd.f32 v37, v9;
	v37 =	vld [tilespmem:s1+$0x1CB0]  }
0x22f: {  	v0 =	vadd.f32 v6, v0;
	[tilespmem:s1+$0x11780] =	vst v48;
	v48 =	vld [tilespmem:$0x1FE10]  }
0x230: {  	v5 =	vadd.f32 v55, v10;
	v6 =	vadd.f32 v38, v2;
	v38 =	vld [tilespmem:s1+$0x5CA0]  }
0x231: {  	v55 =	vmul.f32 v42, v11;
	v42 =	vbroadcast v19, $0xC;
	v1 =	vadd.f32 v61, v1;
	v61 =	vld [tilespmem:$0x1FE50]  }
0x232: {  	[tilespmem:s1+$0x117B0] =	vst v62;
	v62 =	vmul.f32 v35, v11;
	v35 =	vld [tilespmem:s1+$0x9CA0]  }
0x233: {  	v49 =	vmul.f32 v59, v42;
	v59 =	vld [tilespmem:$0x1FEA0]  }
0x234: {  	v9 =	vadd.f32 v55, v9;
	v55 =	vld [tilespmem:s1+$0xDCB0]  }
0x235: {  	v30 =	vmul.f32 v30, v14;
	[tilespmem:s1+$0x11B80] =	vst v23;
	v23 =	vld [tilespmem:s1+$0x1D90]  }
0x236: {  	[tilespmem:s1+$0x11830] =	vst v56;
	v56 =	vld [tilespmem:$0x1FE90]  }
0x237: {  	v2 =	vadd.f32 v30, v1;
	v1 =	vadd.f32 v62, v5;
	v62 =	vmul.f32 v46, v42;
	v46 =	vld [tilespmem:s1+$0x5CB0]  }
0x238: {  	v11 =	vmul.f32 v25, v14;
	v14 =	vmul.f32 v17, v14;
	[tilespmem:s1+$0x11800] =	vst v54;
	v54 =	vld [tilespmem:$0x1FE60]  }
0x239: {  	v30 =	vbroadcast v20, $0xC;
	[tilespmem:s1+$0x117A0] =	vst v48;
	v48 =	vld [tilespmem:$0x1FE30]  }
0x23a: {  	v1 =	vadd.f32 v11, v1;
	v11 =	vadd.f32 v14, v9;
	v14 =	vld [tilespmem:s1+$0x9CC0]  }
0x23b: {  	v25 =	vmul.f32 v45, v30;
	[tilespmem:s1+$0x11810] =	vst v61;
	v61 =	vld [tilespmem:$0x1FE80]  }
0x23c: {  	v45 =	vbroadcast v22, $0xC;
	[tilespmem:s1+$0x11890] =	vst v59;
	v59 =	vld [tilespmem:$0x1FEC0]  }
0x23d: {  	v5 =	vadd.f32 v62, v25;
	v62 =	vld [tilespmem:$0x1FEB0]  }
0x23e: {  	v10 =	vmul.f32 v57, v30;
	v57 =	vmul.f32 v47, v45;
	v47 =	vld [tilespmem:s1+$0x1CC0]  }
0x23f: {  	[tilespmem:s1+$0x11880] =	vst v56;
	v25 =	vld [tilespmem:s1+$0xDCC0]  }
0x240: {  	v56 =	vld [tilespmem:$0x1FEF0];
	[tilespmem:s1+$0x11820] =	vst v54  }
0x241: {  	v54 =	vld [tilespmem:s1+$0x9CB0];
	[tilespmem:s1+$0x117C0] =	vst v48  }
0x242: {  	v48 =	vld [tilespmem:s1+$0xDCA0];
	[tilespmem:s1+$0x11840] =	vst v61  }
0x243: {  	v10 =	vadd.f32 v49, v10;
	v61 =	vmul.f32 v41, v45;
	v41 =	vbroadcast v21, $0xC;
	[tilespmem:s1+$0x118B0] =	vst v59;
	v59 =	vld [tilespmem:$0x1FEE0]  }
0x244: {  	[tilespmem:s1+$0x118A0] =	vst v62;
	v62 =	vld [tilespmem:$0x1FED0]  }
0x245: {  	v49 =	vadd.f32 v57, v10;
	[tilespmem:s1+$0x11910] =	vst v56;
	v56 =	vld [tilespmem:s1+$0xDD00];
	v57 =	vmul.f32 v16, v41  }
0x246: {  	v5 =	vadd.f32 v61, v5;
	v61 =	vmul.f32 v36, v41;
	v36 =	vld [tilespmem:s1+$0x5CC0]  }
0x247: {  	v17 =	vadd.f32 v57, v49;
	v49 =	vld [tilespmem:s1+$0x5D00]  }
0x248: {  	[tilespmem:s1+$0x11900] =	vst v59;
	v59 =	vmul.f32 v60, v42;
	v60 =	vld [tilespmem:$0x1FF00]  }
0x249: {  	v57 =	vmul.f32 v52, v30;
	[tilespmem:s1+$0x118C0] =	vst v62;
	v62 =	vmul.f32 v44, v42;
	v44 =	vld [tilespmem:s1+$0x1D00]  }
0x24a: {  	v10 =	vmul.f32 v12, v41;
	v12 =	vmul.f32 v51, v42;
	v42 =	vld [tilespmem:s1+$0x5D10]  }
0x24b: {  	v16 =	vadd.f32 v61, v5;
	v61 =	vmul.f32 v18, v30;
	v9 =	vadd.f32 v59, v57;
	v59 =	vld [tilespmem:$0x1FF20]  }
0x24c: {  	v57 =	vld [tilespmem:s1+$0x9D10]  }
0x24d: {  	v5 =	vadd.f32 v62, v61;
	v62 =	vld [tilespmem:$0x1FF10]  }
0x24e: {  	v61 =	vmul.f32 v63, v45;
	v63 =	vmul.f32 v50, v45;
	v50 =	vld [tilespmem:s1+$0x9D00]  }
0x24f: {  	v52 =	vbroadcast v20, $0xD;
	[tilespmem:s1+$0x11920] =	vst v60;
	v60 =	vld [tilespmem:$0x1FF30]  }
0x250: {  	v5 =	vadd.f32 v61, v5;
	v61 =	vmul.f32 v29, v41;
	v29 =	vld [tilespmem:s1+$0x1D10]  }
0x251: {  	v9 =	vadd.f32 v63, v9;
	v63 =	vmul.f32 v58, v52;
	v58 =	vmul.f32 v39, v52;
	v39 =	vld [tilespmem:s1+$0x9D30]  }
0x252: {  	v30 =	vmul.f32 v53, v30;
	v53 =	vbroadcast v19, $0xD;
	[tilespmem:s1+$0x11940] =	vst v59;
	v59 =	vld [tilespmem:$0x1FF50]  }
0x253: {  	v18 =	vadd.f32 v61, v9;
	v61 =	vmul.f32 v34, v45;
	v34 =	vmul.f32 v40, v41;
	v40 =	vld [tilespmem:s1+$0xDD10]  }
0x254: {  	v45 =	vld [tilespmem:$0x1FF80]  }
0x255: {  	v27 =	vmul.f32 v27, v53;
	v9 =	vbroadcast v22, $0xD;
	v41 =	vld [tilespmem:s1+$0x5D20]  }
0x256: {  	v12 =	vadd.f32 v12, v30;
	[tilespmem:s1+$0x11930] =	vst v62;
	v62 =	vld [tilespmem:$0x1FF40]  }
0x257: {  	[tilespmem:s1+$0x11B00] =	vst v31;
	v10 =	vadd.f32 v10, v5;
	v5 =	vadd.f32 v27, v63;
	v63 =	vmul.f32 v33, v9;
	v33 =	vld [tilespmem:s1+$0x1D20]  }
0x258: {  	[tilespmem:s1+$0x11B90] =	vst v6;
	v12 =	vadd.f32 v61, v12;
	v61 =	vmul.f32 v32, v52;
	v32 =	vld [tilespmem:s1+$0x1D30]  }
0x259: {  	[tilespmem:s1+$0x11980] =	vst v60;
	v60 =	vld [tilespmem:$0x1FF60]  }
0x25a: {  	v51 =	vbroadcast v21, $0xD;
	v5 =	vadd.f32 v63, v5;
	v63 =	vld [tilespmem:$0x1FFA0];
	[tilespmem:s1+$0x119A0] =	vst v59  }
0x25b: {  	v31 =	vbroadcast v22, $0xE;
	v59 =	vmul.f32 v43, v53;
	[tilespmem:s1+$0x11990] =	vst v62;
	v62 =	vld [tilespmem:$0x1FF70]  }
0x25c: {  	v6 =	vbroadcast v20, $0xF;
	v24 =	vmul.f32 v24, v51;
	[tilespmem:s1+$0x11C00] =	vst v16;
	v12 =	vadd.f32 v34, v12;
	v34 =	vld [tilespmem:s1+$0xDD20]  }
0x25d: {  	v28 =	vmul.f32 v28, v51;
	v13 =	vmul.f32 v13, v9;
	[tilespmem:s1+$0x11C30] =	vst v18;
	v30 =	vadd.f32 v59, v58;
	v59 =	vld [tilespmem:$0x1FFC0]  }
0x25e: {  	v16 =	vbroadcast v19, $0xF;
	v54 =	vmul.f32 v54, v9;
	[tilespmem:s1+$0x11A00] =	vst v45;
	v43 =	vld [tilespmem:$0x1FFB0]  }
0x25f: {  	v18 =	vbroadcast v21, $0xF;
	v58 =	vmul.f32 v35, v9;
	[tilespmem:s1+$0x119B0] =	vst v60;
	v60 =	vld [tilespmem:$0x1FF90];
	v13 =	vadd.f32 v13, v30  }
0x260: {  	v35 =	vld [tilespmem:s1+$0x5D30];
	v9 =	vmul.f32 v14, v9;
	[tilespmem:s1+$0x119C0] =	vst v62;
	v62 =	vmul.f32 v38, v53  }
0x261: {  	v14 =	vld [tilespmem:s1+$0xDD80];
	[tilespmem:s1+$0x11A20] =	vst v63;
	v63 =	vmul.f32 v46, v53;
	v30 =	vbroadcast v20, $0xE;
	v13 =	vadd.f32 v28, v13  }
0x262: {  	v38 =	vld [tilespmem:s1+$0x9D20];
	v28 =	vbroadcast v21, $0xE;
	[tilespmem:s1+$0x11A40] =	vst v59;
	v59 =	vmul.f32 v36, v53;
	v45 =	vadd.f32 v62, v61  }
0x263: {  	v5 =	vadd.f32 v24, v5;
	v61 =	vld [tilespmem:$0x1FFD0];
	v62 =	vmul.f32 v37, v52;
	v37 =	vbroadcast v19, $0xE  }
0x264: {  	v53 =	vmul.f32 v50, v31;
	[tilespmem:s1+$0x11A10] =	vst v60;
	v60 =	vmul.f32 v48, v51;
	v48 =	vld [tilespmem:$0x1FFE0];
	v24 =	vadd.f32 v58, v45  }
0x265: {  	[tilespmem:s1+$0x11AA0] =	vst v8;
	v46 =	vld [tilespmem:s1+$0x5D40];
	v58 =	vmul.f32 v47, v52;
	v47 =	vmul.f32 v49, v37  }
0x266: {  	[tilespmem:s1+$0x11A30] =	vst v43;
	v43 =	vld [tilespmem:s1+$0xDD40];
	v49 =	vmul.f32 v42, v37;
	v8 =	vadd.f32 v60, v24;
	v60 =	vadd.f32 v63, v62  }
0x267: {  	v36 =	vld [tilespmem:s1+$0x1D40];
	v62 =	vadd.f32 v59, v58;
	v63 =	vmul.f32 v44, v30;
	v58 =	vmul.f32 v56, v28  }
0x268: {  	v50 =	vld [tilespmem:s1+$0x1DA0];
	v59 =	vmul.f32 v40, v28;
	v44 =	vmul.f32 v38, v31;
	[tilespmem:s1+$0x11A80] =	vst v61  }
0x269: {  	v42 =	vld [tilespmem:s1+$0x5D80];
	[tilespmem:s1+$0x11A90] =	vst v48;
	v61 =	vmul.f32 v55, v51;
	v48 =	vmul.f32 v29, v30  }
0x26a: {  	[tilespmem:s1+$0x11AB0] =	vst v4;
	v45 =	vld [tilespmem:s1+$0xDD30];
	v55 =	vmul.f32 v57, v31;
	v4 =	vadd.f32 v54, v60;
	v54 =	vmul.f32 v25, v51  }
0x26b: {  	[tilespmem:s1+$0x11AC0] =	vst v3;
	v24 =	vld [tilespmem:s1+$0x9D40];
	v3 =	vadd.f32 v9, v62;
	v60 =	vmul.f32 v33, v30;
	v62 =	vmul.f32 v32, v30  }
0x26c: {  	[tilespmem:s1+$0x11B20] =	vst v7;
	v29 =	vld [tilespmem:s1+$0x1D80];
	v52 =	vadd.f32 v47, v63;
	v63 =	vmul.f32 v35, v37;
	v47 =	vmul.f32 v34, v28  }
0x26d: {  	[tilespmem:s1+$0x11B30] =	vst v15;
	v40 =	vld [tilespmem:s1+$0x9D90];
	v35 =	vmul.f32 v50, v6;
	v9 =	vadd.f32 v49, v48;
	v48 =	vmul.f32 v39, v31  }
0x26e: {  	[tilespmem:s1+$0x11B40] =	vst v0;
	v25 =	vld [tilespmem:s1+$0x5D90];
	v49 =	vmul.f32 v36, v30;
	v56 =	vmul.f32 v42, v16;
	v0 =	vadd.f32 v61, v4  }
0x26f: {  	[tilespmem:s1+$0x11BA0] =	vst v2;
	v51 =	vld [tilespmem:s1+$0x5DA0];
	v57 =	vadd.f32 v53, v52;
	v3 =	vadd.f32 v54, v3;
	v61 =	vmul.f32 v41, v37  }
0x270: {  	[tilespmem:s1+$0x11BB0] =	vst v1;
	v32 =	vld [tilespmem:s1+$0xDD90];
	v52 =	vmul.f32 v45, v28;
	v53 =	vmul.f32 v46, v37;
	v9 =	vadd.f32 v55, v9  }
0x271: {  	[tilespmem:s1+$0x11BC0] =	vst v11;
	v34 =	vld [tilespmem:s1+$0x5DC0];
	v4 =	vadd.f32 v58, v57;
	v55 =	vmul.f32 v29, v6;
	v57 =	vbroadcast v22, $0xF  }
0x272: {  	[tilespmem:s1+$0x11C10] =	vst v17;
	v54 =	vld [tilespmem:s1+$0x9DA0];
	v41 =	vadd.f32 v61, v60;
	v60 =	vmul.f32 v24, v31;
	v61 =	vmul.f32 v43, v28  }
0x273: {  	[tilespmem:s1+$0x11C20] =	vst v10;
	v37 =	vld [tilespmem:s1+$0x9DB0];
	v31 =	vmul.f32 v23, v6;
	v2 =	vadd.f32 v59, v9;
	v9 =	vadd.f32 v63, v62  }
0x274: {  	[tilespmem:s1+$0x11C40] =	vst v12;
	v58 =	vld [tilespmem:s1+$0x1DB0];
	v59 =	vadd.f32 v53, v49;
	v33 =	vmul.f32 v25, v16;
	v36 =	vmul.f32 v51, v16  }
0x275: {  	[tilespmem:s1+$0x11C80] =	vst v5;
	v28 =	vld [tilespmem:s1+$0x1DC0];
	v1 =	vadd.f32 v44, v41;
	v63 =	vadd.f32 v56, v55;
	v24 =	vmul.f32 v26, v57  }
0x276: {  	[tilespmem:s1+$0x11C90] =	vst v13;
	v62 =	vld [tilespmem:s1+$0x5DB0];
	v26 =	vmul.f32 v14, v18;
	v9 =	vadd.f32 v48, v9;
	v12 =	vadd.f32 v60, v59  }
0x277: {  	[tilespmem:s1+$0x11CA0] =	vst v8;
	v40 =	vmul.f32 v40, v57;
	v41 =	vld [tilespmem:s1+$0x9DC0];
	v39 =	vadd.f32 v33, v31;
	v43 =	vadd.f32 v36, v35  }
0x278: {  	v29 =	vld [tilespmem:s1+$0xDDA0];
	[tilespmem:s1+$0x11CB0] =	vst v0;
	v44 =	vmul.f32 v54, v57;
	v54 =	vmul.f32 v32, v18;
	v1 =	vadd.f32 v47, v1  }
0x279: {  	[tilespmem:s1+$0x11CC0] =	vst v3;
	v49 =	vld [tilespmem:s1+$0xDDC0];
	v55 =	vmul.f32 v37, v57;
	v5 =	vadd.f32 v24, v63;
	v9 =	vadd.f32 v52, v9  }
0x27a: {  	v45 =	vld [tilespmem:s1+$0xDDB0];
	[tilespmem:s1+$0x11D00] =	vst v4;
	v38 =	vadd.f32 v61, v12;
	v51 =	vmul.f32 v28, v6;
	v52 =	vmul.f32 v34, v16  }
0x27b: {  	[tilespmem:s1+$0x11D10] =	vst v2;
	v46 =	vadd.f32 v40, v39;
	v47 =	vmul.f32 v58, v6;
	v48 =	vmul.f32 v62, v16  }
0x27c: {  	v42 =	vadd.f32 v26, v5;
	[tilespmem:s1+$0x11D20] =	vst v1;
	v5 =	vadd.f32 v52, v51;
	v56 =	vmul.f32 v41, v57  }
0x27d: {  	v50 =	vadd.f32 v44, v43;
	[tilespmem:s1+$0x11D30] =	vst v9;
	v57 =	vmul.f32 v29, v18;
	v53 =	vadd.f32 v48, v47  }
0x27e: {  	p0 =	sne.s32 s31, $0x7;
	v61 =	vmul.f32 v49, v18;
	[tilespmem:s1+$0x11D40] =	vst v38;
	v58 =	vadd.f32 v54, v46;
	v60 =	vadd.f32 v56, v5  }
.Ltmp6:
0x27f: {  	v59 =	vmul.f32 v45, v18;
	[tilespmem:s1+$0x11D80] =	vst v42;
	v2 =	vadd.f32 v57, v50;
	v1 =	vadd.f32 v55, v53;
	(pc) =	sbr.rel @p0 .LBB2_6-.Ltmp6, $4  }
0x280: {  	[tilespmem:s1+$0x11D90] =	vst v58;
	v63 =	vadd.f32 v61, v60  }
0x281: {  	[tilespmem:s1+$0x11DA0] =	vst v2;
	v62 =	vadd.f32 v59, v1  }
0x282: {  	[tilespmem:s1+$0x11DC0] =	vst v63  }
0x283: {  	s31 =	sadd.s32 $0x1, s31;
	[tilespmem:s1+$0x11DB0] =	vst v62  }
0x284: {  	s0 =	sshll.u32 s30, $0x4  }
.Ltmp7:
0x285: {  	s0 =	sadd.s32 s5, s0;
	(pc) =	sbr.rel .LBB2_8-.Ltmp7, $4  }
0x286: {  	[hbm4b:s0+s3] =	stream.linear.scatter [tilespmem:s24], [sflag:$0x3], $0x4000, $0x38;
	[tilespmem:$0x19600] =	vst v63  }
0x287: {  	_ =	swait.ge [sflag:s14], $0x4000  }
0x288: {  	[sflag:s14] =	ssyncset.done $0x0  }
0x289: {  	[sflag:s14] =	ssyncadd.s32 $0xFFFFC000  }
.LBB2_10:
0x28a: {  	_ =	sfence.sel $0x180000  }
0x28b: {  	[bflag:$0x0] =	sbarrier.arrive $0xFFFF  }
0x28c: {  	_ =	strace $0x90000047  }
0x28d: {  	s0 =	stileid.u32;
	[bflag:$0x2] =	sbarrier.arrive $0xFFFF  }
0x28e: {  	p0 =	sne.s32 s0, $0x0;
	s0 =	rddreg [dreg:$0x2]  }
0x28f: {  	s0 =	sadd.s32 @!p0 $0x100000, s0  }
0x290: {  	[sflag:s0] =	ssyncadd.tile.s32 @!p0 $0x1;
	_ =	shalt  }
.Lfunc_end2:
_tile_overlayer_lowered:
.L_overlay_start_2:
0x291: {  	(tag) =	ssettag $0x2  }
0x292: {  	s0 =	rddreg [dreg:$0x0];
	s2 =	stileid.u32  }
0x293: {  	s1 =	rddreg [dreg:$0x1];
	p0 =	sne.s32 s2, $0x0  }
0x294: {  	s3 =	rddreg [dreg:$0x2];
	[bflag:$0x3] =	sbarrier.arrive $0xFFFF;
	s2 =	simm.s32 @!p0 $0x1C02  }
0x295: {  	[timem:s3], [sflag:s2] =	dma.local @!p0 [hbm:s0], s1  }
0x296: {  	s0 =	simm.s32 @!p0 $0x2  }
0x297: {  	_ =	swait.ge @!p0 [sflag:s0], s1  }
0x298: {  	s1 =	ssub.s32 @!p0 $0x0, s1;
	[sflag:s0] =	ssyncset.done @!p0 $0x0  }
0x299: {  	[sflag:s0] =	ssyncadd.s32 @!p0 s1  }
0x29a: {  	[bflag:$0x3] =	sbarrier.arrive $0xFFFF  }
0x29b: {  	_ =	shalt  }

</sc_bundles>
